<compile_context>
chip_gen: v7x
topology: tpu7x:2x2x1
jax: 0.10.2.dev20260603
libtpu: 0.0.44.dev20260713+nightly
codegen_flags: <defaults>
</compile_context>

<pallas_src>
import functools

import jax
import jax.numpy as jnp
from jax import lax
from jax.experimental import pallas as pl
from jax.experimental.pallas import tpu as pltpu
from jax.experimental.pallas import tpu_sc as plsc

N = 10000
NPAD = 10240
D = 128
E = 320000
NC, NS = 2, 16
NW = NC * NS
CH = 128
GPT_DEG = 80
EPAD = NW * GPT_DEG * CH



NB = 4
NH = NPAD // NC
NDUMP = 128
NACC = NH + NDUMP
ZR = NACC // NS
WR = NH // NS
LSEG = GPT_DEG
LCAP = LSEG * CH + 16


@functools.cache
def _make_prep():
  mesh = plsc.VectorSubcoreMesh(
      core_axis_name="c", subcore_axis_name="s",
      num_cores=NC, num_subcores=NS)
  return functools.partial(
      pl.kernel,
      out_type=(jax.ShapeDtypeStruct((NW, NC, LSEG * CH), jnp.int32),
                jax.ShapeDtypeStruct((NW, NC, LSEG * CH), jnp.int32),
                jax.ShapeDtypeStruct((NW, 16), jnp.int32),
                jax.ShapeDtypeStruct((NW, NPAD), jnp.int32),
                jax.ShapeDtypeStruct((NW, NPAD), jnp.int32)),
      mesh=mesh,
      scratch_types=[
          pltpu.VMEM((GPT_DEG, CH), jnp.int32),
          pltpu.VMEM((GPT_DEG, CH), jnp.int32),
          pltpu.VMEM((LCAP,), jnp.int32),
          pltpu.VMEM((LCAP,), jnp.int32),
          pltpu.VMEM((LCAP,), jnp.int32),
          pltpu.VMEM((LCAP,), jnp.int32),
          pltpu.VMEM((16,), jnp.int32),
          pltpu.VMEM((NPAD,), jnp.int32),
          pltpu.VMEM((NPAD,), jnp.int32),
      ],
      compiler_params=pltpu.CompilerParams(needs_layout_passes=False),
  )(_prep_body)


def _prep_body(srcp, dstp, padsrc_t, paddst_t, zeros_hbm,
               rsrc, rdst, rcnt, out_hs, out_hd,
               src_v, dst_v, lsrc0, lsrc1, ldst0, ldst1, cnt_v,
               hist_s, hist_d):
  c = lax.axis_index("c")
  s = lax.axis_index("s")
  wid = c * NS + s
  pltpu.sync_copy(srcp.at[wid], src_v)
  pltpu.sync_copy(dstp.at[wid], dst_v)
  pltpu.sync_copy(padsrc_t, lsrc0)
  pltpu.sync_copy(padsrc_t, lsrc1)
  pltpu.sync_copy(paddst_t, ldst0)
  pltpu.sync_copy(paddst_t, ldst1)
  pltpu.sync_copy(zeros_hbm, hist_s)
  pltpu.sync_copy(zeros_hbm, hist_d)

  def body(g, carry):
    cnt0, cnt1 = carry
    for j in range(CH // 16):
      sl = pl.ds(j * 16, 16)
      sv = src_v.at[g][sl]
      dv = dst_v.at[g][sl]
      dup_s, last_s = plsc.scan_count(sv)
      plsc.addupdate_scatter(hist_s, [sv], dup_s, mask=last_s)
      dup_d, last_d = plsc.scan_count(dv)
      plsc.addupdate_scatter(hist_d, [dv], dup_d, mask=last_d)
      m0 = dv < NH
      ones0 = jnp.where(m0, 1, 0).astype(jnp.int32)
      pos0 = cnt0 + plsc.cumsum(ones0) - 1
      plsc.store_scatter(lsrc0, [pos0], sv, mask=m0)
      plsc.store_scatter(ldst0, [pos0], dv, mask=m0)
      cnt0 = cnt0 + plsc.all_reduce_population_count(m0)
      m1 = jnp.logical_not(m0)
      ones1 = jnp.where(m1, 1, 0).astype(jnp.int32)
      pos1 = cnt1 + plsc.cumsum(ones1) - 1
      plsc.store_scatter(lsrc1, [pos1], sv, mask=m1)
      plsc.store_scatter(ldst1, [pos1], dv - NH, mask=m1)
      cnt1 = cnt1 + plsc.all_reduce_population_count(m1)
    return cnt0, cnt1

  zero16 = jnp.zeros((16,), jnp.int32)
  cnt0, cnt1 = lax.fori_loop(0, GPT_DEG, body, (zero16, zero16))
  lane = lax.iota(jnp.int32, 16)
  cnt_v[...] = jnp.where(lane == 0, cnt0, jnp.where(lane == 1, cnt1, 0))
  pltpu.sync_copy(cnt_v, rcnt.at[wid])
  pltpu.sync_copy(lsrc0.at[pl.ds(0, LSEG * CH)], rsrc.at[wid, 0])
  pltpu.sync_copy(lsrc1.at[pl.ds(0, LSEG * CH)], rsrc.at[wid, 1])
  pltpu.sync_copy(ldst0.at[pl.ds(0, LSEG * CH)], rdst.at[wid, 0])
  pltpu.sync_copy(ldst1.at[pl.ds(0, LSEG * CH)], rdst.at[wid, 1])
  pltpu.sync_copy(hist_s, out_hs.at[wid])
  pltpu.sync_copy(hist_d, out_hd.at[wid])


@functools.cache
def _make_spmm():
  mesh = plsc.VectorSubcoreMesh(
      core_axis_name="c", subcore_axis_name="s",
      num_cores=NC, num_subcores=NS)
  return functools.partial(
      pl.kernel,
      out_type=jax.ShapeDtypeStruct((NPAD, D), jnp.float32),
      mesh=mesh,
      scratch_types=[
          pltpu.VMEM((LSEG, CH), jnp.int32),
          pltpu.VMEM((LSEG, CH), jnp.int32),
          pltpu.VMEM((NB, CH, D), jnp.float32),
          pltpu.VMEM((16,), jnp.int32),
          pltpu.VMEM_SHARED((NACC, D), jnp.float32),
          pltpu.SemaphoreType.DMA,
          pltpu.SemaphoreType.DMA,
      ],
  )(_spmm_body)


def _spmm_body(tbl, rsrc, rdst, rcnt, zeros_hbm, out,
               src_v, dst_v, rows, cnt_v, acc, gsem0, gsem1):
  c = lax.axis_index("c")
  s = lax.axis_index("s")
  base = c * NH
  pltpu.sync_copy(zeros_hbm, acc.at[pl.ds(s * ZR, ZR)])
  plsc.subcore_barrier()
  gsems = (gsem0, gsem1)

  def run_segment(k):
    w = 2 * s + k
    pltpu.sync_copy(rsrc.at[w, c], src_v)
    pltpu.sync_copy(rdst.at[w, c], dst_v)
    pltpu.sync_copy(rcnt.at[w], cnt_v)
    cv = cnt_v[...]
    cnt = jnp.where(c == 0, cv[0], cv[1])
    nchunk = lax.div(cnt + (CH - 1), CH)
    nt = jnp.maximum(lax.div(nchunk + (NB - 1), NB), 1)

    def gather(g, b):
      pltpu.async_copy(tbl.at[src_v.at[g]], rows.at[b], gsems[b % 2])

    gather(0, 0)
    gather(1, 1)

    def body(g4, carry):
      for b in range(NB):
        g = g4 * NB + b
        pltpu.make_async_copy(tbl.at[src_v.at[g]], rows.at[b],
                              gsems[b % 2]).wait()

        @pl.when(g + 2 < nt * NB)
        def _prefetch():
          gather(g + 2, (b + 2) % NB)

        pltpu.sync_copy(rows.at[b], acc.at[dst_v.at[g]], add=True)
      return carry

    lax.fori_loop(0, nt, body, 0)

  run_segment(0)
  run_segment(1)
  plsc.subcore_barrier()
  pltpu.sync_copy(acc.at[pl.ds(s * WR, WR)],
                  out.at[pl.ds(base + s * WR, WR)])



def _norm_from(hist):
  deg = jnp.sum(hist, axis=0).astype(jnp.float32)
  return jnp.where(deg > 0.0, lax.rsqrt(jnp.maximum(deg, 1.0)), 0.0)


def _tc1_body(x_ref, degs_ref, w_ref, out_ref):
  ns = _norm_from(degs_ref[...])
  xs = x_ref[...] * ns[:, None]
  out_ref[...] = jnp.dot(xs, w_ref[...], preferred_element_type=jnp.float32)


def _tc2_body(agg_ref, degs_ref, degd_ref, b_ref, w_ref, out_ref):
  nd = _norm_from(degd_ref[...])
  h = jnp.maximum(agg_ref[...] * nd[:, None] + b_ref[...], 0.0)
  ns = _norm_from(degs_ref[...])
  out_ref[...] = jnp.dot(h * ns[:, None], w_ref[...],
                         preferred_element_type=jnp.float32)


def _tc3_body(agg_ref, degd_ref, b_ref, wc_ref, bc_ref, out_ref):
  nd = _norm_from(degd_ref[...])
  h = jnp.maximum(agg_ref[...] * nd[:, None] + b_ref[...], 0.0)
  hg = jnp.sum(h[:N, :], axis=0, keepdims=True) * (1.0 / N)
  out_ref[...] = jnp.dot(hg, wc_ref[...],
                         preferred_element_type=jnp.float32) + bc_ref[...]



def kernel(x, edge_index, W1, b1, W2, b2, Wc, bc):
  f32 = jnp.float32
  src = edge_index[0].astype(jnp.int32)
  dst = edge_index[1].astype(jnp.int32)
  npad_rows = NPAD - N
  padv = N + (jnp.arange(EPAD - E, dtype=jnp.int32) % npad_rows)
  src_flat = jnp.concatenate([src, padv])
  dst_flat = jnp.concatenate([dst, padv])
  srcp32 = src_flat.reshape(NW, GPT_DEG, CH)
  dstp32 = dst_flat.reshape(NW, GPT_DEG, CH)
  xp = jnp.concatenate([x, jnp.zeros((npad_rows, D), f32)], axis=0)

  zi = jnp.zeros((NPAD,), jnp.int32)
  zacc = jnp.zeros((ZR, D), f32)
  padsrc_t = N + (jnp.arange(LCAP, dtype=jnp.int32) % npad_rows)
  paddst_t = NH + (jnp.arange(LCAP, dtype=jnp.int32) % NDUMP)

  rsrc, rdst, rcnt, deg_s, deg_d = _make_prep()(
      srcp32, dstp32, padsrc_t, paddst_t, zi)
  rsrc4 = rsrc.reshape(NW, NC, LSEG, CH)
  rdst4 = rdst.reshape(NW, NC, LSEG, CH)

  hw1 = pl.pallas_call(
      _tc1_body,
      out_shape=jax.ShapeDtypeStruct((NPAD, D), f32),
  )(xp, deg_s, W1)

  agg1 = _make_spmm()(hw1, rsrc4, rdst4, rcnt, zacc)

  hw2 = pl.pallas_call(
      _tc2_body,
      out_shape=jax.ShapeDtypeStruct((NPAD, D), f32),
  )(agg1, deg_s, deg_d, b1.reshape(1, D), W2)

  agg2 = _make_spmm()(hw2, rsrc4, rdst4, rcnt, zacc)

  wcp = jnp.zeros((D, D), f32).at[:, :Wc.shape[1]].set(Wc)
  bcp = jnp.zeros((1, D), f32).at[0, :bc.shape[0]].set(bc)
  outp = pl.pallas_call(
      _tc3_body,
      out_shape=jax.ShapeDtypeStruct((1, D), f32),
  )(agg2, deg_d, b2.reshape(1, D), wcp, bcp)
  return outp[:, :Wc.shape[1]]

# --- scband reference (transcript-rebuilt; emitter-appended) ---
"""Pipeline reference for scband-classifier-6760278524368 (READ-ONLY COPY).

The authoritative reference and input builder live on the scoring server;
editing this copy changes nothing except your own understanding.
"""

import jax, jax.numpy as jnp
import numpy as np

N_NODES = 10000
N_EDGES = 320000
IN_DIM = 128
HIDDEN_DIM = 128
N_CLASSES = 5


def setup_inputs(seed: int = 0) -> dict:
    key = jax.random.key(seed)
    ks = jax.random.split(key, 8)
    x = jax.random.normal(ks[0], (N_NODES, IN_DIM), dtype=jnp.float32)
    edge_index = jax.random.randint(ks[1], (2, N_EDGES), 0, N_NODES, dtype=jnp.int64)
    W1 = jax.random.normal(ks[2], (IN_DIM, HIDDEN_DIM), dtype=jnp.float32) * 0.05
    b1 = jnp.zeros((HIDDEN_DIM,), dtype=jnp.float32)
    W2 = jax.random.normal(ks[3], (HIDDEN_DIM, HIDDEN_DIM), dtype=jnp.float32) * 0.05
    b2 = jnp.zeros((HIDDEN_DIM,), dtype=jnp.float32)
    Wc = jax.random.normal(ks[4], (HIDDEN_DIM, N_CLASSES), dtype=jnp.float32) * 0.05
    bc = jnp.zeros((N_CLASSES,), dtype=jnp.float32)
    return {"x": x, "edge_index": edge_index, "W1": W1, "b1": b1, "W2": W2, "b2": b2, "Wc": Wc, "bc": bc}


def _graph_conv(h, src, dst, W, b, n_nodes):
    # DGL GraphConv, norm='both': h_i = b + sum_{j->i} (1/sqrt(d_out(j) d_in(i))) h_j W
    ones = jnp.ones((src.shape[0],), dtype=jnp.float32)
    deg_out = jax.ops.segment_sum(ones, src, num_segments=n_nodes)
    deg_in = jax.ops.segment_sum(ones, dst, num_segments=n_nodes)
    norm_src = jnp.where(deg_out > 0, 1.0 / jnp.sqrt(jnp.maximum(deg_out, 1.0)), 0.0)
    norm_dst = jnp.where(deg_in > 0, 1.0 / jnp.sqrt(jnp.maximum(deg_in, 1.0)), 0.0)
    h = h * norm_src[:, None]
    h = h @ W
    m = jnp.take(h, src, axis=0)
    agg = jax.ops.segment_sum(m, dst, num_segments=n_nodes)
    agg = agg * norm_dst[:, None]
    return agg + b


def reference(x, edge_index, W1, b1, W2, b2, Wc, bc):
    src = edge_index[0]
    dst = edge_index[1]
    n_nodes = x.shape[0]
    h = jax.nn.relu(_graph_conv(x, src, dst, W1, b1, n_nodes))
    h = jax.nn.relu(_graph_conv(h, src, dst, W2, b2, n_nodes))
    # dgl.mean_nodes over the single graph -> [1, hidden]
    hg = jnp.mean(h, axis=0, keepdims=True)
    return hg @ Wc + bc

if __name__ == "__main__":
    import jax
    _d = setup_inputs()
    print(jax.jit(kernel)(*tuple(_d.values())))

</pallas_src>

<mosaic_0001>
#map = affine_map<(d0, d1) -> (0, 0)>
#map1 = affine_map<(d0, d1) -> (0, 0, 0, 0)>
module attributes {stable_mosaic.version = 14 : i64} {
  func.func @_spmm_body(%arg0: i32, %arg1: i32, %arg2: memref<10240x128xf32, #tpu.memory_space<hbm>>, %arg3: memref<32x2x80x128xi32, #tpu.memory_space<hbm>>, %arg4: memref<32x2x80x128xi32, #tpu.memory_space<hbm>>, %arg5: memref<32x16xi32, #tpu.memory_space<hbm>>, %arg6: memref<328x128xf32, #tpu.memory_space<hbm>>, %arg7: memref<10240x128xf32, #tpu.memory_space<hbm>>, %arg8: memref<80x128xi32, #tpu.memory_space<vmem>>, %arg9: memref<80x128xi32, #tpu.memory_space<vmem>>, %arg10: memref<4x128x128xf32, #tpu.memory_space<vmem>>, %arg11: memref<16xi32, #tpu.memory_space<vmem>>, %arg12: memref<5248x128xf32, #tpu.memory_space<vmem_shared>>, %arg13: memref<!tpu.dma_semaphore, #tpu.memory_space<semaphore_mem>>, %arg14: memref<!tpu.dma_semaphore, #tpu.memory_space<semaphore_mem>>) attributes {dimension_semantics = [#tpu.dimension_semantics<core_parallel>, #tpu.dimension_semantics<subcore_parallel>], iteration_bounds = array<i64: 2, 16>, scalar_prefetch = 0 : i64, scratch_operands = 7 : i64, tpu.core_type = #tpu.core_type<sc_vector_subcore>, window_params = [{transform_indices = #map}, {transform_indices = #map1}, {transform_indices = #map1}, {transform_indices = #map}, {transform_indices = #map}, {transform_indices = #map}]} {
    %mul3A = arith.constant 5120 : i32
    %mul3A_0 = arith.muli %arg0, %mul3A : i32
    %mul3A_1 = arith.constant 328 : i32
    %mul3A_2 = arith.muli %arg1, %mul3A_1 : i32
    "tpu.region"() ({
      %run_scoped3A = tpu.sem_alloc : memref<!tpu.dma_semaphore, #tpu.memory_space<semaphore_mem>>
      %dma_start3A_115 = arith.constant 0 : i32
      %dma_start3A_116 = tpu.memref_slice %arg12[%mul3A_2, %dma_start3A_115] : memref<5248x128xf32, #tpu.memory_space<vmem_shared>> -> memref<328x128xf32, #tpu.memory_space<vmem_shared>>
      tpu.enqueue_dma source(%arg6 : memref<328x128xf32, #tpu.memory_space<hbm>>) target(%dma_start3A_116 : memref<328x128xf32, #tpu.memory_space<vmem_shared>>) target_semaphore(%run_scoped3A : memref<!tpu.dma_semaphore, #tpu.memory_space<semaphore_mem>>)
      %dma_wait3A = arith.constant 0 : i32
      %dma_wait3A_117 = tpu.memref_slice %arg12[%mul3A_2, %dma_wait3A] : memref<5248x128xf32, #tpu.memory_space<vmem_shared>> -> memref<328x128xf32, #tpu.memory_space<vmem_shared>>
      tpu.wait_dma2 semaphore(%run_scoped3A : memref<!tpu.dma_semaphore, #tpu.memory_space<semaphore_mem>>) src(%arg6 : memref<328x128xf32, #tpu.memory_space<hbm>>) dst(%dma_wait3A_117 : memref<328x128xf32, #tpu.memory_space<vmem_shared>>)
      tpu.yield
    }) : () -> ()
    %barrier3A = arith.constant 0 : index
    tpu.barrier barrier_id(%barrier3A)
    %mul3A_3 = arith.constant 2 : i32
    %mul3A_4 = arith.muli %mul3A_3, %arg1 : i32
    %add3A = arith.constant 0 : i32
    %add3A_5 = arith.addi %mul3A_4, %add3A : i32
    "tpu.region"() ({
      %run_scoped3A = tpu.sem_alloc : memref<!tpu.dma_semaphore, #tpu.memory_space<semaphore_mem>>
      %dma_start3A_115 = arith.constant 0 : i32
      %dma_start3A_116 = arith.constant 0 : i32
      %dma_start3A_117 = tpu.memref_slice %arg3[%add3A_5, %arg0, %dma_start3A_115, %dma_start3A_116] : memref<32x2x80x128xi32, #tpu.memory_space<hbm>> -> memref<1x1x80x128xi32, #tpu.memory_space<hbm>>
      %dma_start3A_118 = tpu.memref_squeeze %dma_start3A_117 : memref<1x1x80x128xi32, #tpu.memory_space<hbm>> -> memref<80x128xi32, #tpu.memory_space<hbm>>
      %dma_start3A_119 = arith.constant 0 : i32
      %dma_start3A_120 = arith.constant 0 : i32
      %dma_start3A_121 = tpu.memref_slice %arg3[%add3A_5, %arg0, %dma_start3A_119, %dma_start3A_120] : memref<32x2x80x128xi32, #tpu.memory_space<hbm>> -> memref<1x1x80x128xi32, #tpu.memory_space<hbm>>
      %dma_start3A_122 = tpu.memref_squeeze %dma_start3A_121 : memref<1x1x80x128xi32, #tpu.memory_space<hbm>> -> memref<80x128xi32, #tpu.memory_space<hbm>>
      tpu.enqueue_dma source(%dma_start3A_122 : memref<80x128xi32, #tpu.memory_space<hbm>>) target(%arg8 : memref<80x128xi32, #tpu.memory_space<vmem>>) target_semaphore(%run_scoped3A : memref<!tpu.dma_semaphore, #tpu.memory_space<semaphore_mem>>)
      %dma_wait3A = arith.constant 0 : i32
      %dma_wait3A_123 = arith.constant 0 : i32
      %dma_wait3A_124 = tpu.memref_slice %arg3[%add3A_5, %arg0, %dma_wait3A, %dma_wait3A_123] : memref<32x2x80x128xi32, #tpu.memory_space<hbm>> -> memref<1x1x80x128xi32, #tpu.memory_space<hbm>>
      %dma_wait3A_125 = tpu.memref_squeeze %dma_wait3A_124 : memref<1x1x80x128xi32, #tpu.memory_space<hbm>> -> memref<80x128xi32, #tpu.memory_space<hbm>>
      %dma_wait3A_126 = arith.constant 0 : i32
      %dma_wait3A_127 = arith.constant 0 : i32
      %dma_wait3A_128 = tpu.memref_slice %arg3[%add3A_5, %arg0, %dma_wait3A_126, %dma_wait3A_127] : memref<32x2x80x128xi32, #tpu.memory_space<hbm>> -> memref<1x1x80x128xi32, #tpu.memory_space<hbm>>
      %dma_wait3A_129 = tpu.memref_squeeze %dma_wait3A_128 : memref<1x1x80x128xi32, #tpu.memory_space<hbm>> -> memref<80x128xi32, #tpu.memory_space<hbm>>
      tpu.wait_dma2 semaphore(%run_scoped3A : memref<!tpu.dma_semaphore, #tpu.memory_space<semaphore_mem>>) src(%dma_wait3A_129 : memref<80x128xi32, #tpu.memory_space<hbm>>) dst(%arg8 : memref<80x128xi32, #tpu.memory_space<vmem>>)
      tpu.yield
    }) : () -> ()
    "tpu.region"() ({
      %run_scoped3A = tpu.sem_alloc : memref<!tpu.dma_semaphore, #tpu.memory_space<semaphore_mem>>
      %dma_start3A_115 = arith.constant 0 : i32
      %dma_start3A_116 = arith.constant 0 : i32
      %dma_start3A_117 = tpu.memref_slice %arg4[%add3A_5, %arg0, %dma_start3A_115, %dma_start3A_116] : memref<32x2x80x128xi32, #tpu.memory_space<hbm>> -> memref<1x1x80x128xi32, #tpu.memory_space<hbm>>
      %dma_start3A_118 = tpu.memref_squeeze %dma_start3A_117 : memref<1x1x80x128xi32, #tpu.memory_space<hbm>> -> memref<80x128xi32, #tpu.memory_space<hbm>>
      %dma_start3A_119 = arith.constant 0 : i32
      %dma_start3A_120 = arith.constant 0 : i32
      %dma_start3A_121 = tpu.memref_slice %arg4[%add3A_5, %arg0, %dma_start3A_119, %dma_start3A_120] : memref<32x2x80x128xi32, #tpu.memory_space<hbm>> -> memref<1x1x80x128xi32, #tpu.memory_space<hbm>>
      %dma_start3A_122 = tpu.memref_squeeze %dma_start3A_121 : memref<1x1x80x128xi32, #tpu.memory_space<hbm>> -> memref<80x128xi32, #tpu.memory_space<hbm>>
      tpu.enqueue_dma source(%dma_start3A_122 : memref<80x128xi32, #tpu.memory_space<hbm>>) target(%arg9 : memref<80x128xi32, #tpu.memory_space<vmem>>) target_semaphore(%run_scoped3A : memref<!tpu.dma_semaphore, #tpu.memory_space<semaphore_mem>>)
      %dma_wait3A = arith.constant 0 : i32
      %dma_wait3A_123 = arith.constant 0 : i32
      %dma_wait3A_124 = tpu.memref_slice %arg4[%add3A_5, %arg0, %dma_wait3A, %dma_wait3A_123] : memref<32x2x80x128xi32, #tpu.memory_space<hbm>> -> memref<1x1x80x128xi32, #tpu.memory_space<hbm>>
      %dma_wait3A_125 = tpu.memref_squeeze %dma_wait3A_124 : memref<1x1x80x128xi32, #tpu.memory_space<hbm>> -> memref<80x128xi32, #tpu.memory_space<hbm>>
      %dma_wait3A_126 = arith.constant 0 : i32
      %dma_wait3A_127 = arith.constant 0 : i32
      %dma_wait3A_128 = tpu.memref_slice %arg4[%add3A_5, %arg0, %dma_wait3A_126, %dma_wait3A_127] : memref<32x2x80x128xi32, #tpu.memory_space<hbm>> -> memref<1x1x80x128xi32, #tpu.memory_space<hbm>>
      %dma_wait3A_129 = tpu.memref_squeeze %dma_wait3A_128 : memref<1x1x80x128xi32, #tpu.memory_space<hbm>> -> memref<80x128xi32, #tpu.memory_space<hbm>>
      tpu.wait_dma2 semaphore(%run_scoped3A : memref<!tpu.dma_semaphore, #tpu.memory_space<semaphore_mem>>) src(%dma_wait3A_129 : memref<80x128xi32, #tpu.memory_space<hbm>>) dst(%arg9 : memref<80x128xi32, #tpu.memory_space<vmem>>)
      tpu.yield
    }) : () -> ()
    "tpu.region"() ({
      %run_scoped3A = tpu.sem_alloc : memref<!tpu.dma_semaphore, #tpu.memory_space<semaphore_mem>>
      %dma_start3A_115 = arith.constant 0 : i32
      %dma_start3A_116 = tpu.memref_slice %arg5[%add3A_5, %dma_start3A_115] : memref<32x16xi32, #tpu.memory_space<hbm>> -> memref<1x16xi32, #tpu.memory_space<hbm>>
      %dma_start3A_117 = tpu.memref_squeeze %dma_start3A_116 : memref<1x16xi32, #tpu.memory_space<hbm>> -> memref<16xi32, #tpu.memory_space<hbm>>
      %dma_start3A_118 = arith.constant 0 : i32
      %dma_start3A_119 = tpu.memref_slice %arg5[%add3A_5, %dma_start3A_118] : memref<32x16xi32, #tpu.memory_space<hbm>> -> memref<1x16xi32, #tpu.memory_space<hbm>>
      %dma_start3A_120 = tpu.memref_squeeze %dma_start3A_119 : memref<1x16xi32, #tpu.memory_space<hbm>> -> memref<16xi32, #tpu.memory_space<hbm>>
      tpu.enqueue_dma source(%dma_start3A_120 : memref<16xi32, #tpu.memory_space<hbm>>) target(%arg11 : memref<16xi32, #tpu.memory_space<vmem>>) target_semaphore(%run_scoped3A : memref<!tpu.dma_semaphore, #tpu.memory_space<semaphore_mem>>)
      %dma_wait3A = arith.constant 0 : i32
      %dma_wait3A_121 = tpu.memref_slice %arg5[%add3A_5, %dma_wait3A] : memref<32x16xi32, #tpu.memory_space<hbm>> -> memref<1x16xi32, #tpu.memory_space<hbm>>
      %dma_wait3A_122 = tpu.memref_squeeze %dma_wait3A_121 : memref<1x16xi32, #tpu.memory_space<hbm>> -> memref<16xi32, #tpu.memory_space<hbm>>
      %dma_wait3A_123 = arith.constant 0 : i32
      %dma_wait3A_124 = tpu.memref_slice %arg5[%add3A_5, %dma_wait3A_123] : memref<32x16xi32, #tpu.memory_space<hbm>> -> memref<1x16xi32, #tpu.memory_space<hbm>>
      %dma_wait3A_125 = tpu.memref_squeeze %dma_wait3A_124 : memref<1x16xi32, #tpu.memory_space<hbm>> -> memref<16xi32, #tpu.memory_space<hbm>>
      tpu.wait_dma2 semaphore(%run_scoped3A : memref<!tpu.dma_semaphore, #tpu.memory_space<semaphore_mem>>) src(%dma_wait3A_125 : memref<16xi32, #tpu.memory_space<hbm>>) dst(%arg11 : memref<16xi32, #tpu.memory_space<vmem>>)
      tpu.yield
    }) : () -> ()
    %get3A = arith.constant 0 : index
    %get3A_6 = tpu.vector_load %arg11[%get3A] {strides = array<i32>} : memref<16xi32, #tpu.memory_space<vmem>>, vector<16xi32>,
    %get3A_7 = vector.shape_cast %get3A_6 : vector<16xi32> to vector<16xi32>
    %eq3A = arith.constant 0 : i32
    %eq3A_8 = arith.cmpi eq, %arg0, %eq3A : i32
    %slice3A = vector.extract_strided_slice %get3A_7 {offsets = [0], sizes = [1], strides = [1]} : vector<16xi32> to vector<1xi32>
    %squeeze3A = vector.extract %slice3A[0] : i32 from vector<1xi32>
    %slice3A_9 = vector.extract_strided_slice %get3A_7 {offsets = [1], sizes = [1], strides = [1]} : vector<16xi32> to vector<1xi32>
    %squeeze3A_10 = vector.extract %slice3A_9[0] : i32 from vector<1xi32>
    %select_n3A = arith.select %eq3A_8, %squeeze3A, %squeeze3A_10 : i32
    %add3A_11 = arith.constant 127 : i32
    %add3A_12 = arith.addi %select_n3A, %add3A_11 : i32
    %div3A = arith.constant 128 : i32
    %div3A_13 = arith.divsi %add3A_12, %div3A : i32
    %add3A_14 = arith.constant 3 : i32
    %add3A_15 = arith.addi %div3A_13, %add3A_14 : i32
    %div3A_16 = arith.constant 4 : i32
    %div3A_17 = arith.divsi %add3A_15, %div3A_16 : i32
    %max3A = arith.constant 1 : i32
    %max3A_18 = arith.maxsi %div3A_17, %max3A : i32
    %dma_start3A = arith.constant 0 : i32
    %dma_start3A_19 = arith.constant 0 : i32
    %dma_start3A_20 = arith.constant 0 : i32
    %dma_start3A_21 = arith.constant 0 : i32
    %dma_start3A_22 = tpu.memref_slice %arg10[%dma_start3A_19, %dma_start3A_20, %dma_start3A_21] : memref<4x128x128xf32, #tpu.memory_space<vmem>> -> memref<1x128x128xf32, #tpu.memory_space<vmem>>
    %dma_start3A_23 = tpu.memref_squeeze %dma_start3A_22 : memref<1x128x128xf32, #tpu.memory_space<vmem>> -> memref<128x128xf32, #tpu.memory_space<vmem>>
    %dma_start3A_24 = arith.constant 0 : i32
    %dma_start3A_25 = tpu.memref_slice %arg8[%dma_start3A, %dma_start3A_24] : memref<80x128xi32, #tpu.memory_space<vmem>> -> memref<1x128xi32, #tpu.memory_space<vmem>>
    %dma_start3A_26 = tpu.memref_squeeze %dma_start3A_25 : memref<1x128xi32, #tpu.memory_space<vmem>> -> memref<128xi32, #tpu.memory_space<vmem>>
    %dma_start3A_27 = arith.constant 0 : i32
    %dma_start3A_28 = arith.constant 0 : i32
    %dma_start3A_29 = tpu.memref_slice %arg2[%dma_start3A_27, %dma_start3A_28] : memref<10240x128xf32, #tpu.memory_space<hbm>> -> memref<10240x128xf32, #tpu.memory_space<hbm>>
    tpu.enqueue_indirect_dma source(%dma_start3A_29 : memref<10240x128xf32, #tpu.memory_space<hbm>>) target(%dma_start3A_23 : memref<128x128xf32, #tpu.memory_space<vmem>>) offsets(%dma_start3A_26 : memref<128xi32, #tpu.memory_space<vmem>>) semaphore(%arg13 : memref<!tpu.dma_semaphore, #tpu.memory_space<semaphore_mem>>)
    %dma_start3A_30 = arith.constant 1 : i32
    %dma_start3A_31 = arith.constant 1 : i32
    %dma_start3A_32 = arith.constant 0 : i32
    %dma_start3A_33 = arith.constant 0 : i32
    %dma_start3A_34 = tpu.memref_slice %arg10[%dma_start3A_31, %dma_start3A_32, %dma_start3A_33] : memref<4x128x128xf32, #tpu.memory_space<vmem>> -> memref<1x128x128xf32, #tpu.memory_space<vmem>>
    %dma_start3A_35 = tpu.memref_squeeze %dma_start3A_34 : memref<1x128x128xf32, #tpu.memory_space<vmem>> -> memref<128x128xf32, #tpu.memory_space<vmem>>
    %dma_start3A_36 = arith.constant 0 : i32
    %dma_start3A_37 = tpu.memref_slice %arg8[%dma_start3A_30, %dma_start3A_36] : memref<80x128xi32, #tpu.memory_space<vmem>> -> memref<1x128xi32, #tpu.memory_space<vmem>>
    %dma_start3A_38 = tpu.memref_squeeze %dma_start3A_37 : memref<1x128xi32, #tpu.memory_space<vmem>> -> memref<128xi32, #tpu.memory_space<vmem>>
    %dma_start3A_39 = arith.constant 0 : i32
    %dma_start3A_40 = arith.constant 0 : i32
    %dma_start3A_41 = tpu.memref_slice %arg2[%dma_start3A_39, %dma_start3A_40] : memref<10240x128xf32, #tpu.memory_space<hbm>> -> memref<10240x128xf32, #tpu.memory_space<hbm>>
    tpu.enqueue_indirect_dma source(%dma_start3A_41 : memref<10240x128xf32, #tpu.memory_space<hbm>>) target(%dma_start3A_35 : memref<128x128xf32, #tpu.memory_space<vmem>>) offsets(%dma_start3A_38 : memref<128xi32, #tpu.memory_space<vmem>>) semaphore(%arg14 : memref<!tpu.dma_semaphore, #tpu.memory_space<semaphore_mem>>)
    %while3A = arith.constant 0 : i32
    %while3A_42 = arith.constant 0 : i32
    %while3A_43 = arith.subi %max3A_18, %while3A_42 : i32
    %while3A_44 = arith.addi %while3A_42, %while3A_43 : i32
    %while3A_45 = arith.constant 1 : i32
    %while3A_46 = arith.divsi %while3A_43, %while3A_45 : i32
    %while3A_47 = arith.muli %while3A_46, %while3A_45 : i32
    %while3A_48 = arith.addi %while3A_42, %while3A_47 : i32
    %while3A_49 = arith.constant 1 : i32
    scf.for %while3A_115 = %while3A_42 to %while3A_48 step %while3A_49  : i32 {
      %mul3A_116 = arith.constant 4 : i32
      %mul3A_117 = arith.muli %while3A_115, %mul3A_116 : i32
      %add3A_118 = arith.constant 0 : i32
      %add3A_119 = arith.addi %mul3A_117, %add3A_118 : i32
      %dma_wait3A = arith.constant 0 : i32
      %dma_wait3A_120 = arith.constant 0 : i32
      %dma_wait3A_121 = arith.constant 0 : i32
      %dma_wait3A_122 = tpu.memref_slice %arg10[%dma_wait3A, %dma_wait3A_120, %dma_wait3A_121] : memref<4x128x128xf32, #tpu.memory_space<vmem>> -> memref<1x128x128xf32, #tpu.memory_space<vmem>>
      %dma_wait3A_123 = tpu.memref_squeeze %dma_wait3A_122 : memref<1x128x128xf32, #tpu.memory_space<vmem>> -> memref<128x128xf32, #tpu.memory_space<vmem>>
      %dma_wait3A_124 = arith.constant 0 : i32
      %dma_wait3A_125 = tpu.memref_slice %arg8[%add3A_119, %dma_wait3A_124] : memref<80x128xi32, #tpu.memory_space<vmem>> -> memref<1x128xi32, #tpu.memory_space<vmem>>
      %dma_wait3A_126 = tpu.memref_squeeze %dma_wait3A_125 : memref<1x128xi32, #tpu.memory_space<vmem>> -> memref<128xi32, #tpu.memory_space<vmem>>
      %dma_wait3A_127 = arith.constant 0 : i32
      %dma_wait3A_128 = arith.constant 0 : i32
      %dma_wait3A_129 = tpu.memref_slice %arg2[%dma_wait3A_127, %dma_wait3A_128] : memref<10240x128xf32, #tpu.memory_space<hbm>> -> memref<10240x128xf32, #tpu.memory_space<hbm>>
      tpu.wait_indirect_dma semaphore(%arg13 : memref<!tpu.dma_semaphore, #tpu.memory_space<semaphore_mem>>) src(%dma_wait3A_129 : memref<10240x128xf32, #tpu.memory_space<hbm>>) dst(%dma_wait3A_123 : memref<128x128xf32, #tpu.memory_space<vmem>>)
      %add3A_130 = arith.constant 2 : i32
      %add3A_131 = arith.addi %add3A_119, %add3A_130 : i32
      %mul3A_132 = arith.constant 4 : i32
      %mul3A_133 = arith.muli %max3A_18, %mul3A_132 : i32
      %lt3A = arith.cmpi slt, %add3A_131, %mul3A_133 : i32
      %convert_element_type3A = arith.extui %lt3A : i1 to i32
      %cond3A = arith.constant 0 : i32
      %cond3A_134 = arith.cmpi ne, %convert_element_type3A, %cond3A : i32
      scf.if %cond3A_134 {
        %add3A_207 = arith.constant 2 : i32
        %add3A_208 = arith.addi %add3A_119, %add3A_207 : i32
        %dma_start3A_209 = arith.constant 2 : i32
        %dma_start3A_210 = arith.constant 0 : i32
        %dma_start3A_211 = arith.constant 0 : i32
        %dma_start3A_212 = tpu.memref_slice %arg10[%dma_start3A_209, %dma_start3A_210, %dma_start3A_211] : memref<4x128x128xf32, #tpu.memory_space<vmem>> -> memref<1x128x128xf32, #tpu.memory_space<vmem>>
        %dma_start3A_213 = tpu.memref_squeeze %dma_start3A_212 : memref<1x128x128xf32, #tpu.memory_space<vmem>> -> memref<128x128xf32, #tpu.memory_space<vmem>>
        %dma_start3A_214 = arith.constant 0 : i32
        %dma_start3A_215 = tpu.memref_slice %arg8[%add3A_208, %dma_start3A_214] : memref<80x128xi32, #tpu.memory_space<vmem>> -> memref<1x128xi32, #tpu.memory_space<vmem>>
        %dma_start3A_216 = tpu.memref_squeeze %dma_start3A_215 : memref<1x128xi32, #tpu.memory_space<vmem>> -> memref<128xi32, #tpu.memory_space<vmem>>
        %dma_start3A_217 = arith.constant 0 : i32
        %dma_start3A_218 = arith.constant 0 : i32
        %dma_start3A_219 = tpu.memref_slice %arg2[%dma_start3A_217, %dma_start3A_218] : memref<10240x128xf32, #tpu.memory_space<hbm>> -> memref<10240x128xf32, #tpu.memory_space<hbm>>
        tpu.enqueue_indirect_dma source(%dma_start3A_219 : memref<10240x128xf32, #tpu.memory_space<hbm>>) target(%dma_start3A_213 : memref<128x128xf32, #tpu.memory_space<vmem>>) offsets(%dma_start3A_216 : memref<128xi32, #tpu.memory_space<vmem>>) semaphore(%arg13 : memref<!tpu.dma_semaphore, #tpu.memory_space<semaphore_mem>>)
      } else {
      }
      %run_scoped3A = arith.constant 0 : i32
      "tpu.region"() ({
        %run_scoped3A_207 = tpu.sem_alloc : memref<!tpu.dma_semaphore, #tpu.memory_space<semaphore_mem>>
        %dma_start3A_208 = arith.constant 0 : i32
        %dma_start3A_209 = arith.constant 0 : i32
        %dma_start3A_210 = tpu.memref_slice %arg10[%run_scoped3A, %dma_start3A_208, %dma_start3A_209] : memref<4x128x128xf32, #tpu.memory_space<vmem>> -> memref<1x128x128xf32, #tpu.memory_space<vmem>>
        %dma_start3A_211 = tpu.memref_squeeze %dma_start3A_210 : memref<1x128x128xf32, #tpu.memory_space<vmem>> -> memref<128x128xf32, #tpu.memory_space<vmem>>
        %dma_start3A_212 = arith.constant 0 : i32
        %dma_start3A_213 = tpu.memref_slice %arg9[%add3A_119, %dma_start3A_212] : memref<80x128xi32, #tpu.memory_space<vmem>> -> memref<1x128xi32, #tpu.memory_space<vmem>>
        %dma_start3A_214 = tpu.memref_squeeze %dma_start3A_213 : memref<1x128xi32, #tpu.memory_space<vmem>> -> memref<128xi32, #tpu.memory_space<vmem>>
        %dma_start3A_215 = arith.constant 0 : i32
        %dma_start3A_216 = arith.constant 0 : i32
        %dma_start3A_217 = tpu.memref_slice %arg12[%dma_start3A_215, %dma_start3A_216] : memref<5248x128xf32, #tpu.memory_space<vmem_shared>> -> memref<5248x128xf32, #tpu.memory_space<vmem_shared>>
        tpu.enqueue_indirect_dma source(%dma_start3A_211 : memref<128x128xf32, #tpu.memory_space<vmem>>) target(%dma_start3A_217 : memref<5248x128xf32, #tpu.memory_space<vmem_shared>>) offsets(%dma_start3A_214 : memref<128xi32, #tpu.memory_space<vmem>>) semaphore(%run_scoped3A_207 : memref<!tpu.dma_semaphore, #tpu.memory_space<semaphore_mem>>) {add = true}
        %dma_wait3A_218 = arith.constant 0 : i32
        %dma_wait3A_219 = arith.constant 0 : i32
        %dma_wait3A_220 = tpu.memref_slice %arg10[%run_scoped3A, %dma_wait3A_218, %dma_wait3A_219] : memref<4x128x128xf32, #tpu.memory_space<vmem>> -> memref<1x128x128xf32, #tpu.memory_space<vmem>>
        %dma_wait3A_221 = tpu.memref_squeeze %dma_wait3A_220 : memref<1x128x128xf32, #tpu.memory_space<vmem>> -> memref<128x128xf32, #tpu.memory_space<vmem>>
        %dma_wait3A_222 = arith.constant 0 : i32
        %dma_wait3A_223 = tpu.memref_slice %arg9[%add3A_119, %dma_wait3A_222] : memref<80x128xi32, #tpu.memory_space<vmem>> -> memref<1x128xi32, #tpu.memory_space<vmem>>
        %dma_wait3A_224 = tpu.memref_squeeze %dma_wait3A_223 : memref<1x128xi32, #tpu.memory_space<vmem>> -> memref<128xi32, #tpu.memory_space<vmem>>
        %dma_wait3A_225 = arith.constant 0 : i32
        %dma_wait3A_226 = arith.constant 0 : i32
        %dma_wait3A_227 = tpu.memref_slice %arg12[%dma_wait3A_225, %dma_wait3A_226] : memref<5248x128xf32, #tpu.memory_space<vmem_shared>> -> memref<5248x128xf32, #tpu.memory_space<vmem_shared>>
        tpu.wait_indirect_dma semaphore(%run_scoped3A_207 : memref<!tpu.dma_semaphore, #tpu.memory_space<semaphore_mem>>) src(%dma_wait3A_221 : memref<128x128xf32, #tpu.memory_space<vmem>>) dst(%dma_wait3A_227 : memref<5248x128xf32, #tpu.memory_space<vmem_shared>>)
        tpu.yield
      }) : () -> ()
      %mul3A_135 = arith.constant 4 : i32
      %mul3A_136 = arith.muli %while3A_115, %mul3A_135 : i32
      %add3A_137 = arith.constant 1 : i32
      %add3A_138 = arith.addi %mul3A_136, %add3A_137 : i32
      %dma_wait3A_139 = arith.constant 1 : i32
      %dma_wait3A_140 = arith.constant 0 : i32
      %dma_wait3A_141 = arith.constant 0 : i32
      %dma_wait3A_142 = tpu.memref_slice %arg10[%dma_wait3A_139, %dma_wait3A_140, %dma_wait3A_141] : memref<4x128x128xf32, #tpu.memory_space<vmem>> -> memref<1x128x128xf32, #tpu.memory_space<vmem>>
      %dma_wait3A_143 = tpu.memref_squeeze %dma_wait3A_142 : memref<1x128x128xf32, #tpu.memory_space<vmem>> -> memref<128x128xf32, #tpu.memory_space<vmem>>
      %dma_wait3A_144 = arith.constant 0 : i32
      %dma_wait3A_145 = tpu.memref_slice %arg8[%add3A_138, %dma_wait3A_144] : memref<80x128xi32, #tpu.memory_space<vmem>> -> memref<1x128xi32, #tpu.memory_space<vmem>>
      %dma_wait3A_146 = tpu.memref_squeeze %dma_wait3A_145 : memref<1x128xi32, #tpu.memory_space<vmem>> -> memref<128xi32, #tpu.memory_space<vmem>>
      %dma_wait3A_147 = arith.constant 0 : i32
      %dma_wait3A_148 = arith.constant 0 : i32
      %dma_wait3A_149 = tpu.memref_slice %arg2[%dma_wait3A_147, %dma_wait3A_148] : memref<10240x128xf32, #tpu.memory_space<hbm>> -> memref<10240x128xf32, #tpu.memory_space<hbm>>
      tpu.wait_indirect_dma semaphore(%arg14 : memref<!tpu.dma_semaphore, #tpu.memory_space<semaphore_mem>>) src(%dma_wait3A_149 : memref<10240x128xf32, #tpu.memory_space<hbm>>) dst(%dma_wait3A_143 : memref<128x128xf32, #tpu.memory_space<vmem>>)
      %add3A_150 = arith.constant 2 : i32
      %add3A_151 = arith.addi %add3A_138, %add3A_150 : i32
      %mul3A_152 = arith.constant 4 : i32
      %mul3A_153 = arith.muli %max3A_18, %mul3A_152 : i32
      %lt3A_154 = arith.cmpi slt, %add3A_151, %mul3A_153 : i32
      %convert_element_type3A_155 = arith.extui %lt3A_154 : i1 to i32
      %cond3A_156 = arith.constant 0 : i32
      %cond3A_157 = arith.cmpi ne, %convert_element_type3A_155, %cond3A_156 : i32
      scf.if %cond3A_157 {
        %add3A_207 = arith.constant 2 : i32
        %add3A_208 = arith.addi %add3A_138, %add3A_207 : i32
        %dma_start3A_209 = arith.constant 3 : i32
        %dma_start3A_210 = arith.constant 0 : i32
        %dma_start3A_211 = arith.constant 0 : i32
        %dma_start3A_212 = tpu.memref_slice %arg10[%dma_start3A_209, %dma_start3A_210, %dma_start3A_211] : memref<4x128x128xf32, #tpu.memory_space<vmem>> -> memref<1x128x128xf32, #tpu.memory_space<vmem>>
        %dma_start3A_213 = tpu.memref_squeeze %dma_start3A_212 : memref<1x128x128xf32, #tpu.memory_space<vmem>> -> memref<128x128xf32, #tpu.memory_space<vmem>>
        %dma_start3A_214 = arith.constant 0 : i32
        %dma_start3A_215 = tpu.memref_slice %arg8[%add3A_208, %dma_start3A_214] : memref<80x128xi32, #tpu.memory_space<vmem>> -> memref<1x128xi32, #tpu.memory_space<vmem>>
        %dma_start3A_216 = tpu.memref_squeeze %dma_start3A_215 : memref<1x128xi32, #tpu.memory_space<vmem>> -> memref<128xi32, #tpu.memory_space<vmem>>
        %dma_start3A_217 = arith.constant 0 : i32
        %dma_start3A_218 = arith.constant 0 : i32
        %dma_start3A_219 = tpu.memref_slice %arg2[%dma_start3A_217, %dma_start3A_218] : memref<10240x128xf32, #tpu.memory_space<hbm>> -> memref<10240x128xf32, #tpu.memory_space<hbm>>
        tpu.enqueue_indirect_dma source(%dma_start3A_219 : memref<10240x128xf32, #tpu.memory_space<hbm>>) target(%dma_start3A_213 : memref<128x128xf32, #tpu.memory_space<vmem>>) offsets(%dma_start3A_216 : memref<128xi32, #tpu.memory_space<vmem>>) semaphore(%arg14 : memref<!tpu.dma_semaphore, #tpu.memory_space<semaphore_mem>>)
      } else {
      }
      %run_scoped3A_158 = arith.constant 1 : i32
      "tpu.region"() ({
        %run_scoped3A_207 = tpu.sem_alloc : memref<!tpu.dma_semaphore, #tpu.memory_space<semaphore_mem>>
        %dma_start3A_208 = arith.constant 0 : i32
        %dma_start3A_209 = arith.constant 0 : i32
        %dma_start3A_210 = tpu.memref_slice %arg10[%run_scoped3A_158, %dma_start3A_208, %dma_start3A_209] : memref<4x128x128xf32, #tpu.memory_space<vmem>> -> memref<1x128x128xf32, #tpu.memory_space<vmem>>
        %dma_start3A_211 = tpu.memref_squeeze %dma_start3A_210 : memref<1x128x128xf32, #tpu.memory_space<vmem>> -> memref<128x128xf32, #tpu.memory_space<vmem>>
        %dma_start3A_212 = arith.constant 0 : i32
        %dma_start3A_213 = tpu.memref_slice %arg9[%add3A_138, %dma_start3A_212] : memref<80x128xi32, #tpu.memory_space<vmem>> -> memref<1x128xi32, #tpu.memory_space<vmem>>
        %dma_start3A_214 = tpu.memref_squeeze %dma_start3A_213 : memref<1x128xi32, #tpu.memory_space<vmem>> -> memref<128xi32, #tpu.memory_space<vmem>>
        %dma_start3A_215 = arith.constant 0 : i32
        %dma_start3A_216 = arith.constant 0 : i32
        %dma_start3A_217 = tpu.memref_slice %arg12[%dma_start3A_215, %dma_start3A_216] : memref<5248x128xf32, #tpu.memory_space<vmem_shared>> -> memref<5248x128xf32, #tpu.memory_space<vmem_shared>>
        tpu.enqueue_indirect_dma source(%dma_start3A_211 : memref<128x128xf32, #tpu.memory_space<vmem>>) target(%dma_start3A_217 : memref<5248x128xf32, #tpu.memory_space<vmem_shared>>) offsets(%dma_start3A_214 : memref<128xi32, #tpu.memory_space<vmem>>) semaphore(%run_scoped3A_207 : memref<!tpu.dma_semaphore, #tpu.memory_space<semaphore_mem>>) {add = true}
        %dma_wait3A_218 = arith.constant 0 : i32
        %dma_wait3A_219 = arith.constant 0 : i32
        %dma_wait3A_220 = tpu.memref_slice %arg10[%run_scoped3A_158, %dma_wait3A_218, %dma_wait3A_219] : memref<4x128x128xf32, #tpu.memory_space<vmem>> -> memref<1x128x128xf32, #tpu.memory_space<vmem>>
        %dma_wait3A_221 = tpu.memref_squeeze %dma_wait3A_220 : memref<1x128x128xf32, #tpu.memory_space<vmem>> -> memref<128x128xf32, #tpu.memory_space<vmem>>
        %dma_wait3A_222 = arith.constant 0 : i32
        %dma_wait3A_223 = tpu.memref_slice %arg9[%add3A_138, %dma_wait3A_222] : memref<80x128xi32, #tpu.memory_space<vmem>> -> memref<1x128xi32, #tpu.memory_space<vmem>>
        %dma_wait3A_224 = tpu.memref_squeeze %dma_wait3A_223 : memref<1x128xi32, #tpu.memory_space<vmem>> -> memref<128xi32, #tpu.memory_space<vmem>>
        %dma_wait3A_225 = arith.constant 0 : i32
        %dma_wait3A_226 = arith.constant 0 : i32
        %dma_wait3A_227 = tpu.memref_slice %arg12[%dma_wait3A_225, %dma_wait3A_226] : memref<5248x128xf32, #tpu.memory_space<vmem_shared>> -> memref<5248x128xf32, #tpu.memory_space<vmem_shared>>
        tpu.wait_indirect_dma semaphore(%run_scoped3A_207 : memref<!tpu.dma_semaphore, #tpu.memory_space<semaphore_mem>>) src(%dma_wait3A_221 : memref<128x128xf32, #tpu.memory_space<vmem>>) dst(%dma_wait3A_227 : memref<5248x128xf32, #tpu.memory_space<vmem_shared>>)
        tpu.yield
      }) : () -> ()
      %mul3A_159 = arith.constant 4 : i32
      %mul3A_160 = arith.muli %while3A_115, %mul3A_159 : i32
      %add3A_161 = arith.constant 2 : i32
      %add3A_162 = arith.addi %mul3A_160, %add3A_161 : i32
      %dma_wait3A_163 = arith.constant 2 : i32
      %dma_wait3A_164 = arith.constant 0 : i32
      %dma_wait3A_165 = arith.constant 0 : i32
      %dma_wait3A_166 = tpu.memref_slice %arg10[%dma_wait3A_163, %dma_wait3A_164, %dma_wait3A_165] : memref<4x128x128xf32, #tpu.memory_space<vmem>> -> memref<1x128x128xf32, #tpu.memory_space<vmem>>
      %dma_wait3A_167 = tpu.memref_squeeze %dma_wait3A_166 : memref<1x128x128xf32, #tpu.memory_space<vmem>> -> memref<128x128xf32, #tpu.memory_space<vmem>>
      %dma_wait3A_168 = arith.constant 0 : i32
      %dma_wait3A_169 = tpu.memref_slice %arg8[%add3A_162, %dma_wait3A_168] : memref<80x128xi32, #tpu.memory_space<vmem>> -> memref<1x128xi32, #tpu.memory_space<vmem>>
      %dma_wait3A_170 = tpu.memref_squeeze %dma_wait3A_169 : memref<1x128xi32, #tpu.memory_space<vmem>> -> memref<128xi32, #tpu.memory_space<vmem>>
      %dma_wait3A_171 = arith.constant 0 : i32
      %dma_wait3A_172 = arith.constant 0 : i32
      %dma_wait3A_173 = tpu.memref_slice %arg2[%dma_wait3A_171, %dma_wait3A_172] : memref<10240x128xf32, #tpu.memory_space<hbm>> -> memref<10240x128xf32, #tpu.memory_space<hbm>>
      tpu.wait_indirect_dma semaphore(%arg13 : memref<!tpu.dma_semaphore, #tpu.memory_space<semaphore_mem>>) src(%dma_wait3A_173 : memref<10240x128xf32, #tpu.memory_space<hbm>>) dst(%dma_wait3A_167 : memref<128x128xf32, #tpu.memory_space<vmem>>)
      %add3A_174 = arith.constant 2 : i32
      %add3A_175 = arith.addi %add3A_162, %add3A_174 : i32
      %mul3A_176 = arith.constant 4 : i32
      %mul3A_177 = arith.muli %max3A_18, %mul3A_176 : i32
      %lt3A_178 = arith.cmpi slt, %add3A_175, %mul3A_177 : i32
      %convert_element_type3A_179 = arith.extui %lt3A_178 : i1 to i32
      %cond3A_180 = arith.constant 0 : i32
      %cond3A_181 = arith.cmpi ne, %convert_element_type3A_179, %cond3A_180 : i32
      scf.if %cond3A_181 {
        %add3A_207 = arith.constant 2 : i32
        %add3A_208 = arith.addi %add3A_162, %add3A_207 : i32
        %dma_start3A_209 = arith.constant 0 : i32
        %dma_start3A_210 = arith.constant 0 : i32
        %dma_start3A_211 = arith.constant 0 : i32
        %dma_start3A_212 = tpu.memref_slice %arg10[%dma_start3A_209, %dma_start3A_210, %dma_start3A_211] : memref<4x128x128xf32, #tpu.memory_space<vmem>> -> memref<1x128x128xf32, #tpu.memory_space<vmem>>
        %dma_start3A_213 = tpu.memref_squeeze %dma_start3A_212 : memref<1x128x128xf32, #tpu.memory_space<vmem>> -> memref<128x128xf32, #tpu.memory_space<vmem>>
        %dma_start3A_214 = arith.constant 0 : i32
        %dma_start3A_215 = tpu.memref_slice %arg8[%add3A_208, %dma_start3A_214] : memref<80x128xi32, #tpu.memory_space<vmem>> -> memref<1x128xi32, #tpu.memory_space<vmem>>
        %dma_start3A_216 = tpu.memref_squeeze %dma_start3A_215 : memref<1x128xi32, #tpu.memory_space<vmem>> -> memref<128xi32, #tpu.memory_space<vmem>>
        %dma_start3A_217 = arith.constant 0 : i32
        %dma_start3A_218 = arith.constant 0 : i32
        %dma_start3A_219 = tpu.memref_slice %arg2[%dma_start3A_217, %dma_start3A_218] : memref<10240x128xf32, #tpu.memory_space<hbm>> -> memref<10240x128xf32, #tpu.memory_space<hbm>>
        tpu.enqueue_indirect_dma source(%dma_start3A_219 : memref<10240x128xf32, #tpu.memory_space<hbm>>) target(%dma_start3A_213 : memref<128x128xf32, #tpu.memory_space<vmem>>) offsets(%dma_start3A_216 : memref<128xi32, #tpu.memory_space<vmem>>) semaphore(%arg13 : memref<!tpu.dma_semaphore, #tpu.memory_space<semaphore_mem>>)
      } else {
      }
      %run_scoped3A_182 = arith.constant 2 : i32
      "tpu.region"() ({
        %run_scoped3A_207 = tpu.sem_alloc : memref<!tpu.dma_semaphore, #tpu.memory_space<semaphore_mem>>
        %dma_start3A_208 = arith.constant 0 : i32
        %dma_start3A_209 = arith.constant 0 : i32
        %dma_start3A_210 = tpu.memref_slice %arg10[%run_scoped3A_182, %dma_start3A_208, %dma_start3A_209] : memref<4x128x128xf32, #tpu.memory_space<vmem>> -> memref<1x128x128xf32, #tpu.memory_space<vmem>>
        %dma_start3A_211 = tpu.memref_squeeze %dma_start3A_210 : memref<1x128x128xf32, #tpu.memory_space<vmem>> -> memref<128x128xf32, #tpu.memory_space<vmem>>
        %dma_start3A_212 = arith.constant 0 : i32
        %dma_start3A_213 = tpu.memref_slice %arg9[%add3A_162, %dma_start3A_212] : memref<80x128xi32, #tpu.memory_space<vmem>> -> memref<1x128xi32, #tpu.memory_space<vmem>>
        %dma_start3A_214 = tpu.memref_squeeze %dma_start3A_213 : memref<1x128xi32, #tpu.memory_space<vmem>> -> memref<128xi32, #tpu.memory_space<vmem>>
        %dma_start3A_215 = arith.constant 0 : i32
        %dma_start3A_216 = arith.constant 0 : i32
        %dma_start3A_217 = tpu.memref_slice %arg12[%dma_start3A_215, %dma_start3A_216] : memref<5248x128xf32, #tpu.memory_space<vmem_shared>> -> memref<5248x128xf32, #tpu.memory_space<vmem_shared>>
        tpu.enqueue_indirect_dma source(%dma_start3A_211 : memref<128x128xf32, #tpu.memory_space<vmem>>) target(%dma_start3A_217 : memref<5248x128xf32, #tpu.memory_space<vmem_shared>>) offsets(%dma_start3A_214 : memref<128xi32, #tpu.memory_space<vmem>>) semaphore(%run_scoped3A_207 : memref<!tpu.dma_semaphore, #tpu.memory_space<semaphore_mem>>) {add = true}
        %dma_wait3A_218 = arith.constant 0 : i32
        %dma_wait3A_219 = arith.constant 0 : i32
        %dma_wait3A_220 = tpu.memref_slice %arg10[%run_scoped3A_182, %dma_wait3A_218, %dma_wait3A_219] : memref<4x128x128xf32, #tpu.memory_space<vmem>> -> memref<1x128x128xf32, #tpu.memory_space<vmem>>
        %dma_wait3A_221 = tpu.memref_squeeze %dma_wait3A_220 : memref<1x128x128xf32, #tpu.memory_space<vmem>> -> memref<128x128xf32, #tpu.memory_space<vmem>>
        %dma_wait3A_222 = arith.constant 0 : i32
        %dma_wait3A_223 = tpu.memref_slice %arg9[%add3A_162, %dma_wait3A_222] : memref<80x128xi32, #tpu.memory_space<vmem>> -> memref<1x128xi32, #tpu.memory_space<vmem>>
        %dma_wait3A_224 = tpu.memref_squeeze %dma_wait3A_223 : memref<1x128xi32, #tpu.memory_space<vmem>> -> memref<128xi32, #tpu.memory_space<vmem>>
        %dma_wait3A_225 = arith.constant 0 : i32
        %dma_wait3A_226 = arith.constant 0 : i32
        %dma_wait3A_227 = tpu.memref_slice %arg12[%dma_wait3A_225, %dma_wait3A_226] : memref<5248x128xf32, #tpu.memory_space<vmem_shared>> -> memref<5248x128xf32, #tpu.memory_space<vmem_shared>>
        tpu.wait_indirect_dma semaphore(%run_scoped3A_207 : memref<!tpu.dma_semaphore, #tpu.memory_space<semaphore_mem>>) src(%dma_wait3A_221 : memref<128x128xf32, #tpu.memory_space<vmem>>) dst(%dma_wait3A_227 : memref<5248x128xf32, #tpu.memory_space<vmem_shared>>)
        tpu.yield
      }) : () -> ()
      %mul3A_183 = arith.constant 4 : i32
      %mul3A_184 = arith.muli %while3A_115, %mul3A_183 : i32
      %add3A_185 = arith.constant 3 : i32
      %add3A_186 = arith.addi %mul3A_184, %add3A_185 : i32
      %dma_wait3A_187 = arith.constant 3 : i32
      %dma_wait3A_188 = arith.constant 0 : i32
      %dma_wait3A_189 = arith.constant 0 : i32
      %dma_wait3A_190 = tpu.memref_slice %arg10[%dma_wait3A_187, %dma_wait3A_188, %dma_wait3A_189] : memref<4x128x128xf32, #tpu.memory_space<vmem>> -> memref<1x128x128xf32, #tpu.memory_space<vmem>>
      %dma_wait3A_191 = tpu.memref_squeeze %dma_wait3A_190 : memref<1x128x128xf32, #tpu.memory_space<vmem>> -> memref<128x128xf32, #tpu.memory_space<vmem>>
      %dma_wait3A_192 = arith.constant 0 : i32
      %dma_wait3A_193 = tpu.memref_slice %arg8[%add3A_186, %dma_wait3A_192] : memref<80x128xi32, #tpu.memory_space<vmem>> -> memref<1x128xi32, #tpu.memory_space<vmem>>
      %dma_wait3A_194 = tpu.memref_squeeze %dma_wait3A_193 : memref<1x128xi32, #tpu.memory_space<vmem>> -> memref<128xi32, #tpu.memory_space<vmem>>
      %dma_wait3A_195 = arith.constant 0 : i32
      %dma_wait3A_196 = arith.constant 0 : i32
      %dma_wait3A_197 = tpu.memref_slice %arg2[%dma_wait3A_195, %dma_wait3A_196] : memref<10240x128xf32, #tpu.memory_space<hbm>> -> memref<10240x128xf32, #tpu.memory_space<hbm>>
      tpu.wait_indirect_dma semaphore(%arg14 : memref<!tpu.dma_semaphore, #tpu.memory_space<semaphore_mem>>) src(%dma_wait3A_197 : memref<10240x128xf32, #tpu.memory_space<hbm>>) dst(%dma_wait3A_191 : memref<128x128xf32, #tpu.memory_space<vmem>>)
      %add3A_198 = arith.constant 2 : i32
      %add3A_199 = arith.addi %add3A_186, %add3A_198 : i32
      %mul3A_200 = arith.constant 4 : i32
      %mul3A_201 = arith.muli %max3A_18, %mul3A_200 : i32
      %lt3A_202 = arith.cmpi slt, %add3A_199, %mul3A_201 : i32
      %convert_element_type3A_203 = arith.extui %lt3A_202 : i1 to i32
      %cond3A_204 = arith.constant 0 : i32
      %cond3A_205 = arith.cmpi ne, %convert_element_type3A_203, %cond3A_204 : i32
      scf.if %cond3A_205 {
        %add3A_207 = arith.constant 2 : i32
        %add3A_208 = arith.addi %add3A_186, %add3A_207 : i32
        %dma_start3A_209 = arith.constant 1 : i32
        %dma_start3A_210 = arith.constant 0 : i32
        %dma_start3A_211 = arith.constant 0 : i32
        %dma_start3A_212 = tpu.memref_slice %arg10[%dma_start3A_209, %dma_start3A_210, %dma_start3A_211] : memref<4x128x128xf32, #tpu.memory_space<vmem>> -> memref<1x128x128xf32, #tpu.memory_space<vmem>>
        %dma_start3A_213 = tpu.memref_squeeze %dma_start3A_212 : memref<1x128x128xf32, #tpu.memory_space<vmem>> -> memref<128x128xf32, #tpu.memory_space<vmem>>
        %dma_start3A_214 = arith.constant 0 : i32
        %dma_start3A_215 = tpu.memref_slice %arg8[%add3A_208, %dma_start3A_214] : memref<80x128xi32, #tpu.memory_space<vmem>> -> memref<1x128xi32, #tpu.memory_space<vmem>>
        %dma_start3A_216 = tpu.memref_squeeze %dma_start3A_215 : memref<1x128xi32, #tpu.memory_space<vmem>> -> memref<128xi32, #tpu.memory_space<vmem>>
        %dma_start3A_217 = arith.constant 0 : i32
        %dma_start3A_218 = arith.constant 0 : i32
        %dma_start3A_219 = tpu.memref_slice %arg2[%dma_start3A_217, %dma_start3A_218] : memref<10240x128xf32, #tpu.memory_space<hbm>> -> memref<10240x128xf32, #tpu.memory_space<hbm>>
        tpu.enqueue_indirect_dma source(%dma_start3A_219 : memref<10240x128xf32, #tpu.memory_space<hbm>>) target(%dma_start3A_213 : memref<128x128xf32, #tpu.memory_space<vmem>>) offsets(%dma_start3A_216 : memref<128xi32, #tpu.memory_space<vmem>>) semaphore(%arg14 : memref<!tpu.dma_semaphore, #tpu.memory_space<semaphore_mem>>)
      } else {
      }
      %run_scoped3A_206 = arith.constant 3 : i32
      "tpu.region"() ({
        %run_scoped3A_207 = tpu.sem_alloc : memref<!tpu.dma_semaphore, #tpu.memory_space<semaphore_mem>>
        %dma_start3A_208 = arith.constant 0 : i32
        %dma_start3A_209 = arith.constant 0 : i32
        %dma_start3A_210 = tpu.memref_slice %arg10[%run_scoped3A_206, %dma_start3A_208, %dma_start3A_209] : memref<4x128x128xf32, #tpu.memory_space<vmem>> -> memref<1x128x128xf32, #tpu.memory_space<vmem>>
        %dma_start3A_211 = tpu.memref_squeeze %dma_start3A_210 : memref<1x128x128xf32, #tpu.memory_space<vmem>> -> memref<128x128xf32, #tpu.memory_space<vmem>>
        %dma_start3A_212 = arith.constant 0 : i32
        %dma_start3A_213 = tpu.memref_slice %arg9[%add3A_186, %dma_start3A_212] : memref<80x128xi32, #tpu.memory_space<vmem>> -> memref<1x128xi32, #tpu.memory_space<vmem>>
        %dma_start3A_214 = tpu.memref_squeeze %dma_start3A_213 : memref<1x128xi32, #tpu.memory_space<vmem>> -> memref<128xi32, #tpu.memory_space<vmem>>
        %dma_start3A_215 = arith.constant 0 : i32
        %dma_start3A_216 = arith.constant 0 : i32
        %dma_start3A_217 = tpu.memref_slice %arg12[%dma_start3A_215, %dma_start3A_216] : memref<5248x128xf32, #tpu.memory_space<vmem_shared>> -> memref<5248x128xf32, #tpu.memory_space<vmem_shared>>
        tpu.enqueue_indirect_dma source(%dma_start3A_211 : memref<128x128xf32, #tpu.memory_space<vmem>>) target(%dma_start3A_217 : memref<5248x128xf32, #tpu.memory_space<vmem_shared>>) offsets(%dma_start3A_214 : memref<128xi32, #tpu.memory_space<vmem>>) semaphore(%run_scoped3A_207 : memref<!tpu.dma_semaphore, #tpu.memory_space<semaphore_mem>>) {add = true}
        %dma_wait3A_218 = arith.constant 0 : i32
        %dma_wait3A_219 = arith.constant 0 : i32
        %dma_wait3A_220 = tpu.memref_slice %arg10[%run_scoped3A_206, %dma_wait3A_218, %dma_wait3A_219] : memref<4x128x128xf32, #tpu.memory_space<vmem>> -> memref<1x128x128xf32, #tpu.memory_space<vmem>>
        %dma_wait3A_221 = tpu.memref_squeeze %dma_wait3A_220 : memref<1x128x128xf32, #tpu.memory_space<vmem>> -> memref<128x128xf32, #tpu.memory_space<vmem>>
        %dma_wait3A_222 = arith.constant 0 : i32
        %dma_wait3A_223 = tpu.memref_slice %arg9[%add3A_186, %dma_wait3A_222] : memref<80x128xi32, #tpu.memory_space<vmem>> -> memref<1x128xi32, #tpu.memory_space<vmem>>
        %dma_wait3A_224 = tpu.memref_squeeze %dma_wait3A_223 : memref<1x128xi32, #tpu.memory_space<vmem>> -> memref<128xi32, #tpu.memory_space<vmem>>
        %dma_wait3A_225 = arith.constant 0 : i32
        %dma_wait3A_226 = arith.constant 0 : i32
        %dma_wait3A_227 = tpu.memref_slice %arg12[%dma_wait3A_225, %dma_wait3A_226] : memref<5248x128xf32, #tpu.memory_space<vmem_shared>> -> memref<5248x128xf32, #tpu.memory_space<vmem_shared>>
        tpu.wait_indirect_dma semaphore(%run_scoped3A_207 : memref<!tpu.dma_semaphore, #tpu.memory_space<semaphore_mem>>) src(%dma_wait3A_221 : memref<128x128xf32, #tpu.memory_space<vmem>>) dst(%dma_wait3A_227 : memref<5248x128xf32, #tpu.memory_space<vmem_shared>>)
        tpu.yield
      }) : () -> ()
    }
    %while3A_50 = arith.constant 1 : i32
    scf.for %while3A_115 = %while3A_48 to %while3A_44 step %while3A_50  : i32 {
      %mul3A_116 = arith.constant 4 : i32
      %mul3A_117 = arith.muli %while3A_115, %mul3A_116 : i32
      %add3A_118 = arith.constant 0 : i32
      %add3A_119 = arith.addi %mul3A_117, %add3A_118 : i32
      %dma_wait3A = arith.constant 0 : i32
      %dma_wait3A_120 = arith.constant 0 : i32
      %dma_wait3A_121 = arith.constant 0 : i32
      %dma_wait3A_122 = tpu.memref_slice %arg10[%dma_wait3A, %dma_wait3A_120, %dma_wait3A_121] : memref<4x128x128xf32, #tpu.memory_space<vmem>> -> memref<1x128x128xf32, #tpu.memory_space<vmem>>
      %dma_wait3A_123 = tpu.memref_squeeze %dma_wait3A_122 : memref<1x128x128xf32, #tpu.memory_space<vmem>> -> memref<128x128xf32, #tpu.memory_space<vmem>>
      %dma_wait3A_124 = arith.constant 0 : i32
      %dma_wait3A_125 = tpu.memref_slice %arg8[%add3A_119, %dma_wait3A_124] : memref<80x128xi32, #tpu.memory_space<vmem>> -> memref<1x128xi32, #tpu.memory_space<vmem>>
      %dma_wait3A_126 = tpu.memref_squeeze %dma_wait3A_125 : memref<1x128xi32, #tpu.memory_space<vmem>> -> memref<128xi32, #tpu.memory_space<vmem>>
      %dma_wait3A_127 = arith.constant 0 : i32
      %dma_wait3A_128 = arith.constant 0 : i32
      %dma_wait3A_129 = tpu.memref_slice %arg2[%dma_wait3A_127, %dma_wait3A_128] : memref<10240x128xf32, #tpu.memory_space<hbm>> -> memref<10240x128xf32, #tpu.memory_space<hbm>>
      tpu.wait_indirect_dma semaphore(%arg13 : memref<!tpu.dma_semaphore, #tpu.memory_space<semaphore_mem>>) src(%dma_wait3A_129 : memref<10240x128xf32, #tpu.memory_space<hbm>>) dst(%dma_wait3A_123 : memref<128x128xf32, #tpu.memory_space<vmem>>)
      %add3A_130 = arith.constant 2 : i32
      %add3A_131 = arith.addi %add3A_119, %add3A_130 : i32
      %mul3A_132 = arith.constant 4 : i32
      %mul3A_133 = arith.muli %max3A_18, %mul3A_132 : i32
      %lt3A = arith.cmpi slt, %add3A_131, %mul3A_133 : i32
      %convert_element_type3A = arith.extui %lt3A : i1 to i32
      %cond3A = arith.constant 0 : i32
      %cond3A_134 = arith.cmpi ne, %convert_element_type3A, %cond3A : i32
      scf.if %cond3A_134 {
        %add3A_207 = arith.constant 2 : i32
        %add3A_208 = arith.addi %add3A_119, %add3A_207 : i32
        %dma_start3A_209 = arith.constant 2 : i32
        %dma_start3A_210 = arith.constant 0 : i32
        %dma_start3A_211 = arith.constant 0 : i32
        %dma_start3A_212 = tpu.memref_slice %arg10[%dma_start3A_209, %dma_start3A_210, %dma_start3A_211] : memref<4x128x128xf32, #tpu.memory_space<vmem>> -> memref<1x128x128xf32, #tpu.memory_space<vmem>>
        %dma_start3A_213 = tpu.memref_squeeze %dma_start3A_212 : memref<1x128x128xf32, #tpu.memory_space<vmem>> -> memref<128x128xf32, #tpu.memory_space<vmem>>
        %dma_start3A_214 = arith.constant 0 : i32
        %dma_start3A_215 = tpu.memref_slice %arg8[%add3A_208, %dma_start3A_214] : memref<80x128xi32, #tpu.memory_space<vmem>> -> memref<1x128xi32, #tpu.memory_space<vmem>>
        %dma_start3A_216 = tpu.memref_squeeze %dma_start3A_215 : memref<1x128xi32, #tpu.memory_space<vmem>> -> memref<128xi32, #tpu.memory_space<vmem>>
        %dma_start3A_217 = arith.constant 0 : i32
        %dma_start3A_218 = arith.constant 0 : i32
        %dma_start3A_219 = tpu.memref_slice %arg2[%dma_start3A_217, %dma_start3A_218] : memref<10240x128xf32, #tpu.memory_space<hbm>> -> memref<10240x128xf32, #tpu.memory_space<hbm>>
        tpu.enqueue_indirect_dma source(%dma_start3A_219 : memref<10240x128xf32, #tpu.memory_space<hbm>>) target(%dma_start3A_213 : memref<128x128xf32, #tpu.memory_space<vmem>>) offsets(%dma_start3A_216 : memref<128xi32, #tpu.memory_space<vmem>>) semaphore(%arg13 : memref<!tpu.dma_semaphore, #tpu.memory_space<semaphore_mem>>)
      } else {
      }
      %run_scoped3A = arith.constant 0 : i32
      "tpu.region"() ({
        %run_scoped3A_207 = tpu.sem_alloc : memref<!tpu.dma_semaphore, #tpu.memory_space<semaphore_mem>>
        %dma_start3A_208 = arith.constant 0 : i32
        %dma_start3A_209 = arith.constant 0 : i32
        %dma_start3A_210 = tpu.memref_slice %arg10[%run_scoped3A, %dma_start3A_208, %dma_start3A_209] : memref<4x128x128xf32, #tpu.memory_space<vmem>> -> memref<1x128x128xf32, #tpu.memory_space<vmem>>
        %dma_start3A_211 = tpu.memref_squeeze %dma_start3A_210 : memref<1x128x128xf32, #tpu.memory_space<vmem>> -> memref<128x128xf32, #tpu.memory_space<vmem>>
        %dma_start3A_212 = arith.constant 0 : i32
        %dma_start3A_213 = tpu.memref_slice %arg9[%add3A_119, %dma_start3A_212] : memref<80x128xi32, #tpu.memory_space<vmem>> -> memref<1x128xi32, #tpu.memory_space<vmem>>
        %dma_start3A_214 = tpu.memref_squeeze %dma_start3A_213 : memref<1x128xi32, #tpu.memory_space<vmem>> -> memref<128xi32, #tpu.memory_space<vmem>>
        %dma_start3A_215 = arith.constant 0 : i32
        %dma_start3A_216 = arith.constant 0 : i32
        %dma_start3A_217 = tpu.memref_slice %arg12[%dma_start3A_215, %dma_start3A_216] : memref<5248x128xf32, #tpu.memory_space<vmem_shared>> -> memref<5248x128xf32, #tpu.memory_space<vmem_shared>>
        tpu.enqueue_indirect_dma source(%dma_start3A_211 : memref<128x128xf32, #tpu.memory_space<vmem>>) target(%dma_start3A_217 : memref<5248x128xf32, #tpu.memory_space<vmem_shared>>) offsets(%dma_start3A_214 : memref<128xi32, #tpu.memory_space<vmem>>) semaphore(%run_scoped3A_207 : memref<!tpu.dma_semaphore, #tpu.memory_space<semaphore_mem>>) {add = true}
        %dma_wait3A_218 = arith.constant 0 : i32
        %dma_wait3A_219 = arith.constant 0 : i32
        %dma_wait3A_220 = tpu.memref_slice %arg10[%run_scoped3A, %dma_wait3A_218, %dma_wait3A_219] : memref<4x128x128xf32, #tpu.memory_space<vmem>> -> memref<1x128x128xf32, #tpu.memory_space<vmem>>
        %dma_wait3A_221 = tpu.memref_squeeze %dma_wait3A_220 : memref<1x128x128xf32, #tpu.memory_space<vmem>> -> memref<128x128xf32, #tpu.memory_space<vmem>>
        %dma_wait3A_222 = arith.constant 0 : i32
        %dma_wait3A_223 = tpu.memref_slice %arg9[%add3A_119, %dma_wait3A_222] : memref<80x128xi32, #tpu.memory_space<vmem>> -> memref<1x128xi32, #tpu.memory_space<vmem>>
        %dma_wait3A_224 = tpu.memref_squeeze %dma_wait3A_223 : memref<1x128xi32, #tpu.memory_space<vmem>> -> memref<128xi32, #tpu.memory_space<vmem>>
        %dma_wait3A_225 = arith.constant 0 : i32
        %dma_wait3A_226 = arith.constant 0 : i32
        %dma_wait3A_227 = tpu.memref_slice %arg12[%dma_wait3A_225, %dma_wait3A_226] : memref<5248x128xf32, #tpu.memory_space<vmem_shared>> -> memref<5248x128xf32, #tpu.memory_space<vmem_shared>>
        tpu.wait_indirect_dma semaphore(%run_scoped3A_207 : memref<!tpu.dma_semaphore, #tpu.memory_space<semaphore_mem>>) src(%dma_wait3A_221 : memref<128x128xf32, #tpu.memory_space<vmem>>) dst(%dma_wait3A_227 : memref<5248x128xf32, #tpu.memory_space<vmem_shared>>)
        tpu.yield
      }) : () -> ()
      %mul3A_135 = arith.constant 4 : i32
      %mul3A_136 = arith.muli %while3A_115, %mul3A_135 : i32
      %add3A_137 = arith.constant 1 : i32
      %add3A_138 = arith.addi %mul3A_136, %add3A_137 : i32
      %dma_wait3A_139 = arith.constant 1 : i32
      %dma_wait3A_140 = arith.constant 0 : i32
      %dma_wait3A_141 = arith.constant 0 : i32
      %dma_wait3A_142 = tpu.memref_slice %arg10[%dma_wait3A_139, %dma_wait3A_140, %dma_wait3A_141] : memref<4x128x128xf32, #tpu.memory_space<vmem>> -> memref<1x128x128xf32, #tpu.memory_space<vmem>>
      %dma_wait3A_143 = tpu.memref_squeeze %dma_wait3A_142 : memref<1x128x128xf32, #tpu.memory_space<vmem>> -> memref<128x128xf32, #tpu.memory_space<vmem>>
      %dma_wait3A_144 = arith.constant 0 : i32
      %dma_wait3A_145 = tpu.memref_slice %arg8[%add3A_138, %dma_wait3A_144] : memref<80x128xi32, #tpu.memory_space<vmem>> -> memref<1x128xi32, #tpu.memory_space<vmem>>
      %dma_wait3A_146 = tpu.memref_squeeze %dma_wait3A_145 : memref<1x128xi32, #tpu.memory_space<vmem>> -> memref<128xi32, #tpu.memory_space<vmem>>
      %dma_wait3A_147 = arith.constant 0 : i32
      %dma_wait3A_148 = arith.constant 0 : i32
      %dma_wait3A_149 = tpu.memref_slice %arg2[%dma_wait3A_147, %dma_wait3A_148] : memref<10240x128xf32, #tpu.memory_space<hbm>> -> memref<10240x128xf32, #tpu.memory_space<hbm>>
      tpu.wait_indirect_dma semaphore(%arg14 : memref<!tpu.dma_semaphore, #tpu.memory_space<semaphore_mem>>) src(%dma_wait3A_149 : memref<10240x128xf32, #tpu.memory_space<hbm>>) dst(%dma_wait3A_143 : memref<128x128xf32, #tpu.memory_space<vmem>>)
      %add3A_150 = arith.constant 2 : i32
      %add3A_151 = arith.addi %add3A_138, %add3A_150 : i32
      %mul3A_152 = arith.constant 4 : i32
      %mul3A_153 = arith.muli %max3A_18, %mul3A_152 : i32
      %lt3A_154 = arith.cmpi slt, %add3A_151, %mul3A_153 : i32
      %convert_element_type3A_155 = arith.extui %lt3A_154 : i1 to i32
      %cond3A_156 = arith.constant 0 : i32
      %cond3A_157 = arith.cmpi ne, %convert_element_type3A_155, %cond3A_156 : i32
      scf.if %cond3A_157 {
        %add3A_207 = arith.constant 2 : i32
        %add3A_208 = arith.addi %add3A_138, %add3A_207 : i32
        %dma_start3A_209 = arith.constant 3 : i32
        %dma_start3A_210 = arith.constant 0 : i32
        %dma_start3A_211 = arith.constant 0 : i32
        %dma_start3A_212 = tpu.memref_slice %arg10[%dma_start3A_209, %dma_start3A_210, %dma_start3A_211] : memref<4x128x128xf32, #tpu.memory_space<vmem>> -> memref<1x128x128xf32, #tpu.memory_space<vmem>>
        %dma_start3A_213 = tpu.memref_squeeze %dma_start3A_212 : memref<1x128x128xf32, #tpu.memory_space<vmem>> -> memref<128x128xf32, #tpu.memory_space<vmem>>
        %dma_start3A_214 = arith.constant 0 : i32
        %dma_start3A_215 = tpu.memref_slice %arg8[%add3A_208, %dma_start3A_214] : memref<80x128xi32, #tpu.memory_space<vmem>> -> memref<1x128xi32, #tpu.memory_space<vmem>>
        %dma_start3A_216 = tpu.memref_squeeze %dma_start3A_215 : memref<1x128xi32, #tpu.memory_space<vmem>> -> memref<128xi32, #tpu.memory_space<vmem>>
        %dma_start3A_217 = arith.constant 0 : i32
        %dma_start3A_218 = arith.constant 0 : i32
        %dma_start3A_219 = tpu.memref_slice %arg2[%dma_start3A_217, %dma_start3A_218] : memref<10240x128xf32, #tpu.memory_space<hbm>> -> memref<10240x128xf32, #tpu.memory_space<hbm>>
        tpu.enqueue_indirect_dma source(%dma_start3A_219 : memref<10240x128xf32, #tpu.memory_space<hbm>>) target(%dma_start3A_213 : memref<128x128xf32, #tpu.memory_space<vmem>>) offsets(%dma_start3A_216 : memref<128xi32, #tpu.memory_space<vmem>>) semaphore(%arg14 : memref<!tpu.dma_semaphore, #tpu.memory_space<semaphore_mem>>)
      } else {
      }
      %run_scoped3A_158 = arith.constant 1 : i32
      "tpu.region"() ({
        %run_scoped3A_207 = tpu.sem_alloc : memref<!tpu.dma_semaphore, #tpu.memory_space<semaphore_mem>>
        %dma_start3A_208 = arith.constant 0 : i32
        %dma_start3A_209 = arith.constant 0 : i32
        %dma_start3A_210 = tpu.memref_slice %arg10[%run_scoped3A_158, %dma_start3A_208, %dma_start3A_209] : memref<4x128x128xf32, #tpu.memory_space<vmem>> -> memref<1x128x128xf32, #tpu.memory_space<vmem>>
        %dma_start3A_211 = tpu.memref_squeeze %dma_start3A_210 : memref<1x128x128xf32, #tpu.memory_space<vmem>> -> memref<128x128xf32, #tpu.memory_space<vmem>>
        %dma_start3A_212 = arith.constant 0 : i32
        %dma_start3A_213 = tpu.memref_slice %arg9[%add3A_138, %dma_start3A_212] : memref<80x128xi32, #tpu.memory_space<vmem>> -> memref<1x128xi32, #tpu.memory_space<vmem>>
        %dma_start3A_214 = tpu.memref_squeeze %dma_start3A_213 : memref<1x128xi32, #tpu.memory_space<vmem>> -> memref<128xi32, #tpu.memory_space<vmem>>
        %dma_start3A_215 = arith.constant 0 : i32
        %dma_start3A_216 = arith.constant 0 : i32
        %dma_start3A_217 = tpu.memref_slice %arg12[%dma_start3A_215, %dma_start3A_216] : memref<5248x128xf32, #tpu.memory_space<vmem_shared>> -> memref<5248x128xf32, #tpu.memory_space<vmem_shared>>
        tpu.enqueue_indirect_dma source(%dma_start3A_211 : memref<128x128xf32, #tpu.memory_space<vmem>>) target(%dma_start3A_217 : memref<5248x128xf32, #tpu.memory_space<vmem_shared>>) offsets(%dma_start3A_214 : memref<128xi32, #tpu.memory_space<vmem>>) semaphore(%run_scoped3A_207 : memref<!tpu.dma_semaphore, #tpu.memory_space<semaphore_mem>>) {add = true}
        %dma_wait3A_218 = arith.constant 0 : i32
        %dma_wait3A_219 = arith.constant 0 : i32
        %dma_wait3A_220 = tpu.memref_slice %arg10[%run_scoped3A_158, %dma_wait3A_218, %dma_wait3A_219] : memref<4x128x128xf32, #tpu.memory_space<vmem>> -> memref<1x128x128xf32, #tpu.memory_space<vmem>>
        %dma_wait3A_221 = tpu.memref_squeeze %dma_wait3A_220 : memref<1x128x128xf32, #tpu.memory_space<vmem>> -> memref<128x128xf32, #tpu.memory_space<vmem>>
        %dma_wait3A_222 = arith.constant 0 : i32
        %dma_wait3A_223 = tpu.memref_slice %arg9[%add3A_138, %dma_wait3A_222] : memref<80x128xi32, #tpu.memory_space<vmem>> -> memref<1x128xi32, #tpu.memory_space<vmem>>
        %dma_wait3A_224 = tpu.memref_squeeze %dma_wait3A_223 : memref<1x128xi32, #tpu.memory_space<vmem>> -> memref<128xi32, #tpu.memory_space<vmem>>
        %dma_wait3A_225 = arith.constant 0 : i32
        %dma_wait3A_226 = arith.constant 0 : i32
        %dma_wait3A_227 = tpu.memref_slice %arg12[%dma_wait3A_225, %dma_wait3A_226] : memref<5248x128xf32, #tpu.memory_space<vmem_shared>> -> memref<5248x128xf32, #tpu.memory_space<vmem_shared>>
        tpu.wait_indirect_dma semaphore(%run_scoped3A_207 : memref<!tpu.dma_semaphore, #tpu.memory_space<semaphore_mem>>) src(%dma_wait3A_221 : memref<128x128xf32, #tpu.memory_space<vmem>>) dst(%dma_wait3A_227 : memref<5248x128xf32, #tpu.memory_space<vmem_shared>>)
        tpu.yield
      }) : () -> ()
      %mul3A_159 = arith.constant 4 : i32
      %mul3A_160 = arith.muli %while3A_115, %mul3A_159 : i32
      %add3A_161 = arith.constant 2 : i32
      %add3A_162 = arith.addi %mul3A_160, %add3A_161 : i32
      %dma_wait3A_163 = arith.constant 2 : i32
      %dma_wait3A_164 = arith.constant 0 : i32
      %dma_wait3A_165 = arith.constant 0 : i32
      %dma_wait3A_166 = tpu.memref_slice %arg10[%dma_wait3A_163, %dma_wait3A_164, %dma_wait3A_165] : memref<4x128x128xf32, #tpu.memory_space<vmem>> -> memref<1x128x128xf32, #tpu.memory_space<vmem>>
      %dma_wait3A_167 = tpu.memref_squeeze %dma_wait3A_166 : memref<1x128x128xf32, #tpu.memory_space<vmem>> -> memref<128x128xf32, #tpu.memory_space<vmem>>
      %dma_wait3A_168 = arith.constant 0 : i32
      %dma_wait3A_169 = tpu.memref_slice %arg8[%add3A_162, %dma_wait3A_168] : memref<80x128xi32, #tpu.memory_space<vmem>> -> memref<1x128xi32, #tpu.memory_space<vmem>>
      %dma_wait3A_170 = tpu.memref_squeeze %dma_wait3A_169 : memref<1x128xi32, #tpu.memory_space<vmem>> -> memref<128xi32, #tpu.memory_space<vmem>>
      %dma_wait3A_171 = arith.constant 0 : i32
      %dma_wait3A_172 = arith.constant 0 : i32
      %dma_wait3A_173 = tpu.memref_slice %arg2[%dma_wait3A_171, %dma_wait3A_172] : memref<10240x128xf32, #tpu.memory_space<hbm>> -> memref<10240x128xf32, #tpu.memory_space<hbm>>
      tpu.wait_indirect_dma semaphore(%arg13 : memref<!tpu.dma_semaphore, #tpu.memory_space<semaphore_mem>>) src(%dma_wait3A_173 : memref<10240x128xf32, #tpu.memory_space<hbm>>) dst(%dma_wait3A_167 : memref<128x128xf32, #tpu.memory_space<vmem>>)
      %add3A_174 = arith.constant 2 : i32
      %add3A_175 = arith.addi %add3A_162, %add3A_174 : i32
      %mul3A_176 = arith.constant 4 : i32
      %mul3A_177 = arith.muli %max3A_18, %mul3A_176 : i32
      %lt3A_178 = arith.cmpi slt, %add3A_175, %mul3A_177 : i32
      %convert_element_type3A_179 = arith.extui %lt3A_178 : i1 to i32
      %cond3A_180 = arith.constant 0 : i32
      %cond3A_181 = arith.cmpi ne, %convert_element_type3A_179, %cond3A_180 : i32
      scf.if %cond3A_181 {
        %add3A_207 = arith.constant 2 : i32
        %add3A_208 = arith.addi %add3A_162, %add3A_207 : i32
        %dma_start3A_209 = arith.constant 0 : i32
        %dma_start3A_210 = arith.constant 0 : i32
        %dma_start3A_211 = arith.constant 0 : i32
        %dma_start3A_212 = tpu.memref_slice %arg10[%dma_start3A_209, %dma_start3A_210, %dma_start3A_211] : memref<4x128x128xf32, #tpu.memory_space<vmem>> -> memref<1x128x128xf32, #tpu.memory_space<vmem>>
        %dma_start3A_213 = tpu.memref_squeeze %dma_start3A_212 : memref<1x128x128xf32, #tpu.memory_space<vmem>> -> memref<128x128xf32, #tpu.memory_space<vmem>>
        %dma_start3A_214 = arith.constant 0 : i32
        %dma_start3A_215 = tpu.memref_slice %arg8[%add3A_208, %dma_start3A_214] : memref<80x128xi32, #tpu.memory_space<vmem>> -> memref<1x128xi32, #tpu.memory_space<vmem>>
        %dma_start3A_216 = tpu.memref_squeeze %dma_start3A_215 : memref<1x128xi32, #tpu.memory_space<vmem>> -> memref<128xi32, #tpu.memory_space<vmem>>
        %dma_start3A_217 = arith.constant 0 : i32
        %dma_start3A_218 = arith.constant 0 : i32
        %dma_start3A_219 = tpu.memref_slice %arg2[%dma_start3A_217, %dma_start3A_218] : memref<10240x128xf32, #tpu.memory_space<hbm>> -> memref<10240x128xf32, #tpu.memory_space<hbm>>
        tpu.enqueue_indirect_dma source(%dma_start3A_219 : memref<10240x128xf32, #tpu.memory_space<hbm>>) target(%dma_start3A_213 : memref<128x128xf32, #tpu.memory_space<vmem>>) offsets(%dma_start3A_216 : memref<128xi32, #tpu.memory_space<vmem>>) semaphore(%arg13 : memref<!tpu.dma_semaphore, #tpu.memory_space<semaphore_mem>>)
      } else {
      }
      %run_scoped3A_182 = arith.constant 2 : i32
      "tpu.region"() ({
        %run_scoped3A_207 = tpu.sem_alloc : memref<!tpu.dma_semaphore, #tpu.memory_space<semaphore_mem>>
        %dma_start3A_208 = arith.constant 0 : i32
        %dma_start3A_209 = arith.constant 0 : i32
        %dma_start3A_210 = tpu.memref_slice %arg10[%run_scoped3A_182, %dma_start3A_208, %dma_start3A_209] : memref<4x128x128xf32, #tpu.memory_space<vmem>> -> memref<1x128x128xf32, #tpu.memory_space<vmem>>
        %dma_start3A_211 = tpu.memref_squeeze %dma_start3A_210 : memref<1x128x128xf32, #tpu.memory_space<vmem>> -> memref<128x128xf32, #tpu.memory_space<vmem>>
        %dma_start3A_212 = arith.constant 0 : i32
        %dma_start3A_213 = tpu.memref_slice %arg9[%add3A_162, %dma_start3A_212] : memref<80x128xi32, #tpu.memory_space<vmem>> -> memref<1x128xi32, #tpu.memory_space<vmem>>
        %dma_start3A_214 = tpu.memref_squeeze %dma_start3A_213 : memref<1x128xi32, #tpu.memory_space<vmem>> -> memref<128xi32, #tpu.memory_space<vmem>>
        %dma_start3A_215 = arith.constant 0 : i32
        %dma_start3A_216 = arith.constant 0 : i32
        %dma_start3A_217 = tpu.memref_slice %arg12[%dma_start3A_215, %dma_start3A_216] : memref<5248x128xf32, #tpu.memory_space<vmem_shared>> -> memref<5248x128xf32, #tpu.memory_space<vmem_shared>>
        tpu.enqueue_indirect_dma source(%dma_start3A_211 : memref<128x128xf32, #tpu.memory_space<vmem>>) target(%dma_start3A_217 : memref<5248x128xf32, #tpu.memory_space<vmem_shared>>) offsets(%dma_start3A_214 : memref<128xi32, #tpu.memory_space<vmem>>) semaphore(%run_scoped3A_207 : memref<!tpu.dma_semaphore, #tpu.memory_space<semaphore_mem>>) {add = true}
        %dma_wait3A_218 = arith.constant 0 : i32
        %dma_wait3A_219 = arith.constant 0 : i32
        %dma_wait3A_220 = tpu.memref_slice %arg10[%run_scoped3A_182, %dma_wait3A_218, %dma_wait3A_219] : memref<4x128x128xf32, #tpu.memory_space<vmem>> -> memref<1x128x128xf32, #tpu.memory_space<vmem>>
        %dma_wait3A_221 = tpu.memref_squeeze %dma_wait3A_220 : memref<1x128x128xf32, #tpu.memory_space<vmem>> -> memref<128x128xf32, #tpu.memory_space<vmem>>
        %dma_wait3A_222 = arith.constant 0 : i32
        %dma_wait3A_223 = tpu.memref_slice %arg9[%add3A_162, %dma_wait3A_222] : memref<80x128xi32, #tpu.memory_space<vmem>> -> memref<1x128xi32, #tpu.memory_space<vmem>>
        %dma_wait3A_224 = tpu.memref_squeeze %dma_wait3A_223 : memref<1x128xi32, #tpu.memory_space<vmem>> -> memref<128xi32, #tpu.memory_space<vmem>>
        %dma_wait3A_225 = arith.constant 0 : i32
        %dma_wait3A_226 = arith.constant 0 : i32
        %dma_wait3A_227 = tpu.memref_slice %arg12[%dma_wait3A_225, %dma_wait3A_226] : memref<5248x128xf32, #tpu.memory_space<vmem_shared>> -> memref<5248x128xf32, #tpu.memory_space<vmem_shared>>
        tpu.wait_indirect_dma semaphore(%run_scoped3A_207 : memref<!tpu.dma_semaphore, #tpu.memory_space<semaphore_mem>>) src(%dma_wait3A_221 : memref<128x128xf32, #tpu.memory_space<vmem>>) dst(%dma_wait3A_227 : memref<5248x128xf32, #tpu.memory_space<vmem_shared>>)
        tpu.yield
      }) : () -> ()
      %mul3A_183 = arith.constant 4 : i32
      %mul3A_184 = arith.muli %while3A_115, %mul3A_183 : i32
      %add3A_185 = arith.constant 3 : i32
      %add3A_186 = arith.addi %mul3A_184, %add3A_185 : i32
      %dma_wait3A_187 = arith.constant 3 : i32
      %dma_wait3A_188 = arith.constant 0 : i32
      %dma_wait3A_189 = arith.constant 0 : i32
      %dma_wait3A_190 = tpu.memref_slice %arg10[%dma_wait3A_187, %dma_wait3A_188, %dma_wait3A_189] : memref<4x128x128xf32, #tpu.memory_space<vmem>> -> memref<1x128x128xf32, #tpu.memory_space<vmem>>
      %dma_wait3A_191 = tpu.memref_squeeze %dma_wait3A_190 : memref<1x128x128xf32, #tpu.memory_space<vmem>> -> memref<128x128xf32, #tpu.memory_space<vmem>>
      %dma_wait3A_192 = arith.constant 0 : i32
      %dma_wait3A_193 = tpu.memref_slice %arg8[%add3A_186, %dma_wait3A_192] : memref<80x128xi32, #tpu.memory_space<vmem>> -> memref<1x128xi32, #tpu.memory_space<vmem>>
      %dma_wait3A_194 = tpu.memref_squeeze %dma_wait3A_193 : memref<1x128xi32, #tpu.memory_space<vmem>> -> memref<128xi32, #tpu.memory_space<vmem>>
      %dma_wait3A_195 = arith.constant 0 : i32
      %dma_wait3A_196 = arith.constant 0 : i32
      %dma_wait3A_197 = tpu.memref_slice %arg2[%dma_wait3A_195, %dma_wait3A_196] : memref<10240x128xf32, #tpu.memory_space<hbm>> -> memref<10240x128xf32, #tpu.memory_space<hbm>>
      tpu.wait_indirect_dma semaphore(%arg14 : memref<!tpu.dma_semaphore, #tpu.memory_space<semaphore_mem>>) src(%dma_wait3A_197 : memref<10240x128xf32, #tpu.memory_space<hbm>>) dst(%dma_wait3A_191 : memref<128x128xf32, #tpu.memory_space<vmem>>)
      %add3A_198 = arith.constant 2 : i32
      %add3A_199 = arith.addi %add3A_186, %add3A_198 : i32
      %mul3A_200 = arith.constant 4 : i32
      %mul3A_201 = arith.muli %max3A_18, %mul3A_200 : i32
      %lt3A_202 = arith.cmpi slt, %add3A_199, %mul3A_201 : i32
      %convert_element_type3A_203 = arith.extui %lt3A_202 : i1 to i32
      %cond3A_204 = arith.constant 0 : i32
      %cond3A_205 = arith.cmpi ne, %convert_element_type3A_203, %cond3A_204 : i32
      scf.if %cond3A_205 {
        %add3A_207 = arith.constant 2 : i32
        %add3A_208 = arith.addi %add3A_186, %add3A_207 : i32
        %dma_start3A_209 = arith.constant 1 : i32
        %dma_start3A_210 = arith.constant 0 : i32
        %dma_start3A_211 = arith.constant 0 : i32
        %dma_start3A_212 = tpu.memref_slice %arg10[%dma_start3A_209, %dma_start3A_210, %dma_start3A_211] : memref<4x128x128xf32, #tpu.memory_space<vmem>> -> memref<1x128x128xf32, #tpu.memory_space<vmem>>
        %dma_start3A_213 = tpu.memref_squeeze %dma_start3A_212 : memref<1x128x128xf32, #tpu.memory_space<vmem>> -> memref<128x128xf32, #tpu.memory_space<vmem>>
        %dma_start3A_214 = arith.constant 0 : i32
        %dma_start3A_215 = tpu.memref_slice %arg8[%add3A_208, %dma_start3A_214] : memref<80x128xi32, #tpu.memory_space<vmem>> -> memref<1x128xi32, #tpu.memory_space<vmem>>
        %dma_start3A_216 = tpu.memref_squeeze %dma_start3A_215 : memref<1x128xi32, #tpu.memory_space<vmem>> -> memref<128xi32, #tpu.memory_space<vmem>>
        %dma_start3A_217 = arith.constant 0 : i32
        %dma_start3A_218 = arith.constant 0 : i32
        %dma_start3A_219 = tpu.memref_slice %arg2[%dma_start3A_217, %dma_start3A_218] : memref<10240x128xf32, #tpu.memory_space<hbm>> -> memref<10240x128xf32, #tpu.memory_space<hbm>>
        tpu.enqueue_indirect_dma source(%dma_start3A_219 : memref<10240x128xf32, #tpu.memory_space<hbm>>) target(%dma_start3A_213 : memref<128x128xf32, #tpu.memory_space<vmem>>) offsets(%dma_start3A_216 : memref<128xi32, #tpu.memory_space<vmem>>) semaphore(%arg14 : memref<!tpu.dma_semaphore, #tpu.memory_space<semaphore_mem>>)
      } else {
      }
      %run_scoped3A_206 = arith.constant 3 : i32
      "tpu.region"() ({
        %run_scoped3A_207 = tpu.sem_alloc : memref<!tpu.dma_semaphore, #tpu.memory_space<semaphore_mem>>
        %dma_start3A_208 = arith.constant 0 : i32
        %dma_start3A_209 = arith.constant 0 : i32
        %dma_start3A_210 = tpu.memref_slice %arg10[%run_scoped3A_206, %dma_start3A_208, %dma_start3A_209] : memref<4x128x128xf32, #tpu.memory_space<vmem>> -> memref<1x128x128xf32, #tpu.memory_space<vmem>>
        %dma_start3A_211 = tpu.memref_squeeze %dma_start3A_210 : memref<1x128x128xf32, #tpu.memory_space<vmem>> -> memref<128x128xf32, #tpu.memory_space<vmem>>
        %dma_start3A_212 = arith.constant 0 : i32
        %dma_start3A_213 = tpu.memref_slice %arg9[%add3A_186, %dma_start3A_212] : memref<80x128xi32, #tpu.memory_space<vmem>> -> memref<1x128xi32, #tpu.memory_space<vmem>>
        %dma_start3A_214 = tpu.memref_squeeze %dma_start3A_213 : memref<1x128xi32, #tpu.memory_space<vmem>> -> memref<128xi32, #tpu.memory_space<vmem>>
        %dma_start3A_215 = arith.constant 0 : i32
        %dma_start3A_216 = arith.constant 0 : i32
        %dma_start3A_217 = tpu.memref_slice %arg12[%dma_start3A_215, %dma_start3A_216] : memref<5248x128xf32, #tpu.memory_space<vmem_shared>> -> memref<5248x128xf32, #tpu.memory_space<vmem_shared>>
        tpu.enqueue_indirect_dma source(%dma_start3A_211 : memref<128x128xf32, #tpu.memory_space<vmem>>) target(%dma_start3A_217 : memref<5248x128xf32, #tpu.memory_space<vmem_shared>>) offsets(%dma_start3A_214 : memref<128xi32, #tpu.memory_space<vmem>>) semaphore(%run_scoped3A_207 : memref<!tpu.dma_semaphore, #tpu.memory_space<semaphore_mem>>) {add = true}
        %dma_wait3A_218 = arith.constant 0 : i32
        %dma_wait3A_219 = arith.constant 0 : i32
        %dma_wait3A_220 = tpu.memref_slice %arg10[%run_scoped3A_206, %dma_wait3A_218, %dma_wait3A_219] : memref<4x128x128xf32, #tpu.memory_space<vmem>> -> memref<1x128x128xf32, #tpu.memory_space<vmem>>
        %dma_wait3A_221 = tpu.memref_squeeze %dma_wait3A_220 : memref<1x128x128xf32, #tpu.memory_space<vmem>> -> memref<128x128xf32, #tpu.memory_space<vmem>>
        %dma_wait3A_222 = arith.constant 0 : i32
        %dma_wait3A_223 = tpu.memref_slice %arg9[%add3A_186, %dma_wait3A_222] : memref<80x128xi32, #tpu.memory_space<vmem>> -> memref<1x128xi32, #tpu.memory_space<vmem>>
        %dma_wait3A_224 = tpu.memref_squeeze %dma_wait3A_223 : memref<1x128xi32, #tpu.memory_space<vmem>> -> memref<128xi32, #tpu.memory_space<vmem>>
        %dma_wait3A_225 = arith.constant 0 : i32
        %dma_wait3A_226 = arith.constant 0 : i32
        %dma_wait3A_227 = tpu.memref_slice %arg12[%dma_wait3A_225, %dma_wait3A_226] : memref<5248x128xf32, #tpu.memory_space<vmem_shared>> -> memref<5248x128xf32, #tpu.memory_space<vmem_shared>>
        tpu.wait_indirect_dma semaphore(%run_scoped3A_207 : memref<!tpu.dma_semaphore, #tpu.memory_space<semaphore_mem>>) src(%dma_wait3A_221 : memref<128x128xf32, #tpu.memory_space<vmem>>) dst(%dma_wait3A_227 : memref<5248x128xf32, #tpu.memory_space<vmem_shared>>)
        tpu.yield
      }) : () -> ()
    }
    %mul3A_51 = arith.constant 2 : i32
    %mul3A_52 = arith.muli %mul3A_51, %arg1 : i32
    %add3A_53 = arith.constant 1 : i32
    %add3A_54 = arith.addi %mul3A_52, %add3A_53 : i32
    "tpu.region"() ({
      %run_scoped3A = tpu.sem_alloc : memref<!tpu.dma_semaphore, #tpu.memory_space<semaphore_mem>>
      %dma_start3A_115 = arith.constant 0 : i32
      %dma_start3A_116 = arith.constant 0 : i32
      %dma_start3A_117 = tpu.memref_slice %arg3[%add3A_54, %arg0, %dma_start3A_115, %dma_start3A_116] : memref<32x2x80x128xi32, #tpu.memory_space<hbm>> -> memref<1x1x80x128xi32, #tpu.memory_space<hbm>>
      %dma_start3A_118 = tpu.memref_squeeze %dma_start3A_117 : memref<1x1x80x128xi32, #tpu.memory_space<hbm>> -> memref<80x128xi32, #tpu.memory_space<hbm>>
      %dma_start3A_119 = arith.constant 0 : i32
      %dma_start3A_120 = arith.constant 0 : i32
      %dma_start3A_121 = tpu.memref_slice %arg3[%add3A_54, %arg0, %dma_start3A_119, %dma_start3A_120] : memref<32x2x80x128xi32, #tpu.memory_space<hbm>> -> memref<1x1x80x128xi32, #tpu.memory_space<hbm>>
      %dma_start3A_122 = tpu.memref_squeeze %dma_start3A_121 : memref<1x1x80x128xi32, #tpu.memory_space<hbm>> -> memref<80x128xi32, #tpu.memory_space<hbm>>
      tpu.enqueue_dma source(%dma_start3A_122 : memref<80x128xi32, #tpu.memory_space<hbm>>) target(%arg8 : memref<80x128xi32, #tpu.memory_space<vmem>>) target_semaphore(%run_scoped3A : memref<!tpu.dma_semaphore, #tpu.memory_space<semaphore_mem>>)
      %dma_wait3A = arith.constant 0 : i32
      %dma_wait3A_123 = arith.constant 0 : i32
      %dma_wait3A_124 = tpu.memref_slice %arg3[%add3A_54, %arg0, %dma_wait3A, %dma_wait3A_123] : memref<32x2x80x128xi32, #tpu.memory_space<hbm>> -> memref<1x1x80x128xi32, #tpu.memory_space<hbm>>
      %dma_wait3A_125 = tpu.memref_squeeze %dma_wait3A_124 : memref<1x1x80x128xi32, #tpu.memory_space<hbm>> -> memref<80x128xi32, #tpu.memory_space<hbm>>
      %dma_wait3A_126 = arith.constant 0 : i32
      %dma_wait3A_127 = arith.constant 0 : i32
      %dma_wait3A_128 = tpu.memref_slice %arg3[%add3A_54, %arg0, %dma_wait3A_126, %dma_wait3A_127] : memref<32x2x80x128xi32, #tpu.memory_space<hbm>> -> memref<1x1x80x128xi32, #tpu.memory_space<hbm>>
      %dma_wait3A_129 = tpu.memref_squeeze %dma_wait3A_128 : memref<1x1x80x128xi32, #tpu.memory_space<hbm>> -> memref<80x128xi32, #tpu.memory_space<hbm>>
      tpu.wait_dma2 semaphore(%run_scoped3A : memref<!tpu.dma_semaphore, #tpu.memory_space<semaphore_mem>>) src(%dma_wait3A_129 : memref<80x128xi32, #tpu.memory_space<hbm>>) dst(%arg8 : memref<80x128xi32, #tpu.memory_space<vmem>>)
      tpu.yield
    }) : () -> ()
    "tpu.region"() ({
      %run_scoped3A = tpu.sem_alloc : memref<!tpu.dma_semaphore, #tpu.memory_space<semaphore_mem>>
      %dma_start3A_115 = arith.constant 0 : i32
      %dma_start3A_116 = arith.constant 0 : i32
      %dma_start3A_117 = tpu.memref_slice %arg4[%add3A_54, %arg0, %dma_start3A_115, %dma_start3A_116] : memref<32x2x80x128xi32, #tpu.memory_space<hbm>> -> memref<1x1x80x128xi32, #tpu.memory_space<hbm>>
      %dma_start3A_118 = tpu.memref_squeeze %dma_start3A_117 : memref<1x1x80x128xi32, #tpu.memory_space<hbm>> -> memref<80x128xi32, #tpu.memory_space<hbm>>
      %dma_start3A_119 = arith.constant 0 : i32
      %dma_start3A_120 = arith.constant 0 : i32
      %dma_start3A_121 = tpu.memref_slice %arg4[%add3A_54, %arg0, %dma_start3A_119, %dma_start3A_120] : memref<32x2x80x128xi32, #tpu.memory_space<hbm>> -> memref<1x1x80x128xi32, #tpu.memory_space<hbm>>
      %dma_start3A_122 = tpu.memref_squeeze %dma_start3A_121 : memref<1x1x80x128xi32, #tpu.memory_space<hbm>> -> memref<80x128xi32, #tpu.memory_space<hbm>>
      tpu.enqueue_dma source(%dma_start3A_122 : memref<80x128xi32, #tpu.memory_space<hbm>>) target(%arg9 : memref<80x128xi32, #tpu.memory_space<vmem>>) target_semaphore(%run_scoped3A : memref<!tpu.dma_semaphore, #tpu.memory_space<semaphore_mem>>)
      %dma_wait3A = arith.constant 0 : i32
      %dma_wait3A_123 = arith.constant 0 : i32
      %dma_wait3A_124 = tpu.memref_slice %arg4[%add3A_54, %arg0, %dma_wait3A, %dma_wait3A_123] : memref<32x2x80x128xi32, #tpu.memory_space<hbm>> -> memref<1x1x80x128xi32, #tpu.memory_space<hbm>>
      %dma_wait3A_125 = tpu.memref_squeeze %dma_wait3A_124 : memref<1x1x80x128xi32, #tpu.memory_space<hbm>> -> memref<80x128xi32, #tpu.memory_space<hbm>>
      %dma_wait3A_126 = arith.constant 0 : i32
      %dma_wait3A_127 = arith.constant 0 : i32
      %dma_wait3A_128 = tpu.memref_slice %arg4[%add3A_54, %arg0, %dma_wait3A_126, %dma_wait3A_127] : memref<32x2x80x128xi32, #tpu.memory_space<hbm>> -> memref<1x1x80x128xi32, #tpu.memory_space<hbm>>
      %dma_wait3A_129 = tpu.memref_squeeze %dma_wait3A_128 : memref<1x1x80x128xi32, #tpu.memory_space<hbm>> -> memref<80x128xi32, #tpu.memory_space<hbm>>
      tpu.wait_dma2 semaphore(%run_scoped3A : memref<!tpu.dma_semaphore, #tpu.memory_space<semaphore_mem>>) src(%dma_wait3A_129 : memref<80x128xi32, #tpu.memory_space<hbm>>) dst(%arg9 : memref<80x128xi32, #tpu.memory_space<vmem>>)
      tpu.yield
    }) : () -> ()
    "tpu.region"() ({
      %run_scoped3A = tpu.sem_alloc : memref<!tpu.dma_semaphore, #tpu.memory_space<semaphore_mem>>
      %dma_start3A_115 = arith.constant 0 : i32
      %dma_start3A_116 = tpu.memref_slice %arg5[%add3A_54, %dma_start3A_115] : memref<32x16xi32, #tpu.memory_space<hbm>> -> memref<1x16xi32, #tpu.memory_space<hbm>>
      %dma_start3A_117 = tpu.memref_squeeze %dma_start3A_116 : memref<1x16xi32, #tpu.memory_space<hbm>> -> memref<16xi32, #tpu.memory_space<hbm>>
      %dma_start3A_118 = arith.constant 0 : i32
      %dma_start3A_119 = tpu.memref_slice %arg5[%add3A_54, %dma_start3A_118] : memref<32x16xi32, #tpu.memory_space<hbm>> -> memref<1x16xi32, #tpu.memory_space<hbm>>
      %dma_start3A_120 = tpu.memref_squeeze %dma_start3A_119 : memref<1x16xi32, #tpu.memory_space<hbm>> -> memref<16xi32, #tpu.memory_space<hbm>>
      tpu.enqueue_dma source(%dma_start3A_120 : memref<16xi32, #tpu.memory_space<hbm>>) target(%arg11 : memref<16xi32, #tpu.memory_space<vmem>>) target_semaphore(%run_scoped3A : memref<!tpu.dma_semaphore, #tpu.memory_space<semaphore_mem>>)
      %dma_wait3A = arith.constant 0 : i32
      %dma_wait3A_121 = tpu.memref_slice %arg5[%add3A_54, %dma_wait3A] : memref<32x16xi32, #tpu.memory_space<hbm>> -> memref<1x16xi32, #tpu.memory_space<hbm>>
      %dma_wait3A_122 = tpu.memref_squeeze %dma_wait3A_121 : memref<1x16xi32, #tpu.memory_space<hbm>> -> memref<16xi32, #tpu.memory_space<hbm>>
      %dma_wait3A_123 = arith.constant 0 : i32
      %dma_wait3A_124 = tpu.memref_slice %arg5[%add3A_54, %dma_wait3A_123] : memref<32x16xi32, #tpu.memory_space<hbm>> -> memref<1x16xi32, #tpu.memory_space<hbm>>
      %dma_wait3A_125 = tpu.memref_squeeze %dma_wait3A_124 : memref<1x16xi32, #tpu.memory_space<hbm>> -> memref<16xi32, #tpu.memory_space<hbm>>
      tpu.wait_dma2 semaphore(%run_scoped3A : memref<!tpu.dma_semaphore, #tpu.memory_space<semaphore_mem>>) src(%dma_wait3A_125 : memref<16xi32, #tpu.memory_space<hbm>>) dst(%arg11 : memref<16xi32, #tpu.memory_space<vmem>>)
      tpu.yield
    }) : () -> ()
    %get3A_55 = arith.constant 0 : index
    %get3A_56 = tpu.vector_load %arg11[%get3A_55] {strides = array<i32>} : memref<16xi32, #tpu.memory_space<vmem>>, vector<16xi32>,
    %get3A_57 = vector.shape_cast %get3A_56 : vector<16xi32> to vector<16xi32>
    %eq3A_58 = arith.constant 0 : i32
    %eq3A_59 = arith.cmpi eq, %arg0, %eq3A_58 : i32
    %slice3A_60 = vector.extract_strided_slice %get3A_57 {offsets = [0], sizes = [1], strides = [1]} : vector<16xi32> to vector<1xi32>
    %squeeze3A_61 = vector.extract %slice3A_60[0] : i32 from vector<1xi32>
    %slice3A_62 = vector.extract_strided_slice %get3A_57 {offsets = [1], sizes = [1], strides = [1]} : vector<16xi32> to vector<1xi32>
    %squeeze3A_63 = vector.extract %slice3A_62[0] : i32 from vector<1xi32>
    %select_n3A_64 = arith.select %eq3A_59, %squeeze3A_61, %squeeze3A_63 : i32
    %add3A_65 = arith.constant 127 : i32
    %add3A_66 = arith.addi %select_n3A_64, %add3A_65 : i32
    %div3A_67 = arith.constant 128 : i32
    %div3A_68 = arith.divsi %add3A_66, %div3A_67 : i32
    %add3A_69 = arith.constant 3 : i32
    %add3A_70 = arith.addi %div3A_68, %add3A_69 : i32
    %div3A_71 = arith.constant 4 : i32
    %div3A_72 = arith.divsi %add3A_70, %div3A_71 : i32
    %max3A_73 = arith.constant 1 : i32
    %max3A_74 = arith.maxsi %div3A_72, %max3A_73 : i32
    %dma_start3A_75 = arith.constant 0 : i32
    %dma_start3A_76 = arith.constant 0 : i32
    %dma_start3A_77 = arith.constant 0 : i32
    %dma_start3A_78 = arith.constant 0 : i32
    %dma_start3A_79 = tpu.memref_slice %arg10[%dma_start3A_76, %dma_start3A_77, %dma_start3A_78] : memref<4x128x128xf32, #tpu.memory_space<vmem>> -> memref<1x128x128xf32, #tpu.memory_space<vmem>>
    %dma_start3A_80 = tpu.memref_squeeze %dma_start3A_79 : memref<1x128x128xf32, #tpu.memory_space<vmem>> -> memref<128x128xf32, #tpu.memory_space<vmem>>
    %dma_start3A_81 = arith.constant 0 : i32
    %dma_start3A_82 = tpu.memref_slice %arg8[%dma_start3A_75, %dma_start3A_81] : memref<80x128xi32, #tpu.memory_space<vmem>> -> memref<1x128xi32, #tpu.memory_space<vmem>>
    %dma_start3A_83 = tpu.memref_squeeze %dma_start3A_82 : memref<1x128xi32, #tpu.memory_space<vmem>> -> memref<128xi32, #tpu.memory_space<vmem>>
    %dma_start3A_84 = arith.constant 0 : i32
    %dma_start3A_85 = arith.constant 0 : i32
    %dma_start3A_86 = tpu.memref_slice %arg2[%dma_start3A_84, %dma_start3A_85] : memref<10240x128xf32, #tpu.memory_space<hbm>> -> memref<10240x128xf32, #tpu.memory_space<hbm>>
    tpu.enqueue_indirect_dma source(%dma_start3A_86 : memref<10240x128xf32, #tpu.memory_space<hbm>>) target(%dma_start3A_80 : memref<128x128xf32, #tpu.memory_space<vmem>>) offsets(%dma_start3A_83 : memref<128xi32, #tpu.memory_space<vmem>>) semaphore(%arg13 : memref<!tpu.dma_semaphore, #tpu.memory_space<semaphore_mem>>)
    %dma_start3A_87 = arith.constant 1 : i32
    %dma_start3A_88 = arith.constant 1 : i32
    %dma_start3A_89 = arith.constant 0 : i32
    %dma_start3A_90 = arith.constant 0 : i32
    %dma_start3A_91 = tpu.memref_slice %arg10[%dma_start3A_88, %dma_start3A_89, %dma_start3A_90] : memref<4x128x128xf32, #tpu.memory_space<vmem>> -> memref<1x128x128xf32, #tpu.memory_space<vmem>>
    %dma_start3A_92 = tpu.memref_squeeze %dma_start3A_91 : memref<1x128x128xf32, #tpu.memory_space<vmem>> -> memref<128x128xf32, #tpu.memory_space<vmem>>
    %dma_start3A_93 = arith.constant 0 : i32
    %dma_start3A_94 = tpu.memref_slice %arg8[%dma_start3A_87, %dma_start3A_93] : memref<80x128xi32, #tpu.memory_space<vmem>> -> memref<1x128xi32, #tpu.memory_space<vmem>>
    %dma_start3A_95 = tpu.memref_squeeze %dma_start3A_94 : memref<1x128xi32, #tpu.memory_space<vmem>> -> memref<128xi32, #tpu.memory_space<vmem>>
    %dma_start3A_96 = arith.constant 0 : i32
    %dma_start3A_97 = arith.constant 0 : i32
    %dma_start3A_98 = tpu.memref_slice %arg2[%dma_start3A_96, %dma_start3A_97] : memref<10240x128xf32, #tpu.memory_space<hbm>> -> memref<10240x128xf32, #tpu.memory_space<hbm>>
    tpu.enqueue_indirect_dma source(%dma_start3A_98 : memref<10240x128xf32, #tpu.memory_space<hbm>>) target(%dma_start3A_92 : memref<128x128xf32, #tpu.memory_space<vmem>>) offsets(%dma_start3A_95 : memref<128xi32, #tpu.memory_space<vmem>>) semaphore(%arg14 : memref<!tpu.dma_semaphore, #tpu.memory_space<semaphore_mem>>)
    %while3A_99 = arith.constant 0 : i32
    %while3A_100 = arith.constant 0 : i32
    %while3A_101 = arith.subi %max3A_74, %while3A_100 : i32
    %while3A_102 = arith.addi %while3A_100, %while3A_101 : i32
    %while3A_103 = arith.constant 1 : i32
    %while3A_104 = arith.divsi %while3A_101, %while3A_103 : i32
    %while3A_105 = arith.muli %while3A_104, %while3A_103 : i32
    %while3A_106 = arith.addi %while3A_100, %while3A_105 : i32
    %while3A_107 = arith.constant 1 : i32
    scf.for %while3A_115 = %while3A_100 to %while3A_106 step %while3A_107  : i32 {
      %mul3A_116 = arith.constant 4 : i32
      %mul3A_117 = arith.muli %while3A_115, %mul3A_116 : i32
      %add3A_118 = arith.constant 0 : i32
      %add3A_119 = arith.addi %mul3A_117, %add3A_118 : i32
      %dma_wait3A = arith.constant 0 : i32
      %dma_wait3A_120 = arith.constant 0 : i32
      %dma_wait3A_121 = arith.constant 0 : i32
      %dma_wait3A_122 = tpu.memref_slice %arg10[%dma_wait3A, %dma_wait3A_120, %dma_wait3A_121] : memref<4x128x128xf32, #tpu.memory_space<vmem>> -> memref<1x128x128xf32, #tpu.memory_space<vmem>>
      %dma_wait3A_123 = tpu.memref_squeeze %dma_wait3A_122 : memref<1x128x128xf32, #tpu.memory_space<vmem>> -> memref<128x128xf32, #tpu.memory_space<vmem>>
      %dma_wait3A_124 = arith.constant 0 : i32
      %dma_wait3A_125 = tpu.memref_slice %arg8[%add3A_119, %dma_wait3A_124] : memref<80x128xi32, #tpu.memory_space<vmem>> -> memref<1x128xi32, #tpu.memory_space<vmem>>
      %dma_wait3A_126 = tpu.memref_squeeze %dma_wait3A_125 : memref<1x128xi32, #tpu.memory_space<vmem>> -> memref<128xi32, #tpu.memory_space<vmem>>
      %dma_wait3A_127 = arith.constant 0 : i32
      %dma_wait3A_128 = arith.constant 0 : i32
      %dma_wait3A_129 = tpu.memref_slice %arg2[%dma_wait3A_127, %dma_wait3A_128] : memref<10240x128xf32, #tpu.memory_space<hbm>> -> memref<10240x128xf32, #tpu.memory_space<hbm>>
      tpu.wait_indirect_dma semaphore(%arg13 : memref<!tpu.dma_semaphore, #tpu.memory_space<semaphore_mem>>) src(%dma_wait3A_129 : memref<10240x128xf32, #tpu.memory_space<hbm>>) dst(%dma_wait3A_123 : memref<128x128xf32, #tpu.memory_space<vmem>>)
      %add3A_130 = arith.constant 2 : i32
      %add3A_131 = arith.addi %add3A_119, %add3A_130 : i32
      %mul3A_132 = arith.constant 4 : i32
      %mul3A_133 = arith.muli %max3A_74, %mul3A_132 : i32
      %lt3A = arith.cmpi slt, %add3A_131, %mul3A_133 : i32
      %convert_element_type3A = arith.extui %lt3A : i1 to i32
      %cond3A = arith.constant 0 : i32
      %cond3A_134 = arith.cmpi ne, %convert_element_type3A, %cond3A : i32
      scf.if %cond3A_134 {
        %add3A_207 = arith.constant 2 : i32
        %add3A_208 = arith.addi %add3A_119, %add3A_207 : i32
        %dma_start3A_209 = arith.constant 2 : i32
        %dma_start3A_210 = arith.constant 0 : i32
        %dma_start3A_211 = arith.constant 0 : i32
        %dma_start3A_212 = tpu.memref_slice %arg10[%dma_start3A_209, %dma_start3A_210, %dma_start3A_211] : memref<4x128x128xf32, #tpu.memory_space<vmem>> -> memref<1x128x128xf32, #tpu.memory_space<vmem>>
        %dma_start3A_213 = tpu.memref_squeeze %dma_start3A_212 : memref<1x128x128xf32, #tpu.memory_space<vmem>> -> memref<128x128xf32, #tpu.memory_space<vmem>>
        %dma_start3A_214 = arith.constant 0 : i32
        %dma_start3A_215 = tpu.memref_slice %arg8[%add3A_208, %dma_start3A_214] : memref<80x128xi32, #tpu.memory_space<vmem>> -> memref<1x128xi32, #tpu.memory_space<vmem>>
        %dma_start3A_216 = tpu.memref_squeeze %dma_start3A_215 : memref<1x128xi32, #tpu.memory_space<vmem>> -> memref<128xi32, #tpu.memory_space<vmem>>
        %dma_start3A_217 = arith.constant 0 : i32
        %dma_start3A_218 = arith.constant 0 : i32
        %dma_start3A_219 = tpu.memref_slice %arg2[%dma_start3A_217, %dma_start3A_218] : memref<10240x128xf32, #tpu.memory_space<hbm>> -> memref<10240x128xf32, #tpu.memory_space<hbm>>
        tpu.enqueue_indirect_dma source(%dma_start3A_219 : memref<10240x128xf32, #tpu.memory_space<hbm>>) target(%dma_start3A_213 : memref<128x128xf32, #tpu.memory_space<vmem>>) offsets(%dma_start3A_216 : memref<128xi32, #tpu.memory_space<vmem>>) semaphore(%arg13 : memref<!tpu.dma_semaphore, #tpu.memory_space<semaphore_mem>>)
      } else {
      }
      %run_scoped3A = arith.constant 0 : i32
      "tpu.region"() ({
        %run_scoped3A_207 = tpu.sem_alloc : memref<!tpu.dma_semaphore, #tpu.memory_space<semaphore_mem>>
        %dma_start3A_208 = arith.constant 0 : i32
        %dma_start3A_209 = arith.constant 0 : i32
        %dma_start3A_210 = tpu.memref_slice %arg10[%run_scoped3A, %dma_start3A_208, %dma_start3A_209] : memref<4x128x128xf32, #tpu.memory_space<vmem>> -> memref<1x128x128xf32, #tpu.memory_space<vmem>>
        %dma_start3A_211 = tpu.memref_squeeze %dma_start3A_210 : memref<1x128x128xf32, #tpu.memory_space<vmem>> -> memref<128x128xf32, #tpu.memory_space<vmem>>
        %dma_start3A_212 = arith.constant 0 : i32
        %dma_start3A_213 = tpu.memref_slice %arg9[%add3A_119, %dma_start3A_212] : memref<80x128xi32, #tpu.memory_space<vmem>> -> memref<1x128xi32, #tpu.memory_space<vmem>>
        %dma_start3A_214 = tpu.memref_squeeze %dma_start3A_213 : memref<1x128xi32, #tpu.memory_space<vmem>> -> memref<128xi32, #tpu.memory_space<vmem>>
        %dma_start3A_215 = arith.constant 0 : i32
        %dma_start3A_216 = arith.constant 0 : i32
        %dma_start3A_217 = tpu.memref_slice %arg12[%dma_start3A_215, %dma_start3A_216] : memref<5248x128xf32, #tpu.memory_space<vmem_shared>> -> memref<5248x128xf32, #tpu.memory_space<vmem_shared>>
        tpu.enqueue_indirect_dma source(%dma_start3A_211 : memref<128x128xf32, #tpu.memory_space<vmem>>) target(%dma_start3A_217 : memref<5248x128xf32, #tpu.memory_space<vmem_shared>>) offsets(%dma_start3A_214 : memref<128xi32, #tpu.memory_space<vmem>>) semaphore(%run_scoped3A_207 : memref<!tpu.dma_semaphore, #tpu.memory_space<semaphore_mem>>) {add = true}
        %dma_wait3A_218 = arith.constant 0 : i32
        %dma_wait3A_219 = arith.constant 0 : i32
        %dma_wait3A_220 = tpu.memref_slice %arg10[%run_scoped3A, %dma_wait3A_218, %dma_wait3A_219] : memref<4x128x128xf32, #tpu.memory_space<vmem>> -> memref<1x128x128xf32, #tpu.memory_space<vmem>>
        %dma_wait3A_221 = tpu.memref_squeeze %dma_wait3A_220 : memref<1x128x128xf32, #tpu.memory_space<vmem>> -> memref<128x128xf32, #tpu.memory_space<vmem>>
        %dma_wait3A_222 = arith.constant 0 : i32
        %dma_wait3A_223 = tpu.memref_slice %arg9[%add3A_119, %dma_wait3A_222] : memref<80x128xi32, #tpu.memory_space<vmem>> -> memref<1x128xi32, #tpu.memory_space<vmem>>
        %dma_wait3A_224 = tpu.memref_squeeze %dma_wait3A_223 : memref<1x128xi32, #tpu.memory_space<vmem>> -> memref<128xi32, #tpu.memory_space<vmem>>
        %dma_wait3A_225 = arith.constant 0 : i32
        %dma_wait3A_226 = arith.constant 0 : i32
        %dma_wait3A_227 = tpu.memref_slice %arg12[%dma_wait3A_225, %dma_wait3A_226] : memref<5248x128xf32, #tpu.memory_space<vmem_shared>> -> memref<5248x128xf32, #tpu.memory_space<vmem_shared>>
        tpu.wait_indirect_dma semaphore(%run_scoped3A_207 : memref<!tpu.dma_semaphore, #tpu.memory_space<semaphore_mem>>) src(%dma_wait3A_221 : memref<128x128xf32, #tpu.memory_space<vmem>>) dst(%dma_wait3A_227 : memref<5248x128xf32, #tpu.memory_space<vmem_shared>>)
        tpu.yield
      }) : () -> ()
      %mul3A_135 = arith.constant 4 : i32
      %mul3A_136 = arith.muli %while3A_115, %mul3A_135 : i32
      %add3A_137 = arith.constant 1 : i32
      %add3A_138 = arith.addi %mul3A_136, %add3A_137 : i32
      %dma_wait3A_139 = arith.constant 1 : i32
      %dma_wait3A_140 = arith.constant 0 : i32
      %dma_wait3A_141 = arith.constant 0 : i32
      %dma_wait3A_142 = tpu.memref_slice %arg10[%dma_wait3A_139, %dma_wait3A_140, %dma_wait3A_141] : memref<4x128x128xf32, #tpu.memory_space<vmem>> -> memref<1x128x128xf32, #tpu.memory_space<vmem>>
      %dma_wait3A_143 = tpu.memref_squeeze %dma_wait3A_142 : memref<1x128x128xf32, #tpu.memory_space<vmem>> -> memref<128x128xf32, #tpu.memory_space<vmem>>
      %dma_wait3A_144 = arith.constant 0 : i32
      %dma_wait3A_145 = tpu.memref_slice %arg8[%add3A_138, %dma_wait3A_144] : memref<80x128xi32, #tpu.memory_space<vmem>> -> memref<1x128xi32, #tpu.memory_space<vmem>>
      %dma_wait3A_146 = tpu.memref_squeeze %dma_wait3A_145 : memref<1x128xi32, #tpu.memory_space<vmem>> -> memref<128xi32, #tpu.memory_space<vmem>>
      %dma_wait3A_147 = arith.constant 0 : i32
      %dma_wait3A_148 = arith.constant 0 : i32
      %dma_wait3A_149 = tpu.memref_slice %arg2[%dma_wait3A_147, %dma_wait3A_148] : memref<10240x128xf32, #tpu.memory_space<hbm>> -> memref<10240x128xf32, #tpu.memory_space<hbm>>
      tpu.wait_indirect_dma semaphore(%arg14 : memref<!tpu.dma_semaphore, #tpu.memory_space<semaphore_mem>>) src(%dma_wait3A_149 : memref<10240x128xf32, #tpu.memory_space<hbm>>) dst(%dma_wait3A_143 : memref<128x128xf32, #tpu.memory_space<vmem>>)
      %add3A_150 = arith.constant 2 : i32
      %add3A_151 = arith.addi %add3A_138, %add3A_150 : i32
      %mul3A_152 = arith.constant 4 : i32
      %mul3A_153 = arith.muli %max3A_74, %mul3A_152 : i32
      %lt3A_154 = arith.cmpi slt, %add3A_151, %mul3A_153 : i32
      %convert_element_type3A_155 = arith.extui %lt3A_154 : i1 to i32
      %cond3A_156 = arith.constant 0 : i32
      %cond3A_157 = arith.cmpi ne, %convert_element_type3A_155, %cond3A_156 : i32
      scf.if %cond3A_157 {
        %add3A_207 = arith.constant 2 : i32
        %add3A_208 = arith.addi %add3A_138, %add3A_207 : i32
        %dma_start3A_209 = arith.constant 3 : i32
        %dma_start3A_210 = arith.constant 0 : i32
        %dma_start3A_211 = arith.constant 0 : i32
        %dma_start3A_212 = tpu.memref_slice %arg10[%dma_start3A_209, %dma_start3A_210, %dma_start3A_211] : memref<4x128x128xf32, #tpu.memory_space<vmem>> -> memref<1x128x128xf32, #tpu.memory_space<vmem>>
        %dma_start3A_213 = tpu.memref_squeeze %dma_start3A_212 : memref<1x128x128xf32, #tpu.memory_space<vmem>> -> memref<128x128xf32, #tpu.memory_space<vmem>>
        %dma_start3A_214 = arith.constant 0 : i32
        %dma_start3A_215 = tpu.memref_slice %arg8[%add3A_208, %dma_start3A_214] : memref<80x128xi32, #tpu.memory_space<vmem>> -> memref<1x128xi32, #tpu.memory_space<vmem>>
        %dma_start3A_216 = tpu.memref_squeeze %dma_start3A_215 : memref<1x128xi32, #tpu.memory_space<vmem>> -> memref<128xi32, #tpu.memory_space<vmem>>
        %dma_start3A_217 = arith.constant 0 : i32
        %dma_start3A_218 = arith.constant 0 : i32
        %dma_start3A_219 = tpu.memref_slice %arg2[%dma_start3A_217, %dma_start3A_218] : memref<10240x128xf32, #tpu.memory_space<hbm>> -> memref<10240x128xf32, #tpu.memory_space<hbm>>
        tpu.enqueue_indirect_dma source(%dma_start3A_219 : memref<10240x128xf32, #tpu.memory_space<hbm>>) target(%dma_start3A_213 : memref<128x128xf32, #tpu.memory_space<vmem>>) offsets(%dma_start3A_216 : memref<128xi32, #tpu.memory_space<vmem>>) semaphore(%arg14 : memref<!tpu.dma_semaphore, #tpu.memory_space<semaphore_mem>>)
      } else {
      }
      %run_scoped3A_158 = arith.constant 1 : i32
      "tpu.region"() ({
        %run_scoped3A_207 = tpu.sem_alloc : memref<!tpu.dma_semaphore, #tpu.memory_space<semaphore_mem>>
        %dma_start3A_208 = arith.constant 0 : i32
        %dma_start3A_209 = arith.constant 0 : i32
        %dma_start3A_210 = tpu.memref_slice %arg10[%run_scoped3A_158, %dma_start3A_208, %dma_start3A_209] : memref<4x128x128xf32, #tpu.memory_space<vmem>> -> memref<1x128x128xf32, #tpu.memory_space<vmem>>
        %dma_start3A_211 = tpu.memref_squeeze %dma_start3A_210 : memref<1x128x128xf32, #tpu.memory_space<vmem>> -> memref<128x128xf32, #tpu.memory_space<vmem>>
        %dma_start3A_212 = arith.constant 0 : i32
        %dma_start3A_213 = tpu.memref_slice %arg9[%add3A_138, %dma_start3A_212] : memref<80x128xi32, #tpu.memory_space<vmem>> -> memref<1x128xi32, #tpu.memory_space<vmem>>
        %dma_start3A_214 = tpu.memref_squeeze %dma_start3A_213 : memref<1x128xi32, #tpu.memory_space<vmem>> -> memref<128xi32, #tpu.memory_space<vmem>>
        %dma_start3A_215 = arith.constant 0 : i32
        %dma_start3A_216 = arith.constant 0 : i32
        %dma_start3A_217 = tpu.memref_slice %arg12[%dma_start3A_215, %dma_start3A_216] : memref<5248x128xf32, #tpu.memory_space<vmem_shared>> -> memref<5248x128xf32, #tpu.memory_space<vmem_shared>>
        tpu.enqueue_indirect_dma source(%dma_start3A_211 : memref<128x128xf32, #tpu.memory_space<vmem>>) target(%dma_start3A_217 : memref<5248x128xf32, #tpu.memory_space<vmem_shared>>) offsets(%dma_start3A_214 : memref<128xi32, #tpu.memory_space<vmem>>) semaphore(%run_scoped3A_207 : memref<!tpu.dma_semaphore, #tpu.memory_space<semaphore_mem>>) {add = true}
        %dma_wait3A_218 = arith.constant 0 : i32
        %dma_wait3A_219 = arith.constant 0 : i32
        %dma_wait3A_220 = tpu.memref_slice %arg10[%run_scoped3A_158, %dma_wait3A_218, %dma_wait3A_219] : memref<4x128x128xf32, #tpu.memory_space<vmem>> -> memref<1x128x128xf32, #tpu.memory_space<vmem>>
        %dma_wait3A_221 = tpu.memref_squeeze %dma_wait3A_220 : memref<1x128x128xf32, #tpu.memory_space<vmem>> -> memref<128x128xf32, #tpu.memory_space<vmem>>
        %dma_wait3A_222 = arith.constant 0 : i32
        %dma_wait3A_223 = tpu.memref_slice %arg9[%add3A_138, %dma_wait3A_222] : memref<80x128xi32, #tpu.memory_space<vmem>> -> memref<1x128xi32, #tpu.memory_space<vmem>>
        %dma_wait3A_224 = tpu.memref_squeeze %dma_wait3A_223 : memref<1x128xi32, #tpu.memory_space<vmem>> -> memref<128xi32, #tpu.memory_space<vmem>>
        %dma_wait3A_225 = arith.constant 0 : i32
        %dma_wait3A_226 = arith.constant 0 : i32
        %dma_wait3A_227 = tpu.memref_slice %arg12[%dma_wait3A_225, %dma_wait3A_226] : memref<5248x128xf32, #tpu.memory_space<vmem_shared>> -> memref<5248x128xf32, #tpu.memory_space<vmem_shared>>
        tpu.wait_indirect_dma semaphore(%run_scoped3A_207 : memref<!tpu.dma_semaphore, #tpu.memory_space<semaphore_mem>>) src(%dma_wait3A_221 : memref<128x128xf32, #tpu.memory_space<vmem>>) dst(%dma_wait3A_227 : memref<5248x128xf32, #tpu.memory_space<vmem_shared>>)
        tpu.yield
      }) : () -> ()
      %mul3A_159 = arith.constant 4 : i32
      %mul3A_160 = arith.muli %while3A_115, %mul3A_159 : i32
      %add3A_161 = arith.constant 2 : i32
      %add3A_162 = arith.addi %mul3A_160, %add3A_161 : i32
      %dma_wait3A_163 = arith.constant 2 : i32
      %dma_wait3A_164 = arith.constant 0 : i32
      %dma_wait3A_165 = arith.constant 0 : i32
      %dma_wait3A_166 = tpu.memref_slice %arg10[%dma_wait3A_163, %dma_wait3A_164, %dma_wait3A_165] : memref<4x128x128xf32, #tpu.memory_space<vmem>> -> memref<1x128x128xf32, #tpu.memory_space<vmem>>
      %dma_wait3A_167 = tpu.memref_squeeze %dma_wait3A_166 : memref<1x128x128xf32, #tpu.memory_space<vmem>> -> memref<128x128xf32, #tpu.memory_space<vmem>>
      %dma_wait3A_168 = arith.constant 0 : i32
      %dma_wait3A_169 = tpu.memref_slice %arg8[%add3A_162, %dma_wait3A_168] : memref<80x128xi32, #tpu.memory_space<vmem>> -> memref<1x128xi32, #tpu.memory_space<vmem>>
      %dma_wait3A_170 = tpu.memref_squeeze %dma_wait3A_169 : memref<1x128xi32, #tpu.memory_space<vmem>> -> memref<128xi32, #tpu.memory_space<vmem>>
      %dma_wait3A_171 = arith.constant 0 : i32
      %dma_wait3A_172 = arith.constant 0 : i32
      %dma_wait3A_173 = tpu.memref_slice %arg2[%dma_wait3A_171, %dma_wait3A_172] : memref<10240x128xf32, #tpu.memory_space<hbm>> -> memref<10240x128xf32, #tpu.memory_space<hbm>>
      tpu.wait_indirect_dma semaphore(%arg13 : memref<!tpu.dma_semaphore, #tpu.memory_space<semaphore_mem>>) src(%dma_wait3A_173 : memref<10240x128xf32, #tpu.memory_space<hbm>>) dst(%dma_wait3A_167 : memref<128x128xf32, #tpu.memory_space<vmem>>)
      %add3A_174 = arith.constant 2 : i32
      %add3A_175 = arith.addi %add3A_162, %add3A_174 : i32
      %mul3A_176 = arith.constant 4 : i32
      %mul3A_177 = arith.muli %max3A_74, %mul3A_176 : i32
      %lt3A_178 = arith.cmpi slt, %add3A_175, %mul3A_177 : i32
      %convert_element_type3A_179 = arith.extui %lt3A_178 : i1 to i32
      %cond3A_180 = arith.constant 0 : i32
      %cond3A_181 = arith.cmpi ne, %convert_element_type3A_179, %cond3A_180 : i32
      scf.if %cond3A_181 {
        %add3A_207 = arith.constant 2 : i32
        %add3A_208 = arith.addi %add3A_162, %add3A_207 : i32
        %dma_start3A_209 = arith.constant 0 : i32
        %dma_start3A_210 = arith.constant 0 : i32
        %dma_start3A_211 = arith.constant 0 : i32
        %dma_start3A_212 = tpu.memref_slice %arg10[%dma_start3A_209, %dma_start3A_210, %dma_start3A_211] : memref<4x128x128xf32, #tpu.memory_space<vmem>> -> memref<1x128x128xf32, #tpu.memory_space<vmem>>
        %dma_start3A_213 = tpu.memref_squeeze %dma_start3A_212 : memref<1x128x128xf32, #tpu.memory_space<vmem>> -> memref<128x128xf32, #tpu.memory_space<vmem>>
        %dma_start3A_214 = arith.constant 0 : i32
        %dma_start3A_215 = tpu.memref_slice %arg8[%add3A_208, %dma_start3A_214] : memref<80x128xi32, #tpu.memory_space<vmem>> -> memref<1x128xi32, #tpu.memory_space<vmem>>
        %dma_start3A_216 = tpu.memref_squeeze %dma_start3A_215 : memref<1x128xi32, #tpu.memory_space<vmem>> -> memref<128xi32, #tpu.memory_space<vmem>>
        %dma_start3A_217 = arith.constant 0 : i32
        %dma_start3A_218 = arith.constant 0 : i32
        %dma_start3A_219 = tpu.memref_slice %arg2[%dma_start3A_217, %dma_start3A_218] : memref<10240x128xf32, #tpu.memory_space<hbm>> -> memref<10240x128xf32, #tpu.memory_space<hbm>>
        tpu.enqueue_indirect_dma source(%dma_start3A_219 : memref<10240x128xf32, #tpu.memory_space<hbm>>) target(%dma_start3A_213 : memref<128x128xf32, #tpu.memory_space<vmem>>) offsets(%dma_start3A_216 : memref<128xi32, #tpu.memory_space<vmem>>) semaphore(%arg13 : memref<!tpu.dma_semaphore, #tpu.memory_space<semaphore_mem>>)
      } else {
      }
      %run_scoped3A_182 = arith.constant 2 : i32
      "tpu.region"() ({
        %run_scoped3A_207 = tpu.sem_alloc : memref<!tpu.dma_semaphore, #tpu.memory_space<semaphore_mem>>
        %dma_start3A_208 = arith.constant 0 : i32
        %dma_start3A_209 = arith.constant 0 : i32
        %dma_start3A_210 = tpu.memref_slice %arg10[%run_scoped3A_182, %dma_start3A_208, %dma_start3A_209] : memref<4x128x128xf32, #tpu.memory_space<vmem>> -> memref<1x128x128xf32, #tpu.memory_space<vmem>>
        %dma_start3A_211 = tpu.memref_squeeze %dma_start3A_210 : memref<1x128x128xf32, #tpu.memory_space<vmem>> -> memref<128x128xf32, #tpu.memory_space<vmem>>
        %dma_start3A_212 = arith.constant 0 : i32
        %dma_start3A_213 = tpu.memref_slice %arg9[%add3A_162, %dma_start3A_212] : memref<80x128xi32, #tpu.memory_space<vmem>> -> memref<1x128xi32, #tpu.memory_space<vmem>>
        %dma_start3A_214 = tpu.memref_squeeze %dma_start3A_213 : memref<1x128xi32, #tpu.memory_space<vmem>> -> memref<128xi32, #tpu.memory_space<vmem>>
        %dma_start3A_215 = arith.constant 0 : i32
        %dma_start3A_216 = arith.constant 0 : i32
        %dma_start3A_217 = tpu.memref_slice %arg12[%dma_start3A_215, %dma_start3A_216] : memref<5248x128xf32, #tpu.memory_space<vmem_shared>> -> memref<5248x128xf32, #tpu.memory_space<vmem_shared>>
        tpu.enqueue_indirect_dma source(%dma_start3A_211 : memref<128x128xf32, #tpu.memory_space<vmem>>) target(%dma_start3A_217 : memref<5248x128xf32, #tpu.memory_space<vmem_shared>>) offsets(%dma_start3A_214 : memref<128xi32, #tpu.memory_space<vmem>>) semaphore(%run_scoped3A_207 : memref<!tpu.dma_semaphore, #tpu.memory_space<semaphore_mem>>) {add = true}
        %dma_wait3A_218 = arith.constant 0 : i32
        %dma_wait3A_219 = arith.constant 0 : i32
        %dma_wait3A_220 = tpu.memref_slice %arg10[%run_scoped3A_182, %dma_wait3A_218, %dma_wait3A_219] : memref<4x128x128xf32, #tpu.memory_space<vmem>> -> memref<1x128x128xf32, #tpu.memory_space<vmem>>
        %dma_wait3A_221 = tpu.memref_squeeze %dma_wait3A_220 : memref<1x128x128xf32, #tpu.memory_space<vmem>> -> memref<128x128xf32, #tpu.memory_space<vmem>>
        %dma_wait3A_222 = arith.constant 0 : i32
        %dma_wait3A_223 = tpu.memref_slice %arg9[%add3A_162, %dma_wait3A_222] : memref<80x128xi32, #tpu.memory_space<vmem>> -> memref<1x128xi32, #tpu.memory_space<vmem>>
        %dma_wait3A_224 = tpu.memref_squeeze %dma_wait3A_223 : memref<1x128xi32, #tpu.memory_space<vmem>> -> memref<128xi32, #tpu.memory_space<vmem>>
        %dma_wait3A_225 = arith.constant 0 : i32
        %dma_wait3A_226 = arith.constant 0 : i32
        %dma_wait3A_227 = tpu.memref_slice %arg12[%dma_wait3A_225, %dma_wait3A_226] : memref<5248x128xf32, #tpu.memory_space<vmem_shared>> -> memref<5248x128xf32, #tpu.memory_space<vmem_shared>>
        tpu.wait_indirect_dma semaphore(%run_scoped3A_207 : memref<!tpu.dma_semaphore, #tpu.memory_space<semaphore_mem>>) src(%dma_wait3A_221 : memref<128x128xf32, #tpu.memory_space<vmem>>) dst(%dma_wait3A_227 : memref<5248x128xf32, #tpu.memory_space<vmem_shared>>)
        tpu.yield
      }) : () -> ()
      %mul3A_183 = arith.constant 4 : i32
      %mul3A_184 = arith.muli %while3A_115, %mul3A_183 : i32
      %add3A_185 = arith.constant 3 : i32
      %add3A_186 = arith.addi %mul3A_184, %add3A_185 : i32
      %dma_wait3A_187 = arith.constant 3 : i32
      %dma_wait3A_188 = arith.constant 0 : i32
      %dma_wait3A_189 = arith.constant 0 : i32
      %dma_wait3A_190 = tpu.memref_slice %arg10[%dma_wait3A_187, %dma_wait3A_188, %dma_wait3A_189] : memref<4x128x128xf32, #tpu.memory_space<vmem>> -> memref<1x128x128xf32, #tpu.memory_space<vmem>>
      %dma_wait3A_191 = tpu.memref_squeeze %dma_wait3A_190 : memref<1x128x128xf32, #tpu.memory_space<vmem>> -> memref<128x128xf32, #tpu.memory_space<vmem>>
      %dma_wait3A_192 = arith.constant 0 : i32
      %dma_wait3A_193 = tpu.memref_slice %arg8[%add3A_186, %dma_wait3A_192] : memref<80x128xi32, #tpu.memory_space<vmem>> -> memref<1x128xi32, #tpu.memory_space<vmem>>
      %dma_wait3A_194 = tpu.memref_squeeze %dma_wait3A_193 : memref<1x128xi32, #tpu.memory_space<vmem>> -> memref<128xi32, #tpu.memory_space<vmem>>
      %dma_wait3A_195 = arith.constant 0 : i32
      %dma_wait3A_196 = arith.constant 0 : i32
      %dma_wait3A_197 = tpu.memref_slice %arg2[%dma_wait3A_195, %dma_wait3A_196] : memref<10240x128xf32, #tpu.memory_space<hbm>> -> memref<10240x128xf32, #tpu.memory_space<hbm>>
      tpu.wait_indirect_dma semaphore(%arg14 : memref<!tpu.dma_semaphore, #tpu.memory_space<semaphore_mem>>) src(%dma_wait3A_197 : memref<10240x128xf32, #tpu.memory_space<hbm>>) dst(%dma_wait3A_191 : memref<128x128xf32, #tpu.memory_space<vmem>>)
      %add3A_198 = arith.constant 2 : i32
      %add3A_199 = arith.addi %add3A_186, %add3A_198 : i32
      %mul3A_200 = arith.constant 4 : i32
      %mul3A_201 = arith.muli %max3A_74, %mul3A_200 : i32
      %lt3A_202 = arith.cmpi slt, %add3A_199, %mul3A_201 : i32
      %convert_element_type3A_203 = arith.extui %lt3A_202 : i1 to i32
      %cond3A_204 = arith.constant 0 : i32
      %cond3A_205 = arith.cmpi ne, %convert_element_type3A_203, %cond3A_204 : i32
      scf.if %cond3A_205 {
        %add3A_207 = arith.constant 2 : i32
        %add3A_208 = arith.addi %add3A_186, %add3A_207 : i32
        %dma_start3A_209 = arith.constant 1 : i32
        %dma_start3A_210 = arith.constant 0 : i32
        %dma_start3A_211 = arith.constant 0 : i32
        %dma_start3A_212 = tpu.memref_slice %arg10[%dma_start3A_209, %dma_start3A_210, %dma_start3A_211] : memref<4x128x128xf32, #tpu.memory_space<vmem>> -> memref<1x128x128xf32, #tpu.memory_space<vmem>>
        %dma_start3A_213 = tpu.memref_squeeze %dma_start3A_212 : memref<1x128x128xf32, #tpu.memory_space<vmem>> -> memref<128x128xf32, #tpu.memory_space<vmem>>
        %dma_start3A_214 = arith.constant 0 : i32
        %dma_start3A_215 = tpu.memref_slice %arg8[%add3A_208, %dma_start3A_214] : memref<80x128xi32, #tpu.memory_space<vmem>> -> memref<1x128xi32, #tpu.memory_space<vmem>>
        %dma_start3A_216 = tpu.memref_squeeze %dma_start3A_215 : memref<1x128xi32, #tpu.memory_space<vmem>> -> memref<128xi32, #tpu.memory_space<vmem>>
        %dma_start3A_217 = arith.constant 0 : i32
        %dma_start3A_218 = arith.constant 0 : i32
        %dma_start3A_219 = tpu.memref_slice %arg2[%dma_start3A_217, %dma_start3A_218] : memref<10240x128xf32, #tpu.memory_space<hbm>> -> memref<10240x128xf32, #tpu.memory_space<hbm>>
        tpu.enqueue_indirect_dma source(%dma_start3A_219 : memref<10240x128xf32, #tpu.memory_space<hbm>>) target(%dma_start3A_213 : memref<128x128xf32, #tpu.memory_space<vmem>>) offsets(%dma_start3A_216 : memref<128xi32, #tpu.memory_space<vmem>>) semaphore(%arg14 : memref<!tpu.dma_semaphore, #tpu.memory_space<semaphore_mem>>)
      } else {
      }
      %run_scoped3A_206 = arith.constant 3 : i32
      "tpu.region"() ({
        %run_scoped3A_207 = tpu.sem_alloc : memref<!tpu.dma_semaphore, #tpu.memory_space<semaphore_mem>>
        %dma_start3A_208 = arith.constant 0 : i32
        %dma_start3A_209 = arith.constant 0 : i32
        %dma_start3A_210 = tpu.memref_slice %arg10[%run_scoped3A_206, %dma_start3A_208, %dma_start3A_209] : memref<4x128x128xf32, #tpu.memory_space<vmem>> -> memref<1x128x128xf32, #tpu.memory_space<vmem>>
        %dma_start3A_211 = tpu.memref_squeeze %dma_start3A_210 : memref<1x128x128xf32, #tpu.memory_space<vmem>> -> memref<128x128xf32, #tpu.memory_space<vmem>>
        %dma_start3A_212 = arith.constant 0 : i32
        %dma_start3A_213 = tpu.memref_slice %arg9[%add3A_186, %dma_start3A_212] : memref<80x128xi32, #tpu.memory_space<vmem>> -> memref<1x128xi32, #tpu.memory_space<vmem>>
        %dma_start3A_214 = tpu.memref_squeeze %dma_start3A_213 : memref<1x128xi32, #tpu.memory_space<vmem>> -> memref<128xi32, #tpu.memory_space<vmem>>
        %dma_start3A_215 = arith.constant 0 : i32
        %dma_start3A_216 = arith.constant 0 : i32
        %dma_start3A_217 = tpu.memref_slice %arg12[%dma_start3A_215, %dma_start3A_216] : memref<5248x128xf32, #tpu.memory_space<vmem_shared>> -> memref<5248x128xf32, #tpu.memory_space<vmem_shared>>
        tpu.enqueue_indirect_dma source(%dma_start3A_211 : memref<128x128xf32, #tpu.memory_space<vmem>>) target(%dma_start3A_217 : memref<5248x128xf32, #tpu.memory_space<vmem_shared>>) offsets(%dma_start3A_214 : memref<128xi32, #tpu.memory_space<vmem>>) semaphore(%run_scoped3A_207 : memref<!tpu.dma_semaphore, #tpu.memory_space<semaphore_mem>>) {add = true}
        %dma_wait3A_218 = arith.constant 0 : i32
        %dma_wait3A_219 = arith.constant 0 : i32
        %dma_wait3A_220 = tpu.memref_slice %arg10[%run_scoped3A_206, %dma_wait3A_218, %dma_wait3A_219] : memref<4x128x128xf32, #tpu.memory_space<vmem>> -> memref<1x128x128xf32, #tpu.memory_space<vmem>>
        %dma_wait3A_221 = tpu.memref_squeeze %dma_wait3A_220 : memref<1x128x128xf32, #tpu.memory_space<vmem>> -> memref<128x128xf32, #tpu.memory_space<vmem>>
        %dma_wait3A_222 = arith.constant 0 : i32
        %dma_wait3A_223 = tpu.memref_slice %arg9[%add3A_186, %dma_wait3A_222] : memref<80x128xi32, #tpu.memory_space<vmem>> -> memref<1x128xi32, #tpu.memory_space<vmem>>
        %dma_wait3A_224 = tpu.memref_squeeze %dma_wait3A_223 : memref<1x128xi32, #tpu.memory_space<vmem>> -> memref<128xi32, #tpu.memory_space<vmem>>
        %dma_wait3A_225 = arith.constant 0 : i32
        %dma_wait3A_226 = arith.constant 0 : i32
        %dma_wait3A_227 = tpu.memref_slice %arg12[%dma_wait3A_225, %dma_wait3A_226] : memref<5248x128xf32, #tpu.memory_space<vmem_shared>> -> memref<5248x128xf32, #tpu.memory_space<vmem_shared>>
        tpu.wait_indirect_dma semaphore(%run_scoped3A_207 : memref<!tpu.dma_semaphore, #tpu.memory_space<semaphore_mem>>) src(%dma_wait3A_221 : memref<128x128xf32, #tpu.memory_space<vmem>>) dst(%dma_wait3A_227 : memref<5248x128xf32, #tpu.memory_space<vmem_shared>>)
        tpu.yield
      }) : () -> ()
    }
    %while3A_108 = arith.constant 1 : i32
    scf.for %while3A_115 = %while3A_106 to %while3A_102 step %while3A_108  : i32 {
      %mul3A_116 = arith.constant 4 : i32
      %mul3A_117 = arith.muli %while3A_115, %mul3A_116 : i32
      %add3A_118 = arith.constant 0 : i32
      %add3A_119 = arith.addi %mul3A_117, %add3A_118 : i32
      %dma_wait3A = arith.constant 0 : i32
      %dma_wait3A_120 = arith.constant 0 : i32
      %dma_wait3A_121 = arith.constant 0 : i32
      %dma_wait3A_122 = tpu.memref_slice %arg10[%dma_wait3A, %dma_wait3A_120, %dma_wait3A_121] : memref<4x128x128xf32, #tpu.memory_space<vmem>> -> memref<1x128x128xf32, #tpu.memory_space<vmem>>
      %dma_wait3A_123 = tpu.memref_squeeze %dma_wait3A_122 : memref<1x128x128xf32, #tpu.memory_space<vmem>> -> memref<128x128xf32, #tpu.memory_space<vmem>>
      %dma_wait3A_124 = arith.constant 0 : i32
      %dma_wait3A_125 = tpu.memref_slice %arg8[%add3A_119, %dma_wait3A_124] : memref<80x128xi32, #tpu.memory_space<vmem>> -> memref<1x128xi32, #tpu.memory_space<vmem>>
      %dma_wait3A_126 = tpu.memref_squeeze %dma_wait3A_125 : memref<1x128xi32, #tpu.memory_space<vmem>> -> memref<128xi32, #tpu.memory_space<vmem>>
      %dma_wait3A_127 = arith.constant 0 : i32
      %dma_wait3A_128 = arith.constant 0 : i32
      %dma_wait3A_129 = tpu.memref_slice %arg2[%dma_wait3A_127, %dma_wait3A_128] : memref<10240x128xf32, #tpu.memory_space<hbm>> -> memref<10240x128xf32, #tpu.memory_space<hbm>>
      tpu.wait_indirect_dma semaphore(%arg13 : memref<!tpu.dma_semaphore, #tpu.memory_space<semaphore_mem>>) src(%dma_wait3A_129 : memref<10240x128xf32, #tpu.memory_space<hbm>>) dst(%dma_wait3A_123 : memref<128x128xf32, #tpu.memory_space<vmem>>)
      %add3A_130 = arith.constant 2 : i32
      %add3A_131 = arith.addi %add3A_119, %add3A_130 : i32
      %mul3A_132 = arith.constant 4 : i32
      %mul3A_133 = arith.muli %max3A_74, %mul3A_132 : i32
      %lt3A = arith.cmpi slt, %add3A_131, %mul3A_133 : i32
      %convert_element_type3A = arith.extui %lt3A : i1 to i32
      %cond3A = arith.constant 0 : i32
      %cond3A_134 = arith.cmpi ne, %convert_element_type3A, %cond3A : i32
      scf.if %cond3A_134 {
        %add3A_207 = arith.constant 2 : i32
        %add3A_208 = arith.addi %add3A_119, %add3A_207 : i32
        %dma_start3A_209 = arith.constant 2 : i32
        %dma_start3A_210 = arith.constant 0 : i32
        %dma_start3A_211 = arith.constant 0 : i32
        %dma_start3A_212 = tpu.memref_slice %arg10[%dma_start3A_209, %dma_start3A_210, %dma_start3A_211] : memref<4x128x128xf32, #tpu.memory_space<vmem>> -> memref<1x128x128xf32, #tpu.memory_space<vmem>>
        %dma_start3A_213 = tpu.memref_squeeze %dma_start3A_212 : memref<1x128x128xf32, #tpu.memory_space<vmem>> -> memref<128x128xf32, #tpu.memory_space<vmem>>
        %dma_start3A_214 = arith.constant 0 : i32
        %dma_start3A_215 = tpu.memref_slice %arg8[%add3A_208, %dma_start3A_214] : memref<80x128xi32, #tpu.memory_space<vmem>> -> memref<1x128xi32, #tpu.memory_space<vmem>>
        %dma_start3A_216 = tpu.memref_squeeze %dma_start3A_215 : memref<1x128xi32, #tpu.memory_space<vmem>> -> memref<128xi32, #tpu.memory_space<vmem>>
        %dma_start3A_217 = arith.constant 0 : i32
        %dma_start3A_218 = arith.constant 0 : i32
        %dma_start3A_219 = tpu.memref_slice %arg2[%dma_start3A_217, %dma_start3A_218] : memref<10240x128xf32, #tpu.memory_space<hbm>> -> memref<10240x128xf32, #tpu.memory_space<hbm>>
        tpu.enqueue_indirect_dma source(%dma_start3A_219 : memref<10240x128xf32, #tpu.memory_space<hbm>>) target(%dma_start3A_213 : memref<128x128xf32, #tpu.memory_space<vmem>>) offsets(%dma_start3A_216 : memref<128xi32, #tpu.memory_space<vmem>>) semaphore(%arg13 : memref<!tpu.dma_semaphore, #tpu.memory_space<semaphore_mem>>)
      } else {
      }
      %run_scoped3A = arith.constant 0 : i32
      "tpu.region"() ({
        %run_scoped3A_207 = tpu.sem_alloc : memref<!tpu.dma_semaphore, #tpu.memory_space<semaphore_mem>>
        %dma_start3A_208 = arith.constant 0 : i32
        %dma_start3A_209 = arith.constant 0 : i32
        %dma_start3A_210 = tpu.memref_slice %arg10[%run_scoped3A, %dma_start3A_208, %dma_start3A_209] : memref<4x128x128xf32, #tpu.memory_space<vmem>> -> memref<1x128x128xf32, #tpu.memory_space<vmem>>
        %dma_start3A_211 = tpu.memref_squeeze %dma_start3A_210 : memref<1x128x128xf32, #tpu.memory_space<vmem>> -> memref<128x128xf32, #tpu.memory_space<vmem>>
        %dma_start3A_212 = arith.constant 0 : i32
        %dma_start3A_213 = tpu.memref_slice %arg9[%add3A_119, %dma_start3A_212] : memref<80x128xi32, #tpu.memory_space<vmem>> -> memref<1x128xi32, #tpu.memory_space<vmem>>
        %dma_start3A_214 = tpu.memref_squeeze %dma_start3A_213 : memref<1x128xi32, #tpu.memory_space<vmem>> -> memref<128xi32, #tpu.memory_space<vmem>>
        %dma_start3A_215 = arith.constant 0 : i32
        %dma_start3A_216 = arith.constant 0 : i32
        %dma_start3A_217 = tpu.memref_slice %arg12[%dma_start3A_215, %dma_start3A_216] : memref<5248x128xf32, #tpu.memory_space<vmem_shared>> -> memref<5248x128xf32, #tpu.memory_space<vmem_shared>>
        tpu.enqueue_indirect_dma source(%dma_start3A_211 : memref<128x128xf32, #tpu.memory_space<vmem>>) target(%dma_start3A_217 : memref<5248x128xf32, #tpu.memory_space<vmem_shared>>) offsets(%dma_start3A_214 : memref<128xi32, #tpu.memory_space<vmem>>) semaphore(%run_scoped3A_207 : memref<!tpu.dma_semaphore, #tpu.memory_space<semaphore_mem>>) {add = true}
        %dma_wait3A_218 = arith.constant 0 : i32
        %dma_wait3A_219 = arith.constant 0 : i32
        %dma_wait3A_220 = tpu.memref_slice %arg10[%run_scoped3A, %dma_wait3A_218, %dma_wait3A_219] : memref<4x128x128xf32, #tpu.memory_space<vmem>> -> memref<1x128x128xf32, #tpu.memory_space<vmem>>
        %dma_wait3A_221 = tpu.memref_squeeze %dma_wait3A_220 : memref<1x128x128xf32, #tpu.memory_space<vmem>> -> memref<128x128xf32, #tpu.memory_space<vmem>>
        %dma_wait3A_222 = arith.constant 0 : i32
        %dma_wait3A_223 = tpu.memref_slice %arg9[%add3A_119, %dma_wait3A_222] : memref<80x128xi32, #tpu.memory_space<vmem>> -> memref<1x128xi32, #tpu.memory_space<vmem>>
        %dma_wait3A_224 = tpu.memref_squeeze %dma_wait3A_223 : memref<1x128xi32, #tpu.memory_space<vmem>> -> memref<128xi32, #tpu.memory_space<vmem>>
        %dma_wait3A_225 = arith.constant 0 : i32
        %dma_wait3A_226 = arith.constant 0 : i32
        %dma_wait3A_227 = tpu.memref_slice %arg12[%dma_wait3A_225, %dma_wait3A_226] : memref<5248x128xf32, #tpu.memory_space<vmem_shared>> -> memref<5248x128xf32, #tpu.memory_space<vmem_shared>>
        tpu.wait_indirect_dma semaphore(%run_scoped3A_207 : memref<!tpu.dma_semaphore, #tpu.memory_space<semaphore_mem>>) src(%dma_wait3A_221 : memref<128x128xf32, #tpu.memory_space<vmem>>) dst(%dma_wait3A_227 : memref<5248x128xf32, #tpu.memory_space<vmem_shared>>)
        tpu.yield
      }) : () -> ()
      %mul3A_135 = arith.constant 4 : i32
      %mul3A_136 = arith.muli %while3A_115, %mul3A_135 : i32
      %add3A_137 = arith.constant 1 : i32
      %add3A_138 = arith.addi %mul3A_136, %add3A_137 : i32
      %dma_wait3A_139 = arith.constant 1 : i32
      %dma_wait3A_140 = arith.constant 0 : i32
      %dma_wait3A_141 = arith.constant 0 : i32
      %dma_wait3A_142 = tpu.memref_slice %arg10[%dma_wait3A_139, %dma_wait3A_140, %dma_wait3A_141] : memref<4x128x128xf32, #tpu.memory_space<vmem>> -> memref<1x128x128xf32, #tpu.memory_space<vmem>>
      %dma_wait3A_143 = tpu.memref_squeeze %dma_wait3A_142 : memref<1x128x128xf32, #tpu.memory_space<vmem>> -> memref<128x128xf32, #tpu.memory_space<vmem>>
      %dma_wait3A_144 = arith.constant 0 : i32
      %dma_wait3A_145 = tpu.memref_slice %arg8[%add3A_138, %dma_wait3A_144] : memref<80x128xi32, #tpu.memory_space<vmem>> -> memref<1x128xi32, #tpu.memory_space<vmem>>
      %dma_wait3A_146 = tpu.memref_squeeze %dma_wait3A_145 : memref<1x128xi32, #tpu.memory_space<vmem>> -> memref<128xi32, #tpu.memory_space<vmem>>
      %dma_wait3A_147 = arith.constant 0 : i32
      %dma_wait3A_148 = arith.constant 0 : i32
      %dma_wait3A_149 = tpu.memref_slice %arg2[%dma_wait3A_147, %dma_wait3A_148] : memref<10240x128xf32, #tpu.memory_space<hbm>> -> memref<10240x128xf32, #tpu.memory_space<hbm>>
      tpu.wait_indirect_dma semaphore(%arg14 : memref<!tpu.dma_semaphore, #tpu.memory_space<semaphore_mem>>) src(%dma_wait3A_149 : memref<10240x128xf32, #tpu.memory_space<hbm>>) dst(%dma_wait3A_143 : memref<128x128xf32, #tpu.memory_space<vmem>>)
      %add3A_150 = arith.constant 2 : i32
      %add3A_151 = arith.addi %add3A_138, %add3A_150 : i32
      %mul3A_152 = arith.constant 4 : i32
      %mul3A_153 = arith.muli %max3A_74, %mul3A_152 : i32
      %lt3A_154 = arith.cmpi slt, %add3A_151, %mul3A_153 : i32
      %convert_element_type3A_155 = arith.extui %lt3A_154 : i1 to i32
      %cond3A_156 = arith.constant 0 : i32
      %cond3A_157 = arith.cmpi ne, %convert_element_type3A_155, %cond3A_156 : i32
      scf.if %cond3A_157 {
        %add3A_207 = arith.constant 2 : i32
        %add3A_208 = arith.addi %add3A_138, %add3A_207 : i32
        %dma_start3A_209 = arith.constant 3 : i32
        %dma_start3A_210 = arith.constant 0 : i32
        %dma_start3A_211 = arith.constant 0 : i32
        %dma_start3A_212 = tpu.memref_slice %arg10[%dma_start3A_209, %dma_start3A_210, %dma_start3A_211] : memref<4x128x128xf32, #tpu.memory_space<vmem>> -> memref<1x128x128xf32, #tpu.memory_space<vmem>>
        %dma_start3A_213 = tpu.memref_squeeze %dma_start3A_212 : memref<1x128x128xf32, #tpu.memory_space<vmem>> -> memref<128x128xf32, #tpu.memory_space<vmem>>
        %dma_start3A_214 = arith.constant 0 : i32
        %dma_start3A_215 = tpu.memref_slice %arg8[%add3A_208, %dma_start3A_214] : memref<80x128xi32, #tpu.memory_space<vmem>> -> memref<1x128xi32, #tpu.memory_space<vmem>>
        %dma_start3A_216 = tpu.memref_squeeze %dma_start3A_215 : memref<1x128xi32, #tpu.memory_space<vmem>> -> memref<128xi32, #tpu.memory_space<vmem>>
        %dma_start3A_217 = arith.constant 0 : i32
        %dma_start3A_218 = arith.constant 0 : i32
        %dma_start3A_219 = tpu.memref_slice %arg2[%dma_start3A_217, %dma_start3A_218] : memref<10240x128xf32, #tpu.memory_space<hbm>> -> memref<10240x128xf32, #tpu.memory_space<hbm>>
        tpu.enqueue_indirect_dma source(%dma_start3A_219 : memref<10240x128xf32, #tpu.memory_space<hbm>>) target(%dma_start3A_213 : memref<128x128xf32, #tpu.memory_space<vmem>>) offsets(%dma_start3A_216 : memref<128xi32, #tpu.memory_space<vmem>>) semaphore(%arg14 : memref<!tpu.dma_semaphore, #tpu.memory_space<semaphore_mem>>)
      } else {
      }
      %run_scoped3A_158 = arith.constant 1 : i32
      "tpu.region"() ({
        %run_scoped3A_207 = tpu.sem_alloc : memref<!tpu.dma_semaphore, #tpu.memory_space<semaphore_mem>>
        %dma_start3A_208 = arith.constant 0 : i32
        %dma_start3A_209 = arith.constant 0 : i32
        %dma_start3A_210 = tpu.memref_slice %arg10[%run_scoped3A_158, %dma_start3A_208, %dma_start3A_209] : memref<4x128x128xf32, #tpu.memory_space<vmem>> -> memref<1x128x128xf32, #tpu.memory_space<vmem>>
        %dma_start3A_211 = tpu.memref_squeeze %dma_start3A_210 : memref<1x128x128xf32, #tpu.memory_space<vmem>> -> memref<128x128xf32, #tpu.memory_space<vmem>>
        %dma_start3A_212 = arith.constant 0 : i32
        %dma_start3A_213 = tpu.memref_slice %arg9[%add3A_138, %dma_start3A_212] : memref<80x128xi32, #tpu.memory_space<vmem>> -> memref<1x128xi32, #tpu.memory_space<vmem>>
        %dma_start3A_214 = tpu.memref_squeeze %dma_start3A_213 : memref<1x128xi32, #tpu.memory_space<vmem>> -> memref<128xi32, #tpu.memory_space<vmem>>
        %dma_start3A_215 = arith.constant 0 : i32
        %dma_start3A_216 = arith.constant 0 : i32
        %dma_start3A_217 = tpu.memref_slice %arg12[%dma_start3A_215, %dma_start3A_216] : memref<5248x128xf32, #tpu.memory_space<vmem_shared>> -> memref<5248x128xf32, #tpu.memory_space<vmem_shared>>
        tpu.enqueue_indirect_dma source(%dma_start3A_211 : memref<128x128xf32, #tpu.memory_space<vmem>>) target(%dma_start3A_217 : memref<5248x128xf32, #tpu.memory_space<vmem_shared>>) offsets(%dma_start3A_214 : memref<128xi32, #tpu.memory_space<vmem>>) semaphore(%run_scoped3A_207 : memref<!tpu.dma_semaphore, #tpu.memory_space<semaphore_mem>>) {add = true}
        %dma_wait3A_218 = arith.constant 0 : i32
        %dma_wait3A_219 = arith.constant 0 : i32
        %dma_wait3A_220 = tpu.memref_slice %arg10[%run_scoped3A_158, %dma_wait3A_218, %dma_wait3A_219] : memref<4x128x128xf32, #tpu.memory_space<vmem>> -> memref<1x128x128xf32, #tpu.memory_space<vmem>>
        %dma_wait3A_221 = tpu.memref_squeeze %dma_wait3A_220 : memref<1x128x128xf32, #tpu.memory_space<vmem>> -> memref<128x128xf32, #tpu.memory_space<vmem>>
        %dma_wait3A_222 = arith.constant 0 : i32
        %dma_wait3A_223 = tpu.memref_slice %arg9[%add3A_138, %dma_wait3A_222] : memref<80x128xi32, #tpu.memory_space<vmem>> -> memref<1x128xi32, #tpu.memory_space<vmem>>
        %dma_wait3A_224 = tpu.memref_squeeze %dma_wait3A_223 : memref<1x128xi32, #tpu.memory_space<vmem>> -> memref<128xi32, #tpu.memory_space<vmem>>
        %dma_wait3A_225 = arith.constant 0 : i32
        %dma_wait3A_226 = arith.constant 0 : i32
        %dma_wait3A_227 = tpu.memref_slice %arg12[%dma_wait3A_225, %dma_wait3A_226] : memref<5248x128xf32, #tpu.memory_space<vmem_shared>> -> memref<5248x128xf32, #tpu.memory_space<vmem_shared>>
        tpu.wait_indirect_dma semaphore(%run_scoped3A_207 : memref<!tpu.dma_semaphore, #tpu.memory_space<semaphore_mem>>) src(%dma_wait3A_221 : memref<128x128xf32, #tpu.memory_space<vmem>>) dst(%dma_wait3A_227 : memref<5248x128xf32, #tpu.memory_space<vmem_shared>>)
        tpu.yield
      }) : () -> ()
      %mul3A_159 = arith.constant 4 : i32
      %mul3A_160 = arith.muli %while3A_115, %mul3A_159 : i32
      %add3A_161 = arith.constant 2 : i32
      %add3A_162 = arith.addi %mul3A_160, %add3A_161 : i32
      %dma_wait3A_163 = arith.constant 2 : i32
      %dma_wait3A_164 = arith.constant 0 : i32
      %dma_wait3A_165 = arith.constant 0 : i32
      %dma_wait3A_166 = tpu.memref_slice %arg10[%dma_wait3A_163, %dma_wait3A_164, %dma_wait3A_165] : memref<4x128x128xf32, #tpu.memory_space<vmem>> -> memref<1x128x128xf32, #tpu.memory_space<vmem>>
      %dma_wait3A_167 = tpu.memref_squeeze %dma_wait3A_166 : memref<1x128x128xf32, #tpu.memory_space<vmem>> -> memref<128x128xf32, #tpu.memory_space<vmem>>
      %dma_wait3A_168 = arith.constant 0 : i32
      %dma_wait3A_169 = tpu.memref_slice %arg8[%add3A_162, %dma_wait3A_168] : memref<80x128xi32, #tpu.memory_space<vmem>> -> memref<1x128xi32, #tpu.memory_space<vmem>>
      %dma_wait3A_170 = tpu.memref_squeeze %dma_wait3A_169 : memref<1x128xi32, #tpu.memory_space<vmem>> -> memref<128xi32, #tpu.memory_space<vmem>>
      %dma_wait3A_171 = arith.constant 0 : i32
      %dma_wait3A_172 = arith.constant 0 : i32
      %dma_wait3A_173 = tpu.memref_slice %arg2[%dma_wait3A_171, %dma_wait3A_172] : memref<10240x128xf32, #tpu.memory_space<hbm>> -> memref<10240x128xf32, #tpu.memory_space<hbm>>
      tpu.wait_indirect_dma semaphore(%arg13 : memref<!tpu.dma_semaphore, #tpu.memory_space<semaphore_mem>>) src(%dma_wait3A_173 : memref<10240x128xf32, #tpu.memory_space<hbm>>) dst(%dma_wait3A_167 : memref<128x128xf32, #tpu.memory_space<vmem>>)
      %add3A_174 = arith.constant 2 : i32
      %add3A_175 = arith.addi %add3A_162, %add3A_174 : i32
      %mul3A_176 = arith.constant 4 : i32
      %mul3A_177 = arith.muli %max3A_74, %mul3A_176 : i32
      %lt3A_178 = arith.cmpi slt, %add3A_175, %mul3A_177 : i32
      %convert_element_type3A_179 = arith.extui %lt3A_178 : i1 to i32
      %cond3A_180 = arith.constant 0 : i32
      %cond3A_181 = arith.cmpi ne, %convert_element_type3A_179, %cond3A_180 : i32
      scf.if %cond3A_181 {
        %add3A_207 = arith.constant 2 : i32
        %add3A_208 = arith.addi %add3A_162, %add3A_207 : i32
        %dma_start3A_209 = arith.constant 0 : i32
        %dma_start3A_210 = arith.constant 0 : i32
        %dma_start3A_211 = arith.constant 0 : i32
        %dma_start3A_212 = tpu.memref_slice %arg10[%dma_start3A_209, %dma_start3A_210, %dma_start3A_211] : memref<4x128x128xf32, #tpu.memory_space<vmem>> -> memref<1x128x128xf32, #tpu.memory_space<vmem>>
        %dma_start3A_213 = tpu.memref_squeeze %dma_start3A_212 : memref<1x128x128xf32, #tpu.memory_space<vmem>> -> memref<128x128xf32, #tpu.memory_space<vmem>>
        %dma_start3A_214 = arith.constant 0 : i32
        %dma_start3A_215 = tpu.memref_slice %arg8[%add3A_208, %dma_start3A_214] : memref<80x128xi32, #tpu.memory_space<vmem>> -> memref<1x128xi32, #tpu.memory_space<vmem>>
        %dma_start3A_216 = tpu.memref_squeeze %dma_start3A_215 : memref<1x128xi32, #tpu.memory_space<vmem>> -> memref<128xi32, #tpu.memory_space<vmem>>
        %dma_start3A_217 = arith.constant 0 : i32
        %dma_start3A_218 = arith.constant 0 : i32
        %dma_start3A_219 = tpu.memref_slice %arg2[%dma_start3A_217, %dma_start3A_218] : memref<10240x128xf32, #tpu.memory_space<hbm>> -> memref<10240x128xf32, #tpu.memory_space<hbm>>
        tpu.enqueue_indirect_dma source(%dma_start3A_219 : memref<10240x128xf32, #tpu.memory_space<hbm>>) target(%dma_start3A_213 : memref<128x128xf32, #tpu.memory_space<vmem>>) offsets(%dma_start3A_216 : memref<128xi32, #tpu.memory_space<vmem>>) semaphore(%arg13 : memref<!tpu.dma_semaphore, #tpu.memory_space<semaphore_mem>>)
      } else {
      }
      %run_scoped3A_182 = arith.constant 2 : i32
      "tpu.region"() ({
        %run_scoped3A_207 = tpu.sem_alloc : memref<!tpu.dma_semaphore, #tpu.memory_space<semaphore_mem>>
        %dma_start3A_208 = arith.constant 0 : i32
        %dma_start3A_209 = arith.constant 0 : i32
        %dma_start3A_210 = tpu.memref_slice %arg10[%run_scoped3A_182, %dma_start3A_208, %dma_start3A_209] : memref<4x128x128xf32, #tpu.memory_space<vmem>> -> memref<1x128x128xf32, #tpu.memory_space<vmem>>
        %dma_start3A_211 = tpu.memref_squeeze %dma_start3A_210 : memref<1x128x128xf32, #tpu.memory_space<vmem>> -> memref<128x128xf32, #tpu.memory_space<vmem>>
        %dma_start3A_212 = arith.constant 0 : i32
        %dma_start3A_213 = tpu.memref_slice %arg9[%add3A_162, %dma_start3A_212] : memref<80x128xi32, #tpu.memory_space<vmem>> -> memref<1x128xi32, #tpu.memory_space<vmem>>
        %dma_start3A_214 = tpu.memref_squeeze %dma_start3A_213 : memref<1x128xi32, #tpu.memory_space<vmem>> -> memref<128xi32, #tpu.memory_space<vmem>>
        %dma_start3A_215 = arith.constant 0 : i32
        %dma_start3A_216 = arith.constant 0 : i32
        %dma_start3A_217 = tpu.memref_slice %arg12[%dma_start3A_215, %dma_start3A_216] : memref<5248x128xf32, #tpu.memory_space<vmem_shared>> -> memref<5248x128xf32, #tpu.memory_space<vmem_shared>>
        tpu.enqueue_indirect_dma source(%dma_start3A_211 : memref<128x128xf32, #tpu.memory_space<vmem>>) target(%dma_start3A_217 : memref<5248x128xf32, #tpu.memory_space<vmem_shared>>) offsets(%dma_start3A_214 : memref<128xi32, #tpu.memory_space<vmem>>) semaphore(%run_scoped3A_207 : memref<!tpu.dma_semaphore, #tpu.memory_space<semaphore_mem>>) {add = true}
        %dma_wait3A_218 = arith.constant 0 : i32
        %dma_wait3A_219 = arith.constant 0 : i32
        %dma_wait3A_220 = tpu.memref_slice %arg10[%run_scoped3A_182, %dma_wait3A_218, %dma_wait3A_219] : memref<4x128x128xf32, #tpu.memory_space<vmem>> -> memref<1x128x128xf32, #tpu.memory_space<vmem>>
        %dma_wait3A_221 = tpu.memref_squeeze %dma_wait3A_220 : memref<1x128x128xf32, #tpu.memory_space<vmem>> -> memref<128x128xf32, #tpu.memory_space<vmem>>
        %dma_wait3A_222 = arith.constant 0 : i32
        %dma_wait3A_223 = tpu.memref_slice %arg9[%add3A_162, %dma_wait3A_222] : memref<80x128xi32, #tpu.memory_space<vmem>> -> memref<1x128xi32, #tpu.memory_space<vmem>>
        %dma_wait3A_224 = tpu.memref_squeeze %dma_wait3A_223 : memref<1x128xi32, #tpu.memory_space<vmem>> -> memref<128xi32, #tpu.memory_space<vmem>>
        %dma_wait3A_225 = arith.constant 0 : i32
        %dma_wait3A_226 = arith.constant 0 : i32
        %dma_wait3A_227 = tpu.memref_slice %arg12[%dma_wait3A_225, %dma_wait3A_226] : memref<5248x128xf32, #tpu.memory_space<vmem_shared>> -> memref<5248x128xf32, #tpu.memory_space<vmem_shared>>
        tpu.wait_indirect_dma semaphore(%run_scoped3A_207 : memref<!tpu.dma_semaphore, #tpu.memory_space<semaphore_mem>>) src(%dma_wait3A_221 : memref<128x128xf32, #tpu.memory_space<vmem>>) dst(%dma_wait3A_227 : memref<5248x128xf32, #tpu.memory_space<vmem_shared>>)
        tpu.yield
      }) : () -> ()
      %mul3A_183 = arith.constant 4 : i32
      %mul3A_184 = arith.muli %while3A_115, %mul3A_183 : i32
      %add3A_185 = arith.constant 3 : i32
      %add3A_186 = arith.addi %mul3A_184, %add3A_185 : i32
      %dma_wait3A_187 = arith.constant 3 : i32
      %dma_wait3A_188 = arith.constant 0 : i32
      %dma_wait3A_189 = arith.constant 0 : i32
      %dma_wait3A_190 = tpu.memref_slice %arg10[%dma_wait3A_187, %dma_wait3A_188, %dma_wait3A_189] : memref<4x128x128xf32, #tpu.memory_space<vmem>> -> memref<1x128x128xf32, #tpu.memory_space<vmem>>
      %dma_wait3A_191 = tpu.memref_squeeze %dma_wait3A_190 : memref<1x128x128xf32, #tpu.memory_space<vmem>> -> memref<128x128xf32, #tpu.memory_space<vmem>>
      %dma_wait3A_192 = arith.constant 0 : i32
      %dma_wait3A_193 = tpu.memref_slice %arg8[%add3A_186, %dma_wait3A_192] : memref<80x128xi32, #tpu.memory_space<vmem>> -> memref<1x128xi32, #tpu.memory_space<vmem>>
      %dma_wait3A_194 = tpu.memref_squeeze %dma_wait3A_193 : memref<1x128xi32, #tpu.memory_space<vmem>> -> memref<128xi32, #tpu.memory_space<vmem>>
      %dma_wait3A_195 = arith.constant 0 : i32
      %dma_wait3A_196 = arith.constant 0 : i32
      %dma_wait3A_197 = tpu.memref_slice %arg2[%dma_wait3A_195, %dma_wait3A_196] : memref<10240x128xf32, #tpu.memory_space<hbm>> -> memref<10240x128xf32, #tpu.memory_space<hbm>>
      tpu.wait_indirect_dma semaphore(%arg14 : memref<!tpu.dma_semaphore, #tpu.memory_space<semaphore_mem>>) src(%dma_wait3A_197 : memref<10240x128xf32, #tpu.memory_space<hbm>>) dst(%dma_wait3A_191 : memref<128x128xf32, #tpu.memory_space<vmem>>)
      %add3A_198 = arith.constant 2 : i32
      %add3A_199 = arith.addi %add3A_186, %add3A_198 : i32
      %mul3A_200 = arith.constant 4 : i32
      %mul3A_201 = arith.muli %max3A_74, %mul3A_200 : i32
      %lt3A_202 = arith.cmpi slt, %add3A_199, %mul3A_201 : i32
      %convert_element_type3A_203 = arith.extui %lt3A_202 : i1 to i32
      %cond3A_204 = arith.constant 0 : i32
      %cond3A_205 = arith.cmpi ne, %convert_element_type3A_203, %cond3A_204 : i32
      scf.if %cond3A_205 {
        %add3A_207 = arith.constant 2 : i32
        %add3A_208 = arith.addi %add3A_186, %add3A_207 : i32
        %dma_start3A_209 = arith.constant 1 : i32
        %dma_start3A_210 = arith.constant 0 : i32
        %dma_start3A_211 = arith.constant 0 : i32
        %dma_start3A_212 = tpu.memref_slice %arg10[%dma_start3A_209, %dma_start3A_210, %dma_start3A_211] : memref<4x128x128xf32, #tpu.memory_space<vmem>> -> memref<1x128x128xf32, #tpu.memory_space<vmem>>
        %dma_start3A_213 = tpu.memref_squeeze %dma_start3A_212 : memref<1x128x128xf32, #tpu.memory_space<vmem>> -> memref<128x128xf32, #tpu.memory_space<vmem>>
        %dma_start3A_214 = arith.constant 0 : i32
        %dma_start3A_215 = tpu.memref_slice %arg8[%add3A_208, %dma_start3A_214] : memref<80x128xi32, #tpu.memory_space<vmem>> -> memref<1x128xi32, #tpu.memory_space<vmem>>
        %dma_start3A_216 = tpu.memref_squeeze %dma_start3A_215 : memref<1x128xi32, #tpu.memory_space<vmem>> -> memref<128xi32, #tpu.memory_space<vmem>>
        %dma_start3A_217 = arith.constant 0 : i32
        %dma_start3A_218 = arith.constant 0 : i32
        %dma_start3A_219 = tpu.memref_slice %arg2[%dma_start3A_217, %dma_start3A_218] : memref<10240x128xf32, #tpu.memory_space<hbm>> -> memref<10240x128xf32, #tpu.memory_space<hbm>>
        tpu.enqueue_indirect_dma source(%dma_start3A_219 : memref<10240x128xf32, #tpu.memory_space<hbm>>) target(%dma_start3A_213 : memref<128x128xf32, #tpu.memory_space<vmem>>) offsets(%dma_start3A_216 : memref<128xi32, #tpu.memory_space<vmem>>) semaphore(%arg14 : memref<!tpu.dma_semaphore, #tpu.memory_space<semaphore_mem>>)
      } else {
      }
      %run_scoped3A_206 = arith.constant 3 : i32
      "tpu.region"() ({
        %run_scoped3A_207 = tpu.sem_alloc : memref<!tpu.dma_semaphore, #tpu.memory_space<semaphore_mem>>
        %dma_start3A_208 = arith.constant 0 : i32
        %dma_start3A_209 = arith.constant 0 : i32
        %dma_start3A_210 = tpu.memref_slice %arg10[%run_scoped3A_206, %dma_start3A_208, %dma_start3A_209] : memref<4x128x128xf32, #tpu.memory_space<vmem>> -> memref<1x128x128xf32, #tpu.memory_space<vmem>>
        %dma_start3A_211 = tpu.memref_squeeze %dma_start3A_210 : memref<1x128x128xf32, #tpu.memory_space<vmem>> -> memref<128x128xf32, #tpu.memory_space<vmem>>
        %dma_start3A_212 = arith.constant 0 : i32
        %dma_start3A_213 = tpu.memref_slice %arg9[%add3A_186, %dma_start3A_212] : memref<80x128xi32, #tpu.memory_space<vmem>> -> memref<1x128xi32, #tpu.memory_space<vmem>>
        %dma_start3A_214 = tpu.memref_squeeze %dma_start3A_213 : memref<1x128xi32, #tpu.memory_space<vmem>> -> memref<128xi32, #tpu.memory_space<vmem>>
        %dma_start3A_215 = arith.constant 0 : i32
        %dma_start3A_216 = arith.constant 0 : i32
        %dma_start3A_217 = tpu.memref_slice %arg12[%dma_start3A_215, %dma_start3A_216] : memref<5248x128xf32, #tpu.memory_space<vmem_shared>> -> memref<5248x128xf32, #tpu.memory_space<vmem_shared>>
        tpu.enqueue_indirect_dma source(%dma_start3A_211 : memref<128x128xf32, #tpu.memory_space<vmem>>) target(%dma_start3A_217 : memref<5248x128xf32, #tpu.memory_space<vmem_shared>>) offsets(%dma_start3A_214 : memref<128xi32, #tpu.memory_space<vmem>>) semaphore(%run_scoped3A_207 : memref<!tpu.dma_semaphore, #tpu.memory_space<semaphore_mem>>) {add = true}
        %dma_wait3A_218 = arith.constant 0 : i32
        %dma_wait3A_219 = arith.constant 0 : i32
        %dma_wait3A_220 = tpu.memref_slice %arg10[%run_scoped3A_206, %dma_wait3A_218, %dma_wait3A_219] : memref<4x128x128xf32, #tpu.memory_space<vmem>> -> memref<1x128x128xf32, #tpu.memory_space<vmem>>
        %dma_wait3A_221 = tpu.memref_squeeze %dma_wait3A_220 : memref<1x128x128xf32, #tpu.memory_space<vmem>> -> memref<128x128xf32, #tpu.memory_space<vmem>>
        %dma_wait3A_222 = arith.constant 0 : i32
        %dma_wait3A_223 = tpu.memref_slice %arg9[%add3A_186, %dma_wait3A_222] : memref<80x128xi32, #tpu.memory_space<vmem>> -> memref<1x128xi32, #tpu.memory_space<vmem>>
        %dma_wait3A_224 = tpu.memref_squeeze %dma_wait3A_223 : memref<1x128xi32, #tpu.memory_space<vmem>> -> memref<128xi32, #tpu.memory_space<vmem>>
        %dma_wait3A_225 = arith.constant 0 : i32
        %dma_wait3A_226 = arith.constant 0 : i32
        %dma_wait3A_227 = tpu.memref_slice %arg12[%dma_wait3A_225, %dma_wait3A_226] : memref<5248x128xf32, #tpu.memory_space<vmem_shared>> -> memref<5248x128xf32, #tpu.memory_space<vmem_shared>>
        tpu.wait_indirect_dma semaphore(%run_scoped3A_207 : memref<!tpu.dma_semaphore, #tpu.memory_space<semaphore_mem>>) src(%dma_wait3A_221 : memref<128x128xf32, #tpu.memory_space<vmem>>) dst(%dma_wait3A_227 : memref<5248x128xf32, #tpu.memory_space<vmem_shared>>)
        tpu.yield
      }) : () -> ()
    }
    %barrier3A_109 = arith.constant 0 : index
    tpu.barrier barrier_id(%barrier3A_109)
    %mul3A_110 = arith.constant 320 : i32
    %mul3A_111 = arith.muli %arg1, %mul3A_110 : i32
    %mul3A_112 = arith.constant 320 : i32
    %mul3A_113 = arith.muli %arg1, %mul3A_112 : i32
    %add3A_114 = arith.addi %mul3A_0, %mul3A_113 : i32
    "tpu.region"() ({
      %run_scoped3A = tpu.sem_alloc : memref<!tpu.dma_semaphore, #tpu.memory_space<semaphore_mem>>
      %dma_start3A_115 = arith.constant 0 : i32
      %dma_start3A_116 = tpu.memref_slice %arg7[%add3A_114, %dma_start3A_115] : memref<10240x128xf32, #tpu.memory_space<hbm>> -> memref<320x128xf32, #tpu.memory_space<hbm>>
      %dma_start3A_117 = arith.constant 0 : i32
      %dma_start3A_118 = tpu.memref_slice %arg12[%mul3A_111, %dma_start3A_117] : memref<5248x128xf32, #tpu.memory_space<vmem_shared>> -> memref<320x128xf32, #tpu.memory_space<vmem_shared>>
      tpu.enqueue_dma source(%dma_start3A_118 : memref<320x128xf32, #tpu.memory_space<vmem_shared>>) target(%dma_start3A_116 : memref<320x128xf32, #tpu.memory_space<hbm>>) target_semaphore(%run_scoped3A : memref<!tpu.dma_semaphore, #tpu.memory_space<semaphore_mem>>)
      %dma_wait3A = arith.constant 0 : i32
      %dma_wait3A_119 = tpu.memref_slice %arg7[%add3A_114, %dma_wait3A] : memref<10240x128xf32, #tpu.memory_space<hbm>> -> memref<320x128xf32, #tpu.memory_space<hbm>>
      %dma_wait3A_120 = arith.constant 0 : i32
      %dma_wait3A_121 = tpu.memref_slice %arg12[%mul3A_111, %dma_wait3A_120] : memref<5248x128xf32, #tpu.memory_space<vmem_shared>> -> memref<320x128xf32, #tpu.memory_space<vmem_shared>>
      tpu.wait_dma2 semaphore(%run_scoped3A : memref<!tpu.dma_semaphore, #tpu.memory_space<semaphore_mem>>) src(%dma_wait3A_121 : memref<320x128xf32, #tpu.memory_space<vmem_shared>>) dst(%dma_wait3A_119 : memref<320x128xf32, #tpu.memory_space<hbm>>)
      tpu.yield
    }) : () -> ()
    return
  }
}

#map = affine_map<(d0, d1) -> (0, 0, 0)>
#map1 = affine_map<(d0, d1) -> (0)>
#map2 = affine_map<(d0, d1) -> (0, 0)>
module attributes {stable_mosaic.version = 14 : i64} {
  func.func @_prep_body(%arg0: i32, %arg1: i32, %arg2: memref<32x80x128xi32, #tpu.memory_space<hbm>>, %arg3: memref<32x80x128xi32, #tpu.memory_space<hbm>>, %arg4: memref<10256xi32, #tpu.memory_space<hbm>>, %arg5: memref<10256xi32, #tpu.memory_space<hbm>>, %arg6: memref<10240xi32, #tpu.memory_space<hbm>>, %arg7: memref<32x2x10240xi32, #tpu.memory_space<hbm>>, %arg8: memref<32x2x10240xi32, #tpu.memory_space<hbm>>, %arg9: memref<32x16xi32, #tpu.memory_space<hbm>>, %arg10: memref<32x10240xi32, #tpu.memory_space<hbm>>, %arg11: memref<32x10240xi32, #tpu.memory_space<hbm>>, %arg12: memref<80x128xi32, #tpu.memory_space<vmem>>, %arg13: memref<80x128xi32, #tpu.memory_space<vmem>>, %arg14: memref<10256xi32, #tpu.memory_space<vmem>>, %arg15: memref<10256xi32, #tpu.memory_space<vmem>>, %arg16: memref<10256xi32, #tpu.memory_space<vmem>>, %arg17: memref<10256xi32, #tpu.memory_space<vmem>>, %arg18: memref<16xi32, #tpu.memory_space<vmem>>, %arg19: memref<10240xi32, #tpu.memory_space<vmem>>, %arg20: memref<10240xi32, #tpu.memory_space<vmem>>) attributes {dimension_semantics = [#tpu.dimension_semantics<core_parallel>, #tpu.dimension_semantics<subcore_parallel>], iteration_bounds = array<i64: 2, 16>, scalar_prefetch = 0 : i64, scratch_operands = 9 : i64, tpu.core_type = #tpu.core_type<sc_vector_subcore>, window_params = [{transform_indices = #map}, {transform_indices = #map}, {transform_indices = #map1}, {transform_indices = #map1}, {transform_indices = #map1}, {transform_indices = #map}, {transform_indices = #map}, {transform_indices = #map2}, {transform_indices = #map2}, {transform_indices = #map2}]} {
    %mul3A = arith.constant 16 : i32
    %mul3A_0 = arith.muli %arg0, %mul3A : i32
    %add3A = arith.addi %mul3A_0, %arg1 : i32
    "tpu.region"() ({
      %run_scoped3A_18 = tpu.sem_alloc : memref<!tpu.dma_semaphore, #tpu.memory_space<semaphore_mem>>
      %dma_start3A = arith.constant 0 : i32
      %dma_start3A_19 = arith.constant 0 : i32
      %dma_start3A_20 = tpu.memref_slice %arg2[%add3A, %dma_start3A, %dma_start3A_19] : memref<32x80x128xi32, #tpu.memory_space<hbm>> -> memref<1x80x128xi32, #tpu.memory_space<hbm>>
      %dma_start3A_21 = tpu.memref_squeeze %dma_start3A_20 : memref<1x80x128xi32, #tpu.memory_space<hbm>> -> memref<80x128xi32, #tpu.memory_space<hbm>>
      %dma_start3A_22 = arith.constant 0 : i32
      %dma_start3A_23 = arith.constant 0 : i32
      %dma_start3A_24 = tpu.memref_slice %arg2[%add3A, %dma_start3A_22, %dma_start3A_23] : memref<32x80x128xi32, #tpu.memory_space<hbm>> -> memref<1x80x128xi32, #tpu.memory_space<hbm>>
      %dma_start3A_25 = tpu.memref_squeeze %dma_start3A_24 : memref<1x80x128xi32, #tpu.memory_space<hbm>> -> memref<80x128xi32, #tpu.memory_space<hbm>>
      tpu.enqueue_dma source(%dma_start3A_25 : memref<80x128xi32, #tpu.memory_space<hbm>>) target(%arg12 : memref<80x128xi32, #tpu.memory_space<vmem>>) target_semaphore(%run_scoped3A_18 : memref<!tpu.dma_semaphore, #tpu.memory_space<semaphore_mem>>)
      %dma_wait3A = arith.constant 0 : i32
      %dma_wait3A_26 = arith.constant 0 : i32
      %dma_wait3A_27 = tpu.memref_slice %arg2[%add3A, %dma_wait3A, %dma_wait3A_26] : memref<32x80x128xi32, #tpu.memory_space<hbm>> -> memref<1x80x128xi32, #tpu.memory_space<hbm>>
      %dma_wait3A_28 = tpu.memref_squeeze %dma_wait3A_27 : memref<1x80x128xi32, #tpu.memory_space<hbm>> -> memref<80x128xi32, #tpu.memory_space<hbm>>
      %dma_wait3A_29 = arith.constant 0 : i32
      %dma_wait3A_30 = arith.constant 0 : i32
      %dma_wait3A_31 = tpu.memref_slice %arg2[%add3A, %dma_wait3A_29, %dma_wait3A_30] : memref<32x80x128xi32, #tpu.memory_space<hbm>> -> memref<1x80x128xi32, #tpu.memory_space<hbm>>
      %dma_wait3A_32 = tpu.memref_squeeze %dma_wait3A_31 : memref<1x80x128xi32, #tpu.memory_space<hbm>> -> memref<80x128xi32, #tpu.memory_space<hbm>>
      tpu.wait_dma2 semaphore(%run_scoped3A_18 : memref<!tpu.dma_semaphore, #tpu.memory_space<semaphore_mem>>) src(%dma_wait3A_32 : memref<80x128xi32, #tpu.memory_space<hbm>>) dst(%arg12 : memref<80x128xi32, #tpu.memory_space<vmem>>)
      tpu.yield
    }) : () -> ()
    "tpu.region"() ({
      %run_scoped3A_18 = tpu.sem_alloc : memref<!tpu.dma_semaphore, #tpu.memory_space<semaphore_mem>>
      %dma_start3A = arith.constant 0 : i32
      %dma_start3A_19 = arith.constant 0 : i32
      %dma_start3A_20 = tpu.memref_slice %arg3[%add3A, %dma_start3A, %dma_start3A_19] : memref<32x80x128xi32, #tpu.memory_space<hbm>> -> memref<1x80x128xi32, #tpu.memory_space<hbm>>
      %dma_start3A_21 = tpu.memref_squeeze %dma_start3A_20 : memref<1x80x128xi32, #tpu.memory_space<hbm>> -> memref<80x128xi32, #tpu.memory_space<hbm>>
      %dma_start3A_22 = arith.constant 0 : i32
      %dma_start3A_23 = arith.constant 0 : i32
      %dma_start3A_24 = tpu.memref_slice %arg3[%add3A, %dma_start3A_22, %dma_start3A_23] : memref<32x80x128xi32, #tpu.memory_space<hbm>> -> memref<1x80x128xi32, #tpu.memory_space<hbm>>
      %dma_start3A_25 = tpu.memref_squeeze %dma_start3A_24 : memref<1x80x128xi32, #tpu.memory_space<hbm>> -> memref<80x128xi32, #tpu.memory_space<hbm>>
      tpu.enqueue_dma source(%dma_start3A_25 : memref<80x128xi32, #tpu.memory_space<hbm>>) target(%arg13 : memref<80x128xi32, #tpu.memory_space<vmem>>) target_semaphore(%run_scoped3A_18 : memref<!tpu.dma_semaphore, #tpu.memory_space<semaphore_mem>>)
      %dma_wait3A = arith.constant 0 : i32
      %dma_wait3A_26 = arith.constant 0 : i32
      %dma_wait3A_27 = tpu.memref_slice %arg3[%add3A, %dma_wait3A, %dma_wait3A_26] : memref<32x80x128xi32, #tpu.memory_space<hbm>> -> memref<1x80x128xi32, #tpu.memory_space<hbm>>
      %dma_wait3A_28 = tpu.memref_squeeze %dma_wait3A_27 : memref<1x80x128xi32, #tpu.memory_space<hbm>> -> memref<80x128xi32, #tpu.memory_space<hbm>>
      %dma_wait3A_29 = arith.constant 0 : i32
      %dma_wait3A_30 = arith.constant 0 : i32
      %dma_wait3A_31 = tpu.memref_slice %arg3[%add3A, %dma_wait3A_29, %dma_wait3A_30] : memref<32x80x128xi32, #tpu.memory_space<hbm>> -> memref<1x80x128xi32, #tpu.memory_space<hbm>>
      %dma_wait3A_32 = tpu.memref_squeeze %dma_wait3A_31 : memref<1x80x128xi32, #tpu.memory_space<hbm>> -> memref<80x128xi32, #tpu.memory_space<hbm>>
      tpu.wait_dma2 semaphore(%run_scoped3A_18 : memref<!tpu.dma_semaphore, #tpu.memory_space<semaphore_mem>>) src(%dma_wait3A_32 : memref<80x128xi32, #tpu.memory_space<hbm>>) dst(%arg13 : memref<80x128xi32, #tpu.memory_space<vmem>>)
      tpu.yield
    }) : () -> ()
    "tpu.region"() ({
      %run_scoped3A_18 = tpu.sem_alloc : memref<!tpu.dma_semaphore, #tpu.memory_space<semaphore_mem>>
      tpu.enqueue_dma source(%arg4 : memref<10256xi32, #tpu.memory_space<hbm>>) target(%arg14 : memref<10256xi32, #tpu.memory_space<vmem>>) target_semaphore(%run_scoped3A_18 : memref<!tpu.dma_semaphore, #tpu.memory_space<semaphore_mem>>)
      tpu.wait_dma2 semaphore(%run_scoped3A_18 : memref<!tpu.dma_semaphore, #tpu.memory_space<semaphore_mem>>) src(%arg4 : memref<10256xi32, #tpu.memory_space<hbm>>) dst(%arg14 : memref<10256xi32, #tpu.memory_space<vmem>>)
      tpu.yield
    }) : () -> ()
    "tpu.region"() ({
      %run_scoped3A_18 = tpu.sem_alloc : memref<!tpu.dma_semaphore, #tpu.memory_space<semaphore_mem>>
      tpu.enqueue_dma source(%arg4 : memref<10256xi32, #tpu.memory_space<hbm>>) target(%arg15 : memref<10256xi32, #tpu.memory_space<vmem>>) target_semaphore(%run_scoped3A_18 : memref<!tpu.dma_semaphore, #tpu.memory_space<semaphore_mem>>)
      tpu.wait_dma2 semaphore(%run_scoped3A_18 : memref<!tpu.dma_semaphore, #tpu.memory_space<semaphore_mem>>) src(%arg4 : memref<10256xi32, #tpu.memory_space<hbm>>) dst(%arg15 : memref<10256xi32, #tpu.memory_space<vmem>>)
      tpu.yield
    }) : () -> ()
    "tpu.region"() ({
      %run_scoped3A_18 = tpu.sem_alloc : memref<!tpu.dma_semaphore, #tpu.memory_space<semaphore_mem>>
      tpu.enqueue_dma source(%arg5 : memref<10256xi32, #tpu.memory_space<hbm>>) target(%arg16 : memref<10256xi32, #tpu.memory_space<vmem>>) target_semaphore(%run_scoped3A_18 : memref<!tpu.dma_semaphore, #tpu.memory_space<semaphore_mem>>)
      tpu.wait_dma2 semaphore(%run_scoped3A_18 : memref<!tpu.dma_semaphore, #tpu.memory_space<semaphore_mem>>) src(%arg5 : memref<10256xi32, #tpu.memory_space<hbm>>) dst(%arg16 : memref<10256xi32, #tpu.memory_space<vmem>>)
      tpu.yield
    }) : () -> ()
    "tpu.region"() ({
      %run_scoped3A_18 = tpu.sem_alloc : memref<!tpu.dma_semaphore, #tpu.memory_space<semaphore_mem>>
      tpu.enqueue_dma source(%arg5 : memref<10256xi32, #tpu.memory_space<hbm>>) target(%arg17 : memref<10256xi32, #tpu.memory_space<vmem>>) target_semaphore(%run_scoped3A_18 : memref<!tpu.dma_semaphore, #tpu.memory_space<semaphore_mem>>)
      tpu.wait_dma2 semaphore(%run_scoped3A_18 : memref<!tpu.dma_semaphore, #tpu.memory_space<semaphore_mem>>) src(%arg5 : memref<10256xi32, #tpu.memory_space<hbm>>) dst(%arg17 : memref<10256xi32, #tpu.memory_space<vmem>>)
      tpu.yield
    }) : () -> ()
    "tpu.region"() ({
      %run_scoped3A_18 = tpu.sem_alloc : memref<!tpu.dma_semaphore, #tpu.memory_space<semaphore_mem>>
      tpu.enqueue_dma source(%arg6 : memref<10240xi32, #tpu.memory_space<hbm>>) target(%arg19 : memref<10240xi32, #tpu.memory_space<vmem>>) target_semaphore(%run_scoped3A_18 : memref<!tpu.dma_semaphore, #tpu.memory_space<semaphore_mem>>)
      tpu.wait_dma2 semaphore(%run_scoped3A_18 : memref<!tpu.dma_semaphore, #tpu.memory_space<semaphore_mem>>) src(%arg6 : memref<10240xi32, #tpu.memory_space<hbm>>) dst(%arg19 : memref<10240xi32, #tpu.memory_space<vmem>>)
      tpu.yield
    }) : () -> ()
    "tpu.region"() ({
      %run_scoped3A_18 = tpu.sem_alloc : memref<!tpu.dma_semaphore, #tpu.memory_space<semaphore_mem>>
      tpu.enqueue_dma source(%arg6 : memref<10240xi32, #tpu.memory_space<hbm>>) target(%arg20 : memref<10240xi32, #tpu.memory_space<vmem>>) target_semaphore(%run_scoped3A_18 : memref<!tpu.dma_semaphore, #tpu.memory_space<semaphore_mem>>)
      tpu.wait_dma2 semaphore(%run_scoped3A_18 : memref<!tpu.dma_semaphore, #tpu.memory_space<semaphore_mem>>) src(%arg6 : memref<10240xi32, #tpu.memory_space<hbm>>) dst(%arg20 : memref<10240xi32, #tpu.memory_space<vmem>>)
      tpu.yield
    }) : () -> ()
    %broadcast_in_dim3A = arith.constant 0 : i32
    %broadcast_in_dim3A_1 = vector.broadcast %broadcast_in_dim3A : i32 to vector<16xi32>
    %scan3A = arith.constant 0 : i32
    %scan3A_2 = arith.constant 80 : i32
    %scan3A_3 = arith.addi %scan3A, %scan3A_2 : i32
    %scan3A_4 = arith.constant 1 : i32
    %scan3A_5:2 = scf.for %scan3A_18 = %scan3A to %scan3A_3 step %scan3A_4 iter_args(%scan3A_19 = %broadcast_in_dim3A_1, %scan3A_20 = %broadcast_in_dim3A_1) -> (vector<16xi32>, vector<16xi32>)  : i32 {
      %get3A = arith.constant 0 : i32
      %get3A_21 = tpu.memref_slice %arg12[%scan3A_18, %get3A] : memref<80x128xi32, #tpu.memory_space<vmem>> -> memref<1x128xi32, #tpu.memory_space<vmem>>
      %get3A_22 = tpu.memref_squeeze %get3A_21 : memref<1x128xi32, #tpu.memory_space<vmem>> -> memref<128xi32, #tpu.memory_space<vmem>>
      %get3A_23 = arith.constant 0 : index
      %get3A_24 = tpu.vector_load %get3A_22[%get3A_23] {strides = array<i32>} : memref<128xi32, #tpu.memory_space<vmem>>, vector<16xi32>,
      %get3A_25 = arith.constant 0 : i32
      %get3A_26 = tpu.memref_slice %arg13[%scan3A_18, %get3A_25] : memref<80x128xi32, #tpu.memory_space<vmem>> -> memref<1x128xi32, #tpu.memory_space<vmem>>
      %get3A_27 = tpu.memref_squeeze %get3A_26 : memref<1x128xi32, #tpu.memory_space<vmem>> -> memref<128xi32, #tpu.memory_space<vmem>>
      %get3A_28 = arith.constant 0 : index
      %get3A_29 = tpu.vector_load %get3A_27[%get3A_28] {strides = array<i32>} : memref<128xi32, #tpu.memory_space<vmem>>, vector<16xi32>,
      %broadcast_in_dim3A_30 = arith.constant true
      %broadcast_in_dim3A_31 = vector.broadcast %broadcast_in_dim3A_30 : i1 to vector<16xi1>
      %unique3A, %unique3A_32 = tpu.scan_count mask(%broadcast_in_dim3A_31 : vector<16xi1>) value(%get3A_24 : vector<16xi32>) : vector<16xi1>, vector<16xi32>
      tpu.vector_store_idx %arg19[%get3A_24], %unique3A_32 masked %unique3A {add = true} : memref<10240xi32, #tpu.memory_space<vmem>>[vector<16xi32>], vector<16xi32>, vector<16xi1>
      %broadcast_in_dim3A_33 = arith.constant true
      %broadcast_in_dim3A_34 = vector.broadcast %broadcast_in_dim3A_33 : i1 to vector<16xi1>
      %unique3A_35, %unique3A_36 = tpu.scan_count mask(%broadcast_in_dim3A_34 : vector<16xi1>) value(%get3A_29 : vector<16xi32>) : vector<16xi1>, vector<16xi32>
      tpu.vector_store_idx %arg20[%get3A_29], %unique3A_36 masked %unique3A_35 {add = true} : memref<10240xi32, #tpu.memory_space<vmem>>[vector<16xi32>], vector<16xi32>, vector<16xi1>
      %lt3A = arith.constant 5120 : i32
      %lt3A_37 = vector.broadcast %lt3A : i32 to vector<16xi32>
      %lt3A_38 = arith.cmpi slt, %get3A_29, %lt3A_37 : vector<16xi32>
      %jit3A_39 = arith.constant 1 : i32
      %jit3A_40 = arith.constant 0 : i32
      %broadcast_in_dim3A_41 = vector.broadcast %jit3A_39 : i32 to vector<16xi32>
      %broadcast_in_dim3A_42 = vector.broadcast %jit3A_40 : i32 to vector<16xi32>
      %select_n3A_43 = arith.select %lt3A_38, %broadcast_in_dim3A_41, %broadcast_in_dim3A_42 : vector<16xi1>, vector<16xi32>
      %broadcast_in_dim3A_44 = arith.constant true
      %broadcast_in_dim3A_45 = vector.broadcast %broadcast_in_dim3A_44 : i1 to vector<16xi1>
      %masked_cumsum3A = tpu.scan <sum>, %select_n3A_43 masked %broadcast_in_dim3A_45 : vector<16xi32>, vector<16xi1> -> vector<16xi32>
      %add3A_46 = arith.addi %scan3A_19, %masked_cumsum3A : vector<16xi32>
      %sub3A = arith.constant 1 : i32
      %sub3A_47 = vector.broadcast %sub3A : i32 to vector<16xi32>
      %sub3A_48 = arith.subi %add3A_46, %sub3A_47 : vector<16xi32>
      tpu.vector_store_idx %arg14[%sub3A_48], %get3A_24 masked %lt3A_38 : memref<10256xi32, #tpu.memory_space<vmem>>[vector<16xi32>], vector<16xi32>, vector<16xi1>
      tpu.vector_store_idx %arg16[%sub3A_48], %get3A_29 masked %lt3A_38 : memref<10256xi32, #tpu.memory_space<vmem>>[vector<16xi32>], vector<16xi32>, vector<16xi1>
      %all_reduce_population_count3A = tpu.all_reduce %lt3A_38 {dim = 0 : i64, kind = #tpu.reduction_kind<sum>} : vector<16xi1> -> vector<16xi32>
      %add3A_49 = arith.addi %scan3A_19, %all_reduce_population_count3A : vector<16xi32>
      %not3A = arith.constant dense<true> : vector<16xi1>
      %not3A_50 = arith.xori %lt3A_38, %not3A : vector<16xi1>
      %jit3A_51 = arith.constant 1 : i32
      %jit3A_52 = arith.constant 0 : i32
      %broadcast_in_dim3A_53 = vector.broadcast %jit3A_51 : i32 to vector<16xi32>
      %broadcast_in_dim3A_54 = vector.broadcast %jit3A_52 : i32 to vector<16xi32>
      %select_n3A_55 = arith.select %not3A_50, %broadcast_in_dim3A_53, %broadcast_in_dim3A_54 : vector<16xi1>, vector<16xi32>
      %broadcast_in_dim3A_56 = arith.constant true
      %broadcast_in_dim3A_57 = vector.broadcast %broadcast_in_dim3A_56 : i1 to vector<16xi1>
      %masked_cumsum3A_58 = tpu.scan <sum>, %select_n3A_55 masked %broadcast_in_dim3A_57 : vector<16xi32>, vector<16xi1> -> vector<16xi32>
      %add3A_59 = arith.addi %scan3A_20, %masked_cumsum3A_58 : vector<16xi32>
      %sub3A_60 = arith.constant 1 : i32
      %sub3A_61 = vector.broadcast %sub3A_60 : i32 to vector<16xi32>
      %sub3A_62 = arith.subi %add3A_59, %sub3A_61 : vector<16xi32>
      tpu.vector_store_idx %arg15[%sub3A_62], %get3A_24 masked %not3A_50 : memref<10256xi32, #tpu.memory_space<vmem>>[vector<16xi32>], vector<16xi32>, vector<16xi1>
      %sub3A_63 = arith.constant 5120 : i32
      %sub3A_64 = vector.broadcast %sub3A_63 : i32 to vector<16xi32>
      %sub3A_65 = arith.subi %get3A_29, %sub3A_64 : vector<16xi32>
      tpu.vector_store_idx %arg17[%sub3A_62], %sub3A_65 masked %not3A_50 : memref<10256xi32, #tpu.memory_space<vmem>>[vector<16xi32>], vector<16xi32>, vector<16xi1>
      %all_reduce_population_count3A_66 = tpu.all_reduce %not3A_50 {dim = 0 : i64, kind = #tpu.reduction_kind<sum>} : vector<16xi1> -> vector<16xi32>
      %add3A_67 = arith.addi %scan3A_20, %all_reduce_population_count3A_66 : vector<16xi32>
      %get3A_68 = arith.constant 0 : i32
      %get3A_69 = tpu.memref_slice %arg12[%scan3A_18, %get3A_68] : memref<80x128xi32, #tpu.memory_space<vmem>> -> memref<1x128xi32, #tpu.memory_space<vmem>>
      %get3A_70 = tpu.memref_squeeze %get3A_69 : memref<1x128xi32, #tpu.memory_space<vmem>> -> memref<128xi32, #tpu.memory_space<vmem>>
      %get3A_71 = arith.constant 16 : index
      %get3A_72 = tpu.vector_load %get3A_70[%get3A_71] {strides = array<i32>} : memref<128xi32, #tpu.memory_space<vmem>>, vector<16xi32>,
      %get3A_73 = arith.constant 0 : i32
      %get3A_74 = tpu.memref_slice %arg13[%scan3A_18, %get3A_73] : memref<80x128xi32, #tpu.memory_space<vmem>> -> memref<1x128xi32, #tpu.memory_space<vmem>>
      %get3A_75 = tpu.memref_squeeze %get3A_74 : memref<1x128xi32, #tpu.memory_space<vmem>> -> memref<128xi32, #tpu.memory_space<vmem>>
      %get3A_76 = arith.constant 16 : index
      %get3A_77 = tpu.vector_load %get3A_75[%get3A_76] {strides = array<i32>} : memref<128xi32, #tpu.memory_space<vmem>>, vector<16xi32>,
      %broadcast_in_dim3A_78 = arith.constant true
      %broadcast_in_dim3A_79 = vector.broadcast %broadcast_in_dim3A_78 : i1 to vector<16xi1>
      %unique3A_80, %unique3A_81 = tpu.scan_count mask(%broadcast_in_dim3A_79 : vector<16xi1>) value(%get3A_72 : vector<16xi32>) : vector<16xi1>, vector<16xi32>
      tpu.vector_store_idx %arg19[%get3A_72], %unique3A_81 masked %unique3A_80 {add = true} : memref<10240xi32, #tpu.memory_space<vmem>>[vector<16xi32>], vector<16xi32>, vector<16xi1>
      %broadcast_in_dim3A_82 = arith.constant true
      %broadcast_in_dim3A_83 = vector.broadcast %broadcast_in_dim3A_82 : i1 to vector<16xi1>
      %unique3A_84, %unique3A_85 = tpu.scan_count mask(%broadcast_in_dim3A_83 : vector<16xi1>) value(%get3A_77 : vector<16xi32>) : vector<16xi1>, vector<16xi32>
      tpu.vector_store_idx %arg20[%get3A_77], %unique3A_85 masked %unique3A_84 {add = true} : memref<10240xi32, #tpu.memory_space<vmem>>[vector<16xi32>], vector<16xi32>, vector<16xi1>
      %lt3A_86 = arith.constant 5120 : i32
      %lt3A_87 = vector.broadcast %lt3A_86 : i32 to vector<16xi32>
      %lt3A_88 = arith.cmpi slt, %get3A_77, %lt3A_87 : vector<16xi32>
      %jit3A_89 = arith.constant 1 : i32
      %jit3A_90 = arith.constant 0 : i32
      %broadcast_in_dim3A_91 = vector.broadcast %jit3A_89 : i32 to vector<16xi32>
      %broadcast_in_dim3A_92 = vector.broadcast %jit3A_90 : i32 to vector<16xi32>
      %select_n3A_93 = arith.select %lt3A_88, %broadcast_in_dim3A_91, %broadcast_in_dim3A_92 : vector<16xi1>, vector<16xi32>
      %broadcast_in_dim3A_94 = arith.constant true
      %broadcast_in_dim3A_95 = vector.broadcast %broadcast_in_dim3A_94 : i1 to vector<16xi1>
      %masked_cumsum3A_96 = tpu.scan <sum>, %select_n3A_93 masked %broadcast_in_dim3A_95 : vector<16xi32>, vector<16xi1> -> vector<16xi32>
      %add3A_97 = arith.addi %add3A_49, %masked_cumsum3A_96 : vector<16xi32>
      %sub3A_98 = arith.constant 1 : i32
      %sub3A_99 = vector.broadcast %sub3A_98 : i32 to vector<16xi32>
      %sub3A_100 = arith.subi %add3A_97, %sub3A_99 : vector<16xi32>
      tpu.vector_store_idx %arg14[%sub3A_100], %get3A_72 masked %lt3A_88 : memref<10256xi32, #tpu.memory_space<vmem>>[vector<16xi32>], vector<16xi32>, vector<16xi1>
      tpu.vector_store_idx %arg16[%sub3A_100], %get3A_77 masked %lt3A_88 : memref<10256xi32, #tpu.memory_space<vmem>>[vector<16xi32>], vector<16xi32>, vector<16xi1>
      %all_reduce_population_count3A_101 = tpu.all_reduce %lt3A_88 {dim = 0 : i64, kind = #tpu.reduction_kind<sum>} : vector<16xi1> -> vector<16xi32>
      %add3A_102 = arith.addi %add3A_49, %all_reduce_population_count3A_101 : vector<16xi32>
      %not3A_103 = arith.constant dense<true> : vector<16xi1>
      %not3A_104 = arith.xori %lt3A_88, %not3A_103 : vector<16xi1>
      %jit3A_105 = arith.constant 1 : i32
      %jit3A_106 = arith.constant 0 : i32
      %broadcast_in_dim3A_107 = vector.broadcast %jit3A_105 : i32 to vector<16xi32>
      %broadcast_in_dim3A_108 = vector.broadcast %jit3A_106 : i32 to vector<16xi32>
      %select_n3A_109 = arith.select %not3A_104, %broadcast_in_dim3A_107, %broadcast_in_dim3A_108 : vector<16xi1>, vector<16xi32>
      %broadcast_in_dim3A_110 = arith.constant true
      %broadcast_in_dim3A_111 = vector.broadcast %broadcast_in_dim3A_110 : i1 to vector<16xi1>
      %masked_cumsum3A_112 = tpu.scan <sum>, %select_n3A_109 masked %broadcast_in_dim3A_111 : vector<16xi32>, vector<16xi1> -> vector<16xi32>
      %add3A_113 = arith.addi %add3A_67, %masked_cumsum3A_112 : vector<16xi32>
      %sub3A_114 = arith.constant 1 : i32
      %sub3A_115 = vector.broadcast %sub3A_114 : i32 to vector<16xi32>
      %sub3A_116 = arith.subi %add3A_113, %sub3A_115 : vector<16xi32>
      tpu.vector_store_idx %arg15[%sub3A_116], %get3A_72 masked %not3A_104 : memref<10256xi32, #tpu.memory_space<vmem>>[vector<16xi32>], vector<16xi32>, vector<16xi1>
      %sub3A_117 = arith.constant 5120 : i32
      %sub3A_118 = vector.broadcast %sub3A_117 : i32 to vector<16xi32>
      %sub3A_119 = arith.subi %get3A_77, %sub3A_118 : vector<16xi32>
      tpu.vector_store_idx %arg17[%sub3A_116], %sub3A_119 masked %not3A_104 : memref<10256xi32, #tpu.memory_space<vmem>>[vector<16xi32>], vector<16xi32>, vector<16xi1>
      %all_reduce_population_count3A_120 = tpu.all_reduce %not3A_104 {dim = 0 : i64, kind = #tpu.reduction_kind<sum>} : vector<16xi1> -> vector<16xi32>
      %add3A_121 = arith.addi %add3A_67, %all_reduce_population_count3A_120 : vector<16xi32>
      %get3A_122 = arith.constant 0 : i32
      %get3A_123 = tpu.memref_slice %arg12[%scan3A_18, %get3A_122] : memref<80x128xi32, #tpu.memory_space<vmem>> -> memref<1x128xi32, #tpu.memory_space<vmem>>
      %get3A_124 = tpu.memref_squeeze %get3A_123 : memref<1x128xi32, #tpu.memory_space<vmem>> -> memref<128xi32, #tpu.memory_space<vmem>>
      %get3A_125 = arith.constant 32 : index
      %get3A_126 = tpu.vector_load %get3A_124[%get3A_125] {strides = array<i32>} : memref<128xi32, #tpu.memory_space<vmem>>, vector<16xi32>,
      %get3A_127 = arith.constant 0 : i32
      %get3A_128 = tpu.memref_slice %arg13[%scan3A_18, %get3A_127] : memref<80x128xi32, #tpu.memory_space<vmem>> -> memref<1x128xi32, #tpu.memory_space<vmem>>
      %get3A_129 = tpu.memref_squeeze %get3A_128 : memref<1x128xi32, #tpu.memory_space<vmem>> -> memref<128xi32, #tpu.memory_space<vmem>>
      %get3A_130 = arith.constant 32 : index
      %get3A_131 = tpu.vector_load %get3A_129[%get3A_130] {strides = array<i32>} : memref<128xi32, #tpu.memory_space<vmem>>, vector<16xi32>,
      %broadcast_in_dim3A_132 = arith.constant true
      %broadcast_in_dim3A_133 = vector.broadcast %broadcast_in_dim3A_132 : i1 to vector<16xi1>
      %unique3A_134, %unique3A_135 = tpu.scan_count mask(%broadcast_in_dim3A_133 : vector<16xi1>) value(%get3A_126 : vector<16xi32>) : vector<16xi1>, vector<16xi32>
      tpu.vector_store_idx %arg19[%get3A_126], %unique3A_135 masked %unique3A_134 {add = true} : memref<10240xi32, #tpu.memory_space<vmem>>[vector<16xi32>], vector<16xi32>, vector<16xi1>
      %broadcast_in_dim3A_136 = arith.constant true
      %broadcast_in_dim3A_137 = vector.broadcast %broadcast_in_dim3A_136 : i1 to vector<16xi1>
      %unique3A_138, %unique3A_139 = tpu.scan_count mask(%broadcast_in_dim3A_137 : vector<16xi1>) value(%get3A_131 : vector<16xi32>) : vector<16xi1>, vector<16xi32>
      tpu.vector_store_idx %arg20[%get3A_131], %unique3A_139 masked %unique3A_138 {add = true} : memref<10240xi32, #tpu.memory_space<vmem>>[vector<16xi32>], vector<16xi32>, vector<16xi1>
      %lt3A_140 = arith.constant 5120 : i32
      %lt3A_141 = vector.broadcast %lt3A_140 : i32 to vector<16xi32>
      %lt3A_142 = arith.cmpi slt, %get3A_131, %lt3A_141 : vector<16xi32>
      %jit3A_143 = arith.constant 1 : i32
      %jit3A_144 = arith.constant 0 : i32
      %broadcast_in_dim3A_145 = vector.broadcast %jit3A_143 : i32 to vector<16xi32>
      %broadcast_in_dim3A_146 = vector.broadcast %jit3A_144 : i32 to vector<16xi32>
      %select_n3A_147 = arith.select %lt3A_142, %broadcast_in_dim3A_145, %broadcast_in_dim3A_146 : vector<16xi1>, vector<16xi32>
      %broadcast_in_dim3A_148 = arith.constant true
      %broadcast_in_dim3A_149 = vector.broadcast %broadcast_in_dim3A_148 : i1 to vector<16xi1>
      %masked_cumsum3A_150 = tpu.scan <sum>, %select_n3A_147 masked %broadcast_in_dim3A_149 : vector<16xi32>, vector<16xi1> -> vector<16xi32>
      %add3A_151 = arith.addi %add3A_102, %masked_cumsum3A_150 : vector<16xi32>
      %sub3A_152 = arith.constant 1 : i32
      %sub3A_153 = vector.broadcast %sub3A_152 : i32 to vector<16xi32>
      %sub3A_154 = arith.subi %add3A_151, %sub3A_153 : vector<16xi32>
      tpu.vector_store_idx %arg14[%sub3A_154], %get3A_126 masked %lt3A_142 : memref<10256xi32, #tpu.memory_space<vmem>>[vector<16xi32>], vector<16xi32>, vector<16xi1>
      tpu.vector_store_idx %arg16[%sub3A_154], %get3A_131 masked %lt3A_142 : memref<10256xi32, #tpu.memory_space<vmem>>[vector<16xi32>], vector<16xi32>, vector<16xi1>
      %all_reduce_population_count3A_155 = tpu.all_reduce %lt3A_142 {dim = 0 : i64, kind = #tpu.reduction_kind<sum>} : vector<16xi1> -> vector<16xi32>
      %add3A_156 = arith.addi %add3A_102, %all_reduce_population_count3A_155 : vector<16xi32>
      %not3A_157 = arith.constant dense<true> : vector<16xi1>
      %not3A_158 = arith.xori %lt3A_142, %not3A_157 : vector<16xi1>
      %jit3A_159 = arith.constant 1 : i32
      %jit3A_160 = arith.constant 0 : i32
      %broadcast_in_dim3A_161 = vector.broadcast %jit3A_159 : i32 to vector<16xi32>
      %broadcast_in_dim3A_162 = vector.broadcast %jit3A_160 : i32 to vector<16xi32>
      %select_n3A_163 = arith.select %not3A_158, %broadcast_in_dim3A_161, %broadcast_in_dim3A_162 : vector<16xi1>, vector<16xi32>
      %broadcast_in_dim3A_164 = arith.constant true
      %broadcast_in_dim3A_165 = vector.broadcast %broadcast_in_dim3A_164 : i1 to vector<16xi1>
      %masked_cumsum3A_166 = tpu.scan <sum>, %select_n3A_163 masked %broadcast_in_dim3A_165 : vector<16xi32>, vector<16xi1> -> vector<16xi32>
      %add3A_167 = arith.addi %add3A_121, %masked_cumsum3A_166 : vector<16xi32>
      %sub3A_168 = arith.constant 1 : i32
      %sub3A_169 = vector.broadcast %sub3A_168 : i32 to vector<16xi32>
      %sub3A_170 = arith.subi %add3A_167, %sub3A_169 : vector<16xi32>
      tpu.vector_store_idx %arg15[%sub3A_170], %get3A_126 masked %not3A_158 : memref<10256xi32, #tpu.memory_space<vmem>>[vector<16xi32>], vector<16xi32>, vector<16xi1>
      %sub3A_171 = arith.constant 5120 : i32
      %sub3A_172 = vector.broadcast %sub3A_171 : i32 to vector<16xi32>
      %sub3A_173 = arith.subi %get3A_131, %sub3A_172 : vector<16xi32>
      tpu.vector_store_idx %arg17[%sub3A_170], %sub3A_173 masked %not3A_158 : memref<10256xi32, #tpu.memory_space<vmem>>[vector<16xi32>], vector<16xi32>, vector<16xi1>
      %all_reduce_population_count3A_174 = tpu.all_reduce %not3A_158 {dim = 0 : i64, kind = #tpu.reduction_kind<sum>} : vector<16xi1> -> vector<16xi32>
      %add3A_175 = arith.addi %add3A_121, %all_reduce_population_count3A_174 : vector<16xi32>
      %get3A_176 = arith.constant 0 : i32
      %get3A_177 = tpu.memref_slice %arg12[%scan3A_18, %get3A_176] : memref<80x128xi32, #tpu.memory_space<vmem>> -> memref<1x128xi32, #tpu.memory_space<vmem>>
      %get3A_178 = tpu.memref_squeeze %get3A_177 : memref<1x128xi32, #tpu.memory_space<vmem>> -> memref<128xi32, #tpu.memory_space<vmem>>
      %get3A_179 = arith.constant 48 : index
      %get3A_180 = tpu.vector_load %get3A_178[%get3A_179] {strides = array<i32>} : memref<128xi32, #tpu.memory_space<vmem>>, vector<16xi32>,
      %get3A_181 = arith.constant 0 : i32
      %get3A_182 = tpu.memref_slice %arg13[%scan3A_18, %get3A_181] : memref<80x128xi32, #tpu.memory_space<vmem>> -> memref<1x128xi32, #tpu.memory_space<vmem>>
      %get3A_183 = tpu.memref_squeeze %get3A_182 : memref<1x128xi32, #tpu.memory_space<vmem>> -> memref<128xi32, #tpu.memory_space<vmem>>
      %get3A_184 = arith.constant 48 : index
      %get3A_185 = tpu.vector_load %get3A_183[%get3A_184] {strides = array<i32>} : memref<128xi32, #tpu.memory_space<vmem>>, vector<16xi32>,
      %broadcast_in_dim3A_186 = arith.constant true
      %broadcast_in_dim3A_187 = vector.broadcast %broadcast_in_dim3A_186 : i1 to vector<16xi1>
      %unique3A_188, %unique3A_189 = tpu.scan_count mask(%broadcast_in_dim3A_187 : vector<16xi1>) value(%get3A_180 : vector<16xi32>) : vector<16xi1>, vector<16xi32>
      tpu.vector_store_idx %arg19[%get3A_180], %unique3A_189 masked %unique3A_188 {add = true} : memref<10240xi32, #tpu.memory_space<vmem>>[vector<16xi32>], vector<16xi32>, vector<16xi1>
      %broadcast_in_dim3A_190 = arith.constant true
      %broadcast_in_dim3A_191 = vector.broadcast %broadcast_in_dim3A_190 : i1 to vector<16xi1>
      %unique3A_192, %unique3A_193 = tpu.scan_count mask(%broadcast_in_dim3A_191 : vector<16xi1>) value(%get3A_185 : vector<16xi32>) : vector<16xi1>, vector<16xi32>
      tpu.vector_store_idx %arg20[%get3A_185], %unique3A_193 masked %unique3A_192 {add = true} : memref<10240xi32, #tpu.memory_space<vmem>>[vector<16xi32>], vector<16xi32>, vector<16xi1>
      %lt3A_194 = arith.constant 5120 : i32
      %lt3A_195 = vector.broadcast %lt3A_194 : i32 to vector<16xi32>
      %lt3A_196 = arith.cmpi slt, %get3A_185, %lt3A_195 : vector<16xi32>
      %jit3A_197 = arith.constant 1 : i32
      %jit3A_198 = arith.constant 0 : i32
      %broadcast_in_dim3A_199 = vector.broadcast %jit3A_197 : i32 to vector<16xi32>
      %broadcast_in_dim3A_200 = vector.broadcast %jit3A_198 : i32 to vector<16xi32>
      %select_n3A_201 = arith.select %lt3A_196, %broadcast_in_dim3A_199, %broadcast_in_dim3A_200 : vector<16xi1>, vector<16xi32>
      %broadcast_in_dim3A_202 = arith.constant true
      %broadcast_in_dim3A_203 = vector.broadcast %broadcast_in_dim3A_202 : i1 to vector<16xi1>
      %masked_cumsum3A_204 = tpu.scan <sum>, %select_n3A_201 masked %broadcast_in_dim3A_203 : vector<16xi32>, vector<16xi1> -> vector<16xi32>
      %add3A_205 = arith.addi %add3A_156, %masked_cumsum3A_204 : vector<16xi32>
      %sub3A_206 = arith.constant 1 : i32
      %sub3A_207 = vector.broadcast %sub3A_206 : i32 to vector<16xi32>
      %sub3A_208 = arith.subi %add3A_205, %sub3A_207 : vector<16xi32>
      tpu.vector_store_idx %arg14[%sub3A_208], %get3A_180 masked %lt3A_196 : memref<10256xi32, #tpu.memory_space<vmem>>[vector<16xi32>], vector<16xi32>, vector<16xi1>
      tpu.vector_store_idx %arg16[%sub3A_208], %get3A_185 masked %lt3A_196 : memref<10256xi32, #tpu.memory_space<vmem>>[vector<16xi32>], vector<16xi32>, vector<16xi1>
      %all_reduce_population_count3A_209 = tpu.all_reduce %lt3A_196 {dim = 0 : i64, kind = #tpu.reduction_kind<sum>} : vector<16xi1> -> vector<16xi32>
      %add3A_210 = arith.addi %add3A_156, %all_reduce_population_count3A_209 : vector<16xi32>
      %not3A_211 = arith.constant dense<true> : vector<16xi1>
      %not3A_212 = arith.xori %lt3A_196, %not3A_211 : vector<16xi1>
      %jit3A_213 = arith.constant 1 : i32
      %jit3A_214 = arith.constant 0 : i32
      %broadcast_in_dim3A_215 = vector.broadcast %jit3A_213 : i32 to vector<16xi32>
      %broadcast_in_dim3A_216 = vector.broadcast %jit3A_214 : i32 to vector<16xi32>
      %select_n3A_217 = arith.select %not3A_212, %broadcast_in_dim3A_215, %broadcast_in_dim3A_216 : vector<16xi1>, vector<16xi32>
      %broadcast_in_dim3A_218 = arith.constant true
      %broadcast_in_dim3A_219 = vector.broadcast %broadcast_in_dim3A_218 : i1 to vector<16xi1>
      %masked_cumsum3A_220 = tpu.scan <sum>, %select_n3A_217 masked %broadcast_in_dim3A_219 : vector<16xi32>, vector<16xi1> -> vector<16xi32>
      %add3A_221 = arith.addi %add3A_175, %masked_cumsum3A_220 : vector<16xi32>
      %sub3A_222 = arith.constant 1 : i32
      %sub3A_223 = vector.broadcast %sub3A_222 : i32 to vector<16xi32>
      %sub3A_224 = arith.subi %add3A_221, %sub3A_223 : vector<16xi32>
      tpu.vector_store_idx %arg15[%sub3A_224], %get3A_180 masked %not3A_212 : memref<10256xi32, #tpu.memory_space<vmem>>[vector<16xi32>], vector<16xi32>, vector<16xi1>
      %sub3A_225 = arith.constant 5120 : i32
      %sub3A_226 = vector.broadcast %sub3A_225 : i32 to vector<16xi32>
      %sub3A_227 = arith.subi %get3A_185, %sub3A_226 : vector<16xi32>
      tpu.vector_store_idx %arg17[%sub3A_224], %sub3A_227 masked %not3A_212 : memref<10256xi32, #tpu.memory_space<vmem>>[vector<16xi32>], vector<16xi32>, vector<16xi1>
      %all_reduce_population_count3A_228 = tpu.all_reduce %not3A_212 {dim = 0 : i64, kind = #tpu.reduction_kind<sum>} : vector<16xi1> -> vector<16xi32>
      %add3A_229 = arith.addi %add3A_175, %all_reduce_population_count3A_228 : vector<16xi32>
      %get3A_230 = arith.constant 0 : i32
      %get3A_231 = tpu.memref_slice %arg12[%scan3A_18, %get3A_230] : memref<80x128xi32, #tpu.memory_space<vmem>> -> memref<1x128xi32, #tpu.memory_space<vmem>>
      %get3A_232 = tpu.memref_squeeze %get3A_231 : memref<1x128xi32, #tpu.memory_space<vmem>> -> memref<128xi32, #tpu.memory_space<vmem>>
      %get3A_233 = arith.constant 64 : index
      %get3A_234 = tpu.vector_load %get3A_232[%get3A_233] {strides = array<i32>} : memref<128xi32, #tpu.memory_space<vmem>>, vector<16xi32>,
      %get3A_235 = arith.constant 0 : i32
      %get3A_236 = tpu.memref_slice %arg13[%scan3A_18, %get3A_235] : memref<80x128xi32, #tpu.memory_space<vmem>> -> memref<1x128xi32, #tpu.memory_space<vmem>>
      %get3A_237 = tpu.memref_squeeze %get3A_236 : memref<1x128xi32, #tpu.memory_space<vmem>> -> memref<128xi32, #tpu.memory_space<vmem>>
      %get3A_238 = arith.constant 64 : index
      %get3A_239 = tpu.vector_load %get3A_237[%get3A_238] {strides = array<i32>} : memref<128xi32, #tpu.memory_space<vmem>>, vector<16xi32>,
      %broadcast_in_dim3A_240 = arith.constant true
      %broadcast_in_dim3A_241 = vector.broadcast %broadcast_in_dim3A_240 : i1 to vector<16xi1>
      %unique3A_242, %unique3A_243 = tpu.scan_count mask(%broadcast_in_dim3A_241 : vector<16xi1>) value(%get3A_234 : vector<16xi32>) : vector<16xi1>, vector<16xi32>
      tpu.vector_store_idx %arg19[%get3A_234], %unique3A_243 masked %unique3A_242 {add = true} : memref<10240xi32, #tpu.memory_space<vmem>>[vector<16xi32>], vector<16xi32>, vector<16xi1>
      %broadcast_in_dim3A_244 = arith.constant true
      %broadcast_in_dim3A_245 = vector.broadcast %broadcast_in_dim3A_244 : i1 to vector<16xi1>
      %unique3A_246, %unique3A_247 = tpu.scan_count mask(%broadcast_in_dim3A_245 : vector<16xi1>) value(%get3A_239 : vector<16xi32>) : vector<16xi1>, vector<16xi32>
      tpu.vector_store_idx %arg20[%get3A_239], %unique3A_247 masked %unique3A_246 {add = true} : memref<10240xi32, #tpu.memory_space<vmem>>[vector<16xi32>], vector<16xi32>, vector<16xi1>
      %lt3A_248 = arith.constant 5120 : i32
      %lt3A_249 = vector.broadcast %lt3A_248 : i32 to vector<16xi32>
      %lt3A_250 = arith.cmpi slt, %get3A_239, %lt3A_249 : vector<16xi32>
      %jit3A_251 = arith.constant 1 : i32
      %jit3A_252 = arith.constant 0 : i32
      %broadcast_in_dim3A_253 = vector.broadcast %jit3A_251 : i32 to vector<16xi32>
      %broadcast_in_dim3A_254 = vector.broadcast %jit3A_252 : i32 to vector<16xi32>
      %select_n3A_255 = arith.select %lt3A_250, %broadcast_in_dim3A_253, %broadcast_in_dim3A_254 : vector<16xi1>, vector<16xi32>
      %broadcast_in_dim3A_256 = arith.constant true
      %broadcast_in_dim3A_257 = vector.broadcast %broadcast_in_dim3A_256 : i1 to vector<16xi1>
      %masked_cumsum3A_258 = tpu.scan <sum>, %select_n3A_255 masked %broadcast_in_dim3A_257 : vector<16xi32>, vector<16xi1> -> vector<16xi32>
      %add3A_259 = arith.addi %add3A_210, %masked_cumsum3A_258 : vector<16xi32>
      %sub3A_260 = arith.constant 1 : i32
      %sub3A_261 = vector.broadcast %sub3A_260 : i32 to vector<16xi32>
      %sub3A_262 = arith.subi %add3A_259, %sub3A_261 : vector<16xi32>
      tpu.vector_store_idx %arg14[%sub3A_262], %get3A_234 masked %lt3A_250 : memref<10256xi32, #tpu.memory_space<vmem>>[vector<16xi32>], vector<16xi32>, vector<16xi1>
      tpu.vector_store_idx %arg16[%sub3A_262], %get3A_239 masked %lt3A_250 : memref<10256xi32, #tpu.memory_space<vmem>>[vector<16xi32>], vector<16xi32>, vector<16xi1>
      %all_reduce_population_count3A_263 = tpu.all_reduce %lt3A_250 {dim = 0 : i64, kind = #tpu.reduction_kind<sum>} : vector<16xi1> -> vector<16xi32>
      %add3A_264 = arith.addi %add3A_210, %all_reduce_population_count3A_263 : vector<16xi32>
      %not3A_265 = arith.constant dense<true> : vector<16xi1>
      %not3A_266 = arith.xori %lt3A_250, %not3A_265 : vector<16xi1>
      %jit3A_267 = arith.constant 1 : i32
      %jit3A_268 = arith.constant 0 : i32
      %broadcast_in_dim3A_269 = vector.broadcast %jit3A_267 : i32 to vector<16xi32>
      %broadcast_in_dim3A_270 = vector.broadcast %jit3A_268 : i32 to vector<16xi32>
      %select_n3A_271 = arith.select %not3A_266, %broadcast_in_dim3A_269, %broadcast_in_dim3A_270 : vector<16xi1>, vector<16xi32>
      %broadcast_in_dim3A_272 = arith.constant true
      %broadcast_in_dim3A_273 = vector.broadcast %broadcast_in_dim3A_272 : i1 to vector<16xi1>
      %masked_cumsum3A_274 = tpu.scan <sum>, %select_n3A_271 masked %broadcast_in_dim3A_273 : vector<16xi32>, vector<16xi1> -> vector<16xi32>
      %add3A_275 = arith.addi %add3A_229, %masked_cumsum3A_274 : vector<16xi32>
      %sub3A_276 = arith.constant 1 : i32
      %sub3A_277 = vector.broadcast %sub3A_276 : i32 to vector<16xi32>
      %sub3A_278 = arith.subi %add3A_275, %sub3A_277 : vector<16xi32>
      tpu.vector_store_idx %arg15[%sub3A_278], %get3A_234 masked %not3A_266 : memref<10256xi32, #tpu.memory_space<vmem>>[vector<16xi32>], vector<16xi32>, vector<16xi1>
      %sub3A_279 = arith.constant 5120 : i32
      %sub3A_280 = vector.broadcast %sub3A_279 : i32 to vector<16xi32>
      %sub3A_281 = arith.subi %get3A_239, %sub3A_280 : vector<16xi32>
      tpu.vector_store_idx %arg17[%sub3A_278], %sub3A_281 masked %not3A_266 : memref<10256xi32, #tpu.memory_space<vmem>>[vector<16xi32>], vector<16xi32>, vector<16xi1>
      %all_reduce_population_count3A_282 = tpu.all_reduce %not3A_266 {dim = 0 : i64, kind = #tpu.reduction_kind<sum>} : vector<16xi1> -> vector<16xi32>
      %add3A_283 = arith.addi %add3A_229, %all_reduce_population_count3A_282 : vector<16xi32>
      %get3A_284 = arith.constant 0 : i32
      %get3A_285 = tpu.memref_slice %arg12[%scan3A_18, %get3A_284] : memref<80x128xi32, #tpu.memory_space<vmem>> -> memref<1x128xi32, #tpu.memory_space<vmem>>
      %get3A_286 = tpu.memref_squeeze %get3A_285 : memref<1x128xi32, #tpu.memory_space<vmem>> -> memref<128xi32, #tpu.memory_space<vmem>>
      %get3A_287 = arith.constant 80 : index
      %get3A_288 = tpu.vector_load %get3A_286[%get3A_287] {strides = array<i32>} : memref<128xi32, #tpu.memory_space<vmem>>, vector<16xi32>,
      %get3A_289 = arith.constant 0 : i32
      %get3A_290 = tpu.memref_slice %arg13[%scan3A_18, %get3A_289] : memref<80x128xi32, #tpu.memory_space<vmem>> -> memref<1x128xi32, #tpu.memory_space<vmem>>
      %get3A_291 = tpu.memref_squeeze %get3A_290 : memref<1x128xi32, #tpu.memory_space<vmem>> -> memref<128xi32, #tpu.memory_space<vmem>>
      %get3A_292 = arith.constant 80 : index
      %get3A_293 = tpu.vector_load %get3A_291[%get3A_292] {strides = array<i32>} : memref<128xi32, #tpu.memory_space<vmem>>, vector<16xi32>,
      %broadcast_in_dim3A_294 = arith.constant true
      %broadcast_in_dim3A_295 = vector.broadcast %broadcast_in_dim3A_294 : i1 to vector<16xi1>
      %unique3A_296, %unique3A_297 = tpu.scan_count mask(%broadcast_in_dim3A_295 : vector<16xi1>) value(%get3A_288 : vector<16xi32>) : vector<16xi1>, vector<16xi32>
      tpu.vector_store_idx %arg19[%get3A_288], %unique3A_297 masked %unique3A_296 {add = true} : memref<10240xi32, #tpu.memory_space<vmem>>[vector<16xi32>], vector<16xi32>, vector<16xi1>
      %broadcast_in_dim3A_298 = arith.constant true
      %broadcast_in_dim3A_299 = vector.broadcast %broadcast_in_dim3A_298 : i1 to vector<16xi1>
      %unique3A_300, %unique3A_301 = tpu.scan_count mask(%broadcast_in_dim3A_299 : vector<16xi1>) value(%get3A_293 : vector<16xi32>) : vector<16xi1>, vector<16xi32>
      tpu.vector_store_idx %arg20[%get3A_293], %unique3A_301 masked %unique3A_300 {add = true} : memref<10240xi32, #tpu.memory_space<vmem>>[vector<16xi32>], vector<16xi32>, vector<16xi1>
      %lt3A_302 = arith.constant 5120 : i32
      %lt3A_303 = vector.broadcast %lt3A_302 : i32 to vector<16xi32>
      %lt3A_304 = arith.cmpi slt, %get3A_293, %lt3A_303 : vector<16xi32>
      %jit3A_305 = arith.constant 1 : i32
      %jit3A_306 = arith.constant 0 : i32
      %broadcast_in_dim3A_307 = vector.broadcast %jit3A_305 : i32 to vector<16xi32>
      %broadcast_in_dim3A_308 = vector.broadcast %jit3A_306 : i32 to vector<16xi32>
      %select_n3A_309 = arith.select %lt3A_304, %broadcast_in_dim3A_307, %broadcast_in_dim3A_308 : vector<16xi1>, vector<16xi32>
      %broadcast_in_dim3A_310 = arith.constant true
      %broadcast_in_dim3A_311 = vector.broadcast %broadcast_in_dim3A_310 : i1 to vector<16xi1>
      %masked_cumsum3A_312 = tpu.scan <sum>, %select_n3A_309 masked %broadcast_in_dim3A_311 : vector<16xi32>, vector<16xi1> -> vector<16xi32>
      %add3A_313 = arith.addi %add3A_264, %masked_cumsum3A_312 : vector<16xi32>
      %sub3A_314 = arith.constant 1 : i32
      %sub3A_315 = vector.broadcast %sub3A_314 : i32 to vector<16xi32>
      %sub3A_316 = arith.subi %add3A_313, %sub3A_315 : vector<16xi32>
      tpu.vector_store_idx %arg14[%sub3A_316], %get3A_288 masked %lt3A_304 : memref<10256xi32, #tpu.memory_space<vmem>>[vector<16xi32>], vector<16xi32>, vector<16xi1>
      tpu.vector_store_idx %arg16[%sub3A_316], %get3A_293 masked %lt3A_304 : memref<10256xi32, #tpu.memory_space<vmem>>[vector<16xi32>], vector<16xi32>, vector<16xi1>
      %all_reduce_population_count3A_317 = tpu.all_reduce %lt3A_304 {dim = 0 : i64, kind = #tpu.reduction_kind<sum>} : vector<16xi1> -> vector<16xi32>
      %add3A_318 = arith.addi %add3A_264, %all_reduce_population_count3A_317 : vector<16xi32>
      %not3A_319 = arith.constant dense<true> : vector<16xi1>
      %not3A_320 = arith.xori %lt3A_304, %not3A_319 : vector<16xi1>
      %jit3A_321 = arith.constant 1 : i32
      %jit3A_322 = arith.constant 0 : i32
      %broadcast_in_dim3A_323 = vector.broadcast %jit3A_321 : i32 to vector<16xi32>
      %broadcast_in_dim3A_324 = vector.broadcast %jit3A_322 : i32 to vector<16xi32>
      %select_n3A_325 = arith.select %not3A_320, %broadcast_in_dim3A_323, %broadcast_in_dim3A_324 : vector<16xi1>, vector<16xi32>
      %broadcast_in_dim3A_326 = arith.constant true
      %broadcast_in_dim3A_327 = vector.broadcast %broadcast_in_dim3A_326 : i1 to vector<16xi1>
      %masked_cumsum3A_328 = tpu.scan <sum>, %select_n3A_325 masked %broadcast_in_dim3A_327 : vector<16xi32>, vector<16xi1> -> vector<16xi32>
      %add3A_329 = arith.addi %add3A_283, %masked_cumsum3A_328 : vector<16xi32>
      %sub3A_330 = arith.constant 1 : i32
      %sub3A_331 = vector.broadcast %sub3A_330 : i32 to vector<16xi32>
      %sub3A_332 = arith.subi %add3A_329, %sub3A_331 : vector<16xi32>
      tpu.vector_store_idx %arg15[%sub3A_332], %get3A_288 masked %not3A_320 : memref<10256xi32, #tpu.memory_space<vmem>>[vector<16xi32>], vector<16xi32>, vector<16xi1>
      %sub3A_333 = arith.constant 5120 : i32
      %sub3A_334 = vector.broadcast %sub3A_333 : i32 to vector<16xi32>
      %sub3A_335 = arith.subi %get3A_293, %sub3A_334 : vector<16xi32>
      tpu.vector_store_idx %arg17[%sub3A_332], %sub3A_335 masked %not3A_320 : memref<10256xi32, #tpu.memory_space<vmem>>[vector<16xi32>], vector<16xi32>, vector<16xi1>
      %all_reduce_population_count3A_336 = tpu.all_reduce %not3A_320 {dim = 0 : i64, kind = #tpu.reduction_kind<sum>} : vector<16xi1> -> vector<16xi32>
      %add3A_337 = arith.addi %add3A_283, %all_reduce_population_count3A_336 : vector<16xi32>
      %get3A_338 = arith.constant 0 : i32
      %get3A_339 = tpu.memref_slice %arg12[%scan3A_18, %get3A_338] : memref<80x128xi32, #tpu.memory_space<vmem>> -> memref<1x128xi32, #tpu.memory_space<vmem>>
      %get3A_340 = tpu.memref_squeeze %get3A_339 : memref<1x128xi32, #tpu.memory_space<vmem>> -> memref<128xi32, #tpu.memory_space<vmem>>
      %get3A_341 = arith.constant 96 : index
      %get3A_342 = tpu.vector_load %get3A_340[%get3A_341] {strides = array<i32>} : memref<128xi32, #tpu.memory_space<vmem>>, vector<16xi32>,
      %get3A_343 = arith.constant 0 : i32
      %get3A_344 = tpu.memref_slice %arg13[%scan3A_18, %get3A_343] : memref<80x128xi32, #tpu.memory_space<vmem>> -> memref<1x128xi32, #tpu.memory_space<vmem>>
      %get3A_345 = tpu.memref_squeeze %get3A_344 : memref<1x128xi32, #tpu.memory_space<vmem>> -> memref<128xi32, #tpu.memory_space<vmem>>
      %get3A_346 = arith.constant 96 : index
      %get3A_347 = tpu.vector_load %get3A_345[%get3A_346] {strides = array<i32>} : memref<128xi32, #tpu.memory_space<vmem>>, vector<16xi32>,
      %broadcast_in_dim3A_348 = arith.constant true
      %broadcast_in_dim3A_349 = vector.broadcast %broadcast_in_dim3A_348 : i1 to vector<16xi1>
      %unique3A_350, %unique3A_351 = tpu.scan_count mask(%broadcast_in_dim3A_349 : vector<16xi1>) value(%get3A_342 : vector<16xi32>) : vector<16xi1>, vector<16xi32>
      tpu.vector_store_idx %arg19[%get3A_342], %unique3A_351 masked %unique3A_350 {add = true} : memref<10240xi32, #tpu.memory_space<vmem>>[vector<16xi32>], vector<16xi32>, vector<16xi1>
      %broadcast_in_dim3A_352 = arith.constant true
      %broadcast_in_dim3A_353 = vector.broadcast %broadcast_in_dim3A_352 : i1 to vector<16xi1>
      %unique3A_354, %unique3A_355 = tpu.scan_count mask(%broadcast_in_dim3A_353 : vector<16xi1>) value(%get3A_347 : vector<16xi32>) : vector<16xi1>, vector<16xi32>
      tpu.vector_store_idx %arg20[%get3A_347], %unique3A_355 masked %unique3A_354 {add = true} : memref<10240xi32, #tpu.memory_space<vmem>>[vector<16xi32>], vector<16xi32>, vector<16xi1>
      %lt3A_356 = arith.constant 5120 : i32
      %lt3A_357 = vector.broadcast %lt3A_356 : i32 to vector<16xi32>
      %lt3A_358 = arith.cmpi slt, %get3A_347, %lt3A_357 : vector<16xi32>
      %jit3A_359 = arith.constant 1 : i32
      %jit3A_360 = arith.constant 0 : i32
      %broadcast_in_dim3A_361 = vector.broadcast %jit3A_359 : i32 to vector<16xi32>
      %broadcast_in_dim3A_362 = vector.broadcast %jit3A_360 : i32 to vector<16xi32>
      %select_n3A_363 = arith.select %lt3A_358, %broadcast_in_dim3A_361, %broadcast_in_dim3A_362 : vector<16xi1>, vector<16xi32>
      %broadcast_in_dim3A_364 = arith.constant true
      %broadcast_in_dim3A_365 = vector.broadcast %broadcast_in_dim3A_364 : i1 to vector<16xi1>
      %masked_cumsum3A_366 = tpu.scan <sum>, %select_n3A_363 masked %broadcast_in_dim3A_365 : vector<16xi32>, vector<16xi1> -> vector<16xi32>
      %add3A_367 = arith.addi %add3A_318, %masked_cumsum3A_366 : vector<16xi32>
      %sub3A_368 = arith.constant 1 : i32
      %sub3A_369 = vector.broadcast %sub3A_368 : i32 to vector<16xi32>
      %sub3A_370 = arith.subi %add3A_367, %sub3A_369 : vector<16xi32>
      tpu.vector_store_idx %arg14[%sub3A_370], %get3A_342 masked %lt3A_358 : memref<10256xi32, #tpu.memory_space<vmem>>[vector<16xi32>], vector<16xi32>, vector<16xi1>
      tpu.vector_store_idx %arg16[%sub3A_370], %get3A_347 masked %lt3A_358 : memref<10256xi32, #tpu.memory_space<vmem>>[vector<16xi32>], vector<16xi32>, vector<16xi1>
      %all_reduce_population_count3A_371 = tpu.all_reduce %lt3A_358 {dim = 0 : i64, kind = #tpu.reduction_kind<sum>} : vector<16xi1> -> vector<16xi32>
      %add3A_372 = arith.addi %add3A_318, %all_reduce_population_count3A_371 : vector<16xi32>
      %not3A_373 = arith.constant dense<true> : vector<16xi1>
      %not3A_374 = arith.xori %lt3A_358, %not3A_373 : vector<16xi1>
      %jit3A_375 = arith.constant 1 : i32
      %jit3A_376 = arith.constant 0 : i32
      %broadcast_in_dim3A_377 = vector.broadcast %jit3A_375 : i32 to vector<16xi32>
      %broadcast_in_dim3A_378 = vector.broadcast %jit3A_376 : i32 to vector<16xi32>
      %select_n3A_379 = arith.select %not3A_374, %broadcast_in_dim3A_377, %broadcast_in_dim3A_378 : vector<16xi1>, vector<16xi32>
      %broadcast_in_dim3A_380 = arith.constant true
      %broadcast_in_dim3A_381 = vector.broadcast %broadcast_in_dim3A_380 : i1 to vector<16xi1>
      %masked_cumsum3A_382 = tpu.scan <sum>, %select_n3A_379 masked %broadcast_in_dim3A_381 : vector<16xi32>, vector<16xi1> -> vector<16xi32>
      %add3A_383 = arith.addi %add3A_337, %masked_cumsum3A_382 : vector<16xi32>
      %sub3A_384 = arith.constant 1 : i32
      %sub3A_385 = vector.broadcast %sub3A_384 : i32 to vector<16xi32>
      %sub3A_386 = arith.subi %add3A_383, %sub3A_385 : vector<16xi32>
      tpu.vector_store_idx %arg15[%sub3A_386], %get3A_342 masked %not3A_374 : memref<10256xi32, #tpu.memory_space<vmem>>[vector<16xi32>], vector<16xi32>, vector<16xi1>
      %sub3A_387 = arith.constant 5120 : i32
      %sub3A_388 = vector.broadcast %sub3A_387 : i32 to vector<16xi32>
      %sub3A_389 = arith.subi %get3A_347, %sub3A_388 : vector<16xi32>
      tpu.vector_store_idx %arg17[%sub3A_386], %sub3A_389 masked %not3A_374 : memref<10256xi32, #tpu.memory_space<vmem>>[vector<16xi32>], vector<16xi32>, vector<16xi1>
      %all_reduce_population_count3A_390 = tpu.all_reduce %not3A_374 {dim = 0 : i64, kind = #tpu.reduction_kind<sum>} : vector<16xi1> -> vector<16xi32>
      %add3A_391 = arith.addi %add3A_337, %all_reduce_population_count3A_390 : vector<16xi32>
      %get3A_392 = arith.constant 0 : i32
      %get3A_393 = tpu.memref_slice %arg12[%scan3A_18, %get3A_392] : memref<80x128xi32, #tpu.memory_space<vmem>> -> memref<1x128xi32, #tpu.memory_space<vmem>>
      %get3A_394 = tpu.memref_squeeze %get3A_393 : memref<1x128xi32, #tpu.memory_space<vmem>> -> memref<128xi32, #tpu.memory_space<vmem>>
      %get3A_395 = arith.constant 112 : index
      %get3A_396 = tpu.vector_load %get3A_394[%get3A_395] {strides = array<i32>} : memref<128xi32, #tpu.memory_space<vmem>>, vector<16xi32>,
      %get3A_397 = arith.constant 0 : i32
      %get3A_398 = tpu.memref_slice %arg13[%scan3A_18, %get3A_397] : memref<80x128xi32, #tpu.memory_space<vmem>> -> memref<1x128xi32, #tpu.memory_space<vmem>>
      %get3A_399 = tpu.memref_squeeze %get3A_398 : memref<1x128xi32, #tpu.memory_space<vmem>> -> memref<128xi32, #tpu.memory_space<vmem>>
      %get3A_400 = arith.constant 112 : index
      %get3A_401 = tpu.vector_load %get3A_399[%get3A_400] {strides = array<i32>} : memref<128xi32, #tpu.memory_space<vmem>>, vector<16xi32>,
      %broadcast_in_dim3A_402 = arith.constant true
      %broadcast_in_dim3A_403 = vector.broadcast %broadcast_in_dim3A_402 : i1 to vector<16xi1>
      %unique3A_404, %unique3A_405 = tpu.scan_count mask(%broadcast_in_dim3A_403 : vector<16xi1>) value(%get3A_396 : vector<16xi32>) : vector<16xi1>, vector<16xi32>
      tpu.vector_store_idx %arg19[%get3A_396], %unique3A_405 masked %unique3A_404 {add = true} : memref<10240xi32, #tpu.memory_space<vmem>>[vector<16xi32>], vector<16xi32>, vector<16xi1>
      %broadcast_in_dim3A_406 = arith.constant true
      %broadcast_in_dim3A_407 = vector.broadcast %broadcast_in_dim3A_406 : i1 to vector<16xi1>
      %unique3A_408, %unique3A_409 = tpu.scan_count mask(%broadcast_in_dim3A_407 : vector<16xi1>) value(%get3A_401 : vector<16xi32>) : vector<16xi1>, vector<16xi32>
      tpu.vector_store_idx %arg20[%get3A_401], %unique3A_409 masked %unique3A_408 {add = true} : memref<10240xi32, #tpu.memory_space<vmem>>[vector<16xi32>], vector<16xi32>, vector<16xi1>
      %lt3A_410 = arith.constant 5120 : i32
      %lt3A_411 = vector.broadcast %lt3A_410 : i32 to vector<16xi32>
      %lt3A_412 = arith.cmpi slt, %get3A_401, %lt3A_411 : vector<16xi32>
      %jit3A_413 = arith.constant 1 : i32
      %jit3A_414 = arith.constant 0 : i32
      %broadcast_in_dim3A_415 = vector.broadcast %jit3A_413 : i32 to vector<16xi32>
      %broadcast_in_dim3A_416 = vector.broadcast %jit3A_414 : i32 to vector<16xi32>
      %select_n3A_417 = arith.select %lt3A_412, %broadcast_in_dim3A_415, %broadcast_in_dim3A_416 : vector<16xi1>, vector<16xi32>
      %broadcast_in_dim3A_418 = arith.constant true
      %broadcast_in_dim3A_419 = vector.broadcast %broadcast_in_dim3A_418 : i1 to vector<16xi1>
      %masked_cumsum3A_420 = tpu.scan <sum>, %select_n3A_417 masked %broadcast_in_dim3A_419 : vector<16xi32>, vector<16xi1> -> vector<16xi32>
      %add3A_421 = arith.addi %add3A_372, %masked_cumsum3A_420 : vector<16xi32>
      %sub3A_422 = arith.constant 1 : i32
      %sub3A_423 = vector.broadcast %sub3A_422 : i32 to vector<16xi32>
      %sub3A_424 = arith.subi %add3A_421, %sub3A_423 : vector<16xi32>
      tpu.vector_store_idx %arg14[%sub3A_424], %get3A_396 masked %lt3A_412 : memref<10256xi32, #tpu.memory_space<vmem>>[vector<16xi32>], vector<16xi32>, vector<16xi1>
      tpu.vector_store_idx %arg16[%sub3A_424], %get3A_401 masked %lt3A_412 : memref<10256xi32, #tpu.memory_space<vmem>>[vector<16xi32>], vector<16xi32>, vector<16xi1>
      %all_reduce_population_count3A_425 = tpu.all_reduce %lt3A_412 {dim = 0 : i64, kind = #tpu.reduction_kind<sum>} : vector<16xi1> -> vector<16xi32>
      %add3A_426 = arith.addi %add3A_372, %all_reduce_population_count3A_425 : vector<16xi32>
      %not3A_427 = arith.constant dense<true> : vector<16xi1>
      %not3A_428 = arith.xori %lt3A_412, %not3A_427 : vector<16xi1>
      %jit3A_429 = arith.constant 1 : i32
      %jit3A_430 = arith.constant 0 : i32
      %broadcast_in_dim3A_431 = vector.broadcast %jit3A_429 : i32 to vector<16xi32>
      %broadcast_in_dim3A_432 = vector.broadcast %jit3A_430 : i32 to vector<16xi32>
      %select_n3A_433 = arith.select %not3A_428, %broadcast_in_dim3A_431, %broadcast_in_dim3A_432 : vector<16xi1>, vector<16xi32>
      %broadcast_in_dim3A_434 = arith.constant true
      %broadcast_in_dim3A_435 = vector.broadcast %broadcast_in_dim3A_434 : i1 to vector<16xi1>
      %masked_cumsum3A_436 = tpu.scan <sum>, %select_n3A_433 masked %broadcast_in_dim3A_435 : vector<16xi32>, vector<16xi1> -> vector<16xi32>
      %add3A_437 = arith.addi %add3A_391, %masked_cumsum3A_436 : vector<16xi32>
      %sub3A_438 = arith.constant 1 : i32
      %sub3A_439 = vector.broadcast %sub3A_438 : i32 to vector<16xi32>
      %sub3A_440 = arith.subi %add3A_437, %sub3A_439 : vector<16xi32>
      tpu.vector_store_idx %arg15[%sub3A_440], %get3A_396 masked %not3A_428 : memref<10256xi32, #tpu.memory_space<vmem>>[vector<16xi32>], vector<16xi32>, vector<16xi1>
      %sub3A_441 = arith.constant 5120 : i32
      %sub3A_442 = vector.broadcast %sub3A_441 : i32 to vector<16xi32>
      %sub3A_443 = arith.subi %get3A_401, %sub3A_442 : vector<16xi32>
      tpu.vector_store_idx %arg17[%sub3A_440], %sub3A_443 masked %not3A_428 : memref<10256xi32, #tpu.memory_space<vmem>>[vector<16xi32>], vector<16xi32>, vector<16xi1>
      %all_reduce_population_count3A_444 = tpu.all_reduce %not3A_428 {dim = 0 : i64, kind = #tpu.reduction_kind<sum>} : vector<16xi1> -> vector<16xi32>
      %add3A_445 = arith.addi %add3A_391, %all_reduce_population_count3A_444 : vector<16xi32>
      scf.yield %add3A_426, %add3A_445 : vector<16xi32>, vector<16xi32>
    }
    %scan3A_6 = arith.constant 80 : i32
    %iota3A = tpu.iota {dimensions = array<i32: 0>} : vector<16xi32>
    %eq3A = arith.constant 0 : i32
    %eq3A_7 = vector.broadcast %eq3A : i32 to vector<16xi32>
    %eq3A_8 = arith.cmpi eq, %iota3A, %eq3A_7 : vector<16xi32>
    %eq3A_9 = arith.constant 1 : i32
    %eq3A_10 = vector.broadcast %eq3A_9 : i32 to vector<16xi32>
    %eq3A_11 = arith.cmpi eq, %iota3A, %eq3A_10 : vector<16xi32>
    %jit3A = arith.constant 0 : i32
    %broadcast_in_dim3A_12 = vector.broadcast %jit3A : i32 to vector<16xi32>
    %select_n3A = arith.select %eq3A_11, %scan3A_5#1, %broadcast_in_dim3A_12 : vector<16xi1>, vector<16xi32>
    %select_n3A_13 = arith.select %eq3A_8, %scan3A_5#0, %select_n3A : vector<16xi1>, vector<16xi32>
    %swap3A = arith.constant 0 : index
    %swap3A_14 = tpu.vector_load %arg18[%swap3A] {strides = array<i32>} : memref<16xi32, #tpu.memory_space<vmem>>, vector<16xi32>,
    tpu.vector_store %arg18[%swap3A], %select_n3A_13 {strides = array<i32>} : memref<16xi32, #tpu.memory_space<vmem>>, vector<16xi32>,
    "tpu.region"() ({
      %run_scoped3A_18 = tpu.sem_alloc : memref<!tpu.dma_semaphore, #tpu.memory_space<semaphore_mem>>
      %dma_start3A = arith.constant 0 : i32
      %dma_start3A_19 = tpu.memref_slice %arg9[%add3A, %dma_start3A] : memref<32x16xi32, #tpu.memory_space<hbm>> -> memref<1x16xi32, #tpu.memory_space<hbm>>
      %dma_start3A_20 = tpu.memref_squeeze %dma_start3A_19 : memref<1x16xi32, #tpu.memory_space<hbm>> -> memref<16xi32, #tpu.memory_space<hbm>>
      %dma_start3A_21 = arith.constant 0 : i32
      %dma_start3A_22 = tpu.memref_slice %arg9[%add3A, %dma_start3A_21] : memref<32x16xi32, #tpu.memory_space<hbm>> -> memref<1x16xi32, #tpu.memory_space<hbm>>
      %dma_start3A_23 = tpu.memref_squeeze %dma_start3A_22 : memref<1x16xi32, #tpu.memory_space<hbm>> -> memref<16xi32, #tpu.memory_space<hbm>>
      tpu.enqueue_dma source(%arg18 : memref<16xi32, #tpu.memory_space<vmem>>) target(%dma_start3A_23 : memref<16xi32, #tpu.memory_space<hbm>>) target_semaphore(%run_scoped3A_18 : memref<!tpu.dma_semaphore, #tpu.memory_space<semaphore_mem>>)
      %dma_wait3A = arith.constant 0 : i32
      %dma_wait3A_24 = tpu.memref_slice %arg9[%add3A, %dma_wait3A] : memref<32x16xi32, #tpu.memory_space<hbm>> -> memref<1x16xi32, #tpu.memory_space<hbm>>
      %dma_wait3A_25 = tpu.memref_squeeze %dma_wait3A_24 : memref<1x16xi32, #tpu.memory_space<hbm>> -> memref<16xi32, #tpu.memory_space<hbm>>
      %dma_wait3A_26 = arith.constant 0 : i32
      %dma_wait3A_27 = tpu.memref_slice %arg9[%add3A, %dma_wait3A_26] : memref<32x16xi32, #tpu.memory_space<hbm>> -> memref<1x16xi32, #tpu.memory_space<hbm>>
      %dma_wait3A_28 = tpu.memref_squeeze %dma_wait3A_27 : memref<1x16xi32, #tpu.memory_space<hbm>> -> memref<16xi32, #tpu.memory_space<hbm>>
      tpu.wait_dma2 semaphore(%run_scoped3A_18 : memref<!tpu.dma_semaphore, #tpu.memory_space<semaphore_mem>>) src(%arg18 : memref<16xi32, #tpu.memory_space<vmem>>) dst(%dma_wait3A_28 : memref<16xi32, #tpu.memory_space<hbm>>)
      tpu.yield
    }) : () -> ()
    %run_scoped3A = arith.constant 0 : i32
    "tpu.region"() ({
      %run_scoped3A_18 = tpu.sem_alloc : memref<!tpu.dma_semaphore, #tpu.memory_space<semaphore_mem>>
      %dma_start3A = arith.constant 0 : i32
      %dma_start3A_19 = tpu.memref_slice %arg14[%dma_start3A] : memref<10256xi32, #tpu.memory_space<vmem>> -> memref<10240xi32, #tpu.memory_space<vmem>>
      %dma_start3A_20 = arith.constant 0 : i32
      %dma_start3A_21 = tpu.memref_slice %arg7[%add3A, %run_scoped3A, %dma_start3A_20] : memref<32x2x10240xi32, #tpu.memory_space<hbm>> -> memref<1x1x10240xi32, #tpu.memory_space<hbm>>
      %dma_start3A_22 = tpu.memref_squeeze %dma_start3A_21 : memref<1x1x10240xi32, #tpu.memory_space<hbm>> -> memref<10240xi32, #tpu.memory_space<hbm>>
      %dma_start3A_23 = arith.constant 0 : i32
      %dma_start3A_24 = tpu.memref_slice %arg7[%add3A, %run_scoped3A, %dma_start3A_23] : memref<32x2x10240xi32, #tpu.memory_space<hbm>> -> memref<1x1x10240xi32, #tpu.memory_space<hbm>>
      %dma_start3A_25 = tpu.memref_squeeze %dma_start3A_24 : memref<1x1x10240xi32, #tpu.memory_space<hbm>> -> memref<10240xi32, #tpu.memory_space<hbm>>
      %dma_start3A_26 = arith.constant 0 : i32
      %dma_start3A_27 = tpu.memref_slice %arg14[%dma_start3A_26] : memref<10256xi32, #tpu.memory_space<vmem>> -> memref<10240xi32, #tpu.memory_space<vmem>>
      tpu.enqueue_dma source(%dma_start3A_27 : memref<10240xi32, #tpu.memory_space<vmem>>) target(%dma_start3A_25 : memref<10240xi32, #tpu.memory_space<hbm>>) target_semaphore(%run_scoped3A_18 : memref<!tpu.dma_semaphore, #tpu.memory_space<semaphore_mem>>)
      %dma_wait3A = arith.constant 0 : i32
      %dma_wait3A_28 = tpu.memref_slice %arg14[%dma_wait3A] : memref<10256xi32, #tpu.memory_space<vmem>> -> memref<10240xi32, #tpu.memory_space<vmem>>
      %dma_wait3A_29 = arith.constant 0 : i32
      %dma_wait3A_30 = tpu.memref_slice %arg7[%add3A, %run_scoped3A, %dma_wait3A_29] : memref<32x2x10240xi32, #tpu.memory_space<hbm>> -> memref<1x1x10240xi32, #tpu.memory_space<hbm>>
      %dma_wait3A_31 = tpu.memref_squeeze %dma_wait3A_30 : memref<1x1x10240xi32, #tpu.memory_space<hbm>> -> memref<10240xi32, #tpu.memory_space<hbm>>
      %dma_wait3A_32 = arith.constant 0 : i32
      %dma_wait3A_33 = tpu.memref_slice %arg7[%add3A, %run_scoped3A, %dma_wait3A_32] : memref<32x2x10240xi32, #tpu.memory_space<hbm>> -> memref<1x1x10240xi32, #tpu.memory_space<hbm>>
      %dma_wait3A_34 = tpu.memref_squeeze %dma_wait3A_33 : memref<1x1x10240xi32, #tpu.memory_space<hbm>> -> memref<10240xi32, #tpu.memory_space<hbm>>
      %dma_wait3A_35 = arith.constant 0 : i32
      %dma_wait3A_36 = tpu.memref_slice %arg14[%dma_wait3A_35] : memref<10256xi32, #tpu.memory_space<vmem>> -> memref<10240xi32, #tpu.memory_space<vmem>>
      tpu.wait_dma2 semaphore(%run_scoped3A_18 : memref<!tpu.dma_semaphore, #tpu.memory_space<semaphore_mem>>) src(%dma_wait3A_36 : memref<10240xi32, #tpu.memory_space<vmem>>) dst(%dma_wait3A_34 : memref<10240xi32, #tpu.memory_space<hbm>>)
      tpu.yield
    }) : () -> ()
    %run_scoped3A_15 = arith.constant 1 : i32
    "tpu.region"() ({
      %run_scoped3A_18 = tpu.sem_alloc : memref<!tpu.dma_semaphore, #tpu.memory_space<semaphore_mem>>
      %dma_start3A = arith.constant 0 : i32
      %dma_start3A_19 = tpu.memref_slice %arg15[%dma_start3A] : memref<10256xi32, #tpu.memory_space<vmem>> -> memref<10240xi32, #tpu.memory_space<vmem>>
      %dma_start3A_20 = arith.constant 0 : i32
      %dma_start3A_21 = tpu.memref_slice %arg7[%add3A, %run_scoped3A_15, %dma_start3A_20] : memref<32x2x10240xi32, #tpu.memory_space<hbm>> -> memref<1x1x10240xi32, #tpu.memory_space<hbm>>
      %dma_start3A_22 = tpu.memref_squeeze %dma_start3A_21 : memref<1x1x10240xi32, #tpu.memory_space<hbm>> -> memref<10240xi32, #tpu.memory_space<hbm>>
      %dma_start3A_23 = arith.constant 0 : i32
      %dma_start3A_24 = tpu.memref_slice %arg7[%add3A, %run_scoped3A_15, %dma_start3A_23] : memref<32x2x10240xi32, #tpu.memory_space<hbm>> -> memref<1x1x10240xi32, #tpu.memory_space<hbm>>
      %dma_start3A_25 = tpu.memref_squeeze %dma_start3A_24 : memref<1x1x10240xi32, #tpu.memory_space<hbm>> -> memref<10240xi32, #tpu.memory_space<hbm>>
      %dma_start3A_26 = arith.constant 0 : i32
      %dma_start3A_27 = tpu.memref_slice %arg15[%dma_start3A_26] : memref<10256xi32, #tpu.memory_space<vmem>> -> memref<10240xi32, #tpu.memory_space<vmem>>
      tpu.enqueue_dma source(%dma_start3A_27 : memref<10240xi32, #tpu.memory_space<vmem>>) target(%dma_start3A_25 : memref<10240xi32, #tpu.memory_space<hbm>>) target_semaphore(%run_scoped3A_18 : memref<!tpu.dma_semaphore, #tpu.memory_space<semaphore_mem>>)
      %dma_wait3A = arith.constant 0 : i32
      %dma_wait3A_28 = tpu.memref_slice %arg15[%dma_wait3A] : memref<10256xi32, #tpu.memory_space<vmem>> -> memref<10240xi32, #tpu.memory_space<vmem>>
      %dma_wait3A_29 = arith.constant 0 : i32
      %dma_wait3A_30 = tpu.memref_slice %arg7[%add3A, %run_scoped3A_15, %dma_wait3A_29] : memref<32x2x10240xi32, #tpu.memory_space<hbm>> -> memref<1x1x10240xi32, #tpu.memory_space<hbm>>
      %dma_wait3A_31 = tpu.memref_squeeze %dma_wait3A_30 : memref<1x1x10240xi32, #tpu.memory_space<hbm>> -> memref<10240xi32, #tpu.memory_space<hbm>>
      %dma_wait3A_32 = arith.constant 0 : i32
      %dma_wait3A_33 = tpu.memref_slice %arg7[%add3A, %run_scoped3A_15, %dma_wait3A_32] : memref<32x2x10240xi32, #tpu.memory_space<hbm>> -> memref<1x1x10240xi32, #tpu.memory_space<hbm>>
      %dma_wait3A_34 = tpu.memref_squeeze %dma_wait3A_33 : memref<1x1x10240xi32, #tpu.memory_space<hbm>> -> memref<10240xi32, #tpu.memory_space<hbm>>
      %dma_wait3A_35 = arith.constant 0 : i32
      %dma_wait3A_36 = tpu.memref_slice %arg15[%dma_wait3A_35] : memref<10256xi32, #tpu.memory_space<vmem>> -> memref<10240xi32, #tpu.memory_space<vmem>>
      tpu.wait_dma2 semaphore(%run_scoped3A_18 : memref<!tpu.dma_semaphore, #tpu.memory_space<semaphore_mem>>) src(%dma_wait3A_36 : memref<10240xi32, #tpu.memory_space<vmem>>) dst(%dma_wait3A_34 : memref<10240xi32, #tpu.memory_space<hbm>>)
      tpu.yield
    }) : () -> ()
    %run_scoped3A_16 = arith.constant 0 : i32
    "tpu.region"() ({
      %run_scoped3A_18 = tpu.sem_alloc : memref<!tpu.dma_semaphore, #tpu.memory_space<semaphore_mem>>
      %dma_start3A = arith.constant 0 : i32
      %dma_start3A_19 = tpu.memref_slice %arg16[%dma_start3A] : memref<10256xi32, #tpu.memory_space<vmem>> -> memref<10240xi32, #tpu.memory_space<vmem>>
      %dma_start3A_20 = arith.constant 0 : i32
      %dma_start3A_21 = tpu.memref_slice %arg8[%add3A, %run_scoped3A_16, %dma_start3A_20] : memref<32x2x10240xi32, #tpu.memory_space<hbm>> -> memref<1x1x10240xi32, #tpu.memory_space<hbm>>
      %dma_start3A_22 = tpu.memref_squeeze %dma_start3A_21 : memref<1x1x10240xi32, #tpu.memory_space<hbm>> -> memref<10240xi32, #tpu.memory_space<hbm>>
      %dma_start3A_23 = arith.constant 0 : i32
      %dma_start3A_24 = tpu.memref_slice %arg8[%add3A, %run_scoped3A_16, %dma_start3A_23] : memref<32x2x10240xi32, #tpu.memory_space<hbm>> -> memref<1x1x10240xi32, #tpu.memory_space<hbm>>
      %dma_start3A_25 = tpu.memref_squeeze %dma_start3A_24 : memref<1x1x10240xi32, #tpu.memory_space<hbm>> -> memref<10240xi32, #tpu.memory_space<hbm>>
      %dma_start3A_26 = arith.constant 0 : i32
      %dma_start3A_27 = tpu.memref_slice %arg16[%dma_start3A_26] : memref<10256xi32, #tpu.memory_space<vmem>> -> memref<10240xi32, #tpu.memory_space<vmem>>
      tpu.enqueue_dma source(%dma_start3A_27 : memref<10240xi32, #tpu.memory_space<vmem>>) target(%dma_start3A_25 : memref<10240xi32, #tpu.memory_space<hbm>>) target_semaphore(%run_scoped3A_18 : memref<!tpu.dma_semaphore, #tpu.memory_space<semaphore_mem>>)
      %dma_wait3A = arith.constant 0 : i32
      %dma_wait3A_28 = tpu.memref_slice %arg16[%dma_wait3A] : memref<10256xi32, #tpu.memory_space<vmem>> -> memref<10240xi32, #tpu.memory_space<vmem>>
      %dma_wait3A_29 = arith.constant 0 : i32
      %dma_wait3A_30 = tpu.memref_slice %arg8[%add3A, %run_scoped3A_16, %dma_wait3A_29] : memref<32x2x10240xi32, #tpu.memory_space<hbm>> -> memref<1x1x10240xi32, #tpu.memory_space<hbm>>
      %dma_wait3A_31 = tpu.memref_squeeze %dma_wait3A_30 : memref<1x1x10240xi32, #tpu.memory_space<hbm>> -> memref<10240xi32, #tpu.memory_space<hbm>>
      %dma_wait3A_32 = arith.constant 0 : i32
      %dma_wait3A_33 = tpu.memref_slice %arg8[%add3A, %run_scoped3A_16, %dma_wait3A_32] : memref<32x2x10240xi32, #tpu.memory_space<hbm>> -> memref<1x1x10240xi32, #tpu.memory_space<hbm>>
      %dma_wait3A_34 = tpu.memref_squeeze %dma_wait3A_33 : memref<1x1x10240xi32, #tpu.memory_space<hbm>> -> memref<10240xi32, #tpu.memory_space<hbm>>
      %dma_wait3A_35 = arith.constant 0 : i32
      %dma_wait3A_36 = tpu.memref_slice %arg16[%dma_wait3A_35] : memref<10256xi32, #tpu.memory_space<vmem>> -> memref<10240xi32, #tpu.memory_space<vmem>>
      tpu.wait_dma2 semaphore(%run_scoped3A_18 : memref<!tpu.dma_semaphore, #tpu.memory_space<semaphore_mem>>) src(%dma_wait3A_36 : memref<10240xi32, #tpu.memory_space<vmem>>) dst(%dma_wait3A_34 : memref<10240xi32, #tpu.memory_space<hbm>>)
      tpu.yield
    }) : () -> ()
    %run_scoped3A_17 = arith.constant 1 : i32
    "tpu.region"() ({
      %run_scoped3A_18 = tpu.sem_alloc : memref<!tpu.dma_semaphore, #tpu.memory_space<semaphore_mem>>
      %dma_start3A = arith.constant 0 : i32
      %dma_start3A_19 = tpu.memref_slice %arg17[%dma_start3A] : memref<10256xi32, #tpu.memory_space<vmem>> -> memref<10240xi32, #tpu.memory_space<vmem>>
      %dma_start3A_20 = arith.constant 0 : i32
      %dma_start3A_21 = tpu.memref_slice %arg8[%add3A, %run_scoped3A_17, %dma_start3A_20] : memref<32x2x10240xi32, #tpu.memory_space<hbm>> -> memref<1x1x10240xi32, #tpu.memory_space<hbm>>
      %dma_start3A_22 = tpu.memref_squeeze %dma_start3A_21 : memref<1x1x10240xi32, #tpu.memory_space<hbm>> -> memref<10240xi32, #tpu.memory_space<hbm>>
      %dma_start3A_23 = arith.constant 0 : i32
      %dma_start3A_24 = tpu.memref_slice %arg8[%add3A, %run_scoped3A_17, %dma_start3A_23] : memref<32x2x10240xi32, #tpu.memory_space<hbm>> -> memref<1x1x10240xi32, #tpu.memory_space<hbm>>
      %dma_start3A_25 = tpu.memref_squeeze %dma_start3A_24 : memref<1x1x10240xi32, #tpu.memory_space<hbm>> -> memref<10240xi32, #tpu.memory_space<hbm>>
      %dma_start3A_26 = arith.constant 0 : i32
      %dma_start3A_27 = tpu.memref_slice %arg17[%dma_start3A_26] : memref<10256xi32, #tpu.memory_space<vmem>> -> memref<10240xi32, #tpu.memory_space<vmem>>
      tpu.enqueue_dma source(%dma_start3A_27 : memref<10240xi32, #tpu.memory_space<vmem>>) target(%dma_start3A_25 : memref<10240xi32, #tpu.memory_space<hbm>>) target_semaphore(%run_scoped3A_18 : memref<!tpu.dma_semaphore, #tpu.memory_space<semaphore_mem>>)
      %dma_wait3A = arith.constant 0 : i32
      %dma_wait3A_28 = tpu.memref_slice %arg17[%dma_wait3A] : memref<10256xi32, #tpu.memory_space<vmem>> -> memref<10240xi32, #tpu.memory_space<vmem>>
      %dma_wait3A_29 = arith.constant 0 : i32
      %dma_wait3A_30 = tpu.memref_slice %arg8[%add3A, %run_scoped3A_17, %dma_wait3A_29] : memref<32x2x10240xi32, #tpu.memory_space<hbm>> -> memref<1x1x10240xi32, #tpu.memory_space<hbm>>
      %dma_wait3A_31 = tpu.memref_squeeze %dma_wait3A_30 : memref<1x1x10240xi32, #tpu.memory_space<hbm>> -> memref<10240xi32, #tpu.memory_space<hbm>>
      %dma_wait3A_32 = arith.constant 0 : i32
      %dma_wait3A_33 = tpu.memref_slice %arg8[%add3A, %run_scoped3A_17, %dma_wait3A_32] : memref<32x2x10240xi32, #tpu.memory_space<hbm>> -> memref<1x1x10240xi32, #tpu.memory_space<hbm>>
      %dma_wait3A_34 = tpu.memref_squeeze %dma_wait3A_33 : memref<1x1x10240xi32, #tpu.memory_space<hbm>> -> memref<10240xi32, #tpu.memory_space<hbm>>
      %dma_wait3A_35 = arith.constant 0 : i32
      %dma_wait3A_36 = tpu.memref_slice %arg17[%dma_wait3A_35] : memref<10256xi32, #tpu.memory_space<vmem>> -> memref<10240xi32, #tpu.memory_space<vmem>>
      tpu.wait_dma2 semaphore(%run_scoped3A_18 : memref<!tpu.dma_semaphore, #tpu.memory_space<semaphore_mem>>) src(%dma_wait3A_36 : memref<10240xi32, #tpu.memory_space<vmem>>) dst(%dma_wait3A_34 : memref<10240xi32, #tpu.memory_space<hbm>>)
      tpu.yield
    }) : () -> ()
    "tpu.region"() ({
      %run_scoped3A_18 = tpu.sem_alloc : memref<!tpu.dma_semaphore, #tpu.memory_space<semaphore_mem>>
      %dma_start3A = arith.constant 0 : i32
      %dma_start3A_19 = tpu.memref_slice %arg10[%add3A, %dma_start3A] : memref<32x10240xi32, #tpu.memory_space<hbm>> -> memref<1x10240xi32, #tpu.memory_space<hbm>>
      %dma_start3A_20 = tpu.memref_squeeze %dma_start3A_19 : memref<1x10240xi32, #tpu.memory_space<hbm>> -> memref<10240xi32, #tpu.memory_space<hbm>>
      %dma_start3A_21 = arith.constant 0 : i32
      %dma_start3A_22 = tpu.memref_slice %arg10[%add3A, %dma_start3A_21] : memref<32x10240xi32, #tpu.memory_space<hbm>> -> memref<1x10240xi32, #tpu.memory_space<hbm>>
      %dma_start3A_23 = tpu.memref_squeeze %dma_start3A_22 : memref<1x10240xi32, #tpu.memory_space<hbm>> -> memref<10240xi32, #tpu.memory_space<hbm>>
      tpu.enqueue_dma source(%arg19 : memref<10240xi32, #tpu.memory_space<vmem>>) target(%dma_start3A_23 : memref<10240xi32, #tpu.memory_space<hbm>>) target_semaphore(%run_scoped3A_18 : memref<!tpu.dma_semaphore, #tpu.memory_space<semaphore_mem>>)
      %dma_wait3A = arith.constant 0 : i32
      %dma_wait3A_24 = tpu.memref_slice %arg10[%add3A, %dma_wait3A] : memref<32x10240xi32, #tpu.memory_space<hbm>> -> memref<1x10240xi32, #tpu.memory_space<hbm>>
      %dma_wait3A_25 = tpu.memref_squeeze %dma_wait3A_24 : memref<1x10240xi32, #tpu.memory_space<hbm>> -> memref<10240xi32, #tpu.memory_space<hbm>>
      %dma_wait3A_26 = arith.constant 0 : i32
      %dma_wait3A_27 = tpu.memref_slice %arg10[%add3A, %dma_wait3A_26] : memref<32x10240xi32, #tpu.memory_space<hbm>> -> memref<1x10240xi32, #tpu.memory_space<hbm>>
      %dma_wait3A_28 = tpu.memref_squeeze %dma_wait3A_27 : memref<1x10240xi32, #tpu.memory_space<hbm>> -> memref<10240xi32, #tpu.memory_space<hbm>>
      tpu.wait_dma2 semaphore(%run_scoped3A_18 : memref<!tpu.dma_semaphore, #tpu.memory_space<semaphore_mem>>) src(%arg19 : memref<10240xi32, #tpu.memory_space<vmem>>) dst(%dma_wait3A_28 : memref<10240xi32, #tpu.memory_space<hbm>>)
      tpu.yield
    }) : () -> ()
    "tpu.region"() ({
      %run_scoped3A_18 = tpu.sem_alloc : memref<!tpu.dma_semaphore, #tpu.memory_space<semaphore_mem>>
      %dma_start3A = arith.constant 0 : i32
      %dma_start3A_19 = tpu.memref_slice %arg11[%add3A, %dma_start3A] : memref<32x10240xi32, #tpu.memory_space<hbm>> -> memref<1x10240xi32, #tpu.memory_space<hbm>>
      %dma_start3A_20 = tpu.memref_squeeze %dma_start3A_19 : memref<1x10240xi32, #tpu.memory_space<hbm>> -> memref<10240xi32, #tpu.memory_space<hbm>>
      %dma_start3A_21 = arith.constant 0 : i32
      %dma_start3A_22 = tpu.memref_slice %arg11[%add3A, %dma_start3A_21] : memref<32x10240xi32, #tpu.memory_space<hbm>> -> memref<1x10240xi32, #tpu.memory_space<hbm>>
      %dma_start3A_23 = tpu.memref_squeeze %dma_start3A_22 : memref<1x10240xi32, #tpu.memory_space<hbm>> -> memref<10240xi32, #tpu.memory_space<hbm>>
      tpu.enqueue_dma source(%arg20 : memref<10240xi32, #tpu.memory_space<vmem>>) target(%dma_start3A_23 : memref<10240xi32, #tpu.memory_space<hbm>>) target_semaphore(%run_scoped3A_18 : memref<!tpu.dma_semaphore, #tpu.memory_space<semaphore_mem>>)
      %dma_wait3A = arith.constant 0 : i32
      %dma_wait3A_24 = tpu.memref_slice %arg11[%add3A, %dma_wait3A] : memref<32x10240xi32, #tpu.memory_space<hbm>> -> memref<1x10240xi32, #tpu.memory_space<hbm>>
      %dma_wait3A_25 = tpu.memref_squeeze %dma_wait3A_24 : memref<1x10240xi32, #tpu.memory_space<hbm>> -> memref<10240xi32, #tpu.memory_space<hbm>>
      %dma_wait3A_26 = arith.constant 0 : i32
      %dma_wait3A_27 = tpu.memref_slice %arg11[%add3A, %dma_wait3A_26] : memref<32x10240xi32, #tpu.memory_space<hbm>> -> memref<1x10240xi32, #tpu.memory_space<hbm>>
      %dma_wait3A_28 = tpu.memref_squeeze %dma_wait3A_27 : memref<1x10240xi32, #tpu.memory_space<hbm>> -> memref<10240xi32, #tpu.memory_space<hbm>>
      tpu.wait_dma2 semaphore(%run_scoped3A_18 : memref<!tpu.dma_semaphore, #tpu.memory_space<semaphore_mem>>) src(%arg20 : memref<10240xi32, #tpu.memory_space<vmem>>) dst(%dma_wait3A_28 : memref<10240xi32, #tpu.memory_space<hbm>>)
      tpu.yield
    }) : () -> ()
    return
  }
}

#map = affine_map<(d0, d1) -> (0, 0)>
#map1 = affine_map<(d0, d1) -> (0, 0, 0, 0)>
module attributes {stable_mosaic.version = 14 : i64} {
  func.func @_spmm_body(%arg0: i32, %arg1: i32, %arg2: memref<10240x128xf32, #tpu.memory_space<hbm>>, %arg3: memref<32x2x80x128xi32, #tpu.memory_space<hbm>>, %arg4: memref<32x2x80x128xi32, #tpu.memory_space<hbm>>, %arg5: memref<32x16xi32, #tpu.memory_space<hbm>>, %arg6: memref<328x128xf32, #tpu.memory_space<hbm>>, %arg7: memref<10240x128xf32, #tpu.memory_space<hbm>>, %arg8: memref<80x128xi32, #tpu.memory_space<vmem>>, %arg9: memref<80x128xi32, #tpu.memory_space<vmem>>, %arg10: memref<4x128x128xf32, #tpu.memory_space<vmem>>, %arg11: memref<16xi32, #tpu.memory_space<vmem>>, %arg12: memref<5248x128xf32, #tpu.memory_space<vmem_shared>>, %arg13: memref<!tpu.dma_semaphore, #tpu.memory_space<semaphore_mem>>, %arg14: memref<!tpu.dma_semaphore, #tpu.memory_space<semaphore_mem>>) attributes {dimension_semantics = [#tpu.dimension_semantics<core_parallel>, #tpu.dimension_semantics<subcore_parallel>], iteration_bounds = array<i64: 2, 16>, scalar_prefetch = 0 : i64, scratch_operands = 7 : i64, tpu.core_type = #tpu.core_type<sc_vector_subcore>, window_params = [{transform_indices = #map}, {transform_indices = #map1}, {transform_indices = #map1}, {transform_indices = #map}, {transform_indices = #map}, {transform_indices = #map}]} {
    %mul3A = arith.constant 5120 : i32
    %mul3A_0 = arith.muli %arg0, %mul3A : i32
    %mul3A_1 = arith.constant 328 : i32
    %mul3A_2 = arith.muli %arg1, %mul3A_1 : i32
    "tpu.region"() ({
      %run_scoped3A = tpu.sem_alloc : memref<!tpu.dma_semaphore, #tpu.memory_space<semaphore_mem>>
      %dma_start3A_115 = arith.constant 0 : i32
      %dma_start3A_116 = tpu.memref_slice %arg12[%mul3A_2, %dma_start3A_115] : memref<5248x128xf32, #tpu.memory_space<vmem_shared>> -> memref<328x128xf32, #tpu.memory_space<vmem_shared>>
      tpu.enqueue_dma source(%arg6 : memref<328x128xf32, #tpu.memory_space<hbm>>) target(%dma_start3A_116 : memref<328x128xf32, #tpu.memory_space<vmem_shared>>) target_semaphore(%run_scoped3A : memref<!tpu.dma_semaphore, #tpu.memory_space<semaphore_mem>>)
      %dma_wait3A = arith.constant 0 : i32
      %dma_wait3A_117 = tpu.memref_slice %arg12[%mul3A_2, %dma_wait3A] : memref<5248x128xf32, #tpu.memory_space<vmem_shared>> -> memref<328x128xf32, #tpu.memory_space<vmem_shared>>
      tpu.wait_dma2 semaphore(%run_scoped3A : memref<!tpu.dma_semaphore, #tpu.memory_space<semaphore_mem>>) src(%arg6 : memref<328x128xf32, #tpu.memory_space<hbm>>) dst(%dma_wait3A_117 : memref<328x128xf32, #tpu.memory_space<vmem_shared>>)
      tpu.yield
    }) : () -> ()
    %barrier3A = arith.constant 0 : index
    tpu.barrier barrier_id(%barrier3A)
    %mul3A_3 = arith.constant 2 : i32
    %mul3A_4 = arith.muli %mul3A_3, %arg1 : i32
    %add3A = arith.constant 0 : i32
    %add3A_5 = arith.addi %mul3A_4, %add3A : i32
    "tpu.region"() ({
      %run_scoped3A = tpu.sem_alloc : memref<!tpu.dma_semaphore, #tpu.memory_space<semaphore_mem>>
      %dma_start3A_115 = arith.constant 0 : i32
      %dma_start3A_116 = arith.constant 0 : i32
      %dma_start3A_117 = tpu.memref_slice %arg3[%add3A_5, %arg0, %dma_start3A_115, %dma_start3A_116] : memref<32x2x80x128xi32, #tpu.memory_space<hbm>> -> memref<1x1x80x128xi32, #tpu.memory_space<hbm>>
      %dma_start3A_118 = tpu.memref_squeeze %dma_start3A_117 : memref<1x1x80x128xi32, #tpu.memory_space<hbm>> -> memref<80x128xi32, #tpu.memory_space<hbm>>
      %dma_start3A_119 = arith.constant 0 : i32
      %dma_start3A_120 = arith.constant 0 : i32
      %dma_start3A_121 = tpu.memref_slice %arg3[%add3A_5, %arg0, %dma_start3A_119, %dma_start3A_120] : memref<32x2x80x128xi32, #tpu.memory_space<hbm>> -> memref<1x1x80x128xi32, #tpu.memory_space<hbm>>
      %dma_start3A_122 = tpu.memref_squeeze %dma_start3A_121 : memref<1x1x80x128xi32, #tpu.memory_space<hbm>> -> memref<80x128xi32, #tpu.memory_space<hbm>>
      tpu.enqueue_dma source(%dma_start3A_122 : memref<80x128xi32, #tpu.memory_space<hbm>>) target(%arg8 : memref<80x128xi32, #tpu.memory_space<vmem>>) target_semaphore(%run_scoped3A : memref<!tpu.dma_semaphore, #tpu.memory_space<semaphore_mem>>)
      %dma_wait3A = arith.constant 0 : i32
      %dma_wait3A_123 = arith.constant 0 : i32
      %dma_wait3A_124 = tpu.memref_slice %arg3[%add3A_5, %arg0, %dma_wait3A, %dma_wait3A_123] : memref<32x2x80x128xi32, #tpu.memory_space<hbm>> -> memref<1x1x80x128xi32, #tpu.memory_space<hbm>>
      %dma_wait3A_125 = tpu.memref_squeeze %dma_wait3A_124 : memref<1x1x80x128xi32, #tpu.memory_space<hbm>> -> memref<80x128xi32, #tpu.memory_space<hbm>>
      %dma_wait3A_126 = arith.constant 0 : i32
      %dma_wait3A_127 = arith.constant 0 : i32
      %dma_wait3A_128 = tpu.memref_slice %arg3[%add3A_5, %arg0, %dma_wait3A_126, %dma_wait3A_127] : memref<32x2x80x128xi32, #tpu.memory_space<hbm>> -> memref<1x1x80x128xi32, #tpu.memory_space<hbm>>
      %dma_wait3A_129 = tpu.memref_squeeze %dma_wait3A_128 : memref<1x1x80x128xi32, #tpu.memory_space<hbm>> -> memref<80x128xi32, #tpu.memory_space<hbm>>
      tpu.wait_dma2 semaphore(%run_scoped3A : memref<!tpu.dma_semaphore, #tpu.memory_space<semaphore_mem>>) src(%dma_wait3A_129 : memref<80x128xi32, #tpu.memory_space<hbm>>) dst(%arg8 : memref<80x128xi32, #tpu.memory_space<vmem>>)
      tpu.yield
    }) : () -> ()
    "tpu.region"() ({
      %run_scoped3A = tpu.sem_alloc : memref<!tpu.dma_semaphore, #tpu.memory_space<semaphore_mem>>
      %dma_start3A_115 = arith.constant 0 : i32
      %dma_start3A_116 = arith.constant 0 : i32
      %dma_start3A_117 = tpu.memref_slice %arg4[%add3A_5, %arg0, %dma_start3A_115, %dma_start3A_116] : memref<32x2x80x128xi32, #tpu.memory_space<hbm>> -> memref<1x1x80x128xi32, #tpu.memory_space<hbm>>
      %dma_start3A_118 = tpu.memref_squeeze %dma_start3A_117 : memref<1x1x80x128xi32, #tpu.memory_space<hbm>> -> memref<80x128xi32, #tpu.memory_space<hbm>>
      %dma_start3A_119 = arith.constant 0 : i32
      %dma_start3A_120 = arith.constant 0 : i32
      %dma_start3A_121 = tpu.memref_slice %arg4[%add3A_5, %arg0, %dma_start3A_119, %dma_start3A_120] : memref<32x2x80x128xi32, #tpu.memory_space<hbm>> -> memref<1x1x80x128xi32, #tpu.memory_space<hbm>>
      %dma_start3A_122 = tpu.memref_squeeze %dma_start3A_121 : memref<1x1x80x128xi32, #tpu.memory_space<hbm>> -> memref<80x128xi32, #tpu.memory_space<hbm>>
      tpu.enqueue_dma source(%dma_start3A_122 : memref<80x128xi32, #tpu.memory_space<hbm>>) target(%arg9 : memref<80x128xi32, #tpu.memory_space<vmem>>) target_semaphore(%run_scoped3A : memref<!tpu.dma_semaphore, #tpu.memory_space<semaphore_mem>>)
      %dma_wait3A = arith.constant 0 : i32
      %dma_wait3A_123 = arith.constant 0 : i32
      %dma_wait3A_124 = tpu.memref_slice %arg4[%add3A_5, %arg0, %dma_wait3A, %dma_wait3A_123] : memref<32x2x80x128xi32, #tpu.memory_space<hbm>> -> memref<1x1x80x128xi32, #tpu.memory_space<hbm>>
      %dma_wait3A_125 = tpu.memref_squeeze %dma_wait3A_124 : memref<1x1x80x128xi32, #tpu.memory_space<hbm>> -> memref<80x128xi32, #tpu.memory_space<hbm>>
      %dma_wait3A_126 = arith.constant 0 : i32
      %dma_wait3A_127 = arith.constant 0 : i32
      %dma_wait3A_128 = tpu.memref_slice %arg4[%add3A_5, %arg0, %dma_wait3A_126, %dma_wait3A_127] : memref<32x2x80x128xi32, #tpu.memory_space<hbm>> -> memref<1x1x80x128xi32, #tpu.memory_space<hbm>>
      %dma_wait3A_129 = tpu.memref_squeeze %dma_wait3A_128 : memref<1x1x80x128xi32, #tpu.memory_space<hbm>> -> memref<80x128xi32, #tpu.memory_space<hbm>>
      tpu.wait_dma2 semaphore(%run_scoped3A : memref<!tpu.dma_semaphore, #tpu.memory_space<semaphore_mem>>) src(%dma_wait3A_129 : memref<80x128xi32, #tpu.memory_space<hbm>>) dst(%arg9 : memref<80x128xi32, #tpu.memory_space<vmem>>)
      tpu.yield
    }) : () -> ()
    "tpu.region"() ({
      %run_scoped3A = tpu.sem_alloc : memref<!tpu.dma_semaphore, #tpu.memory_space<semaphore_mem>>
      %dma_start3A_115 = arith.constant 0 : i32
      %dma_start3A_116 = tpu.memref_slice %arg5[%add3A_5, %dma_start3A_115] : memref<32x16xi32, #tpu.memory_space<hbm>> -> memref<1x16xi32, #tpu.memory_space<hbm>>
      %dma_start3A_117 = tpu.memref_squeeze %dma_start3A_116 : memref<1x16xi32, #tpu.memory_space<hbm>> -> memref<16xi32, #tpu.memory_space<hbm>>
      %dma_start3A_118 = arith.constant 0 : i32
      %dma_start3A_119 = tpu.memref_slice %arg5[%add3A_5, %dma_start3A_118] : memref<32x16xi32, #tpu.memory_space<hbm>> -> memref<1x16xi32, #tpu.memory_space<hbm>>
      %dma_start3A_120 = tpu.memref_squeeze %dma_start3A_119 : memref<1x16xi32, #tpu.memory_space<hbm>> -> memref<16xi32, #tpu.memory_space<hbm>>
      tpu.enqueue_dma source(%dma_start3A_120 : memref<16xi32, #tpu.memory_space<hbm>>) target(%arg11 : memref<16xi32, #tpu.memory_space<vmem>>) target_semaphore(%run_scoped3A : memref<!tpu.dma_semaphore, #tpu.memory_space<semaphore_mem>>)
      %dma_wait3A = arith.constant 0 : i32
      %dma_wait3A_121 = tpu.memref_slice %arg5[%add3A_5, %dma_wait3A] : memref<32x16xi32, #tpu.memory_space<hbm>> -> memref<1x16xi32, #tpu.memory_space<hbm>>
      %dma_wait3A_122 = tpu.memref_squeeze %dma_wait3A_121 : memref<1x16xi32, #tpu.memory_space<hbm>> -> memref<16xi32, #tpu.memory_space<hbm>>
      %dma_wait3A_123 = arith.constant 0 : i32
      %dma_wait3A_124 = tpu.memref_slice %arg5[%add3A_5, %dma_wait3A_123] : memref<32x16xi32, #tpu.memory_space<hbm>> -> memref<1x16xi32, #tpu.memory_space<hbm>>
      %dma_wait3A_125 = tpu.memref_squeeze %dma_wait3A_124 : memref<1x16xi32, #tpu.memory_space<hbm>> -> memref<16xi32, #tpu.memory_space<hbm>>
      tpu.wait_dma2 semaphore(%run_scoped3A : memref<!tpu.dma_semaphore, #tpu.memory_space<semaphore_mem>>) src(%dma_wait3A_125 : memref<16xi32, #tpu.memory_space<hbm>>) dst(%arg11 : memref<16xi32, #tpu.memory_space<vmem>>)
      tpu.yield
    }) : () -> ()
    %get3A = arith.constant 0 : index
    %get3A_6 = tpu.vector_load %arg11[%get3A] {strides = array<i32>} : memref<16xi32, #tpu.memory_space<vmem>>, vector<16xi32>,
    %get3A_7 = vector.shape_cast %get3A_6 : vector<16xi32> to vector<16xi32>
    %eq3A = arith.constant 0 : i32
    %eq3A_8 = arith.cmpi eq, %arg0, %eq3A : i32
    %slice3A = vector.extract_strided_slice %get3A_7 {offsets = [0], sizes = [1], strides = [1]} : vector<16xi32> to vector<1xi32>
    %squeeze3A = vector.extract %slice3A[0] : i32 from vector<1xi32>
    %slice3A_9 = vector.extract_strided_slice %get3A_7 {offsets = [1], sizes = [1], strides = [1]} : vector<16xi32> to vector<1xi32>
    %squeeze3A_10 = vector.extract %slice3A_9[0] : i32 from vector<1xi32>
    %select_n3A = arith.select %eq3A_8, %squeeze3A, %squeeze3A_10 : i32
    %add3A_11 = arith.constant 127 : i32
    %add3A_12 = arith.addi %select_n3A, %add3A_11 : i32
    %div3A = arith.constant 128 : i32
    %div3A_13 = arith.divsi %add3A_12, %div3A : i32
    %add3A_14 = arith.constant 3 : i32
    %add3A_15 = arith.addi %div3A_13, %add3A_14 : i32
    %div3A_16 = arith.constant 4 : i32
    %div3A_17 = arith.divsi %add3A_15, %div3A_16 : i32
    %max3A = arith.constant 1 : i32
    %max3A_18 = arith.maxsi %div3A_17, %max3A : i32
    %dma_start3A = arith.constant 0 : i32
    %dma_start3A_19 = arith.constant 0 : i32
    %dma_start3A_20 = arith.constant 0 : i32
    %dma_start3A_21 = arith.constant 0 : i32
    %dma_start3A_22 = tpu.memref_slice %arg10[%dma_start3A_19, %dma_start3A_20, %dma_start3A_21] : memref<4x128x128xf32, #tpu.memory_space<vmem>> -> memref<1x128x128xf32, #tpu.memory_space<vmem>>
    %dma_start3A_23 = tpu.memref_squeeze %dma_start3A_22 : memref<1x128x128xf32, #tpu.memory_space<vmem>> -> memref<128x128xf32, #tpu.memory_space<vmem>>
    %dma_start3A_24 = arith.constant 0 : i32
    %dma_start3A_25 = tpu.memref_slice %arg8[%dma_start3A, %dma_start3A_24] : memref<80x128xi32, #tpu.memory_space<vmem>> -> memref<1x128xi32, #tpu.memory_space<vmem>>
    %dma_start3A_26 = tpu.memref_squeeze %dma_start3A_25 : memref<1x128xi32, #tpu.memory_space<vmem>> -> memref<128xi32, #tpu.memory_space<vmem>>
    %dma_start3A_27 = arith.constant 0 : i32
    %dma_start3A_28 = arith.constant 0 : i32
    %dma_start3A_29 = tpu.memref_slice %arg2[%dma_start3A_27, %dma_start3A_28] : memref<10240x128xf32, #tpu.memory_space<hbm>> -> memref<10240x128xf32, #tpu.memory_space<hbm>>
    tpu.enqueue_indirect_dma source(%dma_start3A_29 : memref<10240x128xf32, #tpu.memory_space<hbm>>) target(%dma_start3A_23 : memref<128x128xf32, #tpu.memory_space<vmem>>) offsets(%dma_start3A_26 : memref<128xi32, #tpu.memory_space<vmem>>) semaphore(%arg13 : memref<!tpu.dma_semaphore, #tpu.memory_space<semaphore_mem>>)
    %dma_start3A_30 = arith.constant 1 : i32
    %dma_start3A_31 = arith.constant 1 : i32
    %dma_start3A_32 = arith.constant 0 : i32
    %dma_start3A_33 = arith.constant 0 : i32
    %dma_start3A_34 = tpu.memref_slice %arg10[%dma_start3A_31, %dma_start3A_32, %dma_start3A_33] : memref<4x128x128xf32, #tpu.memory_space<vmem>> -> memref<1x128x128xf32, #tpu.memory_space<vmem>>
    %dma_start3A_35 = tpu.memref_squeeze %dma_start3A_34 : memref<1x128x128xf32, #tpu.memory_space<vmem>> -> memref<128x128xf32, #tpu.memory_space<vmem>>
    %dma_start3A_36 = arith.constant 0 : i32
    %dma_start3A_37 = tpu.memref_slice %arg8[%dma_start3A_30, %dma_start3A_36] : memref<80x128xi32, #tpu.memory_space<vmem>> -> memref<1x128xi32, #tpu.memory_space<vmem>>
    %dma_start3A_38 = tpu.memref_squeeze %dma_start3A_37 : memref<1x128xi32, #tpu.memory_space<vmem>> -> memref<128xi32, #tpu.memory_space<vmem>>
    %dma_start3A_39 = arith.constant 0 : i32
    %dma_start3A_40 = arith.constant 0 : i32
    %dma_start3A_41 = tpu.memref_slice %arg2[%dma_start3A_39, %dma_start3A_40] : memref<10240x128xf32, #tpu.memory_space<hbm>> -> memref<10240x128xf32, #tpu.memory_space<hbm>>
    tpu.enqueue_indirect_dma source(%dma_start3A_41 : memref<10240x128xf32, #tpu.memory_space<hbm>>) target(%dma_start3A_35 : memref<128x128xf32, #tpu.memory_space<vmem>>) offsets(%dma_start3A_38 : memref<128xi32, #tpu.memory_space<vmem>>) semaphore(%arg14 : memref<!tpu.dma_semaphore, #tpu.memory_space<semaphore_mem>>)
    %while3A = arith.constant 0 : i32
    %while3A_42 = arith.constant 0 : i32
    %while3A_43 = arith.subi %max3A_18, %while3A_42 : i32
    %while3A_44 = arith.addi %while3A_42, %while3A_43 : i32
    %while3A_45 = arith.constant 1 : i32
    %while3A_46 = arith.divsi %while3A_43, %while3A_45 : i32
    %while3A_47 = arith.muli %while3A_46, %while3A_45 : i32
    %while3A_48 = arith.addi %while3A_42, %while3A_47 : i32
    %while3A_49 = arith.constant 1 : i32
    scf.for %while3A_115 = %while3A_42 to %while3A_48 step %while3A_49  : i32 {
      %mul3A_116 = arith.constant 4 : i32
      %mul3A_117 = arith.muli %while3A_115, %mul3A_116 : i32
      %add3A_118 = arith.constant 0 : i32
      %add3A_119 = arith.addi %mul3A_117, %add3A_118 : i32
      %dma_wait3A = arith.constant 0 : i32
      %dma_wait3A_120 = arith.constant 0 : i32
      %dma_wait3A_121 = arith.constant 0 : i32
      %dma_wait3A_122 = tpu.memref_slice %arg10[%dma_wait3A, %dma_wait3A_120, %dma_wait3A_121] : memref<4x128x128xf32, #tpu.memory_space<vmem>> -> memref<1x128x128xf32, #tpu.memory_space<vmem>>
      %dma_wait3A_123 = tpu.memref_squeeze %dma_wait3A_122 : memref<1x128x128xf32, #tpu.memory_space<vmem>> -> memref<128x128xf32, #tpu.memory_space<vmem>>
      %dma_wait3A_124 = arith.constant 0 : i32
      %dma_wait3A_125 = tpu.memref_slice %arg8[%add3A_119, %dma_wait3A_124] : memref<80x128xi32, #tpu.memory_space<vmem>> -> memref<1x128xi32, #tpu.memory_space<vmem>>
      %dma_wait3A_126 = tpu.memref_squeeze %dma_wait3A_125 : memref<1x128xi32, #tpu.memory_space<vmem>> -> memref<128xi32, #tpu.memory_space<vmem>>
      %dma_wait3A_127 = arith.constant 0 : i32
      %dma_wait3A_128 = arith.constant 0 : i32
      %dma_wait3A_129 = tpu.memref_slice %arg2[%dma_wait3A_127, %dma_wait3A_128] : memref<10240x128xf32, #tpu.memory_space<hbm>> -> memref<10240x128xf32, #tpu.memory_space<hbm>>
      tpu.wait_indirect_dma semaphore(%arg13 : memref<!tpu.dma_semaphore, #tpu.memory_space<semaphore_mem>>) src(%dma_wait3A_129 : memref<10240x128xf32, #tpu.memory_space<hbm>>) dst(%dma_wait3A_123 : memref<128x128xf32, #tpu.memory_space<vmem>>)
      %add3A_130 = arith.constant 2 : i32
      %add3A_131 = arith.addi %add3A_119, %add3A_130 : i32
      %mul3A_132 = arith.constant 4 : i32
      %mul3A_133 = arith.muli %max3A_18, %mul3A_132 : i32
      %lt3A = arith.cmpi slt, %add3A_131, %mul3A_133 : i32
      %convert_element_type3A = arith.extui %lt3A : i1 to i32
      %cond3A = arith.constant 0 : i32
      %cond3A_134 = arith.cmpi ne, %convert_element_type3A, %cond3A : i32
      scf.if %cond3A_134 {
        %add3A_207 = arith.constant 2 : i32
        %add3A_208 = arith.addi %add3A_119, %add3A_207 : i32
        %dma_start3A_209 = arith.constant 2 : i32
        %dma_start3A_210 = arith.constant 0 : i32
        %dma_start3A_211 = arith.constant 0 : i32
        %dma_start3A_212 = tpu.memref_slice %arg10[%dma_start3A_209, %dma_start3A_210, %dma_start3A_211] : memref<4x128x128xf32, #tpu.memory_space<vmem>> -> memref<1x128x128xf32, #tpu.memory_space<vmem>>
        %dma_start3A_213 = tpu.memref_squeeze %dma_start3A_212 : memref<1x128x128xf32, #tpu.memory_space<vmem>> -> memref<128x128xf32, #tpu.memory_space<vmem>>
        %dma_start3A_214 = arith.constant 0 : i32
        %dma_start3A_215 = tpu.memref_slice %arg8[%add3A_208, %dma_start3A_214] : memref<80x128xi32, #tpu.memory_space<vmem>> -> memref<1x128xi32, #tpu.memory_space<vmem>>
        %dma_start3A_216 = tpu.memref_squeeze %dma_start3A_215 : memref<1x128xi32, #tpu.memory_space<vmem>> -> memref<128xi32, #tpu.memory_space<vmem>>
        %dma_start3A_217 = arith.constant 0 : i32
        %dma_start3A_218 = arith.constant 0 : i32
        %dma_start3A_219 = tpu.memref_slice %arg2[%dma_start3A_217, %dma_start3A_218] : memref<10240x128xf32, #tpu.memory_space<hbm>> -> memref<10240x128xf32, #tpu.memory_space<hbm>>
        tpu.enqueue_indirect_dma source(%dma_start3A_219 : memref<10240x128xf32, #tpu.memory_space<hbm>>) target(%dma_start3A_213 : memref<128x128xf32, #tpu.memory_space<vmem>>) offsets(%dma_start3A_216 : memref<128xi32, #tpu.memory_space<vmem>>) semaphore(%arg13 : memref<!tpu.dma_semaphore, #tpu.memory_space<semaphore_mem>>)
      } else {
      }
      %run_scoped3A = arith.constant 0 : i32
      "tpu.region"() ({
        %run_scoped3A_207 = tpu.sem_alloc : memref<!tpu.dma_semaphore, #tpu.memory_space<semaphore_mem>>
        %dma_start3A_208 = arith.constant 0 : i32
        %dma_start3A_209 = arith.constant 0 : i32
        %dma_start3A_210 = tpu.memref_slice %arg10[%run_scoped3A, %dma_start3A_208, %dma_start3A_209] : memref<4x128x128xf32, #tpu.memory_space<vmem>> -> memref<1x128x128xf32, #tpu.memory_space<vmem>>
        %dma_start3A_211 = tpu.memref_squeeze %dma_start3A_210 : memref<1x128x128xf32, #tpu.memory_space<vmem>> -> memref<128x128xf32, #tpu.memory_space<vmem>>
        %dma_start3A_212 = arith.constant 0 : i32
        %dma_start3A_213 = tpu.memref_slice %arg9[%add3A_119, %dma_start3A_212] : memref<80x128xi32, #tpu.memory_space<vmem>> -> memref<1x128xi32, #tpu.memory_space<vmem>>
        %dma_start3A_214 = tpu.memref_squeeze %dma_start3A_213 : memref<1x128xi32, #tpu.memory_space<vmem>> -> memref<128xi32, #tpu.memory_space<vmem>>
        %dma_start3A_215 = arith.constant 0 : i32
        %dma_start3A_216 = arith.constant 0 : i32
        %dma_start3A_217 = tpu.memref_slice %arg12[%dma_start3A_215, %dma_start3A_216] : memref<5248x128xf32, #tpu.memory_space<vmem_shared>> -> memref<5248x128xf32, #tpu.memory_space<vmem_shared>>
        tpu.enqueue_indirect_dma source(%dma_start3A_211 : memref<128x128xf32, #tpu.memory_space<vmem>>) target(%dma_start3A_217 : memref<5248x128xf32, #tpu.memory_space<vmem_shared>>) offsets(%dma_start3A_214 : memref<128xi32, #tpu.memory_space<vmem>>) semaphore(%run_scoped3A_207 : memref<!tpu.dma_semaphore, #tpu.memory_space<semaphore_mem>>) {add = true}
        %dma_wait3A_218 = arith.constant 0 : i32
        %dma_wait3A_219 = arith.constant 0 : i32
        %dma_wait3A_220 = tpu.memref_slice %arg10[%run_scoped3A, %dma_wait3A_218, %dma_wait3A_219] : memref<4x128x128xf32, #tpu.memory_space<vmem>> -> memref<1x128x128xf32, #tpu.memory_space<vmem>>
        %dma_wait3A_221 = tpu.memref_squeeze %dma_wait3A_220 : memref<1x128x128xf32, #tpu.memory_space<vmem>> -> memref<128x128xf32, #tpu.memory_space<vmem>>
        %dma_wait3A_222 = arith.constant 0 : i32
        %dma_wait3A_223 = tpu.memref_slice %arg9[%add3A_119, %dma_wait3A_222] : memref<80x128xi32, #tpu.memory_space<vmem>> -> memref<1x128xi32, #tpu.memory_space<vmem>>
        %dma_wait3A_224 = tpu.memref_squeeze %dma_wait3A_223 : memref<1x128xi32, #tpu.memory_space<vmem>> -> memref<128xi32, #tpu.memory_space<vmem>>
        %dma_wait3A_225 = arith.constant 0 : i32
        %dma_wait3A_226 = arith.constant 0 : i32
        %dma_wait3A_227 = tpu.memref_slice %arg12[%dma_wait3A_225, %dma_wait3A_226] : memref<5248x128xf32, #tpu.memory_space<vmem_shared>> -> memref<5248x128xf32, #tpu.memory_space<vmem_shared>>
        tpu.wait_indirect_dma semaphore(%run_scoped3A_207 : memref<!tpu.dma_semaphore, #tpu.memory_space<semaphore_mem>>) src(%dma_wait3A_221 : memref<128x128xf32, #tpu.memory_space<vmem>>) dst(%dma_wait3A_227 : memref<5248x128xf32, #tpu.memory_space<vmem_shared>>)
        tpu.yield
      }) : () -> ()
      %mul3A_135 = arith.constant 4 : i32
      %mul3A_136 = arith.muli %while3A_115, %mul3A_135 : i32
      %add3A_137 = arith.constant 1 : i32
      %add3A_138 = arith.addi %mul3A_136, %add3A_137 : i32
      %dma_wait3A_139 = arith.constant 1 : i32
      %dma_wait3A_140 = arith.constant 0 : i32
      %dma_wait3A_141 = arith.constant 0 : i32
      %dma_wait3A_142 = tpu.memref_slice %arg10[%dma_wait3A_139, %dma_wait3A_140, %dma_wait3A_141] : memref<4x128x128xf32, #tpu.memory_space<vmem>> -> memref<1x128x128xf32, #tpu.memory_space<vmem>>
      %dma_wait3A_143 = tpu.memref_squeeze %dma_wait3A_142 : memref<1x128x128xf32, #tpu.memory_space<vmem>> -> memref<128x128xf32, #tpu.memory_space<vmem>>
      %dma_wait3A_144 = arith.constant 0 : i32
      %dma_wait3A_145 = tpu.memref_slice %arg8[%add3A_138, %dma_wait3A_144] : memref<80x128xi32, #tpu.memory_space<vmem>> -> memref<1x128xi32, #tpu.memory_space<vmem>>
      %dma_wait3A_146 = tpu.memref_squeeze %dma_wait3A_145 : memref<1x128xi32, #tpu.memory_space<vmem>> -> memref<128xi32, #tpu.memory_space<vmem>>
      %dma_wait3A_147 = arith.constant 0 : i32
      %dma_wait3A_148 = arith.constant 0 : i32
      %dma_wait3A_149 = tpu.memref_slice %arg2[%dma_wait3A_147, %dma_wait3A_148] : memref<10240x128xf32, #tpu.memory_space<hbm>> -> memref<10240x128xf32, #tpu.memory_space<hbm>>
      tpu.wait_indirect_dma semaphore(%arg14 : memref<!tpu.dma_semaphore, #tpu.memory_space<semaphore_mem>>) src(%dma_wait3A_149 : memref<10240x128xf32, #tpu.memory_space<hbm>>) dst(%dma_wait3A_143 : memref<128x128xf32, #tpu.memory_space<vmem>>)
      %add3A_150 = arith.constant 2 : i32
      %add3A_151 = arith.addi %add3A_138, %add3A_150 : i32
      %mul3A_152 = arith.constant 4 : i32
      %mul3A_153 = arith.muli %max3A_18, %mul3A_152 : i32
      %lt3A_154 = arith.cmpi slt, %add3A_151, %mul3A_153 : i32
      %convert_element_type3A_155 = arith.extui %lt3A_154 : i1 to i32
      %cond3A_156 = arith.constant 0 : i32
      %cond3A_157 = arith.cmpi ne, %convert_element_type3A_155, %cond3A_156 : i32
      scf.if %cond3A_157 {
        %add3A_207 = arith.constant 2 : i32
        %add3A_208 = arith.addi %add3A_138, %add3A_207 : i32
        %dma_start3A_209 = arith.constant 3 : i32
        %dma_start3A_210 = arith.constant 0 : i32
        %dma_start3A_211 = arith.constant 0 : i32
        %dma_start3A_212 = tpu.memref_slice %arg10[%dma_start3A_209, %dma_start3A_210, %dma_start3A_211] : memref<4x128x128xf32, #tpu.memory_space<vmem>> -> memref<1x128x128xf32, #tpu.memory_space<vmem>>
        %dma_start3A_213 = tpu.memref_squeeze %dma_start3A_212 : memref<1x128x128xf32, #tpu.memory_space<vmem>> -> memref<128x128xf32, #tpu.memory_space<vmem>>
        %dma_start3A_214 = arith.constant 0 : i32
        %dma_start3A_215 = tpu.memref_slice %arg8[%add3A_208, %dma_start3A_214] : memref<80x128xi32, #tpu.memory_space<vmem>> -> memref<1x128xi32, #tpu.memory_space<vmem>>
        %dma_start3A_216 = tpu.memref_squeeze %dma_start3A_215 : memref<1x128xi32, #tpu.memory_space<vmem>> -> memref<128xi32, #tpu.memory_space<vmem>>
        %dma_start3A_217 = arith.constant 0 : i32
        %dma_start3A_218 = arith.constant 0 : i32
        %dma_start3A_219 = tpu.memref_slice %arg2[%dma_start3A_217, %dma_start3A_218] : memref<10240x128xf32, #tpu.memory_space<hbm>> -> memref<10240x128xf32, #tpu.memory_space<hbm>>
        tpu.enqueue_indirect_dma source(%dma_start3A_219 : memref<10240x128xf32, #tpu.memory_space<hbm>>) target(%dma_start3A_213 : memref<128x128xf32, #tpu.memory_space<vmem>>) offsets(%dma_start3A_216 : memref<128xi32, #tpu.memory_space<vmem>>) semaphore(%arg14 : memref<!tpu.dma_semaphore, #tpu.memory_space<semaphore_mem>>)
      } else {
      }
      %run_scoped3A_158 = arith.constant 1 : i32
      "tpu.region"() ({
        %run_scoped3A_207 = tpu.sem_alloc : memref<!tpu.dma_semaphore, #tpu.memory_space<semaphore_mem>>
        %dma_start3A_208 = arith.constant 0 : i32
        %dma_start3A_209 = arith.constant 0 : i32
        %dma_start3A_210 = tpu.memref_slice %arg10[%run_scoped3A_158, %dma_start3A_208, %dma_start3A_209] : memref<4x128x128xf32, #tpu.memory_space<vmem>> -> memref<1x128x128xf32, #tpu.memory_space<vmem>>
        %dma_start3A_211 = tpu.memref_squeeze %dma_start3A_210 : memref<1x128x128xf32, #tpu.memory_space<vmem>> -> memref<128x128xf32, #tpu.memory_space<vmem>>
        %dma_start3A_212 = arith.constant 0 : i32
        %dma_start3A_213 = tpu.memref_slice %arg9[%add3A_138, %dma_start3A_212] : memref<80x128xi32, #tpu.memory_space<vmem>> -> memref<1x128xi32, #tpu.memory_space<vmem>>
        %dma_start3A_214 = tpu.memref_squeeze %dma_start3A_213 : memref<1x128xi32, #tpu.memory_space<vmem>> -> memref<128xi32, #tpu.memory_space<vmem>>
        %dma_start3A_215 = arith.constant 0 : i32
        %dma_start3A_216 = arith.constant 0 : i32
        %dma_start3A_217 = tpu.memref_slice %arg12[%dma_start3A_215, %dma_start3A_216] : memref<5248x128xf32, #tpu.memory_space<vmem_shared>> -> memref<5248x128xf32, #tpu.memory_space<vmem_shared>>
        tpu.enqueue_indirect_dma source(%dma_start3A_211 : memref<128x128xf32, #tpu.memory_space<vmem>>) target(%dma_start3A_217 : memref<5248x128xf32, #tpu.memory_space<vmem_shared>>) offsets(%dma_start3A_214 : memref<128xi32, #tpu.memory_space<vmem>>) semaphore(%run_scoped3A_207 : memref<!tpu.dma_semaphore, #tpu.memory_space<semaphore_mem>>) {add = true}
        %dma_wait3A_218 = arith.constant 0 : i32
        %dma_wait3A_219 = arith.constant 0 : i32
        %dma_wait3A_220 = tpu.memref_slice %arg10[%run_scoped3A_158, %dma_wait3A_218, %dma_wait3A_219] : memref<4x128x128xf32, #tpu.memory_space<vmem>> -> memref<1x128x128xf32, #tpu.memory_space<vmem>>
        %dma_wait3A_221 = tpu.memref_squeeze %dma_wait3A_220 : memref<1x128x128xf32, #tpu.memory_space<vmem>> -> memref<128x128xf32, #tpu.memory_space<vmem>>
        %dma_wait3A_222 = arith.constant 0 : i32
        %dma_wait3A_223 = tpu.memref_slice %arg9[%add3A_138, %dma_wait3A_222] : memref<80x128xi32, #tpu.memory_space<vmem>> -> memref<1x128xi32, #tpu.memory_space<vmem>>
        %dma_wait3A_224 = tpu.memref_squeeze %dma_wait3A_223 : memref<1x128xi32, #tpu.memory_space<vmem>> -> memref<128xi32, #tpu.memory_space<vmem>>
        %dma_wait3A_225 = arith.constant 0 : i32
        %dma_wait3A_226 = arith.constant 0 : i32
        %dma_wait3A_227 = tpu.memref_slice %arg12[%dma_wait3A_225, %dma_wait3A_226] : memref<5248x128xf32, #tpu.memory_space<vmem_shared>> -> memref<5248x128xf32, #tpu.memory_space<vmem_shared>>
        tpu.wait_indirect_dma semaphore(%run_scoped3A_207 : memref<!tpu.dma_semaphore, #tpu.memory_space<semaphore_mem>>) src(%dma_wait3A_221 : memref<128x128xf32, #tpu.memory_space<vmem>>) dst(%dma_wait3A_227 : memref<5248x128xf32, #tpu.memory_space<vmem_shared>>)
        tpu.yield
      }) : () -> ()
      %mul3A_159 = arith.constant 4 : i32
      %mul3A_160 = arith.muli %while3A_115, %mul3A_159 : i32
      %add3A_161 = arith.constant 2 : i32
      %add3A_162 = arith.addi %mul3A_160, %add3A_161 : i32
      %dma_wait3A_163 = arith.constant 2 : i32
      %dma_wait3A_164 = arith.constant 0 : i32
      %dma_wait3A_165 = arith.constant 0 : i32
      %dma_wait3A_166 = tpu.memref_slice %arg10[%dma_wait3A_163, %dma_wait3A_164, %dma_wait3A_165] : memref<4x128x128xf32, #tpu.memory_space<vmem>> -> memref<1x128x128xf32, #tpu.memory_space<vmem>>
      %dma_wait3A_167 = tpu.memref_squeeze %dma_wait3A_166 : memref<1x128x128xf32, #tpu.memory_space<vmem>> -> memref<128x128xf32, #tpu.memory_space<vmem>>
      %dma_wait3A_168 = arith.constant 0 : i32
      %dma_wait3A_169 = tpu.memref_slice %arg8[%add3A_162, %dma_wait3A_168] : memref<80x128xi32, #tpu.memory_space<vmem>> -> memref<1x128xi32, #tpu.memory_space<vmem>>
      %dma_wait3A_170 = tpu.memref_squeeze %dma_wait3A_169 : memref<1x128xi32, #tpu.memory_space<vmem>> -> memref<128xi32, #tpu.memory_space<vmem>>
      %dma_wait3A_171 = arith.constant 0 : i32
      %dma_wait3A_172 = arith.constant 0 : i32
      %dma_wait3A_173 = tpu.memref_slice %arg2[%dma_wait3A_171, %dma_wait3A_172] : memref<10240x128xf32, #tpu.memory_space<hbm>> -> memref<10240x128xf32, #tpu.memory_space<hbm>>
      tpu.wait_indirect_dma semaphore(%arg13 : memref<!tpu.dma_semaphore, #tpu.memory_space<semaphore_mem>>) src(%dma_wait3A_173 : memref<10240x128xf32, #tpu.memory_space<hbm>>) dst(%dma_wait3A_167 : memref<128x128xf32, #tpu.memory_space<vmem>>)
      %add3A_174 = arith.constant 2 : i32
      %add3A_175 = arith.addi %add3A_162, %add3A_174 : i32
      %mul3A_176 = arith.constant 4 : i32
      %mul3A_177 = arith.muli %max3A_18, %mul3A_176 : i32
      %lt3A_178 = arith.cmpi slt, %add3A_175, %mul3A_177 : i32
      %convert_element_type3A_179 = arith.extui %lt3A_178 : i1 to i32
      %cond3A_180 = arith.constant 0 : i32
      %cond3A_181 = arith.cmpi ne, %convert_element_type3A_179, %cond3A_180 : i32
      scf.if %cond3A_181 {
        %add3A_207 = arith.constant 2 : i32
        %add3A_208 = arith.addi %add3A_162, %add3A_207 : i32
        %dma_start3A_209 = arith.constant 0 : i32
        %dma_start3A_210 = arith.constant 0 : i32
        %dma_start3A_211 = arith.constant 0 : i32
        %dma_start3A_212 = tpu.memref_slice %arg10[%dma_start3A_209, %dma_start3A_210, %dma_start3A_211] : memref<4x128x128xf32, #tpu.memory_space<vmem>> -> memref<1x128x128xf32, #tpu.memory_space<vmem>>
        %dma_start3A_213 = tpu.memref_squeeze %dma_start3A_212 : memref<1x128x128xf32, #tpu.memory_space<vmem>> -> memref<128x128xf32, #tpu.memory_space<vmem>>
        %dma_start3A_214 = arith.constant 0 : i32
        %dma_start3A_215 = tpu.memref_slice %arg8[%add3A_208, %dma_start3A_214] : memref<80x128xi32, #tpu.memory_space<vmem>> -> memref<1x128xi32, #tpu.memory_space<vmem>>
        %dma_start3A_216 = tpu.memref_squeeze %dma_start3A_215 : memref<1x128xi32, #tpu.memory_space<vmem>> -> memref<128xi32, #tpu.memory_space<vmem>>
        %dma_start3A_217 = arith.constant 0 : i32
        %dma_start3A_218 = arith.constant 0 : i32
        %dma_start3A_219 = tpu.memref_slice %arg2[%dma_start3A_217, %dma_start3A_218] : memref<10240x128xf32, #tpu.memory_space<hbm>> -> memref<10240x128xf32, #tpu.memory_space<hbm>>
        tpu.enqueue_indirect_dma source(%dma_start3A_219 : memref<10240x128xf32, #tpu.memory_space<hbm>>) target(%dma_start3A_213 : memref<128x128xf32, #tpu.memory_space<vmem>>) offsets(%dma_start3A_216 : memref<128xi32, #tpu.memory_space<vmem>>) semaphore(%arg13 : memref<!tpu.dma_semaphore, #tpu.memory_space<semaphore_mem>>)
      } else {
      }
      %run_scoped3A_182 = arith.constant 2 : i32
      "tpu.region"() ({
        %run_scoped3A_207 = tpu.sem_alloc : memref<!tpu.dma_semaphore, #tpu.memory_space<semaphore_mem>>
        %dma_start3A_208 = arith.constant 0 : i32
        %dma_start3A_209 = arith.constant 0 : i32
        %dma_start3A_210 = tpu.memref_slice %arg10[%run_scoped3A_182, %dma_start3A_208, %dma_start3A_209] : memref<4x128x128xf32, #tpu.memory_space<vmem>> -> memref<1x128x128xf32, #tpu.memory_space<vmem>>
        %dma_start3A_211 = tpu.memref_squeeze %dma_start3A_210 : memref<1x128x128xf32, #tpu.memory_space<vmem>> -> memref<128x128xf32, #tpu.memory_space<vmem>>
        %dma_start3A_212 = arith.constant 0 : i32
        %dma_start3A_213 = tpu.memref_slice %arg9[%add3A_162, %dma_start3A_212] : memref<80x128xi32, #tpu.memory_space<vmem>> -> memref<1x128xi32, #tpu.memory_space<vmem>>
        %dma_start3A_214 = tpu.memref_squeeze %dma_start3A_213 : memref<1x128xi32, #tpu.memory_space<vmem>> -> memref<128xi32, #tpu.memory_space<vmem>>
        %dma_start3A_215 = arith.constant 0 : i32
        %dma_start3A_216 = arith.constant 0 : i32
        %dma_start3A_217 = tpu.memref_slice %arg12[%dma_start3A_215, %dma_start3A_216] : memref<5248x128xf32, #tpu.memory_space<vmem_shared>> -> memref<5248x128xf32, #tpu.memory_space<vmem_shared>>
        tpu.enqueue_indirect_dma source(%dma_start3A_211 : memref<128x128xf32, #tpu.memory_space<vmem>>) target(%dma_start3A_217 : memref<5248x128xf32, #tpu.memory_space<vmem_shared>>) offsets(%dma_start3A_214 : memref<128xi32, #tpu.memory_space<vmem>>) semaphore(%run_scoped3A_207 : memref<!tpu.dma_semaphore, #tpu.memory_space<semaphore_mem>>) {add = true}
        %dma_wait3A_218 = arith.constant 0 : i32
        %dma_wait3A_219 = arith.constant 0 : i32
        %dma_wait3A_220 = tpu.memref_slice %arg10[%run_scoped3A_182, %dma_wait3A_218, %dma_wait3A_219] : memref<4x128x128xf32, #tpu.memory_space<vmem>> -> memref<1x128x128xf32, #tpu.memory_space<vmem>>
        %dma_wait3A_221 = tpu.memref_squeeze %dma_wait3A_220 : memref<1x128x128xf32, #tpu.memory_space<vmem>> -> memref<128x128xf32, #tpu.memory_space<vmem>>
        %dma_wait3A_222 = arith.constant 0 : i32
        %dma_wait3A_223 = tpu.memref_slice %arg9[%add3A_162, %dma_wait3A_222] : memref<80x128xi32, #tpu.memory_space<vmem>> -> memref<1x128xi32, #tpu.memory_space<vmem>>
        %dma_wait3A_224 = tpu.memref_squeeze %dma_wait3A_223 : memref<1x128xi32, #tpu.memory_space<vmem>> -> memref<128xi32, #tpu.memory_space<vmem>>
        %dma_wait3A_225 = arith.constant 0 : i32
        %dma_wait3A_226 = arith.constant 0 : i32
        %dma_wait3A_227 = tpu.memref_slice %arg12[%dma_wait3A_225, %dma_wait3A_226] : memref<5248x128xf32, #tpu.memory_space<vmem_shared>> -> memref<5248x128xf32, #tpu.memory_space<vmem_shared>>
        tpu.wait_indirect_dma semaphore(%run_scoped3A_207 : memref<!tpu.dma_semaphore, #tpu.memory_space<semaphore_mem>>) src(%dma_wait3A_221 : memref<128x128xf32, #tpu.memory_space<vmem>>) dst(%dma_wait3A_227 : memref<5248x128xf32, #tpu.memory_space<vmem_shared>>)
        tpu.yield
      }) : () -> ()
      %mul3A_183 = arith.constant 4 : i32
      %mul3A_184 = arith.muli %while3A_115, %mul3A_183 : i32
      %add3A_185 = arith.constant 3 : i32
      %add3A_186 = arith.addi %mul3A_184, %add3A_185 : i32
      %dma_wait3A_187 = arith.constant 3 : i32
      %dma_wait3A_188 = arith.constant 0 : i32
      %dma_wait3A_189 = arith.constant 0 : i32
      %dma_wait3A_190 = tpu.memref_slice %arg10[%dma_wait3A_187, %dma_wait3A_188, %dma_wait3A_189] : memref<4x128x128xf32, #tpu.memory_space<vmem>> -> memref<1x128x128xf32, #tpu.memory_space<vmem>>
      %dma_wait3A_191 = tpu.memref_squeeze %dma_wait3A_190 : memref<1x128x128xf32, #tpu.memory_space<vmem>> -> memref<128x128xf32, #tpu.memory_space<vmem>>
      %dma_wait3A_192 = arith.constant 0 : i32
      %dma_wait3A_193 = tpu.memref_slice %arg8[%add3A_186, %dma_wait3A_192] : memref<80x128xi32, #tpu.memory_space<vmem>> -> memref<1x128xi32, #tpu.memory_space<vmem>>
      %dma_wait3A_194 = tpu.memref_squeeze %dma_wait3A_193 : memref<1x128xi32, #tpu.memory_space<vmem>> -> memref<128xi32, #tpu.memory_space<vmem>>
      %dma_wait3A_195 = arith.constant 0 : i32
      %dma_wait3A_196 = arith.constant 0 : i32
      %dma_wait3A_197 = tpu.memref_slice %arg2[%dma_wait3A_195, %dma_wait3A_196] : memref<10240x128xf32, #tpu.memory_space<hbm>> -> memref<10240x128xf32, #tpu.memory_space<hbm>>
      tpu.wait_indirect_dma semaphore(%arg14 : memref<!tpu.dma_semaphore, #tpu.memory_space<semaphore_mem>>) src(%dma_wait3A_197 : memref<10240x128xf32, #tpu.memory_space<hbm>>) dst(%dma_wait3A_191 : memref<128x128xf32, #tpu.memory_space<vmem>>)
      %add3A_198 = arith.constant 2 : i32
      %add3A_199 = arith.addi %add3A_186, %add3A_198 : i32
      %mul3A_200 = arith.constant 4 : i32
      %mul3A_201 = arith.muli %max3A_18, %mul3A_200 : i32
      %lt3A_202 = arith.cmpi slt, %add3A_199, %mul3A_201 : i32
      %convert_element_type3A_203 = arith.extui %lt3A_202 : i1 to i32
      %cond3A_204 = arith.constant 0 : i32
      %cond3A_205 = arith.cmpi ne, %convert_element_type3A_203, %cond3A_204 : i32
      scf.if %cond3A_205 {
        %add3A_207 = arith.constant 2 : i32
        %add3A_208 = arith.addi %add3A_186, %add3A_207 : i32
        %dma_start3A_209 = arith.constant 1 : i32
        %dma_start3A_210 = arith.constant 0 : i32
        %dma_start3A_211 = arith.constant 0 : i32
        %dma_start3A_212 = tpu.memref_slice %arg10[%dma_start3A_209, %dma_start3A_210, %dma_start3A_211] : memref<4x128x128xf32, #tpu.memory_space<vmem>> -> memref<1x128x128xf32, #tpu.memory_space<vmem>>
        %dma_start3A_213 = tpu.memref_squeeze %dma_start3A_212 : memref<1x128x128xf32, #tpu.memory_space<vmem>> -> memref<128x128xf32, #tpu.memory_space<vmem>>
        %dma_start3A_214 = arith.constant 0 : i32
        %dma_start3A_215 = tpu.memref_slice %arg8[%add3A_208, %dma_start3A_214] : memref<80x128xi32, #tpu.memory_space<vmem>> -> memref<1x128xi32, #tpu.memory_space<vmem>>
        %dma_start3A_216 = tpu.memref_squeeze %dma_start3A_215 : memref<1x128xi32, #tpu.memory_space<vmem>> -> memref<128xi32, #tpu.memory_space<vmem>>
        %dma_start3A_217 = arith.constant 0 : i32
        %dma_start3A_218 = arith.constant 0 : i32
        %dma_start3A_219 = tpu.memref_slice %arg2[%dma_start3A_217, %dma_start3A_218] : memref<10240x128xf32, #tpu.memory_space<hbm>> -> memref<10240x128xf32, #tpu.memory_space<hbm>>
        tpu.enqueue_indirect_dma source(%dma_start3A_219 : memref<10240x128xf32, #tpu.memory_space<hbm>>) target(%dma_start3A_213 : memref<128x128xf32, #tpu.memory_space<vmem>>) offsets(%dma_start3A_216 : memref<128xi32, #tpu.memory_space<vmem>>) semaphore(%arg14 : memref<!tpu.dma_semaphore, #tpu.memory_space<semaphore_mem>>)
      } else {
      }
      %run_scoped3A_206 = arith.constant 3 : i32
      "tpu.region"() ({
        %run_scoped3A_207 = tpu.sem_alloc : memref<!tpu.dma_semaphore, #tpu.memory_space<semaphore_mem>>
        %dma_start3A_208 = arith.constant 0 : i32
        %dma_start3A_209 = arith.constant 0 : i32
        %dma_start3A_210 = tpu.memref_slice %arg10[%run_scoped3A_206, %dma_start3A_208, %dma_start3A_209] : memref<4x128x128xf32, #tpu.memory_space<vmem>> -> memref<1x128x128xf32, #tpu.memory_space<vmem>>
        %dma_start3A_211 = tpu.memref_squeeze %dma_start3A_210 : memref<1x128x128xf32, #tpu.memory_space<vmem>> -> memref<128x128xf32, #tpu.memory_space<vmem>>
        %dma_start3A_212 = arith.constant 0 : i32
        %dma_start3A_213 = tpu.memref_slice %arg9[%add3A_186, %dma_start3A_212] : memref<80x128xi32, #tpu.memory_space<vmem>> -> memref<1x128xi32, #tpu.memory_space<vmem>>
        %dma_start3A_214 = tpu.memref_squeeze %dma_start3A_213 : memref<1x128xi32, #tpu.memory_space<vmem>> -> memref<128xi32, #tpu.memory_space<vmem>>
        %dma_start3A_215 = arith.constant 0 : i32
        %dma_start3A_216 = arith.constant 0 : i32
        %dma_start3A_217 = tpu.memref_slice %arg12[%dma_start3A_215, %dma_start3A_216] : memref<5248x128xf32, #tpu.memory_space<vmem_shared>> -> memref<5248x128xf32, #tpu.memory_space<vmem_shared>>
        tpu.enqueue_indirect_dma source(%dma_start3A_211 : memref<128x128xf32, #tpu.memory_space<vmem>>) target(%dma_start3A_217 : memref<5248x128xf32, #tpu.memory_space<vmem_shared>>) offsets(%dma_start3A_214 : memref<128xi32, #tpu.memory_space<vmem>>) semaphore(%run_scoped3A_207 : memref<!tpu.dma_semaphore, #tpu.memory_space<semaphore_mem>>) {add = true}
        %dma_wait3A_218 = arith.constant 0 : i32
        %dma_wait3A_219 = arith.constant 0 : i32
        %dma_wait3A_220 = tpu.memref_slice %arg10[%run_scoped3A_206, %dma_wait3A_218, %dma_wait3A_219] : memref<4x128x128xf32, #tpu.memory_space<vmem>> -> memref<1x128x128xf32, #tpu.memory_space<vmem>>
        %dma_wait3A_221 = tpu.memref_squeeze %dma_wait3A_220 : memref<1x128x128xf32, #tpu.memory_space<vmem>> -> memref<128x128xf32, #tpu.memory_space<vmem>>
        %dma_wait3A_222 = arith.constant 0 : i32
        %dma_wait3A_223 = tpu.memref_slice %arg9[%add3A_186, %dma_wait3A_222] : memref<80x128xi32, #tpu.memory_space<vmem>> -> memref<1x128xi32, #tpu.memory_space<vmem>>
        %dma_wait3A_224 = tpu.memref_squeeze %dma_wait3A_223 : memref<1x128xi32, #tpu.memory_space<vmem>> -> memref<128xi32, #tpu.memory_space<vmem>>
        %dma_wait3A_225 = arith.constant 0 : i32
        %dma_wait3A_226 = arith.constant 0 : i32
        %dma_wait3A_227 = tpu.memref_slice %arg12[%dma_wait3A_225, %dma_wait3A_226] : memref<5248x128xf32, #tpu.memory_space<vmem_shared>> -> memref<5248x128xf32, #tpu.memory_space<vmem_shared>>
        tpu.wait_indirect_dma semaphore(%run_scoped3A_207 : memref<!tpu.dma_semaphore, #tpu.memory_space<semaphore_mem>>) src(%dma_wait3A_221 : memref<128x128xf32, #tpu.memory_space<vmem>>) dst(%dma_wait3A_227 : memref<5248x128xf32, #tpu.memory_space<vmem_shared>>)
        tpu.yield
      }) : () -> ()
    }
    %while3A_50 = arith.constant 1 : i32
    scf.for %while3A_115 = %while3A_48 to %while3A_44 step %while3A_50  : i32 {
      %mul3A_116 = arith.constant 4 : i32
      %mul3A_117 = arith.muli %while3A_115, %mul3A_116 : i32
      %add3A_118 = arith.constant 0 : i32
      %add3A_119 = arith.addi %mul3A_117, %add3A_118 : i32
      %dma_wait3A = arith.constant 0 : i32
      %dma_wait3A_120 = arith.constant 0 : i32
      %dma_wait3A_121 = arith.constant 0 : i32
      %dma_wait3A_122 = tpu.memref_slice %arg10[%dma_wait3A, %dma_wait3A_120, %dma_wait3A_121] : memref<4x128x128xf32, #tpu.memory_space<vmem>> -> memref<1x128x128xf32, #tpu.memory_space<vmem>>
      %dma_wait3A_123 = tpu.memref_squeeze %dma_wait3A_122 : memref<1x128x128xf32, #tpu.memory_space<vmem>> -> memref<128x128xf32, #tpu.memory_space<vmem>>
      %dma_wait3A_124 = arith.constant 0 : i32
      %dma_wait3A_125 = tpu.memref_slice %arg8[%add3A_119, %dma_wait3A_124] : memref<80x128xi32, #tpu.memory_space<vmem>> -> memref<1x128xi32, #tpu.memory_space<vmem>>
      %dma_wait3A_126 = tpu.memref_squeeze %dma_wait3A_125 : memref<1x128xi32, #tpu.memory_space<vmem>> -> memref<128xi32, #tpu.memory_space<vmem>>
      %dma_wait3A_127 = arith.constant 0 : i32
      %dma_wait3A_128 = arith.constant 0 : i32
      %dma_wait3A_129 = tpu.memref_slice %arg2[%dma_wait3A_127, %dma_wait3A_128] : memref<10240x128xf32, #tpu.memory_space<hbm>> -> memref<10240x128xf32, #tpu.memory_space<hbm>>
      tpu.wait_indirect_dma semaphore(%arg13 : memref<!tpu.dma_semaphore, #tpu.memory_space<semaphore_mem>>) src(%dma_wait3A_129 : memref<10240x128xf32, #tpu.memory_space<hbm>>) dst(%dma_wait3A_123 : memref<128x128xf32, #tpu.memory_space<vmem>>)
      %add3A_130 = arith.constant 2 : i32
      %add3A_131 = arith.addi %add3A_119, %add3A_130 : i32
      %mul3A_132 = arith.constant 4 : i32
      %mul3A_133 = arith.muli %max3A_18, %mul3A_132 : i32
      %lt3A = arith.cmpi slt, %add3A_131, %mul3A_133 : i32
      %convert_element_type3A = arith.extui %lt3A : i1 to i32
      %cond3A = arith.constant 0 : i32
      %cond3A_134 = arith.cmpi ne, %convert_element_type3A, %cond3A : i32
      scf.if %cond3A_134 {
        %add3A_207 = arith.constant 2 : i32
        %add3A_208 = arith.addi %add3A_119, %add3A_207 : i32
        %dma_start3A_209 = arith.constant 2 : i32
        %dma_start3A_210 = arith.constant 0 : i32
        %dma_start3A_211 = arith.constant 0 : i32
        %dma_start3A_212 = tpu.memref_slice %arg10[%dma_start3A_209, %dma_start3A_210, %dma_start3A_211] : memref<4x128x128xf32, #tpu.memory_space<vmem>> -> memref<1x128x128xf32, #tpu.memory_space<vmem>>
        %dma_start3A_213 = tpu.memref_squeeze %dma_start3A_212 : memref<1x128x128xf32, #tpu.memory_space<vmem>> -> memref<128x128xf32, #tpu.memory_space<vmem>>
        %dma_start3A_214 = arith.constant 0 : i32
        %dma_start3A_215 = tpu.memref_slice %arg8[%add3A_208, %dma_start3A_214] : memref<80x128xi32, #tpu.memory_space<vmem>> -> memref<1x128xi32, #tpu.memory_space<vmem>>
        %dma_start3A_216 = tpu.memref_squeeze %dma_start3A_215 : memref<1x128xi32, #tpu.memory_space<vmem>> -> memref<128xi32, #tpu.memory_space<vmem>>
        %dma_start3A_217 = arith.constant 0 : i32
        %dma_start3A_218 = arith.constant 0 : i32
        %dma_start3A_219 = tpu.memref_slice %arg2[%dma_start3A_217, %dma_start3A_218] : memref<10240x128xf32, #tpu.memory_space<hbm>> -> memref<10240x128xf32, #tpu.memory_space<hbm>>
        tpu.enqueue_indirect_dma source(%dma_start3A_219 : memref<10240x128xf32, #tpu.memory_space<hbm>>) target(%dma_start3A_213 : memref<128x128xf32, #tpu.memory_space<vmem>>) offsets(%dma_start3A_216 : memref<128xi32, #tpu.memory_space<vmem>>) semaphore(%arg13 : memref<!tpu.dma_semaphore, #tpu.memory_space<semaphore_mem>>)
      } else {
      }
      %run_scoped3A = arith.constant 0 : i32
      "tpu.region"() ({
        %run_scoped3A_207 = tpu.sem_alloc : memref<!tpu.dma_semaphore, #tpu.memory_space<semaphore_mem>>
        %dma_start3A_208 = arith.constant 0 : i32
        %dma_start3A_209 = arith.constant 0 : i32
        %dma_start3A_210 = tpu.memref_slice %arg10[%run_scoped3A, %dma_start3A_208, %dma_start3A_209] : memref<4x128x128xf32, #tpu.memory_space<vmem>> -> memref<1x128x128xf32, #tpu.memory_space<vmem>>
        %dma_start3A_211 = tpu.memref_squeeze %dma_start3A_210 : memref<1x128x128xf32, #tpu.memory_space<vmem>> -> memref<128x128xf32, #tpu.memory_space<vmem>>
        %dma_start3A_212 = arith.constant 0 : i32
        %dma_start3A_213 = tpu.memref_slice %arg9[%add3A_119, %dma_start3A_212] : memref<80x128xi32, #tpu.memory_space<vmem>> -> memref<1x128xi32, #tpu.memory_space<vmem>>
        %dma_start3A_214 = tpu.memref_squeeze %dma_start3A_213 : memref<1x128xi32, #tpu.memory_space<vmem>> -> memref<128xi32, #tpu.memory_space<vmem>>
        %dma_start3A_215 = arith.constant 0 : i32
        %dma_start3A_216 = arith.constant 0 : i32
        %dma_start3A_217 = tpu.memref_slice %arg12[%dma_start3A_215, %dma_start3A_216] : memref<5248x128xf32, #tpu.memory_space<vmem_shared>> -> memref<5248x128xf32, #tpu.memory_space<vmem_shared>>
        tpu.enqueue_indirect_dma source(%dma_start3A_211 : memref<128x128xf32, #tpu.memory_space<vmem>>) target(%dma_start3A_217 : memref<5248x128xf32, #tpu.memory_space<vmem_shared>>) offsets(%dma_start3A_214 : memref<128xi32, #tpu.memory_space<vmem>>) semaphore(%run_scoped3A_207 : memref<!tpu.dma_semaphore, #tpu.memory_space<semaphore_mem>>) {add = true}
        %dma_wait3A_218 = arith.constant 0 : i32
        %dma_wait3A_219 = arith.constant 0 : i32
        %dma_wait3A_220 = tpu.memref_slice %arg10[%run_scoped3A, %dma_wait3A_218, %dma_wait3A_219] : memref<4x128x128xf32, #tpu.memory_space<vmem>> -> memref<1x128x128xf32, #tpu.memory_space<vmem>>
        %dma_wait3A_221 = tpu.memref_squeeze %dma_wait3A_220 : memref<1x128x128xf32, #tpu.memory_space<vmem>> -> memref<128x128xf32, #tpu.memory_space<vmem>>
        %dma_wait3A_222 = arith.constant 0 : i32
        %dma_wait3A_223 = tpu.memref_slice %arg9[%add3A_119, %dma_wait3A_222] : memref<80x128xi32, #tpu.memory_space<vmem>> -> memref<1x128xi32, #tpu.memory_space<vmem>>
        %dma_wait3A_224 = tpu.memref_squeeze %dma_wait3A_223 : memref<1x128xi32, #tpu.memory_space<vmem>> -> memref<128xi32, #tpu.memory_space<vmem>>
        %dma_wait3A_225 = arith.constant 0 : i32
        %dma_wait3A_226 = arith.constant 0 : i32
        %dma_wait3A_227 = tpu.memref_slice %arg12[%dma_wait3A_225, %dma_wait3A_226] : memref<5248x128xf32, #tpu.memory_space<vmem_shared>> -> memref<5248x128xf32, #tpu.memory_space<vmem_shared>>
        tpu.wait_indirect_dma semaphore(%run_scoped3A_207 : memref<!tpu.dma_semaphore, #tpu.memory_space<semaphore_mem>>) src(%dma_wait3A_221 : memref<128x128xf32, #tpu.memory_space<vmem>>) dst(%dma_wait3A_227 : memref<5248x128xf32, #tpu.memory_space<vmem_shared>>)
        tpu.yield
      }) : () -> ()
      %mul3A_135 = arith.constant 4 : i32
      %mul3A_136 = arith.muli %while3A_115, %mul3A_135 : i32
      %add3A_137 = arith.constant 1 : i32
      %add3A_138 = arith.addi %mul3A_136, %add3A_137 : i32
      %dma_wait3A_139 = arith.constant 1 : i32
      %dma_wait3A_140 = arith.constant 0 : i32
      %dma_wait3A_141 = arith.constant 0 : i32
      %dma_wait3A_142 = tpu.memref_slice %arg10[%dma_wait3A_139, %dma_wait3A_140, %dma_wait3A_141] : memref<4x128x128xf32, #tpu.memory_space<vmem>> -> memref<1x128x128xf32, #tpu.memory_space<vmem>>
      %dma_wait3A_143 = tpu.memref_squeeze %dma_wait3A_142 : memref<1x128x128xf32, #tpu.memory_space<vmem>> -> memref<128x128xf32, #tpu.memory_space<vmem>>
      %dma_wait3A_144 = arith.constant 0 : i32
      %dma_wait3A_145 = tpu.memref_slice %arg8[%add3A_138, %dma_wait3A_144] : memref<80x128xi32, #tpu.memory_space<vmem>> -> memref<1x128xi32, #tpu.memory_space<vmem>>
      %dma_wait3A_146 = tpu.memref_squeeze %dma_wait3A_145 : memref<1x128xi32, #tpu.memory_space<vmem>> -> memref<128xi32, #tpu.memory_space<vmem>>
      %dma_wait3A_147 = arith.constant 0 : i32
      %dma_wait3A_148 = arith.constant 0 : i32
      %dma_wait3A_149 = tpu.memref_slice %arg2[%dma_wait3A_147, %dma_wait3A_148] : memref<10240x128xf32, #tpu.memory_space<hbm>> -> memref<10240x128xf32, #tpu.memory_space<hbm>>
      tpu.wait_indirect_dma semaphore(%arg14 : memref<!tpu.dma_semaphore, #tpu.memory_space<semaphore_mem>>) src(%dma_wait3A_149 : memref<10240x128xf32, #tpu.memory_space<hbm>>) dst(%dma_wait3A_143 : memref<128x128xf32, #tpu.memory_space<vmem>>)
      %add3A_150 = arith.constant 2 : i32
      %add3A_151 = arith.addi %add3A_138, %add3A_150 : i32
      %mul3A_152 = arith.constant 4 : i32
      %mul3A_153 = arith.muli %max3A_18, %mul3A_152 : i32
      %lt3A_154 = arith.cmpi slt, %add3A_151, %mul3A_153 : i32
      %convert_element_type3A_155 = arith.extui %lt3A_154 : i1 to i32
      %cond3A_156 = arith.constant 0 : i32
      %cond3A_157 = arith.cmpi ne, %convert_element_type3A_155, %cond3A_156 : i32
      scf.if %cond3A_157 {
        %add3A_207 = arith.constant 2 : i32
        %add3A_208 = arith.addi %add3A_138, %add3A_207 : i32
        %dma_start3A_209 = arith.constant 3 : i32
        %dma_start3A_210 = arith.constant 0 : i32
        %dma_start3A_211 = arith.constant 0 : i32
        %dma_start3A_212 = tpu.memref_slice %arg10[%dma_start3A_209, %dma_start3A_210, %dma_start3A_211] : memref<4x128x128xf32, #tpu.memory_space<vmem>> -> memref<1x128x128xf32, #tpu.memory_space<vmem>>
        %dma_start3A_213 = tpu.memref_squeeze %dma_start3A_212 : memref<1x128x128xf32, #tpu.memory_space<vmem>> -> memref<128x128xf32, #tpu.memory_space<vmem>>
        %dma_start3A_214 = arith.constant 0 : i32
        %dma_start3A_215 = tpu.memref_slice %arg8[%add3A_208, %dma_start3A_214] : memref<80x128xi32, #tpu.memory_space<vmem>> -> memref<1x128xi32, #tpu.memory_space<vmem>>
        %dma_start3A_216 = tpu.memref_squeeze %dma_start3A_215 : memref<1x128xi32, #tpu.memory_space<vmem>> -> memref<128xi32, #tpu.memory_space<vmem>>
        %dma_start3A_217 = arith.constant 0 : i32
        %dma_start3A_218 = arith.constant 0 : i32
        %dma_start3A_219 = tpu.memref_slice %arg2[%dma_start3A_217, %dma_start3A_218] : memref<10240x128xf32, #tpu.memory_space<hbm>> -> memref<10240x128xf32, #tpu.memory_space<hbm>>
        tpu.enqueue_indirect_dma source(%dma_start3A_219 : memref<10240x128xf32, #tpu.memory_space<hbm>>) target(%dma_start3A_213 : memref<128x128xf32, #tpu.memory_space<vmem>>) offsets(%dma_start3A_216 : memref<128xi32, #tpu.memory_space<vmem>>) semaphore(%arg14 : memref<!tpu.dma_semaphore, #tpu.memory_space<semaphore_mem>>)
      } else {
      }
      %run_scoped3A_158 = arith.constant 1 : i32
      "tpu.region"() ({
        %run_scoped3A_207 = tpu.sem_alloc : memref<!tpu.dma_semaphore, #tpu.memory_space<semaphore_mem>>
        %dma_start3A_208 = arith.constant 0 : i32
        %dma_start3A_209 = arith.constant 0 : i32
        %dma_start3A_210 = tpu.memref_slice %arg10[%run_scoped3A_158, %dma_start3A_208, %dma_start3A_209] : memref<4x128x128xf32, #tpu.memory_space<vmem>> -> memref<1x128x128xf32, #tpu.memory_space<vmem>>
        %dma_start3A_211 = tpu.memref_squeeze %dma_start3A_210 : memref<1x128x128xf32, #tpu.memory_space<vmem>> -> memref<128x128xf32, #tpu.memory_space<vmem>>
        %dma_start3A_212 = arith.constant 0 : i32
        %dma_start3A_213 = tpu.memref_slice %arg9[%add3A_138, %dma_start3A_212] : memref<80x128xi32, #tpu.memory_space<vmem>> -> memref<1x128xi32, #tpu.memory_space<vmem>>
        %dma_start3A_214 = tpu.memref_squeeze %dma_start3A_213 : memref<1x128xi32, #tpu.memory_space<vmem>> -> memref<128xi32, #tpu.memory_space<vmem>>
        %dma_start3A_215 = arith.constant 0 : i32
        %dma_start3A_216 = arith.constant 0 : i32
        %dma_start3A_217 = tpu.memref_slice %arg12[%dma_start3A_215, %dma_start3A_216] : memref<5248x128xf32, #tpu.memory_space<vmem_shared>> -> memref<5248x128xf32, #tpu.memory_space<vmem_shared>>
        tpu.enqueue_indirect_dma source(%dma_start3A_211 : memref<128x128xf32, #tpu.memory_space<vmem>>) target(%dma_start3A_217 : memref<5248x128xf32, #tpu.memory_space<vmem_shared>>) offsets(%dma_start3A_214 : memref<128xi32, #tpu.memory_space<vmem>>) semaphore(%run_scoped3A_207 : memref<!tpu.dma_semaphore, #tpu.memory_space<semaphore_mem>>) {add = true}
        %dma_wait3A_218 = arith.constant 0 : i32
        %dma_wait3A_219 = arith.constant 0 : i32
        %dma_wait3A_220 = tpu.memref_slice %arg10[%run_scoped3A_158, %dma_wait3A_218, %dma_wait3A_219] : memref<4x128x128xf32, #tpu.memory_space<vmem>> -> memref<1x128x128xf32, #tpu.memory_space<vmem>>
        %dma_wait3A_221 = tpu.memref_squeeze %dma_wait3A_220 : memref<1x128x128xf32, #tpu.memory_space<vmem>> -> memref<128x128xf32, #tpu.memory_space<vmem>>
        %dma_wait3A_222 = arith.constant 0 : i32
        %dma_wait3A_223 = tpu.memref_slice %arg9[%add3A_138, %dma_wait3A_222] : memref<80x128xi32, #tpu.memory_space<vmem>> -> memref<1x128xi32, #tpu.memory_space<vmem>>
        %dma_wait3A_224 = tpu.memref_squeeze %dma_wait3A_223 : memref<1x128xi32, #tpu.memory_space<vmem>> -> memref<128xi32, #tpu.memory_space<vmem>>
        %dma_wait3A_225 = arith.constant 0 : i32
        %dma_wait3A_226 = arith.constant 0 : i32
        %dma_wait3A_227 = tpu.memref_slice %arg12[%dma_wait3A_225, %dma_wait3A_226] : memref<5248x128xf32, #tpu.memory_space<vmem_shared>> -> memref<5248x128xf32, #tpu.memory_space<vmem_shared>>
        tpu.wait_indirect_dma semaphore(%run_scoped3A_207 : memref<!tpu.dma_semaphore, #tpu.memory_space<semaphore_mem>>) src(%dma_wait3A_221 : memref<128x128xf32, #tpu.memory_space<vmem>>) dst(%dma_wait3A_227 : memref<5248x128xf32, #tpu.memory_space<vmem_shared>>)
        tpu.yield
      }) : () -> ()
      %mul3A_159 = arith.constant 4 : i32
      %mul3A_160 = arith.muli %while3A_115, %mul3A_159 : i32
      %add3A_161 = arith.constant 2 : i32
      %add3A_162 = arith.addi %mul3A_160, %add3A_161 : i32
      %dma_wait3A_163 = arith.constant 2 : i32
      %dma_wait3A_164 = arith.constant 0 : i32
      %dma_wait3A_165 = arith.constant 0 : i32
      %dma_wait3A_166 = tpu.memref_slice %arg10[%dma_wait3A_163, %dma_wait3A_164, %dma_wait3A_165] : memref<4x128x128xf32, #tpu.memory_space<vmem>> -> memref<1x128x128xf32, #tpu.memory_space<vmem>>
      %dma_wait3A_167 = tpu.memref_squeeze %dma_wait3A_166 : memref<1x128x128xf32, #tpu.memory_space<vmem>> -> memref<128x128xf32, #tpu.memory_space<vmem>>
      %dma_wait3A_168 = arith.constant 0 : i32
      %dma_wait3A_169 = tpu.memref_slice %arg8[%add3A_162, %dma_wait3A_168] : memref<80x128xi32, #tpu.memory_space<vmem>> -> memref<1x128xi32, #tpu.memory_space<vmem>>
      %dma_wait3A_170 = tpu.memref_squeeze %dma_wait3A_169 : memref<1x128xi32, #tpu.memory_space<vmem>> -> memref<128xi32, #tpu.memory_space<vmem>>
      %dma_wait3A_171 = arith.constant 0 : i32
      %dma_wait3A_172 = arith.constant 0 : i32
      %dma_wait3A_173 = tpu.memref_slice %arg2[%dma_wait3A_171, %dma_wait3A_172] : memref<10240x128xf32, #tpu.memory_space<hbm>> -> memref<10240x128xf32, #tpu.memory_space<hbm>>
      tpu.wait_indirect_dma semaphore(%arg13 : memref<!tpu.dma_semaphore, #tpu.memory_space<semaphore_mem>>) src(%dma_wait3A_173 : memref<10240x128xf32, #tpu.memory_space<hbm>>) dst(%dma_wait3A_167 : memref<128x128xf32, #tpu.memory_space<vmem>>)
      %add3A_174 = arith.constant 2 : i32
      %add3A_175 = arith.addi %add3A_162, %add3A_174 : i32
      %mul3A_176 = arith.constant 4 : i32
      %mul3A_177 = arith.muli %max3A_18, %mul3A_176 : i32
      %lt3A_178 = arith.cmpi slt, %add3A_175, %mul3A_177 : i32
      %convert_element_type3A_179 = arith.extui %lt3A_178 : i1 to i32
      %cond3A_180 = arith.constant 0 : i32
      %cond3A_181 = arith.cmpi ne, %convert_element_type3A_179, %cond3A_180 : i32
      scf.if %cond3A_181 {
        %add3A_207 = arith.constant 2 : i32
        %add3A_208 = arith.addi %add3A_162, %add3A_207 : i32
        %dma_start3A_209 = arith.constant 0 : i32
        %dma_start3A_210 = arith.constant 0 : i32
        %dma_start3A_211 = arith.constant 0 : i32
        %dma_start3A_212 = tpu.memref_slice %arg10[%dma_start3A_209, %dma_start3A_210, %dma_start3A_211] : memref<4x128x128xf32, #tpu.memory_space<vmem>> -> memref<1x128x128xf32, #tpu.memory_space<vmem>>
        %dma_start3A_213 = tpu.memref_squeeze %dma_start3A_212 : memref<1x128x128xf32, #tpu.memory_space<vmem>> -> memref<128x128xf32, #tpu.memory_space<vmem>>
        %dma_start3A_214 = arith.constant 0 : i32
        %dma_start3A_215 = tpu.memref_slice %arg8[%add3A_208, %dma_start3A_214] : memref<80x128xi32, #tpu.memory_space<vmem>> -> memref<1x128xi32, #tpu.memory_space<vmem>>
        %dma_start3A_216 = tpu.memref_squeeze %dma_start3A_215 : memref<1x128xi32, #tpu.memory_space<vmem>> -> memref<128xi32, #tpu.memory_space<vmem>>
        %dma_start3A_217 = arith.constant 0 : i32
        %dma_start3A_218 = arith.constant 0 : i32
        %dma_start3A_219 = tpu.memref_slice %arg2[%dma_start3A_217, %dma_start3A_218] : memref<10240x128xf32, #tpu.memory_space<hbm>> -> memref<10240x128xf32, #tpu.memory_space<hbm>>
        tpu.enqueue_indirect_dma source(%dma_start3A_219 : memref<10240x128xf32, #tpu.memory_space<hbm>>) target(%dma_start3A_213 : memref<128x128xf32, #tpu.memory_space<vmem>>) offsets(%dma_start3A_216 : memref<128xi32, #tpu.memory_space<vmem>>) semaphore(%arg13 : memref<!tpu.dma_semaphore, #tpu.memory_space<semaphore_mem>>)
      } else {
      }
      %run_scoped3A_182 = arith.constant 2 : i32
      "tpu.region"() ({
        %run_scoped3A_207 = tpu.sem_alloc : memref<!tpu.dma_semaphore, #tpu.memory_space<semaphore_mem>>
        %dma_start3A_208 = arith.constant 0 : i32
        %dma_start3A_209 = arith.constant 0 : i32
        %dma_start3A_210 = tpu.memref_slice %arg10[%run_scoped3A_182, %dma_start3A_208, %dma_start3A_209] : memref<4x128x128xf32, #tpu.memory_space<vmem>> -> memref<1x128x128xf32, #tpu.memory_space<vmem>>
        %dma_start3A_211 = tpu.memref_squeeze %dma_start3A_210 : memref<1x128x128xf32, #tpu.memory_space<vmem>> -> memref<128x128xf32, #tpu.memory_space<vmem>>
        %dma_start3A_212 = arith.constant 0 : i32
        %dma_start3A_213 = tpu.memref_slice %arg9[%add3A_162, %dma_start3A_212] : memref<80x128xi32, #tpu.memory_space<vmem>> -> memref<1x128xi32, #tpu.memory_space<vmem>>
        %dma_start3A_214 = tpu.memref_squeeze %dma_start3A_213 : memref<1x128xi32, #tpu.memory_space<vmem>> -> memref<128xi32, #tpu.memory_space<vmem>>
        %dma_start3A_215 = arith.constant 0 : i32
        %dma_start3A_216 = arith.constant 0 : i32
        %dma_start3A_217 = tpu.memref_slice %arg12[%dma_start3A_215, %dma_start3A_216] : memref<5248x128xf32, #tpu.memory_space<vmem_shared>> -> memref<5248x128xf32, #tpu.memory_space<vmem_shared>>
        tpu.enqueue_indirect_dma source(%dma_start3A_211 : memref<128x128xf32, #tpu.memory_space<vmem>>) target(%dma_start3A_217 : memref<5248x128xf32, #tpu.memory_space<vmem_shared>>) offsets(%dma_start3A_214 : memref<128xi32, #tpu.memory_space<vmem>>) semaphore(%run_scoped3A_207 : memref<!tpu.dma_semaphore, #tpu.memory_space<semaphore_mem>>) {add = true}
        %dma_wait3A_218 = arith.constant 0 : i32
        %dma_wait3A_219 = arith.constant 0 : i32
        %dma_wait3A_220 = tpu.memref_slice %arg10[%run_scoped3A_182, %dma_wait3A_218, %dma_wait3A_219] : memref<4x128x128xf32, #tpu.memory_space<vmem>> -> memref<1x128x128xf32, #tpu.memory_space<vmem>>
        %dma_wait3A_221 = tpu.memref_squeeze %dma_wait3A_220 : memref<1x128x128xf32, #tpu.memory_space<vmem>> -> memref<128x128xf32, #tpu.memory_space<vmem>>
        %dma_wait3A_222 = arith.constant 0 : i32
        %dma_wait3A_223 = tpu.memref_slice %arg9[%add3A_162, %dma_wait3A_222] : memref<80x128xi32, #tpu.memory_space<vmem>> -> memref<1x128xi32, #tpu.memory_space<vmem>>
        %dma_wait3A_224 = tpu.memref_squeeze %dma_wait3A_223 : memref<1x128xi32, #tpu.memory_space<vmem>> -> memref<128xi32, #tpu.memory_space<vmem>>
        %dma_wait3A_225 = arith.constant 0 : i32
        %dma_wait3A_226 = arith.constant 0 : i32
        %dma_wait3A_227 = tpu.memref_slice %arg12[%dma_wait3A_225, %dma_wait3A_226] : memref<5248x128xf32, #tpu.memory_space<vmem_shared>> -> memref<5248x128xf32, #tpu.memory_space<vmem_shared>>
        tpu.wait_indirect_dma semaphore(%run_scoped3A_207 : memref<!tpu.dma_semaphore, #tpu.memory_space<semaphore_mem>>) src(%dma_wait3A_221 : memref<128x128xf32, #tpu.memory_space<vmem>>) dst(%dma_wait3A_227 : memref<5248x128xf32, #tpu.memory_space<vmem_shared>>)
        tpu.yield
      }) : () -> ()
      %mul3A_183 = arith.constant 4 : i32
      %mul3A_184 = arith.muli %while3A_115, %mul3A_183 : i32
      %add3A_185 = arith.constant 3 : i32
      %add3A_186 = arith.addi %mul3A_184, %add3A_185 : i32
      %dma_wait3A_187 = arith.constant 3 : i32
      %dma_wait3A_188 = arith.constant 0 : i32
      %dma_wait3A_189 = arith.constant 0 : i32
      %dma_wait3A_190 = tpu.memref_slice %arg10[%dma_wait3A_187, %dma_wait3A_188, %dma_wait3A_189] : memref<4x128x128xf32, #tpu.memory_space<vmem>> -> memref<1x128x128xf32, #tpu.memory_space<vmem>>
      %dma_wait3A_191 = tpu.memref_squeeze %dma_wait3A_190 : memref<1x128x128xf32, #tpu.memory_space<vmem>> -> memref<128x128xf32, #tpu.memory_space<vmem>>
      %dma_wait3A_192 = arith.constant 0 : i32
      %dma_wait3A_193 = tpu.memref_slice %arg8[%add3A_186, %dma_wait3A_192] : memref<80x128xi32, #tpu.memory_space<vmem>> -> memref<1x128xi32, #tpu.memory_space<vmem>>
      %dma_wait3A_194 = tpu.memref_squeeze %dma_wait3A_193 : memref<1x128xi32, #tpu.memory_space<vmem>> -> memref<128xi32, #tpu.memory_space<vmem>>
      %dma_wait3A_195 = arith.constant 0 : i32
      %dma_wait3A_196 = arith.constant 0 : i32
      %dma_wait3A_197 = tpu.memref_slice %arg2[%dma_wait3A_195, %dma_wait3A_196] : memref<10240x128xf32, #tpu.memory_space<hbm>> -> memref<10240x128xf32, #tpu.memory_space<hbm>>
      tpu.wait_indirect_dma semaphore(%arg14 : memref<!tpu.dma_semaphore, #tpu.memory_space<semaphore_mem>>) src(%dma_wait3A_197 : memref<10240x128xf32, #tpu.memory_space<hbm>>) dst(%dma_wait3A_191 : memref<128x128xf32, #tpu.memory_space<vmem>>)
      %add3A_198 = arith.constant 2 : i32
      %add3A_199 = arith.addi %add3A_186, %add3A_198 : i32
      %mul3A_200 = arith.constant 4 : i32
      %mul3A_201 = arith.muli %max3A_18, %mul3A_200 : i32
      %lt3A_202 = arith.cmpi slt, %add3A_199, %mul3A_201 : i32
      %convert_element_type3A_203 = arith.extui %lt3A_202 : i1 to i32
      %cond3A_204 = arith.constant 0 : i32
      %cond3A_205 = arith.cmpi ne, %convert_element_type3A_203, %cond3A_204 : i32
      scf.if %cond3A_205 {
        %add3A_207 = arith.constant 2 : i32
        %add3A_208 = arith.addi %add3A_186, %add3A_207 : i32
        %dma_start3A_209 = arith.constant 1 : i32
        %dma_start3A_210 = arith.constant 0 : i32
        %dma_start3A_211 = arith.constant 0 : i32
        %dma_start3A_212 = tpu.memref_slice %arg10[%dma_start3A_209, %dma_start3A_210, %dma_start3A_211] : memref<4x128x128xf32, #tpu.memory_space<vmem>> -> memref<1x128x128xf32, #tpu.memory_space<vmem>>
        %dma_start3A_213 = tpu.memref_squeeze %dma_start3A_212 : memref<1x128x128xf32, #tpu.memory_space<vmem>> -> memref<128x128xf32, #tpu.memory_space<vmem>>
        %dma_start3A_214 = arith.constant 0 : i32
        %dma_start3A_215 = tpu.memref_slice %arg8[%add3A_208, %dma_start3A_214] : memref<80x128xi32, #tpu.memory_space<vmem>> -> memref<1x128xi32, #tpu.memory_space<vmem>>
        %dma_start3A_216 = tpu.memref_squeeze %dma_start3A_215 : memref<1x128xi32, #tpu.memory_space<vmem>> -> memref<128xi32, #tpu.memory_space<vmem>>
        %dma_start3A_217 = arith.constant 0 : i32
        %dma_start3A_218 = arith.constant 0 : i32
        %dma_start3A_219 = tpu.memref_slice %arg2[%dma_start3A_217, %dma_start3A_218] : memref<10240x128xf32, #tpu.memory_space<hbm>> -> memref<10240x128xf32, #tpu.memory_space<hbm>>
        tpu.enqueue_indirect_dma source(%dma_start3A_219 : memref<10240x128xf32, #tpu.memory_space<hbm>>) target(%dma_start3A_213 : memref<128x128xf32, #tpu.memory_space<vmem>>) offsets(%dma_start3A_216 : memref<128xi32, #tpu.memory_space<vmem>>) semaphore(%arg14 : memref<!tpu.dma_semaphore, #tpu.memory_space<semaphore_mem>>)
      } else {
      }
      %run_scoped3A_206 = arith.constant 3 : i32
      "tpu.region"() ({
        %run_scoped3A_207 = tpu.sem_alloc : memref<!tpu.dma_semaphore, #tpu.memory_space<semaphore_mem>>
        %dma_start3A_208 = arith.constant 0 : i32
        %dma_start3A_209 = arith.constant 0 : i32
        %dma_start3A_210 = tpu.memref_slice %arg10[%run_scoped3A_206, %dma_start3A_208, %dma_start3A_209] : memref<4x128x128xf32, #tpu.memory_space<vmem>> -> memref<1x128x128xf32, #tpu.memory_space<vmem>>
        %dma_start3A_211 = tpu.memref_squeeze %dma_start3A_210 : memref<1x128x128xf32, #tpu.memory_space<vmem>> -> memref<128x128xf32, #tpu.memory_space<vmem>>
        %dma_start3A_212 = arith.constant 0 : i32
        %dma_start3A_213 = tpu.memref_slice %arg9[%add3A_186, %dma_start3A_212] : memref<80x128xi32, #tpu.memory_space<vmem>> -> memref<1x128xi32, #tpu.memory_space<vmem>>
        %dma_start3A_214 = tpu.memref_squeeze %dma_start3A_213 : memref<1x128xi32, #tpu.memory_space<vmem>> -> memref<128xi32, #tpu.memory_space<vmem>>
        %dma_start3A_215 = arith.constant 0 : i32
        %dma_start3A_216 = arith.constant 0 : i32
        %dma_start3A_217 = tpu.memref_slice %arg12[%dma_start3A_215, %dma_start3A_216] : memref<5248x128xf32, #tpu.memory_space<vmem_shared>> -> memref<5248x128xf32, #tpu.memory_space<vmem_shared>>
        tpu.enqueue_indirect_dma source(%dma_start3A_211 : memref<128x128xf32, #tpu.memory_space<vmem>>) target(%dma_start3A_217 : memref<5248x128xf32, #tpu.memory_space<vmem_shared>>) offsets(%dma_start3A_214 : memref<128xi32, #tpu.memory_space<vmem>>) semaphore(%run_scoped3A_207 : memref<!tpu.dma_semaphore, #tpu.memory_space<semaphore_mem>>) {add = true}
        %dma_wait3A_218 = arith.constant 0 : i32
        %dma_wait3A_219 = arith.constant 0 : i32
        %dma_wait3A_220 = tpu.memref_slice %arg10[%run_scoped3A_206, %dma_wait3A_218, %dma_wait3A_219] : memref<4x128x128xf32, #tpu.memory_space<vmem>> -> memref<1x128x128xf32, #tpu.memory_space<vmem>>
        %dma_wait3A_221 = tpu.memref_squeeze %dma_wait3A_220 : memref<1x128x128xf32, #tpu.memory_space<vmem>> -> memref<128x128xf32, #tpu.memory_space<vmem>>
        %dma_wait3A_222 = arith.constant 0 : i32
        %dma_wait3A_223 = tpu.memref_slice %arg9[%add3A_186, %dma_wait3A_222] : memref<80x128xi32, #tpu.memory_space<vmem>> -> memref<1x128xi32, #tpu.memory_space<vmem>>
        %dma_wait3A_224 = tpu.memref_squeeze %dma_wait3A_223 : memref<1x128xi32, #tpu.memory_space<vmem>> -> memref<128xi32, #tpu.memory_space<vmem>>
        %dma_wait3A_225 = arith.constant 0 : i32
        %dma_wait3A_226 = arith.constant 0 : i32
        %dma_wait3A_227 = tpu.memref_slice %arg12[%dma_wait3A_225, %dma_wait3A_226] : memref<5248x128xf32, #tpu.memory_space<vmem_shared>> -> memref<5248x128xf32, #tpu.memory_space<vmem_shared>>
        tpu.wait_indirect_dma semaphore(%run_scoped3A_207 : memref<!tpu.dma_semaphore, #tpu.memory_space<semaphore_mem>>) src(%dma_wait3A_221 : memref<128x128xf32, #tpu.memory_space<vmem>>) dst(%dma_wait3A_227 : memref<5248x128xf32, #tpu.memory_space<vmem_shared>>)
        tpu.yield
      }) : () -> ()
    }
    %mul3A_51 = arith.constant 2 : i32
    %mul3A_52 = arith.muli %mul3A_51, %arg1 : i32
    %add3A_53 = arith.constant 1 : i32
    %add3A_54 = arith.addi %mul3A_52, %add3A_53 : i32
    "tpu.region"() ({
      %run_scoped3A = tpu.sem_alloc : memref<!tpu.dma_semaphore, #tpu.memory_space<semaphore_mem>>
      %dma_start3A_115 = arith.constant 0 : i32
      %dma_start3A_116 = arith.constant 0 : i32
      %dma_start3A_117 = tpu.memref_slice %arg3[%add3A_54, %arg0, %dma_start3A_115, %dma_start3A_116] : memref<32x2x80x128xi32, #tpu.memory_space<hbm>> -> memref<1x1x80x128xi32, #tpu.memory_space<hbm>>
      %dma_start3A_118 = tpu.memref_squeeze %dma_start3A_117 : memref<1x1x80x128xi32, #tpu.memory_space<hbm>> -> memref<80x128xi32, #tpu.memory_space<hbm>>
      %dma_start3A_119 = arith.constant 0 : i32
      %dma_start3A_120 = arith.constant 0 : i32
      %dma_start3A_121 = tpu.memref_slice %arg3[%add3A_54, %arg0, %dma_start3A_119, %dma_start3A_120] : memref<32x2x80x128xi32, #tpu.memory_space<hbm>> -> memref<1x1x80x128xi32, #tpu.memory_space<hbm>>
      %dma_start3A_122 = tpu.memref_squeeze %dma_start3A_121 : memref<1x1x80x128xi32, #tpu.memory_space<hbm>> -> memref<80x128xi32, #tpu.memory_space<hbm>>
      tpu.enqueue_dma source(%dma_start3A_122 : memref<80x128xi32, #tpu.memory_space<hbm>>) target(%arg8 : memref<80x128xi32, #tpu.memory_space<vmem>>) target_semaphore(%run_scoped3A : memref<!tpu.dma_semaphore, #tpu.memory_space<semaphore_mem>>)
      %dma_wait3A = arith.constant 0 : i32
      %dma_wait3A_123 = arith.constant 0 : i32
      %dma_wait3A_124 = tpu.memref_slice %arg3[%add3A_54, %arg0, %dma_wait3A, %dma_wait3A_123] : memref<32x2x80x128xi32, #tpu.memory_space<hbm>> -> memref<1x1x80x128xi32, #tpu.memory_space<hbm>>
      %dma_wait3A_125 = tpu.memref_squeeze %dma_wait3A_124 : memref<1x1x80x128xi32, #tpu.memory_space<hbm>> -> memref<80x128xi32, #tpu.memory_space<hbm>>
      %dma_wait3A_126 = arith.constant 0 : i32
      %dma_wait3A_127 = arith.constant 0 : i32
      %dma_wait3A_128 = tpu.memref_slice %arg3[%add3A_54, %arg0, %dma_wait3A_126, %dma_wait3A_127] : memref<32x2x80x128xi32, #tpu.memory_space<hbm>> -> memref<1x1x80x128xi32, #tpu.memory_space<hbm>>
      %dma_wait3A_129 = tpu.memref_squeeze %dma_wait3A_128 : memref<1x1x80x128xi32, #tpu.memory_space<hbm>> -> memref<80x128xi32, #tpu.memory_space<hbm>>
      tpu.wait_dma2 semaphore(%run_scoped3A : memref<!tpu.dma_semaphore, #tpu.memory_space<semaphore_mem>>) src(%dma_wait3A_129 : memref<80x128xi32, #tpu.memory_space<hbm>>) dst(%arg8 : memref<80x128xi32, #tpu.memory_space<vmem>>)
      tpu.yield
    }) : () -> ()
    "tpu.region"() ({
      %run_scoped3A = tpu.sem_alloc : memref<!tpu.dma_semaphore, #tpu.memory_space<semaphore_mem>>
      %dma_start3A_115 = arith.constant 0 : i32
      %dma_start3A_116 = arith.constant 0 : i32
      %dma_start3A_117 = tpu.memref_slice %arg4[%add3A_54, %arg0, %dma_start3A_115, %dma_start3A_116] : memref<32x2x80x128xi32, #tpu.memory_space<hbm>> -> memref<1x1x80x128xi32, #tpu.memory_space<hbm>>
      %dma_start3A_118 = tpu.memref_squeeze %dma_start3A_117 : memref<1x1x80x128xi32, #tpu.memory_space<hbm>> -> memref<80x128xi32, #tpu.memory_space<hbm>>
      %dma_start3A_119 = arith.constant 0 : i32
      %dma_start3A_120 = arith.constant 0 : i32
      %dma_start3A_121 = tpu.memref_slice %arg4[%add3A_54, %arg0, %dma_start3A_119, %dma_start3A_120] : memref<32x2x80x128xi32, #tpu.memory_space<hbm>> -> memref<1x1x80x128xi32, #tpu.memory_space<hbm>>
      %dma_start3A_122 = tpu.memref_squeeze %dma_start3A_121 : memref<1x1x80x128xi32, #tpu.memory_space<hbm>> -> memref<80x128xi32, #tpu.memory_space<hbm>>
      tpu.enqueue_dma source(%dma_start3A_122 : memref<80x128xi32, #tpu.memory_space<hbm>>) target(%arg9 : memref<80x128xi32, #tpu.memory_space<vmem>>) target_semaphore(%run_scoped3A : memref<!tpu.dma_semaphore, #tpu.memory_space<semaphore_mem>>)
      %dma_wait3A = arith.constant 0 : i32
      %dma_wait3A_123 = arith.constant 0 : i32
      %dma_wait3A_124 = tpu.memref_slice %arg4[%add3A_54, %arg0, %dma_wait3A, %dma_wait3A_123] : memref<32x2x80x128xi32, #tpu.memory_space<hbm>> -> memref<1x1x80x128xi32, #tpu.memory_space<hbm>>
      %dma_wait3A_125 = tpu.memref_squeeze %dma_wait3A_124 : memref<1x1x80x128xi32, #tpu.memory_space<hbm>> -> memref<80x128xi32, #tpu.memory_space<hbm>>
      %dma_wait3A_126 = arith.constant 0 : i32
      %dma_wait3A_127 = arith.constant 0 : i32
      %dma_wait3A_128 = tpu.memref_slice %arg4[%add3A_54, %arg0, %dma_wait3A_126, %dma_wait3A_127] : memref<32x2x80x128xi32, #tpu.memory_space<hbm>> -> memref<1x1x80x128xi32, #tpu.memory_space<hbm>>
      %dma_wait3A_129 = tpu.memref_squeeze %dma_wait3A_128 : memref<1x1x80x128xi32, #tpu.memory_space<hbm>> -> memref<80x128xi32, #tpu.memory_space<hbm>>
      tpu.wait_dma2 semaphore(%run_scoped3A : memref<!tpu.dma_semaphore, #tpu.memory_space<semaphore_mem>>) src(%dma_wait3A_129 : memref<80x128xi32, #tpu.memory_space<hbm>>) dst(%arg9 : memref<80x128xi32, #tpu.memory_space<vmem>>)
      tpu.yield
    }) : () -> ()
    "tpu.region"() ({
      %run_scoped3A = tpu.sem_alloc : memref<!tpu.dma_semaphore, #tpu.memory_space<semaphore_mem>>
      %dma_start3A_115 = arith.constant 0 : i32
      %dma_start3A_116 = tpu.memref_slice %arg5[%add3A_54, %dma_start3A_115] : memref<32x16xi32, #tpu.memory_space<hbm>> -> memref<1x16xi32, #tpu.memory_space<hbm>>
      %dma_start3A_117 = tpu.memref_squeeze %dma_start3A_116 : memref<1x16xi32, #tpu.memory_space<hbm>> -> memref<16xi32, #tpu.memory_space<hbm>>
      %dma_start3A_118 = arith.constant 0 : i32
      %dma_start3A_119 = tpu.memref_slice %arg5[%add3A_54, %dma_start3A_118] : memref<32x16xi32, #tpu.memory_space<hbm>> -> memref<1x16xi32, #tpu.memory_space<hbm>>
      %dma_start3A_120 = tpu.memref_squeeze %dma_start3A_119 : memref<1x16xi32, #tpu.memory_space<hbm>> -> memref<16xi32, #tpu.memory_space<hbm>>
      tpu.enqueue_dma source(%dma_start3A_120 : memref<16xi32, #tpu.memory_space<hbm>>) target(%arg11 : memref<16xi32, #tpu.memory_space<vmem>>) target_semaphore(%run_scoped3A : memref<!tpu.dma_semaphore, #tpu.memory_space<semaphore_mem>>)
      %dma_wait3A = arith.constant 0 : i32
      %dma_wait3A_121 = tpu.memref_slice %arg5[%add3A_54, %dma_wait3A] : memref<32x16xi32, #tpu.memory_space<hbm>> -> memref<1x16xi32, #tpu.memory_space<hbm>>
      %dma_wait3A_122 = tpu.memref_squeeze %dma_wait3A_121 : memref<1x16xi32, #tpu.memory_space<hbm>> -> memref<16xi32, #tpu.memory_space<hbm>>
      %dma_wait3A_123 = arith.constant 0 : i32
      %dma_wait3A_124 = tpu.memref_slice %arg5[%add3A_54, %dma_wait3A_123] : memref<32x16xi32, #tpu.memory_space<hbm>> -> memref<1x16xi32, #tpu.memory_space<hbm>>
      %dma_wait3A_125 = tpu.memref_squeeze %dma_wait3A_124 : memref<1x16xi32, #tpu.memory_space<hbm>> -> memref<16xi32, #tpu.memory_space<hbm>>
      tpu.wait_dma2 semaphore(%run_scoped3A : memref<!tpu.dma_semaphore, #tpu.memory_space<semaphore_mem>>) src(%dma_wait3A_125 : memref<16xi32, #tpu.memory_space<hbm>>) dst(%arg11 : memref<16xi32, #tpu.memory_space<vmem>>)
      tpu.yield
    }) : () -> ()
    %get3A_55 = arith.constant 0 : index
    %get3A_56 = tpu.vector_load %arg11[%get3A_55] {strides = array<i32>} : memref<16xi32, #tpu.memory_space<vmem>>, vector<16xi32>,
    %get3A_57 = vector.shape_cast %get3A_56 : vector<16xi32> to vector<16xi32>
    %eq3A_58 = arith.constant 0 : i32
    %eq3A_59 = arith.cmpi eq, %arg0, %eq3A_58 : i32
    %slice3A_60 = vector.extract_strided_slice %get3A_57 {offsets = [0], sizes = [1], strides = [1]} : vector<16xi32> to vector<1xi32>
    %squeeze3A_61 = vector.extract %slice3A_60[0] : i32 from vector<1xi32>
    %slice3A_62 = vector.extract_strided_slice %get3A_57 {offsets = [1], sizes = [1], strides = [1]} : vector<16xi32> to vector<1xi32>
    %squeeze3A_63 = vector.extract %slice3A_62[0] : i32 from vector<1xi32>
    %select_n3A_64 = arith.select %eq3A_59, %squeeze3A_61, %squeeze3A_63 : i32
    %add3A_65 = arith.constant 127 : i32
    %add3A_66 = arith.addi %select_n3A_64, %add3A_65 : i32
    %div3A_67 = arith.constant 128 : i32
    %div3A_68 = arith.divsi %add3A_66, %div3A_67 : i32
    %add3A_69 = arith.constant 3 : i32
    %add3A_70 = arith.addi %div3A_68, %add3A_69 : i32
    %div3A_71 = arith.constant 4 : i32
    %div3A_72 = arith.divsi %add3A_70, %div3A_71 : i32
    %max3A_73 = arith.constant 1 : i32
    %max3A_74 = arith.maxsi %div3A_72, %max3A_73 : i32
    %dma_start3A_75 = arith.constant 0 : i32
    %dma_start3A_76 = arith.constant 0 : i32
    %dma_start3A_77 = arith.constant 0 : i32
    %dma_start3A_78 = arith.constant 0 : i32
    %dma_start3A_79 = tpu.memref_slice %arg10[%dma_start3A_76, %dma_start3A_77, %dma_start3A_78] : memref<4x128x128xf32, #tpu.memory_space<vmem>> -> memref<1x128x128xf32, #tpu.memory_space<vmem>>
    %dma_start3A_80 = tpu.memref_squeeze %dma_start3A_79 : memref<1x128x128xf32, #tpu.memory_space<vmem>> -> memref<128x128xf32, #tpu.memory_space<vmem>>
    %dma_start3A_81 = arith.constant 0 : i32
    %dma_start3A_82 = tpu.memref_slice %arg8[%dma_start3A_75, %dma_start3A_81] : memref<80x128xi32, #tpu.memory_space<vmem>> -> memref<1x128xi32, #tpu.memory_space<vmem>>
    %dma_start3A_83 = tpu.memref_squeeze %dma_start3A_82 : memref<1x128xi32, #tpu.memory_space<vmem>> -> memref<128xi32, #tpu.memory_space<vmem>>
    %dma_start3A_84 = arith.constant 0 : i32
    %dma_start3A_85 = arith.constant 0 : i32
    %dma_start3A_86 = tpu.memref_slice %arg2[%dma_start3A_84, %dma_start3A_85] : memref<10240x128xf32, #tpu.memory_space<hbm>> -> memref<10240x128xf32, #tpu.memory_space<hbm>>
    tpu.enqueue_indirect_dma source(%dma_start3A_86 : memref<10240x128xf32, #tpu.memory_space<hbm>>) target(%dma_start3A_80 : memref<128x128xf32, #tpu.memory_space<vmem>>) offsets(%dma_start3A_83 : memref<128xi32, #tpu.memory_space<vmem>>) semaphore(%arg13 : memref<!tpu.dma_semaphore, #tpu.memory_space<semaphore_mem>>)
    %dma_start3A_87 = arith.constant 1 : i32
    %dma_start3A_88 = arith.constant 1 : i32
    %dma_start3A_89 = arith.constant 0 : i32
    %dma_start3A_90 = arith.constant 0 : i32
    %dma_start3A_91 = tpu.memref_slice %arg10[%dma_start3A_88, %dma_start3A_89, %dma_start3A_90] : memref<4x128x128xf32, #tpu.memory_space<vmem>> -> memref<1x128x128xf32, #tpu.memory_space<vmem>>
    %dma_start3A_92 = tpu.memref_squeeze %dma_start3A_91 : memref<1x128x128xf32, #tpu.memory_space<vmem>> -> memref<128x128xf32, #tpu.memory_space<vmem>>
    %dma_start3A_93 = arith.constant 0 : i32
    %dma_start3A_94 = tpu.memref_slice %arg8[%dma_start3A_87, %dma_start3A_93] : memref<80x128xi32, #tpu.memory_space<vmem>> -> memref<1x128xi32, #tpu.memory_space<vmem>>
    %dma_start3A_95 = tpu.memref_squeeze %dma_start3A_94 : memref<1x128xi32, #tpu.memory_space<vmem>> -> memref<128xi32, #tpu.memory_space<vmem>>
    %dma_start3A_96 = arith.constant 0 : i32
    %dma_start3A_97 = arith.constant 0 : i32
    %dma_start3A_98 = tpu.memref_slice %arg2[%dma_start3A_96, %dma_start3A_97] : memref<10240x128xf32, #tpu.memory_space<hbm>> -> memref<10240x128xf32, #tpu.memory_space<hbm>>
    tpu.enqueue_indirect_dma source(%dma_start3A_98 : memref<10240x128xf32, #tpu.memory_space<hbm>>) target(%dma_start3A_92 : memref<128x128xf32, #tpu.memory_space<vmem>>) offsets(%dma_start3A_95 : memref<128xi32, #tpu.memory_space<vmem>>) semaphore(%arg14 : memref<!tpu.dma_semaphore, #tpu.memory_space<semaphore_mem>>)
    %while3A_99 = arith.constant 0 : i32
    %while3A_100 = arith.constant 0 : i32
    %while3A_101 = arith.subi %max3A_74, %while3A_100 : i32
    %while3A_102 = arith.addi %while3A_100, %while3A_101 : i32
    %while3A_103 = arith.constant 1 : i32
    %while3A_104 = arith.divsi %while3A_101, %while3A_103 : i32
    %while3A_105 = arith.muli %while3A_104, %while3A_103 : i32
    %while3A_106 = arith.addi %while3A_100, %while3A_105 : i32
    %while3A_107 = arith.constant 1 : i32
    scf.for %while3A_115 = %while3A_100 to %while3A_106 step %while3A_107  : i32 {
      %mul3A_116 = arith.constant 4 : i32
      %mul3A_117 = arith.muli %while3A_115, %mul3A_116 : i32
      %add3A_118 = arith.constant 0 : i32
      %add3A_119 = arith.addi %mul3A_117, %add3A_118 : i32
      %dma_wait3A = arith.constant 0 : i32
      %dma_wait3A_120 = arith.constant 0 : i32
      %dma_wait3A_121 = arith.constant 0 : i32
      %dma_wait3A_122 = tpu.memref_slice %arg10[%dma_wait3A, %dma_wait3A_120, %dma_wait3A_121] : memref<4x128x128xf32, #tpu.memory_space<vmem>> -> memref<1x128x128xf32, #tpu.memory_space<vmem>>
      %dma_wait3A_123 = tpu.memref_squeeze %dma_wait3A_122 : memref<1x128x128xf32, #tpu.memory_space<vmem>> -> memref<128x128xf32, #tpu.memory_space<vmem>>
      %dma_wait3A_124 = arith.constant 0 : i32
      %dma_wait3A_125 = tpu.memref_slice %arg8[%add3A_119, %dma_wait3A_124] : memref<80x128xi32, #tpu.memory_space<vmem>> -> memref<1x128xi32, #tpu.memory_space<vmem>>
      %dma_wait3A_126 = tpu.memref_squeeze %dma_wait3A_125 : memref<1x128xi32, #tpu.memory_space<vmem>> -> memref<128xi32, #tpu.memory_space<vmem>>
      %dma_wait3A_127 = arith.constant 0 : i32
      %dma_wait3A_128 = arith.constant 0 : i32
      %dma_wait3A_129 = tpu.memref_slice %arg2[%dma_wait3A_127, %dma_wait3A_128] : memref<10240x128xf32, #tpu.memory_space<hbm>> -> memref<10240x128xf32, #tpu.memory_space<hbm>>
      tpu.wait_indirect_dma semaphore(%arg13 : memref<!tpu.dma_semaphore, #tpu.memory_space<semaphore_mem>>) src(%dma_wait3A_129 : memref<10240x128xf32, #tpu.memory_space<hbm>>) dst(%dma_wait3A_123 : memref<128x128xf32, #tpu.memory_space<vmem>>)
      %add3A_130 = arith.constant 2 : i32
      %add3A_131 = arith.addi %add3A_119, %add3A_130 : i32
      %mul3A_132 = arith.constant 4 : i32
      %mul3A_133 = arith.muli %max3A_74, %mul3A_132 : i32
      %lt3A = arith.cmpi slt, %add3A_131, %mul3A_133 : i32
      %convert_element_type3A = arith.extui %lt3A : i1 to i32
      %cond3A = arith.constant 0 : i32
      %cond3A_134 = arith.cmpi ne, %convert_element_type3A, %cond3A : i32
      scf.if %cond3A_134 {
        %add3A_207 = arith.constant 2 : i32
        %add3A_208 = arith.addi %add3A_119, %add3A_207 : i32
        %dma_start3A_209 = arith.constant 2 : i32
        %dma_start3A_210 = arith.constant 0 : i32
        %dma_start3A_211 = arith.constant 0 : i32
        %dma_start3A_212 = tpu.memref_slice %arg10[%dma_start3A_209, %dma_start3A_210, %dma_start3A_211] : memref<4x128x128xf32, #tpu.memory_space<vmem>> -> memref<1x128x128xf32, #tpu.memory_space<vmem>>
        %dma_start3A_213 = tpu.memref_squeeze %dma_start3A_212 : memref<1x128x128xf32, #tpu.memory_space<vmem>> -> memref<128x128xf32, #tpu.memory_space<vmem>>
        %dma_start3A_214 = arith.constant 0 : i32
        %dma_start3A_215 = tpu.memref_slice %arg8[%add3A_208, %dma_start3A_214] : memref<80x128xi32, #tpu.memory_space<vmem>> -> memref<1x128xi32, #tpu.memory_space<vmem>>
        %dma_start3A_216 = tpu.memref_squeeze %dma_start3A_215 : memref<1x128xi32, #tpu.memory_space<vmem>> -> memref<128xi32, #tpu.memory_space<vmem>>
        %dma_start3A_217 = arith.constant 0 : i32
        %dma_start3A_218 = arith.constant 0 : i32
        %dma_start3A_219 = tpu.memref_slice %arg2[%dma_start3A_217, %dma_start3A_218] : memref<10240x128xf32, #tpu.memory_space<hbm>> -> memref<10240x128xf32, #tpu.memory_space<hbm>>
        tpu.enqueue_indirect_dma source(%dma_start3A_219 : memref<10240x128xf32, #tpu.memory_space<hbm>>) target(%dma_start3A_213 : memref<128x128xf32, #tpu.memory_space<vmem>>) offsets(%dma_start3A_216 : memref<128xi32, #tpu.memory_space<vmem>>) semaphore(%arg13 : memref<!tpu.dma_semaphore, #tpu.memory_space<semaphore_mem>>)
      } else {
      }
      %run_scoped3A = arith.constant 0 : i32
      "tpu.region"() ({
        %run_scoped3A_207 = tpu.sem_alloc : memref<!tpu.dma_semaphore, #tpu.memory_space<semaphore_mem>>
        %dma_start3A_208 = arith.constant 0 : i32
        %dma_start3A_209 = arith.constant 0 : i32
        %dma_start3A_210 = tpu.memref_slice %arg10[%run_scoped3A, %dma_start3A_208, %dma_start3A_209] : memref<4x128x128xf32, #tpu.memory_space<vmem>> -> memref<1x128x128xf32, #tpu.memory_space<vmem>>
        %dma_start3A_211 = tpu.memref_squeeze %dma_start3A_210 : memref<1x128x128xf32, #tpu.memory_space<vmem>> -> memref<128x128xf32, #tpu.memory_space<vmem>>
        %dma_start3A_212 = arith.constant 0 : i32
        %dma_start3A_213 = tpu.memref_slice %arg9[%add3A_119, %dma_start3A_212] : memref<80x128xi32, #tpu.memory_space<vmem>> -> memref<1x128xi32, #tpu.memory_space<vmem>>
        %dma_start3A_214 = tpu.memref_squeeze %dma_start3A_213 : memref<1x128xi32, #tpu.memory_space<vmem>> -> memref<128xi32, #tpu.memory_space<vmem>>
        %dma_start3A_215 = arith.constant 0 : i32
        %dma_start3A_216 = arith.constant 0 : i32
        %dma_start3A_217 = tpu.memref_slice %arg12[%dma_start3A_215, %dma_start3A_216] : memref<5248x128xf32, #tpu.memory_space<vmem_shared>> -> memref<5248x128xf32, #tpu.memory_space<vmem_shared>>
        tpu.enqueue_indirect_dma source(%dma_start3A_211 : memref<128x128xf32, #tpu.memory_space<vmem>>) target(%dma_start3A_217 : memref<5248x128xf32, #tpu.memory_space<vmem_shared>>) offsets(%dma_start3A_214 : memref<128xi32, #tpu.memory_space<vmem>>) semaphore(%run_scoped3A_207 : memref<!tpu.dma_semaphore, #tpu.memory_space<semaphore_mem>>) {add = true}
        %dma_wait3A_218 = arith.constant 0 : i32
        %dma_wait3A_219 = arith.constant 0 : i32
        %dma_wait3A_220 = tpu.memref_slice %arg10[%run_scoped3A, %dma_wait3A_218, %dma_wait3A_219] : memref<4x128x128xf32, #tpu.memory_space<vmem>> -> memref<1x128x128xf32, #tpu.memory_space<vmem>>
        %dma_wait3A_221 = tpu.memref_squeeze %dma_wait3A_220 : memref<1x128x128xf32, #tpu.memory_space<vmem>> -> memref<128x128xf32, #tpu.memory_space<vmem>>
        %dma_wait3A_222 = arith.constant 0 : i32
        %dma_wait3A_223 = tpu.memref_slice %arg9[%add3A_119, %dma_wait3A_222] : memref<80x128xi32, #tpu.memory_space<vmem>> -> memref<1x128xi32, #tpu.memory_space<vmem>>
        %dma_wait3A_224 = tpu.memref_squeeze %dma_wait3A_223 : memref<1x128xi32, #tpu.memory_space<vmem>> -> memref<128xi32, #tpu.memory_space<vmem>>
        %dma_wait3A_225 = arith.constant 0 : i32
        %dma_wait3A_226 = arith.constant 0 : i32
        %dma_wait3A_227 = tpu.memref_slice %arg12[%dma_wait3A_225, %dma_wait3A_226] : memref<5248x128xf32, #tpu.memory_space<vmem_shared>> -> memref<5248x128xf32, #tpu.memory_space<vmem_shared>>
        tpu.wait_indirect_dma semaphore(%run_scoped3A_207 : memref<!tpu.dma_semaphore, #tpu.memory_space<semaphore_mem>>) src(%dma_wait3A_221 : memref<128x128xf32, #tpu.memory_space<vmem>>) dst(%dma_wait3A_227 : memref<5248x128xf32, #tpu.memory_space<vmem_shared>>)
        tpu.yield
      }) : () -> ()
      %mul3A_135 = arith.constant 4 : i32
      %mul3A_136 = arith.muli %while3A_115, %mul3A_135 : i32
      %add3A_137 = arith.constant 1 : i32
      %add3A_138 = arith.addi %mul3A_136, %add3A_137 : i32
      %dma_wait3A_139 = arith.constant 1 : i32
      %dma_wait3A_140 = arith.constant 0 : i32
      %dma_wait3A_141 = arith.constant 0 : i32
      %dma_wait3A_142 = tpu.memref_slice %arg10[%dma_wait3A_139, %dma_wait3A_140, %dma_wait3A_141] : memref<4x128x128xf32, #tpu.memory_space<vmem>> -> memref<1x128x128xf32, #tpu.memory_space<vmem>>
      %dma_wait3A_143 = tpu.memref_squeeze %dma_wait3A_142 : memref<1x128x128xf32, #tpu.memory_space<vmem>> -> memref<128x128xf32, #tpu.memory_space<vmem>>
      %dma_wait3A_144 = arith.constant 0 : i32
      %dma_wait3A_145 = tpu.memref_slice %arg8[%add3A_138, %dma_wait3A_144] : memref<80x128xi32, #tpu.memory_space<vmem>> -> memref<1x128xi32, #tpu.memory_space<vmem>>
      %dma_wait3A_146 = tpu.memref_squeeze %dma_wait3A_145 : memref<1x128xi32, #tpu.memory_space<vmem>> -> memref<128xi32, #tpu.memory_space<vmem>>
      %dma_wait3A_147 = arith.constant 0 : i32
      %dma_wait3A_148 = arith.constant 0 : i32
      %dma_wait3A_149 = tpu.memref_slice %arg2[%dma_wait3A_147, %dma_wait3A_148] : memref<10240x128xf32, #tpu.memory_space<hbm>> -> memref<10240x128xf32, #tpu.memory_space<hbm>>
      tpu.wait_indirect_dma semaphore(%arg14 : memref<!tpu.dma_semaphore, #tpu.memory_space<semaphore_mem>>) src(%dma_wait3A_149 : memref<10240x128xf32, #tpu.memory_space<hbm>>) dst(%dma_wait3A_143 : memref<128x128xf32, #tpu.memory_space<vmem>>)
      %add3A_150 = arith.constant 2 : i32
      %add3A_151 = arith.addi %add3A_138, %add3A_150 : i32
      %mul3A_152 = arith.constant 4 : i32
      %mul3A_153 = arith.muli %max3A_74, %mul3A_152 : i32
      %lt3A_154 = arith.cmpi slt, %add3A_151, %mul3A_153 : i32
      %convert_element_type3A_155 = arith.extui %lt3A_154 : i1 to i32
      %cond3A_156 = arith.constant 0 : i32
      %cond3A_157 = arith.cmpi ne, %convert_element_type3A_155, %cond3A_156 : i32
      scf.if %cond3A_157 {
        %add3A_207 = arith.constant 2 : i32
        %add3A_208 = arith.addi %add3A_138, %add3A_207 : i32
        %dma_start3A_209 = arith.constant 3 : i32
        %dma_start3A_210 = arith.constant 0 : i32
        %dma_start3A_211 = arith.constant 0 : i32
        %dma_start3A_212 = tpu.memref_slice %arg10[%dma_start3A_209, %dma_start3A_210, %dma_start3A_211] : memref<4x128x128xf32, #tpu.memory_space<vmem>> -> memref<1x128x128xf32, #tpu.memory_space<vmem>>
        %dma_start3A_213 = tpu.memref_squeeze %dma_start3A_212 : memref<1x128x128xf32, #tpu.memory_space<vmem>> -> memref<128x128xf32, #tpu.memory_space<vmem>>
        %dma_start3A_214 = arith.constant 0 : i32
        %dma_start3A_215 = tpu.memref_slice %arg8[%add3A_208, %dma_start3A_214] : memref<80x128xi32, #tpu.memory_space<vmem>> -> memref<1x128xi32, #tpu.memory_space<vmem>>
        %dma_start3A_216 = tpu.memref_squeeze %dma_start3A_215 : memref<1x128xi32, #tpu.memory_space<vmem>> -> memref<128xi32, #tpu.memory_space<vmem>>
        %dma_start3A_217 = arith.constant 0 : i32
        %dma_start3A_218 = arith.constant 0 : i32
        %dma_start3A_219 = tpu.memref_slice %arg2[%dma_start3A_217, %dma_start3A_218] : memref<10240x128xf32, #tpu.memory_space<hbm>> -> memref<10240x128xf32, #tpu.memory_space<hbm>>
        tpu.enqueue_indirect_dma source(%dma_start3A_219 : memref<10240x128xf32, #tpu.memory_space<hbm>>) target(%dma_start3A_213 : memref<128x128xf32, #tpu.memory_space<vmem>>) offsets(%dma_start3A_216 : memref<128xi32, #tpu.memory_space<vmem>>) semaphore(%arg14 : memref<!tpu.dma_semaphore, #tpu.memory_space<semaphore_mem>>)
      } else {
      }
      %run_scoped3A_158 = arith.constant 1 : i32
      "tpu.region"() ({
        %run_scoped3A_207 = tpu.sem_alloc : memref<!tpu.dma_semaphore, #tpu.memory_space<semaphore_mem>>
        %dma_start3A_208 = arith.constant 0 : i32
        %dma_start3A_209 = arith.constant 0 : i32
        %dma_start3A_210 = tpu.memref_slice %arg10[%run_scoped3A_158, %dma_start3A_208, %dma_start3A_209] : memref<4x128x128xf32, #tpu.memory_space<vmem>> -> memref<1x128x128xf32, #tpu.memory_space<vmem>>
        %dma_start3A_211 = tpu.memref_squeeze %dma_start3A_210 : memref<1x128x128xf32, #tpu.memory_space<vmem>> -> memref<128x128xf32, #tpu.memory_space<vmem>>
        %dma_start3A_212 = arith.constant 0 : i32
        %dma_start3A_213 = tpu.memref_slice %arg9[%add3A_138, %dma_start3A_212] : memref<80x128xi32, #tpu.memory_space<vmem>> -> memref<1x128xi32, #tpu.memory_space<vmem>>
        %dma_start3A_214 = tpu.memref_squeeze %dma_start3A_213 : memref<1x128xi32, #tpu.memory_space<vmem>> -> memref<128xi32, #tpu.memory_space<vmem>>
        %dma_start3A_215 = arith.constant 0 : i32
        %dma_start3A_216 = arith.constant 0 : i32
        %dma_start3A_217 = tpu.memref_slice %arg12[%dma_start3A_215, %dma_start3A_216] : memref<5248x128xf32, #tpu.memory_space<vmem_shared>> -> memref<5248x128xf32, #tpu.memory_space<vmem_shared>>
        tpu.enqueue_indirect_dma source(%dma_start3A_211 : memref<128x128xf32, #tpu.memory_space<vmem>>) target(%dma_start3A_217 : memref<5248x128xf32, #tpu.memory_space<vmem_shared>>) offsets(%dma_start3A_214 : memref<128xi32, #tpu.memory_space<vmem>>) semaphore(%run_scoped3A_207 : memref<!tpu.dma_semaphore, #tpu.memory_space<semaphore_mem>>) {add = true}
        %dma_wait3A_218 = arith.constant 0 : i32
        %dma_wait3A_219 = arith.constant 0 : i32
        %dma_wait3A_220 = tpu.memref_slice %arg10[%run_scoped3A_158, %dma_wait3A_218, %dma_wait3A_219] : memref<4x128x128xf32, #tpu.memory_space<vmem>> -> memref<1x128x128xf32, #tpu.memory_space<vmem>>
        %dma_wait3A_221 = tpu.memref_squeeze %dma_wait3A_220 : memref<1x128x128xf32, #tpu.memory_space<vmem>> -> memref<128x128xf32, #tpu.memory_space<vmem>>
        %dma_wait3A_222 = arith.constant 0 : i32
        %dma_wait3A_223 = tpu.memref_slice %arg9[%add3A_138, %dma_wait3A_222] : memref<80x128xi32, #tpu.memory_space<vmem>> -> memref<1x128xi32, #tpu.memory_space<vmem>>
        %dma_wait3A_224 = tpu.memref_squeeze %dma_wait3A_223 : memref<1x128xi32, #tpu.memory_space<vmem>> -> memref<128xi32, #tpu.memory_space<vmem>>
        %dma_wait3A_225 = arith.constant 0 : i32
        %dma_wait3A_226 = arith.constant 0 : i32
        %dma_wait3A_227 = tpu.memref_slice %arg12[%dma_wait3A_225, %dma_wait3A_226] : memref<5248x128xf32, #tpu.memory_space<vmem_shared>> -> memref<5248x128xf32, #tpu.memory_space<vmem_shared>>
        tpu.wait_indirect_dma semaphore(%run_scoped3A_207 : memref<!tpu.dma_semaphore, #tpu.memory_space<semaphore_mem>>) src(%dma_wait3A_221 : memref<128x128xf32, #tpu.memory_space<vmem>>) dst(%dma_wait3A_227 : memref<5248x128xf32, #tpu.memory_space<vmem_shared>>)
        tpu.yield
      }) : () -> ()
      %mul3A_159 = arith.constant 4 : i32
      %mul3A_160 = arith.muli %while3A_115, %mul3A_159 : i32
      %add3A_161 = arith.constant 2 : i32
      %add3A_162 = arith.addi %mul3A_160, %add3A_161 : i32
      %dma_wait3A_163 = arith.constant 2 : i32
      %dma_wait3A_164 = arith.constant 0 : i32
      %dma_wait3A_165 = arith.constant 0 : i32
      %dma_wait3A_166 = tpu.memref_slice %arg10[%dma_wait3A_163, %dma_wait3A_164, %dma_wait3A_165] : memref<4x128x128xf32, #tpu.memory_space<vmem>> -> memref<1x128x128xf32, #tpu.memory_space<vmem>>
      %dma_wait3A_167 = tpu.memref_squeeze %dma_wait3A_166 : memref<1x128x128xf32, #tpu.memory_space<vmem>> -> memref<128x128xf32, #tpu.memory_space<vmem>>
      %dma_wait3A_168 = arith.constant 0 : i32
      %dma_wait3A_169 = tpu.memref_slice %arg8[%add3A_162, %dma_wait3A_168] : memref<80x128xi32, #tpu.memory_space<vmem>> -> memref<1x128xi32, #tpu.memory_space<vmem>>
      %dma_wait3A_170 = tpu.memref_squeeze %dma_wait3A_169 : memref<1x128xi32, #tpu.memory_space<vmem>> -> memref<128xi32, #tpu.memory_space<vmem>>
      %dma_wait3A_171 = arith.constant 0 : i32
      %dma_wait3A_172 = arith.constant 0 : i32
      %dma_wait3A_173 = tpu.memref_slice %arg2[%dma_wait3A_171, %dma_wait3A_172] : memref<10240x128xf32, #tpu.memory_space<hbm>> -> memref<10240x128xf32, #tpu.memory_space<hbm>>
      tpu.wait_indirect_dma semaphore(%arg13 : memref<!tpu.dma_semaphore, #tpu.memory_space<semaphore_mem>>) src(%dma_wait3A_173 : memref<10240x128xf32, #tpu.memory_space<hbm>>) dst(%dma_wait3A_167 : memref<128x128xf32, #tpu.memory_space<vmem>>)
      %add3A_174 = arith.constant 2 : i32
      %add3A_175 = arith.addi %add3A_162, %add3A_174 : i32
      %mul3A_176 = arith.constant 4 : i32
      %mul3A_177 = arith.muli %max3A_74, %mul3A_176 : i32
      %lt3A_178 = arith.cmpi slt, %add3A_175, %mul3A_177 : i32
      %convert_element_type3A_179 = arith.extui %lt3A_178 : i1 to i32
      %cond3A_180 = arith.constant 0 : i32
      %cond3A_181 = arith.cmpi ne, %convert_element_type3A_179, %cond3A_180 : i32
      scf.if %cond3A_181 {
        %add3A_207 = arith.constant 2 : i32
        %add3A_208 = arith.addi %add3A_162, %add3A_207 : i32
        %dma_start3A_209 = arith.constant 0 : i32
        %dma_start3A_210 = arith.constant 0 : i32
        %dma_start3A_211 = arith.constant 0 : i32
        %dma_start3A_212 = tpu.memref_slice %arg10[%dma_start3A_209, %dma_start3A_210, %dma_start3A_211] : memref<4x128x128xf32, #tpu.memory_space<vmem>> -> memref<1x128x128xf32, #tpu.memory_space<vmem>>
        %dma_start3A_213 = tpu.memref_squeeze %dma_start3A_212 : memref<1x128x128xf32, #tpu.memory_space<vmem>> -> memref<128x128xf32, #tpu.memory_space<vmem>>
        %dma_start3A_214 = arith.constant 0 : i32
        %dma_start3A_215 = tpu.memref_slice %arg8[%add3A_208, %dma_start3A_214] : memref<80x128xi32, #tpu.memory_space<vmem>> -> memref<1x128xi32, #tpu.memory_space<vmem>>
        %dma_start3A_216 = tpu.memref_squeeze %dma_start3A_215 : memref<1x128xi32, #tpu.memory_space<vmem>> -> memref<128xi32, #tpu.memory_space<vmem>>
        %dma_start3A_217 = arith.constant 0 : i32
        %dma_start3A_218 = arith.constant 0 : i32
        %dma_start3A_219 = tpu.memref_slice %arg2[%dma_start3A_217, %dma_start3A_218] : memref<10240x128xf32, #tpu.memory_space<hbm>> -> memref<10240x128xf32, #tpu.memory_space<hbm>>
        tpu.enqueue_indirect_dma source(%dma_start3A_219 : memref<10240x128xf32, #tpu.memory_space<hbm>>) target(%dma_start3A_213 : memref<128x128xf32, #tpu.memory_space<vmem>>) offsets(%dma_start3A_216 : memref<128xi32, #tpu.memory_space<vmem>>) semaphore(%arg13 : memref<!tpu.dma_semaphore, #tpu.memory_space<semaphore_mem>>)
      } else {
      }
      %run_scoped3A_182 = arith.constant 2 : i32
      "tpu.region"() ({
        %run_scoped3A_207 = tpu.sem_alloc : memref<!tpu.dma_semaphore, #tpu.memory_space<semaphore_mem>>
        %dma_start3A_208 = arith.constant 0 : i32
        %dma_start3A_209 = arith.constant 0 : i32
        %dma_start3A_210 = tpu.memref_slice %arg10[%run_scoped3A_182, %dma_start3A_208, %dma_start3A_209] : memref<4x128x128xf32, #tpu.memory_space<vmem>> -> memref<1x128x128xf32, #tpu.memory_space<vmem>>
        %dma_start3A_211 = tpu.memref_squeeze %dma_start3A_210 : memref<1x128x128xf32, #tpu.memory_space<vmem>> -> memref<128x128xf32, #tpu.memory_space<vmem>>
        %dma_start3A_212 = arith.constant 0 : i32
        %dma_start3A_213 = tpu.memref_slice %arg9[%add3A_162, %dma_start3A_212] : memref<80x128xi32, #tpu.memory_space<vmem>> -> memref<1x128xi32, #tpu.memory_space<vmem>>
        %dma_start3A_214 = tpu.memref_squeeze %dma_start3A_213 : memref<1x128xi32, #tpu.memory_space<vmem>> -> memref<128xi32, #tpu.memory_space<vmem>>
        %dma_start3A_215 = arith.constant 0 : i32
        %dma_start3A_216 = arith.constant 0 : i32
        %dma_start3A_217 = tpu.memref_slice %arg12[%dma_start3A_215, %dma_start3A_216] : memref<5248x128xf32, #tpu.memory_space<vmem_shared>> -> memref<5248x128xf32, #tpu.memory_space<vmem_shared>>
        tpu.enqueue_indirect_dma source(%dma_start3A_211 : memref<128x128xf32, #tpu.memory_space<vmem>>) target(%dma_start3A_217 : memref<5248x128xf32, #tpu.memory_space<vmem_shared>>) offsets(%dma_start3A_214 : memref<128xi32, #tpu.memory_space<vmem>>) semaphore(%run_scoped3A_207 : memref<!tpu.dma_semaphore, #tpu.memory_space<semaphore_mem>>) {add = true}
        %dma_wait3A_218 = arith.constant 0 : i32
        %dma_wait3A_219 = arith.constant 0 : i32
        %dma_wait3A_220 = tpu.memref_slice %arg10[%run_scoped3A_182, %dma_wait3A_218, %dma_wait3A_219] : memref<4x128x128xf32, #tpu.memory_space<vmem>> -> memref<1x128x128xf32, #tpu.memory_space<vmem>>
        %dma_wait3A_221 = tpu.memref_squeeze %dma_wait3A_220 : memref<1x128x128xf32, #tpu.memory_space<vmem>> -> memref<128x128xf32, #tpu.memory_space<vmem>>
        %dma_wait3A_222 = arith.constant 0 : i32
        %dma_wait3A_223 = tpu.memref_slice %arg9[%add3A_162, %dma_wait3A_222] : memref<80x128xi32, #tpu.memory_space<vmem>> -> memref<1x128xi32, #tpu.memory_space<vmem>>
        %dma_wait3A_224 = tpu.memref_squeeze %dma_wait3A_223 : memref<1x128xi32, #tpu.memory_space<vmem>> -> memref<128xi32, #tpu.memory_space<vmem>>
        %dma_wait3A_225 = arith.constant 0 : i32
        %dma_wait3A_226 = arith.constant 0 : i32
        %dma_wait3A_227 = tpu.memref_slice %arg12[%dma_wait3A_225, %dma_wait3A_226] : memref<5248x128xf32, #tpu.memory_space<vmem_shared>> -> memref<5248x128xf32, #tpu.memory_space<vmem_shared>>
        tpu.wait_indirect_dma semaphore(%run_scoped3A_207 : memref<!tpu.dma_semaphore, #tpu.memory_space<semaphore_mem>>) src(%dma_wait3A_221 : memref<128x128xf32, #tpu.memory_space<vmem>>) dst(%dma_wait3A_227 : memref<5248x128xf32, #tpu.memory_space<vmem_shared>>)
        tpu.yield
      }) : () -> ()
      %mul3A_183 = arith.constant 4 : i32
      %mul3A_184 = arith.muli %while3A_115, %mul3A_183 : i32
      %add3A_185 = arith.constant 3 : i32
      %add3A_186 = arith.addi %mul3A_184, %add3A_185 : i32
      %dma_wait3A_187 = arith.constant 3 : i32
      %dma_wait3A_188 = arith.constant 0 : i32
      %dma_wait3A_189 = arith.constant 0 : i32
      %dma_wait3A_190 = tpu.memref_slice %arg10[%dma_wait3A_187, %dma_wait3A_188, %dma_wait3A_189] : memref<4x128x128xf32, #tpu.memory_space<vmem>> -> memref<1x128x128xf32, #tpu.memory_space<vmem>>
      %dma_wait3A_191 = tpu.memref_squeeze %dma_wait3A_190 : memref<1x128x128xf32, #tpu.memory_space<vmem>> -> memref<128x128xf32, #tpu.memory_space<vmem>>
      %dma_wait3A_192 = arith.constant 0 : i32
      %dma_wait3A_193 = tpu.memref_slice %arg8[%add3A_186, %dma_wait3A_192] : memref<80x128xi32, #tpu.memory_space<vmem>> -> memref<1x128xi32, #tpu.memory_space<vmem>>
      %dma_wait3A_194 = tpu.memref_squeeze %dma_wait3A_193 : memref<1x128xi32, #tpu.memory_space<vmem>> -> memref<128xi32, #tpu.memory_space<vmem>>
      %dma_wait3A_195 = arith.constant 0 : i32
      %dma_wait3A_196 = arith.constant 0 : i32
      %dma_wait3A_197 = tpu.memref_slice %arg2[%dma_wait3A_195, %dma_wait3A_196] : memref<10240x128xf32, #tpu.memory_space<hbm>> -> memref<10240x128xf32, #tpu.memory_space<hbm>>
      tpu.wait_indirect_dma semaphore(%arg14 : memref<!tpu.dma_semaphore, #tpu.memory_space<semaphore_mem>>) src(%dma_wait3A_197 : memref<10240x128xf32, #tpu.memory_space<hbm>>) dst(%dma_wait3A_191 : memref<128x128xf32, #tpu.memory_space<vmem>>)
      %add3A_198 = arith.constant 2 : i32
      %add3A_199 = arith.addi %add3A_186, %add3A_198 : i32
      %mul3A_200 = arith.constant 4 : i32
      %mul3A_201 = arith.muli %max3A_74, %mul3A_200 : i32
      %lt3A_202 = arith.cmpi slt, %add3A_199, %mul3A_201 : i32
      %convert_element_type3A_203 = arith.extui %lt3A_202 : i1 to i32
      %cond3A_204 = arith.constant 0 : i32
      %cond3A_205 = arith.cmpi ne, %convert_element_type3A_203, %cond3A_204 : i32
      scf.if %cond3A_205 {
        %add3A_207 = arith.constant 2 : i32
        %add3A_208 = arith.addi %add3A_186, %add3A_207 : i32
        %dma_start3A_209 = arith.constant 1 : i32
        %dma_start3A_210 = arith.constant 0 : i32
        %dma_start3A_211 = arith.constant 0 : i32
        %dma_start3A_212 = tpu.memref_slice %arg10[%dma_start3A_209, %dma_start3A_210, %dma_start3A_211] : memref<4x128x128xf32, #tpu.memory_space<vmem>> -> memref<1x128x128xf32, #tpu.memory_space<vmem>>
        %dma_start3A_213 = tpu.memref_squeeze %dma_start3A_212 : memref<1x128x128xf32, #tpu.memory_space<vmem>> -> memref<128x128xf32, #tpu.memory_space<vmem>>
        %dma_start3A_214 = arith.constant 0 : i32
        %dma_start3A_215 = tpu.memref_slice %arg8[%add3A_208, %dma_start3A_214] : memref<80x128xi32, #tpu.memory_space<vmem>> -> memref<1x128xi32, #tpu.memory_space<vmem>>
        %dma_start3A_216 = tpu.memref_squeeze %dma_start3A_215 : memref<1x128xi32, #tpu.memory_space<vmem>> -> memref<128xi32, #tpu.memory_space<vmem>>
        %dma_start3A_217 = arith.constant 0 : i32
        %dma_start3A_218 = arith.constant 0 : i32
        %dma_start3A_219 = tpu.memref_slice %arg2[%dma_start3A_217, %dma_start3A_218] : memref<10240x128xf32, #tpu.memory_space<hbm>> -> memref<10240x128xf32, #tpu.memory_space<hbm>>
        tpu.enqueue_indirect_dma source(%dma_start3A_219 : memref<10240x128xf32, #tpu.memory_space<hbm>>) target(%dma_start3A_213 : memref<128x128xf32, #tpu.memory_space<vmem>>) offsets(%dma_start3A_216 : memref<128xi32, #tpu.memory_space<vmem>>) semaphore(%arg14 : memref<!tpu.dma_semaphore, #tpu.memory_space<semaphore_mem>>)
      } else {
      }
      %run_scoped3A_206 = arith.constant 3 : i32
      "tpu.region"() ({
        %run_scoped3A_207 = tpu.sem_alloc : memref<!tpu.dma_semaphore, #tpu.memory_space<semaphore_mem>>
        %dma_start3A_208 = arith.constant 0 : i32
        %dma_start3A_209 = arith.constant 0 : i32
        %dma_start3A_210 = tpu.memref_slice %arg10[%run_scoped3A_206, %dma_start3A_208, %dma_start3A_209] : memref<4x128x128xf32, #tpu.memory_space<vmem>> -> memref<1x128x128xf32, #tpu.memory_space<vmem>>
        %dma_start3A_211 = tpu.memref_squeeze %dma_start3A_210 : memref<1x128x128xf32, #tpu.memory_space<vmem>> -> memref<128x128xf32, #tpu.memory_space<vmem>>
        %dma_start3A_212 = arith.constant 0 : i32
        %dma_start3A_213 = tpu.memref_slice %arg9[%add3A_186, %dma_start3A_212] : memref<80x128xi32, #tpu.memory_space<vmem>> -> memref<1x128xi32, #tpu.memory_space<vmem>>
        %dma_start3A_214 = tpu.memref_squeeze %dma_start3A_213 : memref<1x128xi32, #tpu.memory_space<vmem>> -> memref<128xi32, #tpu.memory_space<vmem>>
        %dma_start3A_215 = arith.constant 0 : i32
        %dma_start3A_216 = arith.constant 0 : i32
        %dma_start3A_217 = tpu.memref_slice %arg12[%dma_start3A_215, %dma_start3A_216] : memref<5248x128xf32, #tpu.memory_space<vmem_shared>> -> memref<5248x128xf32, #tpu.memory_space<vmem_shared>>
        tpu.enqueue_indirect_dma source(%dma_start3A_211 : memref<128x128xf32, #tpu.memory_space<vmem>>) target(%dma_start3A_217 : memref<5248x128xf32, #tpu.memory_space<vmem_shared>>) offsets(%dma_start3A_214 : memref<128xi32, #tpu.memory_space<vmem>>) semaphore(%run_scoped3A_207 : memref<!tpu.dma_semaphore, #tpu.memory_space<semaphore_mem>>) {add = true}
        %dma_wait3A_218 = arith.constant 0 : i32
        %dma_wait3A_219 = arith.constant 0 : i32
        %dma_wait3A_220 = tpu.memref_slice %arg10[%run_scoped3A_206, %dma_wait3A_218, %dma_wait3A_219] : memref<4x128x128xf32, #tpu.memory_space<vmem>> -> memref<1x128x128xf32, #tpu.memory_space<vmem>>
        %dma_wait3A_221 = tpu.memref_squeeze %dma_wait3A_220 : memref<1x128x128xf32, #tpu.memory_space<vmem>> -> memref<128x128xf32, #tpu.memory_space<vmem>>
        %dma_wait3A_222 = arith.constant 0 : i32
        %dma_wait3A_223 = tpu.memref_slice %arg9[%add3A_186, %dma_wait3A_222] : memref<80x128xi32, #tpu.memory_space<vmem>> -> memref<1x128xi32, #tpu.memory_space<vmem>>
        %dma_wait3A_224 = tpu.memref_squeeze %dma_wait3A_223 : memref<1x128xi32, #tpu.memory_space<vmem>> -> memref<128xi32, #tpu.memory_space<vmem>>
        %dma_wait3A_225 = arith.constant 0 : i32
        %dma_wait3A_226 = arith.constant 0 : i32
        %dma_wait3A_227 = tpu.memref_slice %arg12[%dma_wait3A_225, %dma_wait3A_226] : memref<5248x128xf32, #tpu.memory_space<vmem_shared>> -> memref<5248x128xf32, #tpu.memory_space<vmem_shared>>
        tpu.wait_indirect_dma semaphore(%run_scoped3A_207 : memref<!tpu.dma_semaphore, #tpu.memory_space<semaphore_mem>>) src(%dma_wait3A_221 : memref<128x128xf32, #tpu.memory_space<vmem>>) dst(%dma_wait3A_227 : memref<5248x128xf32, #tpu.memory_space<vmem_shared>>)
        tpu.yield
      }) : () -> ()
    }
    %while3A_108 = arith.constant 1 : i32
    scf.for %while3A_115 = %while3A_106 to %while3A_102 step %while3A_108  : i32 {
      %mul3A_116 = arith.constant 4 : i32
      %mul3A_117 = arith.muli %while3A_115, %mul3A_116 : i32
      %add3A_118 = arith.constant 0 : i32
      %add3A_119 = arith.addi %mul3A_117, %add3A_118 : i32
      %dma_wait3A = arith.constant 0 : i32
      %dma_wait3A_120 = arith.constant 0 : i32
      %dma_wait3A_121 = arith.constant 0 : i32
      %dma_wait3A_122 = tpu.memref_slice %arg10[%dma_wait3A, %dma_wait3A_120, %dma_wait3A_121] : memref<4x128x128xf32, #tpu.memory_space<vmem>> -> memref<1x128x128xf32, #tpu.memory_space<vmem>>
      %dma_wait3A_123 = tpu.memref_squeeze %dma_wait3A_122 : memref<1x128x128xf32, #tpu.memory_space<vmem>> -> memref<128x128xf32, #tpu.memory_space<vmem>>
      %dma_wait3A_124 = arith.constant 0 : i32
      %dma_wait3A_125 = tpu.memref_slice %arg8[%add3A_119, %dma_wait3A_124] : memref<80x128xi32, #tpu.memory_space<vmem>> -> memref<1x128xi32, #tpu.memory_space<vmem>>
      %dma_wait3A_126 = tpu.memref_squeeze %dma_wait3A_125 : memref<1x128xi32, #tpu.memory_space<vmem>> -> memref<128xi32, #tpu.memory_space<vmem>>
      %dma_wait3A_127 = arith.constant 0 : i32
      %dma_wait3A_128 = arith.constant 0 : i32
      %dma_wait3A_129 = tpu.memref_slice %arg2[%dma_wait3A_127, %dma_wait3A_128] : memref<10240x128xf32, #tpu.memory_space<hbm>> -> memref<10240x128xf32, #tpu.memory_space<hbm>>
      tpu.wait_indirect_dma semaphore(%arg13 : memref<!tpu.dma_semaphore, #tpu.memory_space<semaphore_mem>>) src(%dma_wait3A_129 : memref<10240x128xf32, #tpu.memory_space<hbm>>) dst(%dma_wait3A_123 : memref<128x128xf32, #tpu.memory_space<vmem>>)
      %add3A_130 = arith.constant 2 : i32
      %add3A_131 = arith.addi %add3A_119, %add3A_130 : i32
      %mul3A_132 = arith.constant 4 : i32
      %mul3A_133 = arith.muli %max3A_74, %mul3A_132 : i32
      %lt3A = arith.cmpi slt, %add3A_131, %mul3A_133 : i32
      %convert_element_type3A = arith.extui %lt3A : i1 to i32
      %cond3A = arith.constant 0 : i32
      %cond3A_134 = arith.cmpi ne, %convert_element_type3A, %cond3A : i32
      scf.if %cond3A_134 {
        %add3A_207 = arith.constant 2 : i32
        %add3A_208 = arith.addi %add3A_119, %add3A_207 : i32
        %dma_start3A_209 = arith.constant 2 : i32
        %dma_start3A_210 = arith.constant 0 : i32
        %dma_start3A_211 = arith.constant 0 : i32
        %dma_start3A_212 = tpu.memref_slice %arg10[%dma_start3A_209, %dma_start3A_210, %dma_start3A_211] : memref<4x128x128xf32, #tpu.memory_space<vmem>> -> memref<1x128x128xf32, #tpu.memory_space<vmem>>
        %dma_start3A_213 = tpu.memref_squeeze %dma_start3A_212 : memref<1x128x128xf32, #tpu.memory_space<vmem>> -> memref<128x128xf32, #tpu.memory_space<vmem>>
        %dma_start3A_214 = arith.constant 0 : i32
        %dma_start3A_215 = tpu.memref_slice %arg8[%add3A_208, %dma_start3A_214] : memref<80x128xi32, #tpu.memory_space<vmem>> -> memref<1x128xi32, #tpu.memory_space<vmem>>
        %dma_start3A_216 = tpu.memref_squeeze %dma_start3A_215 : memref<1x128xi32, #tpu.memory_space<vmem>> -> memref<128xi32, #tpu.memory_space<vmem>>
        %dma_start3A_217 = arith.constant 0 : i32
        %dma_start3A_218 = arith.constant 0 : i32
        %dma_start3A_219 = tpu.memref_slice %arg2[%dma_start3A_217, %dma_start3A_218] : memref<10240x128xf32, #tpu.memory_space<hbm>> -> memref<10240x128xf32, #tpu.memory_space<hbm>>
        tpu.enqueue_indirect_dma source(%dma_start3A_219 : memref<10240x128xf32, #tpu.memory_space<hbm>>) target(%dma_start3A_213 : memref<128x128xf32, #tpu.memory_space<vmem>>) offsets(%dma_start3A_216 : memref<128xi32, #tpu.memory_space<vmem>>) semaphore(%arg13 : memref<!tpu.dma_semaphore, #tpu.memory_space<semaphore_mem>>)
      } else {
      }
      %run_scoped3A = arith.constant 0 : i32
      "tpu.region"() ({
        %run_scoped3A_207 = tpu.sem_alloc : memref<!tpu.dma_semaphore, #tpu.memory_space<semaphore_mem>>
        %dma_start3A_208 = arith.constant 0 : i32
        %dma_start3A_209 = arith.constant 0 : i32
        %dma_start3A_210 = tpu.memref_slice %arg10[%run_scoped3A, %dma_start3A_208, %dma_start3A_209] : memref<4x128x128xf32, #tpu.memory_space<vmem>> -> memref<1x128x128xf32, #tpu.memory_space<vmem>>
        %dma_start3A_211 = tpu.memref_squeeze %dma_start3A_210 : memref<1x128x128xf32, #tpu.memory_space<vmem>> -> memref<128x128xf32, #tpu.memory_space<vmem>>
        %dma_start3A_212 = arith.constant 0 : i32
        %dma_start3A_213 = tpu.memref_slice %arg9[%add3A_119, %dma_start3A_212] : memref<80x128xi32, #tpu.memory_space<vmem>> -> memref<1x128xi32, #tpu.memory_space<vmem>>
        %dma_start3A_214 = tpu.memref_squeeze %dma_start3A_213 : memref<1x128xi32, #tpu.memory_space<vmem>> -> memref<128xi32, #tpu.memory_space<vmem>>
        %dma_start3A_215 = arith.constant 0 : i32
        %dma_start3A_216 = arith.constant 0 : i32
        %dma_start3A_217 = tpu.memref_slice %arg12[%dma_start3A_215, %dma_start3A_216] : memref<5248x128xf32, #tpu.memory_space<vmem_shared>> -> memref<5248x128xf32, #tpu.memory_space<vmem_shared>>
        tpu.enqueue_indirect_dma source(%dma_start3A_211 : memref<128x128xf32, #tpu.memory_space<vmem>>) target(%dma_start3A_217 : memref<5248x128xf32, #tpu.memory_space<vmem_shared>>) offsets(%dma_start3A_214 : memref<128xi32, #tpu.memory_space<vmem>>) semaphore(%run_scoped3A_207 : memref<!tpu.dma_semaphore, #tpu.memory_space<semaphore_mem>>) {add = true}
        %dma_wait3A_218 = arith.constant 0 : i32
        %dma_wait3A_219 = arith.constant 0 : i32
        %dma_wait3A_220 = tpu.memref_slice %arg10[%run_scoped3A, %dma_wait3A_218, %dma_wait3A_219] : memref<4x128x128xf32, #tpu.memory_space<vmem>> -> memref<1x128x128xf32, #tpu.memory_space<vmem>>
        %dma_wait3A_221 = tpu.memref_squeeze %dma_wait3A_220 : memref<1x128x128xf32, #tpu.memory_space<vmem>> -> memref<128x128xf32, #tpu.memory_space<vmem>>
        %dma_wait3A_222 = arith.constant 0 : i32
        %dma_wait3A_223 = tpu.memref_slice %arg9[%add3A_119, %dma_wait3A_222] : memref<80x128xi32, #tpu.memory_space<vmem>> -> memref<1x128xi32, #tpu.memory_space<vmem>>
        %dma_wait3A_224 = tpu.memref_squeeze %dma_wait3A_223 : memref<1x128xi32, #tpu.memory_space<vmem>> -> memref<128xi32, #tpu.memory_space<vmem>>
        %dma_wait3A_225 = arith.constant 0 : i32
        %dma_wait3A_226 = arith.constant 0 : i32
        %dma_wait3A_227 = tpu.memref_slice %arg12[%dma_wait3A_225, %dma_wait3A_226] : memref<5248x128xf32, #tpu.memory_space<vmem_shared>> -> memref<5248x128xf32, #tpu.memory_space<vmem_shared>>
        tpu.wait_indirect_dma semaphore(%run_scoped3A_207 : memref<!tpu.dma_semaphore, #tpu.memory_space<semaphore_mem>>) src(%dma_wait3A_221 : memref<128x128xf32, #tpu.memory_space<vmem>>) dst(%dma_wait3A_227 : memref<5248x128xf32, #tpu.memory_space<vmem_shared>>)
        tpu.yield
      }) : () -> ()
      %mul3A_135 = arith.constant 4 : i32
      %mul3A_136 = arith.muli %while3A_115, %mul3A_135 : i32
      %add3A_137 = arith.constant 1 : i32
      %add3A_138 = arith.addi %mul3A_136, %add3A_137 : i32
      %dma_wait3A_139 = arith.constant 1 : i32
      %dma_wait3A_140 = arith.constant 0 : i32
      %dma_wait3A_141 = arith.constant 0 : i32
      %dma_wait3A_142 = tpu.memref_slice %arg10[%dma_wait3A_139, %dma_wait3A_140, %dma_wait3A_141] : memref<4x128x128xf32, #tpu.memory_space<vmem>> -> memref<1x128x128xf32, #tpu.memory_space<vmem>>
      %dma_wait3A_143 = tpu.memref_squeeze %dma_wait3A_142 : memref<1x128x128xf32, #tpu.memory_space<vmem>> -> memref<128x128xf32, #tpu.memory_space<vmem>>
      %dma_wait3A_144 = arith.constant 0 : i32
      %dma_wait3A_145 = tpu.memref_slice %arg8[%add3A_138, %dma_wait3A_144] : memref<80x128xi32, #tpu.memory_space<vmem>> -> memref<1x128xi32, #tpu.memory_space<vmem>>
      %dma_wait3A_146 = tpu.memref_squeeze %dma_wait3A_145 : memref<1x128xi32, #tpu.memory_space<vmem>> -> memref<128xi32, #tpu.memory_space<vmem>>
      %dma_wait3A_147 = arith.constant 0 : i32
      %dma_wait3A_148 = arith.constant 0 : i32
      %dma_wait3A_149 = tpu.memref_slice %arg2[%dma_wait3A_147, %dma_wait3A_148] : memref<10240x128xf32, #tpu.memory_space<hbm>> -> memref<10240x128xf32, #tpu.memory_space<hbm>>
      tpu.wait_indirect_dma semaphore(%arg14 : memref<!tpu.dma_semaphore, #tpu.memory_space<semaphore_mem>>) src(%dma_wait3A_149 : memref<10240x128xf32, #tpu.memory_space<hbm>>) dst(%dma_wait3A_143 : memref<128x128xf32, #tpu.memory_space<vmem>>)
      %add3A_150 = arith.constant 2 : i32
      %add3A_151 = arith.addi %add3A_138, %add3A_150 : i32
      %mul3A_152 = arith.constant 4 : i32
      %mul3A_153 = arith.muli %max3A_74, %mul3A_152 : i32
      %lt3A_154 = arith.cmpi slt, %add3A_151, %mul3A_153 : i32
      %convert_element_type3A_155 = arith.extui %lt3A_154 : i1 to i32
      %cond3A_156 = arith.constant 0 : i32
      %cond3A_157 = arith.cmpi ne, %convert_element_type3A_155, %cond3A_156 : i32
      scf.if %cond3A_157 {
        %add3A_207 = arith.constant 2 : i32
        %add3A_208 = arith.addi %add3A_138, %add3A_207 : i32
        %dma_start3A_209 = arith.constant 3 : i32
        %dma_start3A_210 = arith.constant 0 : i32
        %dma_start3A_211 = arith.constant 0 : i32
        %dma_start3A_212 = tpu.memref_slice %arg10[%dma_start3A_209, %dma_start3A_210, %dma_start3A_211] : memref<4x128x128xf32, #tpu.memory_space<vmem>> -> memref<1x128x128xf32, #tpu.memory_space<vmem>>
        %dma_start3A_213 = tpu.memref_squeeze %dma_start3A_212 : memref<1x128x128xf32, #tpu.memory_space<vmem>> -> memref<128x128xf32, #tpu.memory_space<vmem>>
        %dma_start3A_214 = arith.constant 0 : i32
        %dma_start3A_215 = tpu.memref_slice %arg8[%add3A_208, %dma_start3A_214] : memref<80x128xi32, #tpu.memory_space<vmem>> -> memref<1x128xi32, #tpu.memory_space<vmem>>
        %dma_start3A_216 = tpu.memref_squeeze %dma_start3A_215 : memref<1x128xi32, #tpu.memory_space<vmem>> -> memref<128xi32, #tpu.memory_space<vmem>>
        %dma_start3A_217 = arith.constant 0 : i32
        %dma_start3A_218 = arith.constant 0 : i32
        %dma_start3A_219 = tpu.memref_slice %arg2[%dma_start3A_217, %dma_start3A_218] : memref<10240x128xf32, #tpu.memory_space<hbm>> -> memref<10240x128xf32, #tpu.memory_space<hbm>>
        tpu.enqueue_indirect_dma source(%dma_start3A_219 : memref<10240x128xf32, #tpu.memory_space<hbm>>) target(%dma_start3A_213 : memref<128x128xf32, #tpu.memory_space<vmem>>) offsets(%dma_start3A_216 : memref<128xi32, #tpu.memory_space<vmem>>) semaphore(%arg14 : memref<!tpu.dma_semaphore, #tpu.memory_space<semaphore_mem>>)
      } else {
      }
      %run_scoped3A_158 = arith.constant 1 : i32
      "tpu.region"() ({
        %run_scoped3A_207 = tpu.sem_alloc : memref<!tpu.dma_semaphore, #tpu.memory_space<semaphore_mem>>
        %dma_start3A_208 = arith.constant 0 : i32
        %dma_start3A_209 = arith.constant 0 : i32
        %dma_start3A_210 = tpu.memref_slice %arg10[%run_scoped3A_158, %dma_start3A_208, %dma_start3A_209] : memref<4x128x128xf32, #tpu.memory_space<vmem>> -> memref<1x128x128xf32, #tpu.memory_space<vmem>>
        %dma_start3A_211 = tpu.memref_squeeze %dma_start3A_210 : memref<1x128x128xf32, #tpu.memory_space<vmem>> -> memref<128x128xf32, #tpu.memory_space<vmem>>
        %dma_start3A_212 = arith.constant 0 : i32
        %dma_start3A_213 = tpu.memref_slice %arg9[%add3A_138, %dma_start3A_212] : memref<80x128xi32, #tpu.memory_space<vmem>> -> memref<1x128xi32, #tpu.memory_space<vmem>>
        %dma_start3A_214 = tpu.memref_squeeze %dma_start3A_213 : memref<1x128xi32, #tpu.memory_space<vmem>> -> memref<128xi32, #tpu.memory_space<vmem>>
        %dma_start3A_215 = arith.constant 0 : i32
        %dma_start3A_216 = arith.constant 0 : i32
        %dma_start3A_217 = tpu.memref_slice %arg12[%dma_start3A_215, %dma_start3A_216] : memref<5248x128xf32, #tpu.memory_space<vmem_shared>> -> memref<5248x128xf32, #tpu.memory_space<vmem_shared>>
        tpu.enqueue_indirect_dma source(%dma_start3A_211 : memref<128x128xf32, #tpu.memory_space<vmem>>) target(%dma_start3A_217 : memref<5248x128xf32, #tpu.memory_space<vmem_shared>>) offsets(%dma_start3A_214 : memref<128xi32, #tpu.memory_space<vmem>>) semaphore(%run_scoped3A_207 : memref<!tpu.dma_semaphore, #tpu.memory_space<semaphore_mem>>) {add = true}
        %dma_wait3A_218 = arith.constant 0 : i32
        %dma_wait3A_219 = arith.constant 0 : i32
        %dma_wait3A_220 = tpu.memref_slice %arg10[%run_scoped3A_158, %dma_wait3A_218, %dma_wait3A_219] : memref<4x128x128xf32, #tpu.memory_space<vmem>> -> memref<1x128x128xf32, #tpu.memory_space<vmem>>
        %dma_wait3A_221 = tpu.memref_squeeze %dma_wait3A_220 : memref<1x128x128xf32, #tpu.memory_space<vmem>> -> memref<128x128xf32, #tpu.memory_space<vmem>>
        %dma_wait3A_222 = arith.constant 0 : i32
        %dma_wait3A_223 = tpu.memref_slice %arg9[%add3A_138, %dma_wait3A_222] : memref<80x128xi32, #tpu.memory_space<vmem>> -> memref<1x128xi32, #tpu.memory_space<vmem>>
        %dma_wait3A_224 = tpu.memref_squeeze %dma_wait3A_223 : memref<1x128xi32, #tpu.memory_space<vmem>> -> memref<128xi32, #tpu.memory_space<vmem>>
        %dma_wait3A_225 = arith.constant 0 : i32
        %dma_wait3A_226 = arith.constant 0 : i32
        %dma_wait3A_227 = tpu.memref_slice %arg12[%dma_wait3A_225, %dma_wait3A_226] : memref<5248x128xf32, #tpu.memory_space<vmem_shared>> -> memref<5248x128xf32, #tpu.memory_space<vmem_shared>>
        tpu.wait_indirect_dma semaphore(%run_scoped3A_207 : memref<!tpu.dma_semaphore, #tpu.memory_space<semaphore_mem>>) src(%dma_wait3A_221 : memref<128x128xf32, #tpu.memory_space<vmem>>) dst(%dma_wait3A_227 : memref<5248x128xf32, #tpu.memory_space<vmem_shared>>)
        tpu.yield
      }) : () -> ()
      %mul3A_159 = arith.constant 4 : i32
      %mul3A_160 = arith.muli %while3A_115, %mul3A_159 : i32
      %add3A_161 = arith.constant 2 : i32
      %add3A_162 = arith.addi %mul3A_160, %add3A_161 : i32
      %dma_wait3A_163 = arith.constant 2 : i32
      %dma_wait3A_164 = arith.constant 0 : i32
      %dma_wait3A_165 = arith.constant 0 : i32
      %dma_wait3A_166 = tpu.memref_slice %arg10[%dma_wait3A_163, %dma_wait3A_164, %dma_wait3A_165] : memref<4x128x128xf32, #tpu.memory_space<vmem>> -> memref<1x128x128xf32, #tpu.memory_space<vmem>>
      %dma_wait3A_167 = tpu.memref_squeeze %dma_wait3A_166 : memref<1x128x128xf32, #tpu.memory_space<vmem>> -> memref<128x128xf32, #tpu.memory_space<vmem>>
      %dma_wait3A_168 = arith.constant 0 : i32
      %dma_wait3A_169 = tpu.memref_slice %arg8[%add3A_162, %dma_wait3A_168] : memref<80x128xi32, #tpu.memory_space<vmem>> -> memref<1x128xi32, #tpu.memory_space<vmem>>
      %dma_wait3A_170 = tpu.memref_squeeze %dma_wait3A_169 : memref<1x128xi32, #tpu.memory_space<vmem>> -> memref<128xi32, #tpu.memory_space<vmem>>
      %dma_wait3A_171 = arith.constant 0 : i32
      %dma_wait3A_172 = arith.constant 0 : i32
      %dma_wait3A_173 = tpu.memref_slice %arg2[%dma_wait3A_171, %dma_wait3A_172] : memref<10240x128xf32, #tpu.memory_space<hbm>> -> memref<10240x128xf32, #tpu.memory_space<hbm>>
      tpu.wait_indirect_dma semaphore(%arg13 : memref<!tpu.dma_semaphore, #tpu.memory_space<semaphore_mem>>) src(%dma_wait3A_173 : memref<10240x128xf32, #tpu.memory_space<hbm>>) dst(%dma_wait3A_167 : memref<128x128xf32, #tpu.memory_space<vmem>>)
      %add3A_174 = arith.constant 2 : i32
      %add3A_175 = arith.addi %add3A_162, %add3A_174 : i32
      %mul3A_176 = arith.constant 4 : i32
      %mul3A_177 = arith.muli %max3A_74, %mul3A_176 : i32
      %lt3A_178 = arith.cmpi slt, %add3A_175, %mul3A_177 : i32
      %convert_element_type3A_179 = arith.extui %lt3A_178 : i1 to i32
      %cond3A_180 = arith.constant 0 : i32
      %cond3A_181 = arith.cmpi ne, %convert_element_type3A_179, %cond3A_180 : i32
      scf.if %cond3A_181 {
        %add3A_207 = arith.constant 2 : i32
        %add3A_208 = arith.addi %add3A_162, %add3A_207 : i32
        %dma_start3A_209 = arith.constant 0 : i32
        %dma_start3A_210 = arith.constant 0 : i32
        %dma_start3A_211 = arith.constant 0 : i32
        %dma_start3A_212 = tpu.memref_slice %arg10[%dma_start3A_209, %dma_start3A_210, %dma_start3A_211] : memref<4x128x128xf32, #tpu.memory_space<vmem>> -> memref<1x128x128xf32, #tpu.memory_space<vmem>>
        %dma_start3A_213 = tpu.memref_squeeze %dma_start3A_212 : memref<1x128x128xf32, #tpu.memory_space<vmem>> -> memref<128x128xf32, #tpu.memory_space<vmem>>
        %dma_start3A_214 = arith.constant 0 : i32
        %dma_start3A_215 = tpu.memref_slice %arg8[%add3A_208, %dma_start3A_214] : memref<80x128xi32, #tpu.memory_space<vmem>> -> memref<1x128xi32, #tpu.memory_space<vmem>>
        %dma_start3A_216 = tpu.memref_squeeze %dma_start3A_215 : memref<1x128xi32, #tpu.memory_space<vmem>> -> memref<128xi32, #tpu.memory_space<vmem>>
        %dma_start3A_217 = arith.constant 0 : i32
        %dma_start3A_218 = arith.constant 0 : i32
        %dma_start3A_219 = tpu.memref_slice %arg2[%dma_start3A_217, %dma_start3A_218] : memref<10240x128xf32, #tpu.memory_space<hbm>> -> memref<10240x128xf32, #tpu.memory_space<hbm>>
        tpu.enqueue_indirect_dma source(%dma_start3A_219 : memref<10240x128xf32, #tpu.memory_space<hbm>>) target(%dma_start3A_213 : memref<128x128xf32, #tpu.memory_space<vmem>>) offsets(%dma_start3A_216 : memref<128xi32, #tpu.memory_space<vmem>>) semaphore(%arg13 : memref<!tpu.dma_semaphore, #tpu.memory_space<semaphore_mem>>)
      } else {
      }
      %run_scoped3A_182 = arith.constant 2 : i32
      "tpu.region"() ({
        %run_scoped3A_207 = tpu.sem_alloc : memref<!tpu.dma_semaphore, #tpu.memory_space<semaphore_mem>>
        %dma_start3A_208 = arith.constant 0 : i32
        %dma_start3A_209 = arith.constant 0 : i32
        %dma_start3A_210 = tpu.memref_slice %arg10[%run_scoped3A_182, %dma_start3A_208, %dma_start3A_209] : memref<4x128x128xf32, #tpu.memory_space<vmem>> -> memref<1x128x128xf32, #tpu.memory_space<vmem>>
        %dma_start3A_211 = tpu.memref_squeeze %dma_start3A_210 : memref<1x128x128xf32, #tpu.memory_space<vmem>> -> memref<128x128xf32, #tpu.memory_space<vmem>>
        %dma_start3A_212 = arith.constant 0 : i32
        %dma_start3A_213 = tpu.memref_slice %arg9[%add3A_162, %dma_start3A_212] : memref<80x128xi32, #tpu.memory_space<vmem>> -> memref<1x128xi32, #tpu.memory_space<vmem>>
        %dma_start3A_214 = tpu.memref_squeeze %dma_start3A_213 : memref<1x128xi32, #tpu.memory_space<vmem>> -> memref<128xi32, #tpu.memory_space<vmem>>
        %dma_start3A_215 = arith.constant 0 : i32
        %dma_start3A_216 = arith.constant 0 : i32
        %dma_start3A_217 = tpu.memref_slice %arg12[%dma_start3A_215, %dma_start3A_216] : memref<5248x128xf32, #tpu.memory_space<vmem_shared>> -> memref<5248x128xf32, #tpu.memory_space<vmem_shared>>
        tpu.enqueue_indirect_dma source(%dma_start3A_211 : memref<128x128xf32, #tpu.memory_space<vmem>>) target(%dma_start3A_217 : memref<5248x128xf32, #tpu.memory_space<vmem_shared>>) offsets(%dma_start3A_214 : memref<128xi32, #tpu.memory_space<vmem>>) semaphore(%run_scoped3A_207 : memref<!tpu.dma_semaphore, #tpu.memory_space<semaphore_mem>>) {add = true}
        %dma_wait3A_218 = arith.constant 0 : i32
        %dma_wait3A_219 = arith.constant 0 : i32
        %dma_wait3A_220 = tpu.memref_slice %arg10[%run_scoped3A_182, %dma_wait3A_218, %dma_wait3A_219] : memref<4x128x128xf32, #tpu.memory_space<vmem>> -> memref<1x128x128xf32, #tpu.memory_space<vmem>>
        %dma_wait3A_221 = tpu.memref_squeeze %dma_wait3A_220 : memref<1x128x128xf32, #tpu.memory_space<vmem>> -> memref<128x128xf32, #tpu.memory_space<vmem>>
        %dma_wait3A_222 = arith.constant 0 : i32
        %dma_wait3A_223 = tpu.memref_slice %arg9[%add3A_162, %dma_wait3A_222] : memref<80x128xi32, #tpu.memory_space<vmem>> -> memref<1x128xi32, #tpu.memory_space<vmem>>
        %dma_wait3A_224 = tpu.memref_squeeze %dma_wait3A_223 : memref<1x128xi32, #tpu.memory_space<vmem>> -> memref<128xi32, #tpu.memory_space<vmem>>
        %dma_wait3A_225 = arith.constant 0 : i32
        %dma_wait3A_226 = arith.constant 0 : i32
        %dma_wait3A_227 = tpu.memref_slice %arg12[%dma_wait3A_225, %dma_wait3A_226] : memref<5248x128xf32, #tpu.memory_space<vmem_shared>> -> memref<5248x128xf32, #tpu.memory_space<vmem_shared>>
        tpu.wait_indirect_dma semaphore(%run_scoped3A_207 : memref<!tpu.dma_semaphore, #tpu.memory_space<semaphore_mem>>) src(%dma_wait3A_221 : memref<128x128xf32, #tpu.memory_space<vmem>>) dst(%dma_wait3A_227 : memref<5248x128xf32, #tpu.memory_space<vmem_shared>>)
        tpu.yield
      }) : () -> ()
      %mul3A_183 = arith.constant 4 : i32
      %mul3A_184 = arith.muli %while3A_115, %mul3A_183 : i32
      %add3A_185 = arith.constant 3 : i32
      %add3A_186 = arith.addi %mul3A_184, %add3A_185 : i32
      %dma_wait3A_187 = arith.constant 3 : i32
      %dma_wait3A_188 = arith.constant 0 : i32
      %dma_wait3A_189 = arith.constant 0 : i32
      %dma_wait3A_190 = tpu.memref_slice %arg10[%dma_wait3A_187, %dma_wait3A_188, %dma_wait3A_189] : memref<4x128x128xf32, #tpu.memory_space<vmem>> -> memref<1x128x128xf32, #tpu.memory_space<vmem>>
      %dma_wait3A_191 = tpu.memref_squeeze %dma_wait3A_190 : memref<1x128x128xf32, #tpu.memory_space<vmem>> -> memref<128x128xf32, #tpu.memory_space<vmem>>
      %dma_wait3A_192 = arith.constant 0 : i32
      %dma_wait3A_193 = tpu.memref_slice %arg8[%add3A_186, %dma_wait3A_192] : memref<80x128xi32, #tpu.memory_space<vmem>> -> memref<1x128xi32, #tpu.memory_space<vmem>>
      %dma_wait3A_194 = tpu.memref_squeeze %dma_wait3A_193 : memref<1x128xi32, #tpu.memory_space<vmem>> -> memref<128xi32, #tpu.memory_space<vmem>>
      %dma_wait3A_195 = arith.constant 0 : i32
      %dma_wait3A_196 = arith.constant 0 : i32
      %dma_wait3A_197 = tpu.memref_slice %arg2[%dma_wait3A_195, %dma_wait3A_196] : memref<10240x128xf32, #tpu.memory_space<hbm>> -> memref<10240x128xf32, #tpu.memory_space<hbm>>
      tpu.wait_indirect_dma semaphore(%arg14 : memref<!tpu.dma_semaphore, #tpu.memory_space<semaphore_mem>>) src(%dma_wait3A_197 : memref<10240x128xf32, #tpu.memory_space<hbm>>) dst(%dma_wait3A_191 : memref<128x128xf32, #tpu.memory_space<vmem>>)
      %add3A_198 = arith.constant 2 : i32
      %add3A_199 = arith.addi %add3A_186, %add3A_198 : i32
      %mul3A_200 = arith.constant 4 : i32
      %mul3A_201 = arith.muli %max3A_74, %mul3A_200 : i32
      %lt3A_202 = arith.cmpi slt, %add3A_199, %mul3A_201 : i32
      %convert_element_type3A_203 = arith.extui %lt3A_202 : i1 to i32
      %cond3A_204 = arith.constant 0 : i32
      %cond3A_205 = arith.cmpi ne, %convert_element_type3A_203, %cond3A_204 : i32
      scf.if %cond3A_205 {
        %add3A_207 = arith.constant 2 : i32
        %add3A_208 = arith.addi %add3A_186, %add3A_207 : i32
        %dma_start3A_209 = arith.constant 1 : i32
        %dma_start3A_210 = arith.constant 0 : i32
        %dma_start3A_211 = arith.constant 0 : i32
        %dma_start3A_212 = tpu.memref_slice %arg10[%dma_start3A_209, %dma_start3A_210, %dma_start3A_211] : memref<4x128x128xf32, #tpu.memory_space<vmem>> -> memref<1x128x128xf32, #tpu.memory_space<vmem>>
        %dma_start3A_213 = tpu.memref_squeeze %dma_start3A_212 : memref<1x128x128xf32, #tpu.memory_space<vmem>> -> memref<128x128xf32, #tpu.memory_space<vmem>>
        %dma_start3A_214 = arith.constant 0 : i32
        %dma_start3A_215 = tpu.memref_slice %arg8[%add3A_208, %dma_start3A_214] : memref<80x128xi32, #tpu.memory_space<vmem>> -> memref<1x128xi32, #tpu.memory_space<vmem>>
        %dma_start3A_216 = tpu.memref_squeeze %dma_start3A_215 : memref<1x128xi32, #tpu.memory_space<vmem>> -> memref<128xi32, #tpu.memory_space<vmem>>
        %dma_start3A_217 = arith.constant 0 : i32
        %dma_start3A_218 = arith.constant 0 : i32
        %dma_start3A_219 = tpu.memref_slice %arg2[%dma_start3A_217, %dma_start3A_218] : memref<10240x128xf32, #tpu.memory_space<hbm>> -> memref<10240x128xf32, #tpu.memory_space<hbm>>
        tpu.enqueue_indirect_dma source(%dma_start3A_219 : memref<10240x128xf32, #tpu.memory_space<hbm>>) target(%dma_start3A_213 : memref<128x128xf32, #tpu.memory_space<vmem>>) offsets(%dma_start3A_216 : memref<128xi32, #tpu.memory_space<vmem>>) semaphore(%arg14 : memref<!tpu.dma_semaphore, #tpu.memory_space<semaphore_mem>>)
      } else {
      }
      %run_scoped3A_206 = arith.constant 3 : i32
      "tpu.region"() ({
        %run_scoped3A_207 = tpu.sem_alloc : memref<!tpu.dma_semaphore, #tpu.memory_space<semaphore_mem>>
        %dma_start3A_208 = arith.constant 0 : i32
        %dma_start3A_209 = arith.constant 0 : i32
        %dma_start3A_210 = tpu.memref_slice %arg10[%run_scoped3A_206, %dma_start3A_208, %dma_start3A_209] : memref<4x128x128xf32, #tpu.memory_space<vmem>> -> memref<1x128x128xf32, #tpu.memory_space<vmem>>
        %dma_start3A_211 = tpu.memref_squeeze %dma_start3A_210 : memref<1x128x128xf32, #tpu.memory_space<vmem>> -> memref<128x128xf32, #tpu.memory_space<vmem>>
        %dma_start3A_212 = arith.constant 0 : i32
        %dma_start3A_213 = tpu.memref_slice %arg9[%add3A_186, %dma_start3A_212] : memref<80x128xi32, #tpu.memory_space<vmem>> -> memref<1x128xi32, #tpu.memory_space<vmem>>
        %dma_start3A_214 = tpu.memref_squeeze %dma_start3A_213 : memref<1x128xi32, #tpu.memory_space<vmem>> -> memref<128xi32, #tpu.memory_space<vmem>>
        %dma_start3A_215 = arith.constant 0 : i32
        %dma_start3A_216 = arith.constant 0 : i32
        %dma_start3A_217 = tpu.memref_slice %arg12[%dma_start3A_215, %dma_start3A_216] : memref<5248x128xf32, #tpu.memory_space<vmem_shared>> -> memref<5248x128xf32, #tpu.memory_space<vmem_shared>>
        tpu.enqueue_indirect_dma source(%dma_start3A_211 : memref<128x128xf32, #tpu.memory_space<vmem>>) target(%dma_start3A_217 : memref<5248x128xf32, #tpu.memory_space<vmem_shared>>) offsets(%dma_start3A_214 : memref<128xi32, #tpu.memory_space<vmem>>) semaphore(%run_scoped3A_207 : memref<!tpu.dma_semaphore, #tpu.memory_space<semaphore_mem>>) {add = true}
        %dma_wait3A_218 = arith.constant 0 : i32
        %dma_wait3A_219 = arith.constant 0 : i32
        %dma_wait3A_220 = tpu.memref_slice %arg10[%run_scoped3A_206, %dma_wait3A_218, %dma_wait3A_219] : memref<4x128x128xf32, #tpu.memory_space<vmem>> -> memref<1x128x128xf32, #tpu.memory_space<vmem>>
        %dma_wait3A_221 = tpu.memref_squeeze %dma_wait3A_220 : memref<1x128x128xf32, #tpu.memory_space<vmem>> -> memref<128x128xf32, #tpu.memory_space<vmem>>
        %dma_wait3A_222 = arith.constant 0 : i32
        %dma_wait3A_223 = tpu.memref_slice %arg9[%add3A_186, %dma_wait3A_222] : memref<80x128xi32, #tpu.memory_space<vmem>> -> memref<1x128xi32, #tpu.memory_space<vmem>>
        %dma_wait3A_224 = tpu.memref_squeeze %dma_wait3A_223 : memref<1x128xi32, #tpu.memory_space<vmem>> -> memref<128xi32, #tpu.memory_space<vmem>>
        %dma_wait3A_225 = arith.constant 0 : i32
        %dma_wait3A_226 = arith.constant 0 : i32
        %dma_wait3A_227 = tpu.memref_slice %arg12[%dma_wait3A_225, %dma_wait3A_226] : memref<5248x128xf32, #tpu.memory_space<vmem_shared>> -> memref<5248x128xf32, #tpu.memory_space<vmem_shared>>
        tpu.wait_indirect_dma semaphore(%run_scoped3A_207 : memref<!tpu.dma_semaphore, #tpu.memory_space<semaphore_mem>>) src(%dma_wait3A_221 : memref<128x128xf32, #tpu.memory_space<vmem>>) dst(%dma_wait3A_227 : memref<5248x128xf32, #tpu.memory_space<vmem_shared>>)
        tpu.yield
      }) : () -> ()
    }
    %barrier3A_109 = arith.constant 0 : index
    tpu.barrier barrier_id(%barrier3A_109)
    %mul3A_110 = arith.constant 320 : i32
    %mul3A_111 = arith.muli %arg1, %mul3A_110 : i32
    %mul3A_112 = arith.constant 320 : i32
    %mul3A_113 = arith.muli %arg1, %mul3A_112 : i32
    %add3A_114 = arith.addi %mul3A_0, %mul3A_113 : i32
    "tpu.region"() ({
      %run_scoped3A = tpu.sem_alloc : memref<!tpu.dma_semaphore, #tpu.memory_space<semaphore_mem>>
      %dma_start3A_115 = arith.constant 0 : i32
      %dma_start3A_116 = tpu.memref_slice %arg7[%add3A_114, %dma_start3A_115] : memref<10240x128xf32, #tpu.memory_space<hbm>> -> memref<320x128xf32, #tpu.memory_space<hbm>>
      %dma_start3A_117 = arith.constant 0 : i32
      %dma_start3A_118 = tpu.memref_slice %arg12[%mul3A_111, %dma_start3A_117] : memref<5248x128xf32, #tpu.memory_space<vmem_shared>> -> memref<320x128xf32, #tpu.memory_space<vmem_shared>>
      tpu.enqueue_dma source(%dma_start3A_118 : memref<320x128xf32, #tpu.memory_space<vmem_shared>>) target(%dma_start3A_116 : memref<320x128xf32, #tpu.memory_space<hbm>>) target_semaphore(%run_scoped3A : memref<!tpu.dma_semaphore, #tpu.memory_space<semaphore_mem>>)
      %dma_wait3A = arith.constant 0 : i32
      %dma_wait3A_119 = tpu.memref_slice %arg7[%add3A_114, %dma_wait3A] : memref<10240x128xf32, #tpu.memory_space<hbm>> -> memref<320x128xf32, #tpu.memory_space<hbm>>
      %dma_wait3A_120 = arith.constant 0 : i32
      %dma_wait3A_121 = tpu.memref_slice %arg12[%mul3A_111, %dma_wait3A_120] : memref<5248x128xf32, #tpu.memory_space<vmem_shared>> -> memref<320x128xf32, #tpu.memory_space<vmem_shared>>
      tpu.wait_dma2 semaphore(%run_scoped3A : memref<!tpu.dma_semaphore, #tpu.memory_space<semaphore_mem>>) src(%dma_wait3A_121 : memref<320x128xf32, #tpu.memory_space<vmem_shared>>) dst(%dma_wait3A_119 : memref<320x128xf32, #tpu.memory_space<hbm>>)
      tpu.yield
    }) : () -> ()
    return
  }
}

module attributes {stable_mosaic.version = 14 : i64} {
  func.func @_tc1_body(%arg0: memref<10240x128xf32, #tpu.memory_space<vmem>>, %arg1: memref<32x10240xi32, #tpu.memory_space<vmem>>, %arg2: memref<128x128xf32, #tpu.memory_space<vmem>>, %arg3: memref<10240x128xf32, #tpu.memory_space<vmem>>) attributes {dimension_semantics = [], scalar_prefetch = 0 : i64, scratch_operands = 0 : i64, tpu.core_type = #tpu.core_type<tc>} {
    %get3A = arith.constant 0 : index
    %get3A_0 = arith.constant 0 : index
    %get3A_1 = vector.load %arg1[%get3A, %get3A_0] : memref<32x10240xi32, #tpu.memory_space<vmem>>, vector<32x10240xi32>
    %reduce_sum3A = arith.constant dense<0> : vector<10240xi32>
    %reduce_sum3A_2 = vector.multi_reduction <add>, %get3A_1, %reduce_sum3A [0] : vector<32x10240xi32> to vector<10240xi32>
    %convert_element_type3A = arith.sitofp %reduce_sum3A_2 : vector<10240xi32> to vector<10240xf32>
    %gt3A = arith.constant 0.000000e+00 : f32
    %gt3A_3 = vector.broadcast %gt3A : f32 to vector<10240xf32>
    %gt3A_4 = arith.cmpf ogt, %convert_element_type3A, %gt3A_3 : vector<10240xf32>
    %max3A = arith.constant 1.000000e+00 : f32
    %max3A_5 = vector.broadcast %max3A : f32 to vector<10240xf32>
    %max3A_6 = arith.maximumf %convert_element_type3A, %max3A_5 : vector<10240xf32>
    %rsqrt3A = math.rsqrt %max3A_6 : vector<10240xf32>
    %jit3A = arith.constant 0.000000e+00 : f32
    %broadcast_in_dim3A = vector.broadcast %jit3A : f32 to vector<10240xf32>
    %select_n3A = arith.select %gt3A_4, %rsqrt3A, %broadcast_in_dim3A : vector<10240xi1>, vector<10240xf32>
    %get3A_7 = arith.constant 0 : index
    %get3A_8 = arith.constant 0 : index
    %get3A_9 = vector.load %arg0[%get3A_7, %get3A_8] : memref<10240x128xf32, #tpu.memory_space<vmem>>, vector<10240x128xf32>
    %broadcast_in_dim3A_10 = vector.shape_cast %select_n3A : vector<10240xf32> to vector<10240x1xf32>
    %mul3A = vector.broadcast %broadcast_in_dim3A_10 : vector<10240x1xf32> to vector<10240x128xf32>
    %mul3A_11 = arith.mulf %get3A_9, %mul3A : vector<10240x128xf32>
    %get3A_12 = arith.constant 0 : index
    %get3A_13 = arith.constant 0 : index
    %get3A_14 = vector.load %arg2[%get3A_12, %get3A_13] : memref<128x128xf32, #tpu.memory_space<vmem>>, vector<128x128xf32>
    %dot_general3A = arith.constant dense<0.000000e+00> : vector<10240x128xf32>
    %dot_general3A_15 = tpu.matmul %mul3A_11, %get3A_14, %dot_general3A {dimension_numbers = #tpu.dot_dimension_numbers<[1], [0], [0], [1], [0, 0, 1, 1], [], []>, transpose_lhs_hint = false} : vector<10240x128xf32>, vector<128x128xf32>, vector<10240x128xf32> -> vector<10240x128xf32>
    %swap3A = arith.constant 0 : index
    %swap3A_16 = arith.constant 0 : index
    %swap3A_17 = vector.load %arg3[%swap3A, %swap3A_16] : memref<10240x128xf32, #tpu.memory_space<vmem>>, vector<10240x128xf32>
    tpu.vector_store %arg3[%swap3A, %swap3A_16], %dot_general3A_15 {strides = array<i32>} : memref<10240x128xf32, #tpu.memory_space<vmem>>, vector<10240x128xf32>,
    return
  }
}

module attributes {stable_mosaic.version = 14 : i64} {
  func.func @_tc2_body(%arg0: memref<10240x128xf32, #tpu.memory_space<vmem>>, %arg1: memref<32x10240xi32, #tpu.memory_space<vmem>>, %arg2: memref<32x10240xi32, #tpu.memory_space<vmem>>, %arg3: memref<1x128xf32, #tpu.memory_space<vmem>>, %arg4: memref<128x128xf32, #tpu.memory_space<vmem>>, %arg5: memref<10240x128xf32, #tpu.memory_space<vmem>>) attributes {dimension_semantics = [], scalar_prefetch = 0 : i64, scratch_operands = 0 : i64, tpu.core_type = #tpu.core_type<tc>} {
    %get3A = arith.constant 0 : index
    %get3A_0 = arith.constant 0 : index
    %get3A_1 = vector.load %arg2[%get3A, %get3A_0] : memref<32x10240xi32, #tpu.memory_space<vmem>>, vector<32x10240xi32>
    %reduce_sum3A = arith.constant dense<0> : vector<10240xi32>
    %reduce_sum3A_2 = vector.multi_reduction <add>, %get3A_1, %reduce_sum3A [0] : vector<32x10240xi32> to vector<10240xi32>
    %convert_element_type3A = arith.sitofp %reduce_sum3A_2 : vector<10240xi32> to vector<10240xf32>
    %gt3A = arith.constant 0.000000e+00 : f32
    %gt3A_3 = vector.broadcast %gt3A : f32 to vector<10240xf32>
    %gt3A_4 = arith.cmpf ogt, %convert_element_type3A, %gt3A_3 : vector<10240xf32>
    %max3A = arith.constant 1.000000e+00 : f32
    %max3A_5 = vector.broadcast %max3A : f32 to vector<10240xf32>
    %max3A_6 = arith.maximumf %convert_element_type3A, %max3A_5 : vector<10240xf32>
    %rsqrt3A = math.rsqrt %max3A_6 : vector<10240xf32>
    %jit3A = arith.constant 0.000000e+00 : f32
    %broadcast_in_dim3A = vector.broadcast %jit3A : f32 to vector<10240xf32>
    %select_n3A = arith.select %gt3A_4, %rsqrt3A, %broadcast_in_dim3A : vector<10240xi1>, vector<10240xf32>
    %get3A_7 = arith.constant 0 : index
    %get3A_8 = arith.constant 0 : index
    %get3A_9 = vector.load %arg0[%get3A_7, %get3A_8] : memref<10240x128xf32, #tpu.memory_space<vmem>>, vector<10240x128xf32>
    %broadcast_in_dim3A_10 = vector.shape_cast %select_n3A : vector<10240xf32> to vector<10240x1xf32>
    %mul3A = vector.broadcast %broadcast_in_dim3A_10 : vector<10240x1xf32> to vector<10240x128xf32>
    %mul3A_11 = arith.mulf %get3A_9, %mul3A : vector<10240x128xf32>
    %get3A_12 = arith.constant 0 : index
    %get3A_13 = arith.constant 0 : index
    %get3A_14 = vector.load %arg3[%get3A_12, %get3A_13] : memref<1x128xf32, #tpu.memory_space<vmem>>, vector<1x128xf32>
    %add3A = vector.broadcast %get3A_14 : vector<1x128xf32> to vector<10240x128xf32>
    %add3A_15 = arith.addf %mul3A_11, %add3A : vector<10240x128xf32>
    %max3A_16 = arith.constant 0.000000e+00 : f32
    %max3A_17 = vector.broadcast %max3A_16 : f32 to vector<10240x128xf32>
    %max3A_18 = arith.maximumf %add3A_15, %max3A_17 : vector<10240x128xf32>
    %get3A_19 = arith.constant 0 : index
    %get3A_20 = arith.constant 0 : index
    %get3A_21 = vector.load %arg1[%get3A_19, %get3A_20] : memref<32x10240xi32, #tpu.memory_space<vmem>>, vector<32x10240xi32>
    %reduce_sum3A_22 = arith.constant dense<0> : vector<10240xi32>
    %reduce_sum3A_23 = vector.multi_reduction <add>, %get3A_21, %reduce_sum3A_22 [0] : vector<32x10240xi32> to vector<10240xi32>
    %convert_element_type3A_24 = arith.sitofp %reduce_sum3A_23 : vector<10240xi32> to vector<10240xf32>
    %gt3A_25 = arith.constant 0.000000e+00 : f32
    %gt3A_26 = vector.broadcast %gt3A_25 : f32 to vector<10240xf32>
    %gt3A_27 = arith.cmpf ogt, %convert_element_type3A_24, %gt3A_26 : vector<10240xf32>
    %max3A_28 = arith.constant 1.000000e+00 : f32
    %max3A_29 = vector.broadcast %max3A_28 : f32 to vector<10240xf32>
    %max3A_30 = arith.maximumf %convert_element_type3A_24, %max3A_29 : vector<10240xf32>
    %rsqrt3A_31 = math.rsqrt %max3A_30 : vector<10240xf32>
    %jit3A_32 = arith.constant 0.000000e+00 : f32
    %broadcast_in_dim3A_33 = vector.broadcast %jit3A_32 : f32 to vector<10240xf32>
    %select_n3A_34 = arith.select %gt3A_27, %rsqrt3A_31, %broadcast_in_dim3A_33 : vector<10240xi1>, vector<10240xf32>
    %broadcast_in_dim3A_35 = vector.shape_cast %select_n3A_34 : vector<10240xf32> to vector<10240x1xf32>
    %mul3A_36 = vector.broadcast %broadcast_in_dim3A_35 : vector<10240x1xf32> to vector<10240x128xf32>
    %mul3A_37 = arith.mulf %max3A_18, %mul3A_36 : vector<10240x128xf32>
    %get3A_38 = arith.constant 0 : index
    %get3A_39 = arith.constant 0 : index
    %get3A_40 = vector.load %arg4[%get3A_38, %get3A_39] : memref<128x128xf32, #tpu.memory_space<vmem>>, vector<128x128xf32>
    %dot_general3A = arith.constant dense<0.000000e+00> : vector<10240x128xf32>
    %dot_general3A_41 = tpu.matmul %mul3A_37, %get3A_40, %dot_general3A {dimension_numbers = #tpu.dot_dimension_numbers<[1], [0], [0], [1], [0, 0, 1, 1], [], []>, transpose_lhs_hint = false} : vector<10240x128xf32>, vector<128x128xf32>, vector<10240x128xf32> -> vector<10240x128xf32>
    %swap3A = arith.constant 0 : index
    %swap3A_42 = arith.constant 0 : index
    %swap3A_43 = vector.load %arg5[%swap3A, %swap3A_42] : memref<10240x128xf32, #tpu.memory_space<vmem>>, vector<10240x128xf32>
    tpu.vector_store %arg5[%swap3A, %swap3A_42], %dot_general3A_41 {strides = array<i32>} : memref<10240x128xf32, #tpu.memory_space<vmem>>, vector<10240x128xf32>,
    return
  }
}

module attributes {stable_mosaic.version = 14 : i64} {
  func.func @_tc3_body(%arg0: memref<10240x128xf32, #tpu.memory_space<vmem>>, %arg1: memref<32x10240xi32, #tpu.memory_space<vmem>>, %arg2: memref<1x128xf32, #tpu.memory_space<vmem>>, %arg3: memref<128x128xf32, #tpu.memory_space<vmem>>, %arg4: memref<1x128xf32, #tpu.memory_space<vmem>>, %arg5: memref<1x128xf32, #tpu.memory_space<vmem>>) attributes {dimension_semantics = [], scalar_prefetch = 0 : i64, scratch_operands = 0 : i64, tpu.core_type = #tpu.core_type<tc>} {
    %get3A = arith.constant 0 : index
    %get3A_0 = arith.constant 0 : index
    %get3A_1 = vector.load %arg1[%get3A, %get3A_0] : memref<32x10240xi32, #tpu.memory_space<vmem>>, vector<32x10240xi32>
    %reduce_sum3A = arith.constant dense<0> : vector<10240xi32>
    %reduce_sum3A_2 = vector.multi_reduction <add>, %get3A_1, %reduce_sum3A [0] : vector<32x10240xi32> to vector<10240xi32>
    %convert_element_type3A = arith.sitofp %reduce_sum3A_2 : vector<10240xi32> to vector<10240xf32>
    %gt3A = arith.constant 0.000000e+00 : f32
    %gt3A_3 = vector.broadcast %gt3A : f32 to vector<10240xf32>
    %gt3A_4 = arith.cmpf ogt, %convert_element_type3A, %gt3A_3 : vector<10240xf32>
    %max3A = arith.constant 1.000000e+00 : f32
    %max3A_5 = vector.broadcast %max3A : f32 to vector<10240xf32>
    %max3A_6 = arith.maximumf %convert_element_type3A, %max3A_5 : vector<10240xf32>
    %rsqrt3A = math.rsqrt %max3A_6 : vector<10240xf32>
    %jit3A = arith.constant 0.000000e+00 : f32
    %broadcast_in_dim3A = vector.broadcast %jit3A : f32 to vector<10240xf32>
    %select_n3A = arith.select %gt3A_4, %rsqrt3A, %broadcast_in_dim3A : vector<10240xi1>, vector<10240xf32>
    %get3A_7 = arith.constant 0 : index
    %get3A_8 = arith.constant 0 : index
    %get3A_9 = vector.load %arg0[%get3A_7, %get3A_8] : memref<10240x128xf32, #tpu.memory_space<vmem>>, vector<10240x128xf32>
    %broadcast_in_dim3A_10 = vector.shape_cast %select_n3A : vector<10240xf32> to vector<10240x1xf32>
    %mul3A = vector.broadcast %broadcast_in_dim3A_10 : vector<10240x1xf32> to vector<10240x128xf32>
    %mul3A_11 = arith.mulf %get3A_9, %mul3A : vector<10240x128xf32>
    %get3A_12 = arith.constant 0 : index
    %get3A_13 = arith.constant 0 : index
    %get3A_14 = vector.load %arg2[%get3A_12, %get3A_13] : memref<1x128xf32, #tpu.memory_space<vmem>>, vector<1x128xf32>
    %add3A = vector.broadcast %get3A_14 : vector<1x128xf32> to vector<10240x128xf32>
    %add3A_15 = arith.addf %mul3A_11, %add3A : vector<10240x128xf32>
    %max3A_16 = arith.constant 0.000000e+00 : f32
    %max3A_17 = vector.broadcast %max3A_16 : f32 to vector<10240x128xf32>
    %max3A_18 = arith.maximumf %add3A_15, %max3A_17 : vector<10240x128xf32>
    %slice3A = vector.extract_strided_slice %max3A_18 {offsets = [0, 0], sizes = [10000, 128], strides = [1, 1]} : vector<10240x128xf32> to vector<10000x128xf32>
    %reduce_sum3A_19 = arith.constant dense<0.000000e+00> : vector<128xf32>
    %reduce_sum3A_20 = vector.multi_reduction <add>, %slice3A, %reduce_sum3A_19 [0] : vector<10000x128xf32> to vector<128xf32>
    %broadcast_in_dim3A_21 = vector.shape_cast %reduce_sum3A_20 : vector<128xf32> to vector<1x128xf32>
    %mul3A_22 = arith.constant 9.99999974E-5 : f32
    %mul3A_23 = vector.broadcast %mul3A_22 : f32 to vector<1x128xf32>
    %mul3A_24 = arith.mulf %broadcast_in_dim3A_21, %mul3A_23 : vector<1x128xf32>
    %get3A_25 = arith.constant 0 : index
    %get3A_26 = arith.constant 0 : index
    %get3A_27 = vector.load %arg3[%get3A_25, %get3A_26] : memref<128x128xf32, #tpu.memory_space<vmem>>, vector<128x128xf32>
    %dot_general3A = arith.constant dense<0.000000e+00> : vector<1x128xf32>
    %dot_general3A_28 = tpu.matmul %mul3A_24, %get3A_27, %dot_general3A {dimension_numbers = #tpu.dot_dimension_numbers<[1], [0], [0], [1], [0, 0, 1, 1], [], []>, transpose_lhs_hint = false} : vector<1x128xf32>, vector<128x128xf32>, vector<1x128xf32> -> vector<1x128xf32>
    %get3A_29 = arith.constant 0 : index
    %get3A_30 = arith.constant 0 : index
    %get3A_31 = vector.load %arg4[%get3A_29, %get3A_30] : memref<1x128xf32, #tpu.memory_space<vmem>>, vector<1x128xf32>
    %add3A_32 = arith.addf %dot_general3A_28, %get3A_31 : vector<1x128xf32>
    %swap3A = arith.constant 0 : index
    %swap3A_33 = arith.constant 0 : index
    %swap3A_34 = vector.load %arg5[%swap3A, %swap3A_33] : memref<1x128xf32, #tpu.memory_space<vmem>>, vector<1x128xf32>
    tpu.vector_store %arg5[%swap3A, %swap3A_33], %add3A_32 {strides = array<i32>} : memref<1x128xf32, #tpu.memory_space<vmem>>, vector<1x128xf32>,
    return
  }
}

</mosaic_0001>

<sc_bundles>
// kernel: kernel.11.cloned.1.call-start
scs
__scs_entry_jumppad:
0x0: {  	(pc) =	sbr.rel $0x88, $3  }
0x1: {  	(tag) =	ssettag $0x0;
	lr =	simm.s32 $0x1  }
0x2: {  	[smem:$0x3F99] =	sst lr;
	_ =	strace $0xD0000000  }
0x3: {  	_ = 	snop  }
0x4: {  	_ = 	snop  }
0x5: {  	_ = 	snop  }
0x6: {  	_ = 	snop  }
0x7: {  	_ = 	snop  }
__scs_overlays_trampoline_lowered:
0x8: {  	[smem:$0x3FA8] =	sst s0  }
0x9: {  	[smem:$0x3FA9] =	sst s1  }
0xa: {  	[smem:$0x3FAA] =	sst s2  }
0xb: {  	[smem:$0x3FAB] =	sst s3  }
0xc: {  	[smem:$0x3FAC] =	sst s4  }
0xd: {  	[smem:$0x3FAD] =	sst s5  }
0xe: {  	[smem:$0x3FAE] =	sst s6  }
0xf: {  	[smem:$0x3FAF] =	sst s7  }
0x10: {  	[smem:$0x3FB0] =	sst s8  }
0x11: {  	[smem:$0x3FB1] =	sst s9;
	s0 =	simm.s32 @!p0 $0x0  }
0x12: {  	s1 =	sld [smem:$0x3F97];
	s0 =	simm.s32 @p0 $0x1  }
0x13: {  	[smem:$0x3FB2] =	sst s0;
	s0 =	simm.s32 @!p1 $0x0  }
0x14: {  	s2 =	sld [smem:$0x3F96];
	s0 =	simm.s32 @p1 $0x1  }
0x15: {  	[smem:$0x3FB3] =	sst s0;
	s0 =	simm.s32 @!p2 $0x0  }
0x16: {  	s3 =	sld [smem:$0x3FDB];
	s0 =	simm.s32 @p2 $0x1  }
0x17: {  	s4 =	simm.s32 $0x1BF5;
	[smem:$0x3FB5] =	sst s0  }
0x18: {  	s0 =	sld [smem:$0x3F98];
	_ =	swait.ge [sflag:s4], $0x0  }
0x19: {  	s7 =	sld [smem:$0x3F99]  }
0x1a: {  	s8 =	sadd.s32 $0xFFFFE003, lr  }
0x1b: {  	s9 =	sadd.s32 $0xFFFFFEF7, lr;
	s5 =	simm.s32 $0xFFFFFFFF;
	p2 =	slt.u32 s8, $0xFFFFF086  }
0x1c: {  	p1 =	slt.u32 s9, $0xF7A;
	s5 =	simm.s32 @!p2 $0x0  }
0x1d: {  	s5 =	simm.s32 @p1 $0x1;
	p0 =	seq.s32 s7, s2  }
0x1e: {  	s7 =	smul.u32 @!p0 $0xF7A, s2;
	p2 =	seq.s32 @!p0 s5, $0x0  }
0x1f: {  	s9 =	smul.u32 $0xF7A, s1;
	s8 =	simm.s32 @!p0 $0x1BF5;
	p2 =	por !p2, p0  }
0x20: {  	[sflag:s8] =	ssyncset.s32 @!p0 $0xFFFFF086;
	s6 =	sadd.s32 @!p0 s3, s7;
	s7 =	simm.s32 @!p0 $0x108  }
0x21: {  	s3 =	sadd.s32 s3, s9;
	s6 =	sadd.s32 @!p0 $0x88, s6;
	s7 =	simm.s32 @p2 $0x1082  }
0x22: {  	[simem:s7], [sflag:s8] =	dma.local @!p0 [hbm:s6], $0xF7A  }
0x23: {  	s9 =	sor.u32 $0xD0000000, s2;
	s6 =	simm.s32 $0x108;
	_ =	swait.ge @!p0 [sflag:s8], $0x0  }
0x24: {  	s3 =	sadd.s32 $0x88, s3;
	s6 =	simm.s32 @!p1 $0x1082;
	[sflag:s4] =	ssyncset.s32 $0xFFFFF086  }
0x25: {  	[simem:s6], [sflag:s4] =	dma.local [hbm:s3], $0xF7A  }
0x26: {  	[smem:$0x3F99] =	sst s1;
	(tag) =	ssettag s2;
	_ =	strace s9  }
0x27: {  	s1 =	sld [smem:$0x3FA9]  }
0x28: {  	s2 =	sld [smem:$0x3FAA]  }
0x29: {  	s4 =	sld [smem:$0x3FAC]  }
0x2a: {  	p0 =	seq.s32 s5, $0x0;
	s5 =	sld [smem:$0x3FAD]  }
0x2b: {  	s6 =	sld [smem:$0x3FAE]  }
0x2c: {  	s7 =	sld [smem:$0x3FAF]  }
0x2d: {  	s3 =	simm.s32 $0x108;
	s8 =	sld [smem:$0x3FB0]  }
0x2e: {  	s3 =	simm.s32 @!p0 $0x1082;
	s9 =	sld [smem:$0x3FB1]  }
0x2f: {  	lr =	sadd.s32 s0, s3;
	s0 =	sld [smem:$0x3FA8]  }
0x30: {  	s3 =	sld [smem:$0x3FAB]  }
0x31: {  	[smem:$0x3FB4] =	sst s10  }
0x32: {  	s10 =	sld [smem:$0x3FB2];
	_ =	sdelay $0x3  }
0x33: {  	p0 =	seq.s32 s10, $0x1;
	s10 =	sld [smem:$0x3FB4];
	_ =	sdelay $0x3  }
0x34: {  	[smem:$0x3FB4] =	sst s10  }
0x35: {  	s10 =	sld [smem:$0x3FB3];
	_ =	sdelay $0x3  }
0x36: {  	p1 =	seq.s32 s10, $0x1;
	s10 =	sld [smem:$0x3FB4];
	_ =	sdelay $0x3  }
0x37: {  	[smem:$0x3FB4] =	sst s10  }
0x38: {  	s10 =	sld [smem:$0x3FB5]  }
0x39: {  	_ = 	snop;
	(pc) =	sbr.ind lr, $3  }
0x3a: {  	_ = 	snop  }
0x3b: {  	_ = 	snop  }
0x3c: {  	p2 =	seq.s32 s10, $0x1;
	s10 =	sld [smem:$0x3FB4]  }
0x3d: {  	_ =	shalt  }
0x3e: {  	_ =	shalt  }
0x3f: {  	_ =	shalt  }
0x40: {  	_ =	shalt  }
0x41: {  	_ =	shalt  }
0x42: {  	_ =	shalt  }
0x43: {  	_ =	shalt  }
0x44: {  	_ =	shalt  }
0x45: {  	_ =	shalt  }
0x46: {  	_ =	shalt  }
0x47: {  	_ =	shalt  }
0x48: {  	_ =	shalt  }
0x49: {  	_ =	shalt  }
0x4a: {  	_ =	shalt  }
0x4b: {  	_ =	shalt  }
0x4c: {  	_ =	shalt  }
0x4d: {  	_ =	shalt  }
0x4e: {  	_ =	shalt  }
0x4f: {  	_ =	shalt  }
0x50: {  	_ =	shalt  }
0x51: {  	_ =	shalt  }
0x52: {  	_ =	shalt  }
0x53: {  	_ =	shalt  }
0x54: {  	_ =	shalt  }
0x55: {  	_ =	shalt  }
0x56: {  	_ =	shalt  }
0x57: {  	_ =	shalt  }
0x58: {  	_ =	shalt  }
0x59: {  	_ =	shalt  }
0x5a: {  	_ =	shalt  }
0x5b: {  	_ =	shalt  }
0x5c: {  	_ =	shalt  }
0x5d: {  	_ =	shalt  }
0x5e: {  	_ =	shalt  }
0x5f: {  	_ =	shalt  }
0x60: {  	_ =	shalt  }
0x61: {  	_ =	shalt  }
0x62: {  	_ =	shalt  }
0x63: {  	_ =	shalt  }
0x64: {  	_ =	shalt  }
0x65: {  	_ =	shalt  }
0x66: {  	_ =	shalt  }
0x67: {  	_ =	shalt  }
0x68: {  	_ =	shalt  }
0x69: {  	_ =	shalt  }
0x6a: {  	_ =	shalt  }
0x6b: {  	_ =	shalt  }
0x6c: {  	_ =	shalt  }
0x6d: {  	_ =	shalt  }
0x6e: {  	_ =	shalt  }
0x6f: {  	_ =	shalt  }
0x70: {  	_ =	shalt  }
0x71: {  	_ =	shalt  }
0x72: {  	_ =	shalt  }
0x73: {  	_ =	shalt  }
0x74: {  	_ =	shalt  }
0x75: {  	_ =	shalt  }
0x76: {  	_ =	shalt  }
0x77: {  	_ =	shalt  }
0x78: {  	_ =	shalt  }
0x79: {  	_ =	shalt  }
0x7a: {  	_ =	shalt  }
0x7b: {  	_ =	shalt  }
0x7c: {  	_ =	shalt  }
0x7d: {  	_ =	shalt  }
0x7e: {  	_ =	shalt  }
0x7f: {  	_ =	shalt  }
0x80: {  	_ =	shalt  }
0x81: {  	_ =	shalt  }
0x82: {  	_ =	shalt  }
0x83: {  	_ =	shalt  }
0x84: {  	_ =	shalt  }
0x85: {  	_ =	shalt  }
0x86: {  	_ =	shalt  }
0x87: {  	_ =	shalt  }
.Lfunc_end0:
.L_simem_size_0:
called_computation.1_lowered:
.L_overlay_start_0:
0x88: {  	s2 =	sld [smem:$0x3FD9]  }
0x89: {  	s3 =	sld [smem:$0x3FFE];
	_ =	sdelay $0x1  }
0x8a: {  	s1 =	srdreg.scid  }
0x8b: {  	s0 =	sand.u32 $0x1, s1  }
0x8c: {  	s16 =	sshll.u32 s0, $0xA;
	s2 =	sadd.s32 s3, s2  }
0x8d: {  	s2 =	sadd.s32 s2, s16  }
0x8e: {  	[smem:$0x3FC0] =	sst s2  }
0x8f: {  	_ = 	snop  }
0x90: {  	(tm) =	ssettm $0x1  }
0x91: {  	s17 =	sld [smem:$0x3FFB];
	_ =	sdelay $0x3  }
0x92: {  	_ =	strace s17  }
0x93: {  	s2 =	sld [smem:$0x3FFC];
	_ =	sdelay $0x3  }
0x94: {  	_ =	strace s2  }
0x95: {  	s2 =	sld [smem:$0x3FFD];
	_ =	sdelay $0x3  }
0x96: {  	_ =	strace s2  }
0x97: {  	_ =	strace $0x8FFFFFFF  }
0x98: {  	s18 =	sld [smem:$0x3FDB];
	_ =	sdelay $0x1  }
0x99: {  	s19 =	simm.s32 $_scs_section_size  }
0x9a: {  	s4 =	simm.s32 $_size__tile_overlayer_lowered;
	s5 =	simm.s32 $_tile_overlayer_lowered  }
0x9b: {  	s22 =	simm.s32 $0x1BFF;
	s21 =	sshll.u32 s5, $0x1;
	s2 =	sadd.s32 s19, s18  }
0x9c: {  	s6 =	simm.s32 $0x0;
	s20 =	sshll.u32 s4, $0x1;
	s4 =	sadd.s32 s21, s2  }
0x9d: {  	[timem:s6], [sflag:s22] =	dma.local [hbm:s4], s20  }
0x9e: {  	_ =	swait.ge [sflag:s22], s20  }
0x9f: {  	s3 =	ssub.s32 $0x0, s20;
	[sflag:s22] =	ssyncset.done $0x0  }
0xa0: {  	[sflag:s22] =	ssyncadd.s32 s3;
	_ =	sdelay $0x1  }
0xa1: {  	s23 =	simm.s32 $0x1B8B  }
0xa2: {  	_ =	swait.ge [sflag:s23], $0x1  }
0xa3: {  	[sflag:s23] =	ssyncset.done $0x0  }
0xa4: {  	s25 =	simm.s32 $0x1B8E;
	s24 =	sld [smem:$0x3FFE];
	[sflag:s23] =	ssyncadd.s32 $0xFFFFFFFF  }
0xa5: {  	s26 =	simm.s32 $execute0_lowered;
	[smem:$0x3FD2] =	sst s25  }
0xa6: {  	s4 =	sshll.u32 s26, $0x1;
	_ =	strace $0x80000049;
	[dreg:$0x1] =	wrdreg $0xFFFFFFFF  }
0xa7: {  	s28 =	simm.s32 $_size_execute0_lowered;
	s2 =	sadd.s32 s2, s4;
	[dreg:$0x0] =	wrdreg $0x0  }
0xa8: {  	s4 =	sshll.u32 s28, $0x1;
	[dreg:$0x2] =	wrdreg s2  }
0xa9: {  	[dreg:$0x3] =	wrdreg s4  }
0xaa: {  	[dreg:$0x4] =	wrdreg $0xC0  }
0xab: {  	_ =	task [dreg:s6], $0x5FFFF  }
0xac: {  	[dreg:$0x1] =	wrdreg $0xFFFFFFFF  }
0xad: {  	[dreg:$0x0] =	wrdreg $0x60  }
0xae: {  	[dreg:$0x2] =	wrdreg s24  }
0xaf: {  	[dreg:$0x3] =	wrdreg $0x150800  }
0xb0: {  	[dreg:$0x4] =	wrdreg $0x9  }
0xb1: {  	_ =	task.clear_ibuf [dreg:s6], $0x5FFFF;
	_ =	strace $0x90000049  }
0xb2: {  	s29 =	simm.s32 $0x9;
	_ =	strace $0x8000004B  }
0xb3: {  	_ =	swait.ge [sflag:s29], $0x1  }
0xb4: {  	[sflag:s29] =	ssyncadd.s32 $0xFFFFFFFF  }
0xb5: {  	_ =	strace $0x9000004B  }
0xb6: {  	_ =	sfence  }
0xb7: {  	s30 =	sld [smem:$0x0];
	_ =	sdelay $0x2  }
0xb8: {  	s31 =	sshll.u32 s1, $0xD;
	s1 =	sshrl.u32 s1, $0x2  }
0xb9: {  	s3 =	sand.u32 $0x4000, s31;
	s1 =	sadd.s32 s1, s30  }
0xba: {  	s0 =	sor.u32 s3, s0;
	s1 =	sshll.u32 s1, $0x11  }
0xbb: {  	s0 =	sor.u32 s1, s0  }
0xbc: {  	s0 =	sadd.s32 $0x8F2B, s0  }
0xbd: {  	[sflag:s0] =	ssyncadd.remote.s32 $0x1  }
0xbe: {  	_ =	sfence.sel $0xFFFF  }
0xbf: {  	[dreg:$0x0] =	wrdreg $0xFFFFFFFF;
	(pc) =	sbr.abs _section_cstart, $3  }
0xc0: {  	[dreg:$0x1] =	wrdreg $0xFFFFFFFF  }
0xc1: {  	_ =	task.clear_ibuf [dreg:s6], $0x2FFFF;
	_ =	strace $0x9FFFFFFF  }
0xc2: {  	(tm) =	ssettm $0x7FFFFFFF  }
0xc3: {  	_ =	shalt  }
tec
execute0_lowered:
.L_overlay_start_1:
0x0: {  	(tag) =	ssettag $0x1  }
0x1: {  	s0 =	rddreg [dreg:$0x0]  }
0x2: {  	s1 =	rddreg [dreg:$0x1];
	s2 =	simm.s32 $0x0  }
0x3: {  	s3 =	srdreg.scid;
	s5 =	stileid.u32;
	s28 =	simm.s32 $0x0  }
0x4: {  	[smem:$0x7FF] =	sst s2;
	s3 =	sand.u32 $0x1, s3;
	s7 =	smul.u32 $0x1400, s5  }
0x5: {  	s4 =	sadd.s32 $0x53C00, s0;
	s10 =	sadd.s32 $0x2800, s0;
	s8 =	smul.u32 $0x29000, s5  }
0x6: {  	s11 =	sadd.s32 $0x16800, s0;
	s12 =	sadd.s32 $0x53A00, s0;
	s14 =	smul.u32 $0xA000, s5  }
0x7: {  	s9 =	sadd.s32 $0x2A800, s0;
	s21 =	sshllo.u32 s5, $0x1;
	s29 =	smul.u32 $0x28000, s5  }
0x8: {  	s22 =	sshll.u32 s5, $0x6;
	_ =	strace $0x8000004A;
	s6 =	smul.u32 $0x14000, s3  }
0x9: {  	[dreg:$0x3] =	wrdreg s9;
	s17 =	ssub.s32 $0x2, s3;
	s13 =	smul.u32 $0x2800, s3  }
0xa: {  	s24 =	smul.u32 $0x5000, s21;
	s30 =	sshll.u32 s21, $0x4;
	p0 =	seq.s32 s3, $0x0  }
0xb: {  	s21 =	simm.s32 $0x9000;
	s18 =	sshrl.u32 s17, $0x1;
	s19 =	sshrl.u32 s8, $0x2  }
0xc: {  	s31 =	sshrl.u32 s29, $0x2;
	s6 =	sadd.s32 s7, s6;
	s15 =	ssub.s32 s17, s18  }
0xd: {  	s16 =	sadd.s32 s19, s1;
	s20 =	sadd.s32 s13, s14;
	s17 =	sshll.u32 s5, $0x5  }
0xe: {  	s13 =	sadd.s32 s13, s24;
	s19 =	simm.s32 $0x80;
	s24 =	simm.s32 $0xD000  }
0xf: {  	s0 =	sadd.s32 s6, s0;
	s23 =	sshrl.u32 s20, $0x3;
	s6 =	sor.u32 $0x1C03, s22  }
0x10: {  	s18 =	sand.u32 $0x180, s17;
	s9 =	sadd.s32 s12, s17;
	s13 =	sshrl.u32 s13, $0x3  }
0x11: {  	s14 =	smax.u32 s15, $0x1;
	s15 =	sshrl.u32 s16, $0x3;
	s16 =	simm.s32 $0x3  }
0x12: {  	s17 =	simm.s32 $0x2800;
	s20 =	simm.s32 $0x5000;
	s22 =	simm.s32 $0x1  }
0x13: {  	s25 =	sadd.s32 s10, s23;
	s26 =	sadd.s32 s11, s23;
	s10 =	sadd.s32 s10, s13  }
0x14: {  	s11 =	sadd.s32 s11, s13;
	s13 =	sand.u32 $0x70, s30;
	s12 =	sadd.s32 s12, s18  }
0x15: {  	s18 =	simm.s32 $0x15000;
	s23 =	simm.s32 $0x2;
	[dreg:$0x4] =	wrdreg s25  }
0x16: {  	[dreg:$0x5] =	wrdreg s26;
	s12 =	sadd.s32 s13, s12;
	s25 =	sadd.s32 s31, s1  }
0x17: {  	s13 =	sadd.s32 $0x7BC00, s0;
	s26 =	simm.s32 $0x11000;
	s25 =	sshrl.u32 s25, $0x3  }
.LBB2_1:
0x18: {  	s0 =	rddreg [dreg:$0x3]  }
0x19: {  	[spmem:s15], [sflag:s6] =	dma.local [hbm:s0], $0x1480  }
0x1a: {  	_ =	swait.ge [sflag:s16], $0x1480  }
0x1b: {  	[sflag:s16] =	ssyncset.done $0x0  }
0x1c: {  	[sflag:s16] =	ssyncadd.s32 $0xFFFFEB80  }
0x1d: {  	[bflag:$0x0] =	sbarrier.arrive $0xFFFF  }
0x1e: {  	s5 =	rddreg [dreg:$0x4]  }
0x1f: {  	[tilespmem:s2], [sflag:$0x3] =	stream.linear.gather [hbm4b:s5+s2], $0x2800, $0x38;
	[tilespmem:$0x1F480] =	vst v63  }
0x20: {  	_ =	swait.ge [sflag:s16], $0x2800  }
0x21: {  	[sflag:s16] =	ssyncset.done $0x0  }
0x22: {  	s7 =	rddreg [dreg:$0x5];
	[sflag:s16] =	ssyncadd.s32 $0xFFFFD800  }
0x23: {  	[tilespmem:s17], [sflag:$0x3] =	stream.linear.gather [hbm4b:s7+s2], $0x2800, $0x38;
	[tilespmem:$0x1F480] =	vst v63  }
0x24: {  	_ =	swait.ge [sflag:s16], $0x2800  }
0x25: {  	[sflag:s16] =	ssyncset.done $0x0  }
0x26: {  	[sflag:s16] =	ssyncadd.s32 $0xFFFFD800  }
0x27: {  	[tilespmem:s18], [sflag:$0x3] =	stream.linear.gather [hbm4b:s9+s2], $0x80, $0x38;
	[tilespmem:$0x1F480] =	vst v63  }
0x28: {  	_ =	swait.ge [sflag:s16], $0x80  }
0x29: {  	[sflag:s16] =	ssyncset.done $0x0  }
0x2a: {  	[sflag:s16] =	ssyncadd.s32 $0xFFFFFF80  }
0x2b: {  	v0 =	vld [tilespmem:$0x15000];
	_ =	sdelay $0x4  }
0x2c: {  	(v2sf) =	vpush v0, $0x0  }
0x2d: {  	(v2sf) =	vpush v0, $0x1;
	_ =	sdelay $0xa  }
0x2e: {  	[tilespmem:s20], [sflag:$0x1] =	stream.indirect.gather [hbm4b:s4+s19], $0x80, s2, s19, $0xb8;
	[tilespmem:$0x1F480] =	vst v63  }
0x2f: {  	_ = 	snop  }
0x30: {  	[tilespmem:s21], [sflag:$0x2] =	stream.indirect.gather [hbm4b:s4+s19], $0x80, s19, s19, $0xb8;
	[tilespmem:$0x1F480] =	vst v63  }
0x31: {  	s0 =	spop (v2sf)  }
0x32: {  	s3 =	spop (v2sf)  }
0x33: {  	s3 =	smov.u32 @p0 s0  }
0x34: {  	s0 =	sadd.s32 $0x7F, s3  }
0x35: {  	s3 =	sshra.s32 s0, $0x1F  }
0x36: {  	s3 =	sshrl.u32 s3, $0x19  }
0x37: {  	s0 =	sadd.s32 s3, s0  }
0x38: {  	s0 =	sshra.s32 s0, $0x7  }
0x39: {  	s0 =	sadd.s32 $0x3, s0  }
0x3a: {  	s8 =	sshrl.u32 s0, $0x1E  }
0x3b: {  	s0 =	sadd.s32 s8, s0  }
0x3c: {  	s0 =	sshra.s32 s0, $0x2  }
0x3d: {  	p1 =	sgt.s32 s0, $0x1  }
0x3e: {  	_ =	swait.ge [sflag:s22], $0x4000;
	s0 =	simm.s32 @!p1 $0x1  }
0x3f: {  	[sflag:s22] =	ssyncset.done $0x0;
	s29 =	sshll.u32 s0, $0x2  }
0x40: {  	[sflag:s22] =	ssyncadd.s32 $0xFFFFC000;
	p1 =	sle.u32 s29, $0x2  }
0x41: {  	s0 =	simm.s32 @!p1 $0xD000;
	s3 =	simm.s32 @!p1 $0x100;
	s30 =	simm.s32 @!p1 $0x80  }
0x42: {  	[tilespmem:s0], [sflag:$0x1] =	stream.indirect.gather @!p1 [hbm4b:s4+s30], $0x80, s3, s30, $0xb8;
	[tilespmem:$0x1F480] =	vst v63  }
0x43: {  	s3 =	simm.s32 $0x2800  }
0x44: {  	[spmem:s1] =	stream.indirect.scatter.add.f32 [tilespmem:s20], [sflag:$0x3], $0x80, s3, s19, $0xb8;
	[tilespmem:$0x1F480] =	vst v63  }
0x45: {  	_ =	swait.ge [sflag:s16], $0x4000  }
0x46: {  	[sflag:s16] =	ssyncset.done $0x0  }
0x47: {  	[sflag:s16] =	ssyncadd.s32 $0xFFFFC000  }
0x48: {  	p1 =	sle.u32 s29, $0x3;
	_ =	swait.ge [sflag:s23], $0x4000  }
0x49: {  	s0 =	simm.s32 @!p1 $0x11000;
	[sflag:s23] =	ssyncset.done $0x0  }
0x4a: {  	s30 =	simm.s32 @!p1 $0x80;
	s3 =	simm.s32 @!p1 $0x180;
	[sflag:s23] =	ssyncadd.s32 $0xFFFFC000  }
0x4b: {  	[tilespmem:s0], [sflag:$0x2] =	stream.indirect.gather @!p1 [hbm4b:s4+s30], $0x80, s3, s30, $0xb8;
	[tilespmem:$0x1F480] =	vst v63  }
0x4c: {  	s5 =	simm.s32 $0x2880  }
0x4d: {  	[spmem:s1] =	stream.indirect.scatter.add.f32 [tilespmem:s21], [sflag:$0x3], $0x80, s5, s19, $0xb8;
	[tilespmem:$0x1F480] =	vst v63  }
0x4e: {  	_ =	swait.ge [sflag:s16], $0x4000  }
0x4f: {  	[sflag:s16] =	ssyncset.done $0x0  }
0x50: {  	[sflag:s16] =	ssyncadd.s32 $0xFFFFC000  }
0x51: {  	p1 =	sle.u32 s29, $0x4;
	_ =	swait.ge [sflag:s22], $0x4000  }
0x52: {  	s0 =	simm.s32 @!p1 $0x5000;
	[sflag:s22] =	ssyncset.done $0x0  }
0x53: {  	s3 =	simm.s32 @!p1 $0x200;
	s30 =	simm.s32 @!p1 $0x80;
	[sflag:s22] =	ssyncadd.s32 $0xFFFFC000  }
0x54: {  	[tilespmem:s0], [sflag:$0x1] =	stream.indirect.gather @!p1 [hbm4b:s4+s30], $0x80, s3, s30, $0xb8;
	[tilespmem:$0x1F480] =	vst v63  }
0x55: {  	s7 =	simm.s32 $0x2900  }
0x56: {  	[spmem:s1] =	stream.indirect.scatter.add.f32 [tilespmem:s24], [sflag:$0x3], $0x80, s7, s19, $0xb8;
	[tilespmem:$0x1F480] =	vst v63  }
0x57: {  	_ =	swait.ge [sflag:s16], $0x4000  }
0x58: {  	[sflag:s16] =	ssyncset.done $0x0  }
0x59: {  	[sflag:s16] =	ssyncadd.s32 $0xFFFFC000  }
0x5a: {  	p1 =	sle.u32 s29, $0x5;
	_ =	swait.ge [sflag:s23], $0x4000  }
0x5b: {  	s0 =	simm.s32 @!p1 $0x9000;
	[sflag:s23] =	ssyncset.done $0x0  }
0x5c: {  	s3 =	simm.s32 @!p1 $0x280;
	s30 =	simm.s32 @!p1 $0x80;
	[sflag:s23] =	ssyncadd.s32 $0xFFFFC000  }
0x5d: {  	[tilespmem:s0], [sflag:$0x2] =	stream.indirect.gather @!p1 [hbm4b:s4+s30], $0x80, s3, s30, $0xb8;
	[tilespmem:$0x1F480] =	vst v63  }
0x5e: {  	p1 =	sne.s32 s29, $0x4  }
.Ltmp0:
0x5f: {  	_ = 	snop;
	(pc) =	sbr.rel @!p1 .LBB2_3-.Ltmp0, $4  }
0x60: {  	s8 =	simm.s32 $0x2980  }
0x61: {  	[spmem:s1] =	stream.indirect.scatter.add.f32 [tilespmem:s26], [sflag:$0x3], $0x80, s8, s19, $0xb8;
	[tilespmem:$0x1F480] =	vst v63  }
0x62: {  	_ =	swait.ge [sflag:s16], $0x4000  }
0x63: {  	s31 =	simm.s32 $0x0;
	s30 =	simm.s32 $0x4;
	[sflag:s16] =	ssyncset.done $0x0  }
.LBB2_2:
0x64: {  	[sflag:s16] =	ssyncadd.s32 $0xFFFFC000  }
0x65: {  	s31 =	sadd.s32 $0x800, s31;
	s3 =	smov.u32 s30;
	s30 =	sadd.s32 $0x4, s30  }
0x66: {  	s0 =	sadd.s32 $0x2, s3;
	p1 =	sne.s32 s29, s30  }
0x67: {  	_ =	swait.ge [sflag:s22], $0x4000;
	p2 =	sge.u32 s0, s29;
	s0 =	sshra.s32 s31, $0x2  }
0x68: {  	[sflag:s22] =	ssyncset.done $0x0;
	s5 =	sshra.s32 @!p2 s31, $0x2;
	s7 =	simm.s32 @!p2 $0xD000  }
0x69: {  	s8 =	simm.s32 @!p2 $0x80;
	[sflag:s22] =	ssyncadd.s32 $0xFFFFC000;
	s5 =	sadd.s32 @!p2 $0x100, s5  }
0x6a: {  	[tilespmem:s7], [sflag:$0x1] =	stream.indirect.gather @!p2 [hbm4b:s4+s8], $0x80, s5, s8, $0xb8;
	[tilespmem:$0x1F480] =	vst v63  }
0x6b: {  	s5 =	sadd.s32 $0x2800, s0  }
0x6c: {  	[spmem:s1] =	stream.indirect.scatter.add.f32 [tilespmem:s20], [sflag:$0x3], $0x80, s5, s19, $0xb8;
	[tilespmem:$0x1F480] =	vst v63  }
0x6d: {  	_ =	swait.ge [sflag:s16], $0x4000  }
0x6e: {  	[sflag:s16] =	ssyncset.done $0x0  }
0x6f: {  	s5 =	sadd.s32 $0x3, s3;
	[sflag:s16] =	ssyncadd.s32 $0xFFFFC000  }
0x70: {  	p2 =	sge.u32 s5, s29;
	_ =	swait.ge [sflag:s23], $0x4000  }
0x71: {  	s5 =	sshra.s32 @!p2 s31, $0x2;
	s7 =	simm.s32 @!p2 $0x11000;
	[sflag:s23] =	ssyncset.done $0x0  }
0x72: {  	s8 =	simm.s32 @!p2 $0x80;
	s5 =	sadd.s32 @!p2 $0x180, s5;
	[sflag:s23] =	ssyncadd.s32 $0xFFFFC000  }
0x73: {  	[tilespmem:s7], [sflag:$0x2] =	stream.indirect.gather @!p2 [hbm4b:s4+s8], $0x80, s5, s8, $0xb8;
	[tilespmem:$0x1F480] =	vst v63  }
0x74: {  	s5 =	sadd.s32 $0x2880, s0  }
0x75: {  	[spmem:s1] =	stream.indirect.scatter.add.f32 [tilespmem:s21], [sflag:$0x3], $0x80, s5, s19, $0xb8;
	[tilespmem:$0x1F480] =	vst v63  }
0x76: {  	_ =	swait.ge [sflag:s16], $0x4000  }
0x77: {  	[sflag:s16] =	ssyncset.done $0x0  }
0x78: {  	[sflag:s16] =	ssyncadd.s32 $0xFFFFC000  }
0x79: {  	p2 =	sge.u32 s30, s29;
	_ =	swait.ge [sflag:s22], $0x4000  }
0x7a: {  	s7 =	simm.s32 @!p2 $0x5000;
	s5 =	sshra.s32 @!p2 s31, $0x2;
	[sflag:s22] =	ssyncset.done $0x0  }
0x7b: {  	s8 =	simm.s32 @!p2 $0x80;
	s5 =	sadd.s32 @!p2 $0x200, s5;
	[sflag:s22] =	ssyncadd.s32 $0xFFFFC000  }
0x7c: {  	[tilespmem:s7], [sflag:$0x1] =	stream.indirect.gather @!p2 [hbm4b:s4+s8], $0x80, s5, s8, $0xb8;
	[tilespmem:$0x1F480] =	vst v63  }
0x7d: {  	s5 =	sadd.s32 $0x2900, s0  }
0x7e: {  	[spmem:s1] =	stream.indirect.scatter.add.f32 [tilespmem:s24], [sflag:$0x3], $0x80, s5, s19, $0xb8;
	[tilespmem:$0x1F480] =	vst v63  }
0x7f: {  	_ =	swait.ge [sflag:s16], $0x4000  }
0x80: {  	[sflag:s16] =	ssyncset.done $0x0  }
0x81: {  	s3 =	sadd.s32 $0x5, s3;
	[sflag:s16] =	ssyncadd.s32 $0xFFFFC000  }
0x82: {  	p2 =	sge.u32 s3, s29;
	_ =	swait.ge [sflag:s23], $0x4000  }
0x83: {  	s3 =	sshra.s32 @!p2 s31, $0x2;
	s5 =	simm.s32 @!p2 $0x9000;
	[sflag:s23] =	ssyncset.done $0x0  }
0x84: {  	s7 =	simm.s32 @!p2 $0x80;
	s3 =	sadd.s32 @!p2 $0x280, s3;
	[sflag:s23] =	ssyncadd.s32 $0xFFFFC000  }
0x85: {  	[tilespmem:s5], [sflag:$0x2] =	stream.indirect.gather @!p2 [hbm4b:s4+s7], $0x80, s3, s7, $0xb8;
	[tilespmem:$0x1F480] =	vst v63  }
.Ltmp1:
0x86: {  	_ = 	snop;
	(pc) =	sbr.rel @p1 .LBB2_2-.Ltmp1, $4  }
0x87: {  	s0 =	sadd.s32 $0x2980, s0  }
0x88: {  	[spmem:s1] =	stream.indirect.scatter.add.f32 [tilespmem:s26], [sflag:$0x3], $0x80, s0, s19, $0xb8;
	[tilespmem:$0x1F480] =	vst v63  }
0x89: {  	_ =	swait.ge [sflag:s16], $0x4000  }
0x8a: {  	[sflag:s16] =	ssyncset.done $0x0  }
.LBB2_3:
0x8b: {  	[sflag:s16] =	ssyncadd.s32 $0xFFFFC000;
	s29 =	simm.s32 $0x0  }
0x8c: {  	[tilespmem:s29], [sflag:$0x3] =	stream.linear.gather [hbm4b:s10+s29], $0x2800, $0x38;
	[tilespmem:$0x1F480] =	vst v63  }
0x8d: {  	_ =	swait.ge [sflag:s16], $0x2800  }
0x8e: {  	[sflag:s16] =	ssyncset.done $0x0  }
0x8f: {  	[sflag:s16] =	ssyncadd.s32 $0xFFFFD800  }
0x90: {  	[tilespmem:s17], [sflag:$0x3] =	stream.linear.gather [hbm4b:s11+s29], $0x2800, $0x38;
	[tilespmem:$0x1F480] =	vst v63  }
0x91: {  	_ =	swait.ge [sflag:s16], $0x2800  }
0x92: {  	[sflag:s16] =	ssyncset.done $0x0  }
0x93: {  	[sflag:s16] =	ssyncadd.s32 $0xFFFFD800  }
0x94: {  	[tilespmem:s18], [sflag:$0x3] =	stream.linear.gather [hbm4b:s12+s29], $0x80, $0x38;
	[tilespmem:$0x1F480] =	vst v63  }
0x95: {  	_ =	swait.ge [sflag:s16], $0x80  }
0x96: {  	[sflag:s16] =	ssyncset.done $0x0  }
0x97: {  	[sflag:s16] =	ssyncadd.s32 $0xFFFFFF80  }
0x98: {  	v0 =	vld [tilespmem:$0x15000];
	_ =	sdelay $0x4  }
0x99: {  	(v2sf) =	vpush v0, $0x0  }
0x9a: {  	(v2sf) =	vpush v0, $0x1;
	_ =	sdelay $0xa  }
0x9b: {  	[tilespmem:s20], [sflag:$0x1] =	stream.indirect.gather [hbm4b:s4+s19], $0x80, s29, s19, $0xb8;
	[tilespmem:$0x1F480] =	vst v63  }
0x9c: {  	_ = 	snop  }
0x9d: {  	[tilespmem:s21], [sflag:$0x2] =	stream.indirect.gather [hbm4b:s4+s19], $0x80, s19, s19, $0xb8;
	[tilespmem:$0x1F480] =	vst v63  }
0x9e: {  	s0 =	spop (v2sf)  }
0x9f: {  	s3 =	spop (v2sf)  }
0xa0: {  	s3 =	smov.u32 @p0 s0  }
0xa1: {  	s0 =	sadd.s32 $0x7F, s3  }
0xa2: {  	s3 =	sshra.s32 s0, $0x1F  }
0xa3: {  	s3 =	sshrl.u32 s3, $0x19  }
0xa4: {  	s0 =	sadd.s32 s3, s0  }
0xa5: {  	s0 =	sshra.s32 s0, $0x7  }
0xa6: {  	s0 =	sadd.s32 $0x3, s0  }
0xa7: {  	s8 =	sshrl.u32 s0, $0x1E  }
0xa8: {  	s0 =	sadd.s32 s8, s0  }
0xa9: {  	s0 =	sshra.s32 s0, $0x2  }
0xaa: {  	p1 =	sgt.s32 s0, $0x1  }
0xab: {  	_ =	swait.ge [sflag:s22], $0x4000;
	s0 =	simm.s32 @!p1 $0x1  }
0xac: {  	[sflag:s22] =	ssyncset.done $0x0;
	s30 =	sshll.u32 s0, $0x2  }
0xad: {  	[sflag:s22] =	ssyncadd.s32 $0xFFFFC000;
	p1 =	sle.u32 s30, $0x2  }
0xae: {  	s0 =	simm.s32 @!p1 $0xD000;
	s3 =	simm.s32 @!p1 $0x100;
	s5 =	simm.s32 @!p1 $0x80  }
0xaf: {  	[tilespmem:s0], [sflag:$0x1] =	stream.indirect.gather @!p1 [hbm4b:s4+s5], $0x80, s3, s5, $0xb8;
	[tilespmem:$0x1F480] =	vst v63  }
0xb0: {  	s3 =	simm.s32 $0x2800  }
0xb1: {  	[spmem:s1] =	stream.indirect.scatter.add.f32 [tilespmem:s20], [sflag:$0x3], $0x80, s3, s19, $0xb8;
	[tilespmem:$0x1F480] =	vst v63  }
0xb2: {  	_ =	swait.ge [sflag:s16], $0x4000  }
0xb3: {  	[sflag:s16] =	ssyncset.done $0x0  }
0xb4: {  	[sflag:s16] =	ssyncadd.s32 $0xFFFFC000  }
0xb5: {  	p1 =	sle.u32 s30, $0x3;
	_ =	swait.ge [sflag:s23], $0x4000  }
0xb6: {  	s0 =	simm.s32 @!p1 $0x11000;
	[sflag:s23] =	ssyncset.done $0x0  }
0xb7: {  	s5 =	simm.s32 @!p1 $0x80;
	s3 =	simm.s32 @!p1 $0x180;
	[sflag:s23] =	ssyncadd.s32 $0xFFFFC000  }
0xb8: {  	[tilespmem:s0], [sflag:$0x2] =	stream.indirect.gather @!p1 [hbm4b:s4+s5], $0x80, s3, s5, $0xb8;
	[tilespmem:$0x1F480] =	vst v63  }
0xb9: {  	s5 =	simm.s32 $0x2880  }
0xba: {  	[spmem:s1] =	stream.indirect.scatter.add.f32 [tilespmem:s21], [sflag:$0x3], $0x80, s5, s19, $0xb8;
	[tilespmem:$0x1F480] =	vst v63  }
0xbb: {  	_ =	swait.ge [sflag:s16], $0x4000  }
0xbc: {  	[sflag:s16] =	ssyncset.done $0x0  }
0xbd: {  	[sflag:s16] =	ssyncadd.s32 $0xFFFFC000  }
0xbe: {  	p1 =	sle.u32 s30, $0x4;
	_ =	swait.ge [sflag:s22], $0x4000  }
0xbf: {  	s0 =	simm.s32 @!p1 $0x5000;
	[sflag:s22] =	ssyncset.done $0x0  }
0xc0: {  	s3 =	simm.s32 @!p1 $0x200;
	s5 =	simm.s32 @!p1 $0x80;
	[sflag:s22] =	ssyncadd.s32 $0xFFFFC000  }
0xc1: {  	[tilespmem:s0], [sflag:$0x1] =	stream.indirect.gather @!p1 [hbm4b:s4+s5], $0x80, s3, s5, $0xb8;
	[tilespmem:$0x1F480] =	vst v63  }
0xc2: {  	s7 =	simm.s32 $0x2900  }
0xc3: {  	[spmem:s1] =	stream.indirect.scatter.add.f32 [tilespmem:s24], [sflag:$0x3], $0x80, s7, s19, $0xb8;
	[tilespmem:$0x1F480] =	vst v63  }
0xc4: {  	_ =	swait.ge [sflag:s16], $0x4000  }
0xc5: {  	[sflag:s16] =	ssyncset.done $0x0  }
0xc6: {  	[sflag:s16] =	ssyncadd.s32 $0xFFFFC000  }
0xc7: {  	p1 =	sle.u32 s30, $0x5;
	_ =	swait.ge [sflag:s23], $0x4000  }
0xc8: {  	s0 =	simm.s32 @!p1 $0x9000;
	[sflag:s23] =	ssyncset.done $0x0  }
0xc9: {  	s3 =	simm.s32 @!p1 $0x280;
	s5 =	simm.s32 @!p1 $0x80;
	[sflag:s23] =	ssyncadd.s32 $0xFFFFC000  }
0xca: {  	[tilespmem:s0], [sflag:$0x2] =	stream.indirect.gather @!p1 [hbm4b:s4+s5], $0x80, s3, s5, $0xb8;
	[tilespmem:$0x1F480] =	vst v63  }
0xcb: {  	p1 =	sne.s32 s30, $0x4  }
.Ltmp2:
0xcc: {  	_ = 	snop;
	(pc) =	sbr.rel @!p1 .LBB2_5-.Ltmp2, $4  }
0xcd: {  	s8 =	simm.s32 $0x2980  }
0xce: {  	[spmem:s1] =	stream.indirect.scatter.add.f32 [tilespmem:s26], [sflag:$0x3], $0x80, s8, s19, $0xb8;
	[tilespmem:$0x1F480] =	vst v63  }
0xcf: {  	_ =	swait.ge [sflag:s16], $0x4000  }
0xd0: {  	s31 =	simm.s32 $0x4;
	[sflag:s16] =	ssyncset.done $0x0  }
.LBB2_4:
0xd1: {  	[sflag:s16] =	ssyncadd.s32 $0xFFFFC000  }
0xd2: {  	s29 =	sadd.s32 $0x800, s29;
	s3 =	smov.u32 s31;
	s31 =	sadd.s32 $0x4, s31  }
0xd3: {  	s0 =	sadd.s32 $0x2, s3;
	p1 =	sne.s32 s30, s31  }
0xd4: {  	_ =	swait.ge [sflag:s22], $0x4000;
	p2 =	sge.u32 s0, s30;
	s0 =	sshra.s32 s29, $0x2  }
0xd5: {  	[sflag:s22] =	ssyncset.done $0x0;
	s5 =	sshra.s32 @!p2 s29, $0x2;
	s7 =	simm.s32 @!p2 $0xD000  }
0xd6: {  	s8 =	simm.s32 @!p2 $0x80;
	[sflag:s22] =	ssyncadd.s32 $0xFFFFC000;
	s5 =	sadd.s32 @!p2 $0x100, s5  }
0xd7: {  	[tilespmem:s7], [sflag:$0x1] =	stream.indirect.gather @!p2 [hbm4b:s4+s8], $0x80, s5, s8, $0xb8;
	[tilespmem:$0x1F480] =	vst v63  }
0xd8: {  	s5 =	sadd.s32 $0x2800, s0  }
0xd9: {  	[spmem:s1] =	stream.indirect.scatter.add.f32 [tilespmem:s20], [sflag:$0x3], $0x80, s5, s19, $0xb8;
	[tilespmem:$0x1F480] =	vst v63  }
0xda: {  	_ =	swait.ge [sflag:s16], $0x4000  }
0xdb: {  	[sflag:s16] =	ssyncset.done $0x0  }
0xdc: {  	s5 =	sadd.s32 $0x3, s3;
	[sflag:s16] =	ssyncadd.s32 $0xFFFFC000  }
0xdd: {  	p2 =	sge.u32 s5, s30;
	_ =	swait.ge [sflag:s23], $0x4000  }
0xde: {  	s5 =	sshra.s32 @!p2 s29, $0x2;
	s7 =	simm.s32 @!p2 $0x11000;
	[sflag:s23] =	ssyncset.done $0x0  }
0xdf: {  	s8 =	simm.s32 @!p2 $0x80;
	s5 =	sadd.s32 @!p2 $0x180, s5;
	[sflag:s23] =	ssyncadd.s32 $0xFFFFC000  }
0xe0: {  	[tilespmem:s7], [sflag:$0x2] =	stream.indirect.gather @!p2 [hbm4b:s4+s8], $0x80, s5, s8, $0xb8;
	[tilespmem:$0x1F480] =	vst v63  }
0xe1: {  	s5 =	sadd.s32 $0x2880, s0  }
0xe2: {  	[spmem:s1] =	stream.indirect.scatter.add.f32 [tilespmem:s21], [sflag:$0x3], $0x80, s5, s19, $0xb8;
	[tilespmem:$0x1F480] =	vst v63  }
0xe3: {  	_ =	swait.ge [sflag:s16], $0x4000  }
0xe4: {  	[sflag:s16] =	ssyncset.done $0x0  }
0xe5: {  	[sflag:s16] =	ssyncadd.s32 $0xFFFFC000  }
0xe6: {  	p2 =	sge.u32 s31, s30;
	_ =	swait.ge [sflag:s22], $0x4000  }
0xe7: {  	s7 =	simm.s32 @!p2 $0x5000;
	s5 =	sshra.s32 @!p2 s29, $0x2;
	[sflag:s22] =	ssyncset.done $0x0  }
0xe8: {  	s8 =	simm.s32 @!p2 $0x80;
	s5 =	sadd.s32 @!p2 $0x200, s5;
	[sflag:s22] =	ssyncadd.s32 $0xFFFFC000  }
0xe9: {  	[tilespmem:s7], [sflag:$0x1] =	stream.indirect.gather @!p2 [hbm4b:s4+s8], $0x80, s5, s8, $0xb8;
	[tilespmem:$0x1F480] =	vst v63  }
0xea: {  	s5 =	sadd.s32 $0x2900, s0  }
0xeb: {  	[spmem:s1] =	stream.indirect.scatter.add.f32 [tilespmem:s24], [sflag:$0x3], $0x80, s5, s19, $0xb8;
	[tilespmem:$0x1F480] =	vst v63  }
0xec: {  	_ =	swait.ge [sflag:s16], $0x4000  }
0xed: {  	[sflag:s16] =	ssyncset.done $0x0  }
0xee: {  	s3 =	sadd.s32 $0x5, s3;
	[sflag:s16] =	ssyncadd.s32 $0xFFFFC000  }
0xef: {  	p2 =	sge.u32 s3, s30;
	_ =	swait.ge [sflag:s23], $0x4000  }
0xf0: {  	s3 =	sshra.s32 @!p2 s29, $0x2;
	s5 =	simm.s32 @!p2 $0x9000;
	[sflag:s23] =	ssyncset.done $0x0  }
0xf1: {  	s7 =	simm.s32 @!p2 $0x80;
	s3 =	sadd.s32 @!p2 $0x280, s3;
	[sflag:s23] =	ssyncadd.s32 $0xFFFFC000  }
0xf2: {  	[tilespmem:s5], [sflag:$0x2] =	stream.indirect.gather @!p2 [hbm4b:s4+s7], $0x80, s3, s7, $0xb8;
	[tilespmem:$0x1F480] =	vst v63  }
.Ltmp3:
0xf3: {  	_ = 	snop;
	(pc) =	sbr.rel @p1 .LBB2_4-.Ltmp3, $4  }
0xf4: {  	s0 =	sadd.s32 $0x2980, s0  }
0xf5: {  	[spmem:s1] =	stream.indirect.scatter.add.f32 [tilespmem:s26], [sflag:$0x3], $0x80, s0, s19, $0xb8;
	[tilespmem:$0x1F480] =	vst v63  }
0xf6: {  	_ =	swait.ge [sflag:s16], $0x4000  }
0xf7: {  	[sflag:s16] =	ssyncset.done $0x0  }
.LBB2_5:
0xf8: {  	s28 =	sadd.s32 $0x1, s28  }
0xf9: {  	[sflag:s16] =	ssyncadd.s32 $0xFFFFC000;
	p1 =	sne.s32 s28, s14  }
.Ltmp4:
0xfa: {  	[bflag:$0x0] =	sbarrier.arrive $0xFFFF;
	(pc) =	sbr.rel @p1 .LBB2_1-.Ltmp4, $4  }
0xfb: {  	[hbm:s13], [sflag:s6] =	dma.local [spmem:s25], $0x1400  }
0xfc: {  	_ =	swait.ge [sflag:s16], $0x1400  }
0xfd: {  	[sflag:s16] =	ssyncset.done $0x0  }
0xfe: {  	[sflag:s16] =	ssyncadd.s32 $0xFFFFEC00  }
0xff: {  	_ =	sfence.sel $0x180000  }
0x100: {  	[bflag:$0x0] =	sbarrier.arrive $0xFFFF  }
0x101: {  	_ =	strace $0x9000004A  }
0x102: {  	s0 =	stileid.u32;
	[bflag:$0x2] =	sbarrier.arrive $0xFFFF  }
0x103: {  	p0 =	sne.s32 s0, $0x0;
	s0 =	rddreg [dreg:$0x2]  }
0x104: {  	s0 =	sadd.s32 @!p0 $0x100000, s0  }
0x105: {  	[sflag:s0] =	ssyncadd.tile.s32 @!p0 $0x1;
	_ =	shalt  }
.Lfunc_end2:
_tile_overlayer_lowered:
.L_overlay_start_2:
0x106: {  	(tag) =	ssettag $0x2  }
0x107: {  	s0 =	rddreg [dreg:$0x0];
	s2 =	stileid.u32  }
0x108: {  	s1 =	rddreg [dreg:$0x1];
	p0 =	sne.s32 s2, $0x0  }
0x109: {  	s3 =	rddreg [dreg:$0x2];
	[bflag:$0x3] =	sbarrier.arrive $0xFFFF;
	s2 =	simm.s32 @!p0 $0x1C03  }
0x10a: {  	[timem:s3], [sflag:s2] =	dma.local @!p0 [hbm:s0], s1  }
0x10b: {  	s0 =	simm.s32 @!p0 $0x3  }
0x10c: {  	_ =	swait.ge @!p0 [sflag:s0], s1  }
0x10d: {  	s1 =	ssub.s32 @!p0 $0x0, s1;
	[sflag:s0] =	ssyncset.done @!p0 $0x0  }
0x10e: {  	[sflag:s0] =	ssyncadd.s32 @!p0 s1  }
0x10f: {  	[bflag:$0x3] =	sbarrier.arrive $0xFFFF  }
0x110: {  	_ =	shalt  }

// kernel: kernel.14.cloned.1.call-start
scs
__scs_entry_jumppad:
0x0: {  	(pc) =	sbr.rel $0x88, $3  }
0x1: {  	(tag) =	ssettag $0x0;
	lr =	simm.s32 $0x1  }
0x2: {  	[smem:$0x3F99] =	sst lr;
	_ =	strace $0xD0000000  }
0x3: {  	_ = 	snop  }
0x4: {  	_ = 	snop  }
0x5: {  	_ = 	snop  }
0x6: {  	_ = 	snop  }
0x7: {  	_ = 	snop  }
__scs_overlays_trampoline_lowered:
0x8: {  	[smem:$0x3FA8] =	sst s0  }
0x9: {  	[smem:$0x3FA9] =	sst s1  }
0xa: {  	[smem:$0x3FAA] =	sst s2  }
0xb: {  	[smem:$0x3FAB] =	sst s3  }
0xc: {  	[smem:$0x3FAC] =	sst s4  }
0xd: {  	[smem:$0x3FAD] =	sst s5  }
0xe: {  	[smem:$0x3FAE] =	sst s6  }
0xf: {  	[smem:$0x3FAF] =	sst s7  }
0x10: {  	[smem:$0x3FB0] =	sst s8  }
0x11: {  	[smem:$0x3FB1] =	sst s9;
	s0 =	simm.s32 @!p0 $0x0  }
0x12: {  	s1 =	sld [smem:$0x3F97];
	s0 =	simm.s32 @p0 $0x1  }
0x13: {  	[smem:$0x3FB2] =	sst s0;
	s0 =	simm.s32 @!p1 $0x0  }
0x14: {  	s2 =	sld [smem:$0x3F96];
	s0 =	simm.s32 @p1 $0x1  }
0x15: {  	[smem:$0x3FB3] =	sst s0;
	s0 =	simm.s32 @!p2 $0x0  }
0x16: {  	s3 =	sld [smem:$0x3FDB];
	s0 =	simm.s32 @p2 $0x1  }
0x17: {  	s4 =	simm.s32 $0x1BF5;
	[smem:$0x3FB5] =	sst s0  }
0x18: {  	s0 =	sld [smem:$0x3F98];
	_ =	swait.ge [sflag:s4], $0x0  }
0x19: {  	s7 =	sld [smem:$0x3F99]  }
0x1a: {  	s8 =	sadd.s32 $0xFFFFE003, lr  }
0x1b: {  	s9 =	sadd.s32 $0xFFFFFEF7, lr;
	s5 =	simm.s32 $0xFFFFFFFF;
	p2 =	slt.u32 s8, $0xFFFFF086  }
0x1c: {  	p1 =	slt.u32 s9, $0xF7A;
	s5 =	simm.s32 @!p2 $0x0  }
0x1d: {  	s5 =	simm.s32 @p1 $0x1;
	p0 =	seq.s32 s7, s2  }
0x1e: {  	s7 =	smul.u32 @!p0 $0xF7A, s2;
	p2 =	seq.s32 @!p0 s5, $0x0  }
0x1f: {  	s9 =	smul.u32 $0xF7A, s1;
	s8 =	simm.s32 @!p0 $0x1BF5;
	p2 =	por !p2, p0  }
0x20: {  	[sflag:s8] =	ssyncset.s32 @!p0 $0xFFFFF086;
	s6 =	sadd.s32 @!p0 s3, s7;
	s7 =	simm.s32 @!p0 $0x108  }
0x21: {  	s3 =	sadd.s32 s3, s9;
	s6 =	sadd.s32 @!p0 $0x88, s6;
	s7 =	simm.s32 @p2 $0x1082  }
0x22: {  	[simem:s7], [sflag:s8] =	dma.local @!p0 [hbm:s6], $0xF7A  }
0x23: {  	s9 =	sor.u32 $0xD0000000, s2;
	s6 =	simm.s32 $0x108;
	_ =	swait.ge @!p0 [sflag:s8], $0x0  }
0x24: {  	s3 =	sadd.s32 $0x88, s3;
	s6 =	simm.s32 @!p1 $0x1082;
	[sflag:s4] =	ssyncset.s32 $0xFFFFF086  }
0x25: {  	[simem:s6], [sflag:s4] =	dma.local [hbm:s3], $0xF7A  }
0x26: {  	[smem:$0x3F99] =	sst s1;
	(tag) =	ssettag s2;
	_ =	strace s9  }
0x27: {  	s1 =	sld [smem:$0x3FA9]  }
0x28: {  	s2 =	sld [smem:$0x3FAA]  }
0x29: {  	s4 =	sld [smem:$0x3FAC]  }
0x2a: {  	p0 =	seq.s32 s5, $0x0;
	s5 =	sld [smem:$0x3FAD]  }
0x2b: {  	s6 =	sld [smem:$0x3FAE]  }
0x2c: {  	s7 =	sld [smem:$0x3FAF]  }
0x2d: {  	s3 =	simm.s32 $0x108;
	s8 =	sld [smem:$0x3FB0]  }
0x2e: {  	s3 =	simm.s32 @!p0 $0x1082;
	s9 =	sld [smem:$0x3FB1]  }
0x2f: {  	lr =	sadd.s32 s0, s3;
	s0 =	sld [smem:$0x3FA8]  }
0x30: {  	s3 =	sld [smem:$0x3FAB]  }
0x31: {  	[smem:$0x3FB4] =	sst s10  }
0x32: {  	s10 =	sld [smem:$0x3FB2];
	_ =	sdelay $0x3  }
0x33: {  	p0 =	seq.s32 s10, $0x1;
	s10 =	sld [smem:$0x3FB4];
	_ =	sdelay $0x3  }
0x34: {  	[smem:$0x3FB4] =	sst s10  }
0x35: {  	s10 =	sld [smem:$0x3FB3];
	_ =	sdelay $0x3  }
0x36: {  	p1 =	seq.s32 s10, $0x1;
	s10 =	sld [smem:$0x3FB4];
	_ =	sdelay $0x3  }
0x37: {  	[smem:$0x3FB4] =	sst s10  }
0x38: {  	s10 =	sld [smem:$0x3FB5]  }
0x39: {  	_ = 	snop;
	(pc) =	sbr.ind lr, $3  }
0x3a: {  	_ = 	snop  }
0x3b: {  	_ = 	snop  }
0x3c: {  	p2 =	seq.s32 s10, $0x1;
	s10 =	sld [smem:$0x3FB4]  }
0x3d: {  	_ =	shalt  }
0x3e: {  	_ =	shalt  }
0x3f: {  	_ =	shalt  }
0x40: {  	_ =	shalt  }
0x41: {  	_ =	shalt  }
0x42: {  	_ =	shalt  }
0x43: {  	_ =	shalt  }
0x44: {  	_ =	shalt  }
0x45: {  	_ =	shalt  }
0x46: {  	_ =	shalt  }
0x47: {  	_ =	shalt  }
0x48: {  	_ =	shalt  }
0x49: {  	_ =	shalt  }
0x4a: {  	_ =	shalt  }
0x4b: {  	_ =	shalt  }
0x4c: {  	_ =	shalt  }
0x4d: {  	_ =	shalt  }
0x4e: {  	_ =	shalt  }
0x4f: {  	_ =	shalt  }
0x50: {  	_ =	shalt  }
0x51: {  	_ =	shalt  }
0x52: {  	_ =	shalt  }
0x53: {  	_ =	shalt  }
0x54: {  	_ =	shalt  }
0x55: {  	_ =	shalt  }
0x56: {  	_ =	shalt  }
0x57: {  	_ =	shalt  }
0x58: {  	_ =	shalt  }
0x59: {  	_ =	shalt  }
0x5a: {  	_ =	shalt  }
0x5b: {  	_ =	shalt  }
0x5c: {  	_ =	shalt  }
0x5d: {  	_ =	shalt  }
0x5e: {  	_ =	shalt  }
0x5f: {  	_ =	shalt  }
0x60: {  	_ =	shalt  }
0x61: {  	_ =	shalt  }
0x62: {  	_ =	shalt  }
0x63: {  	_ =	shalt  }
0x64: {  	_ =	shalt  }
0x65: {  	_ =	shalt  }
0x66: {  	_ =	shalt  }
0x67: {  	_ =	shalt  }
0x68: {  	_ =	shalt  }
0x69: {  	_ =	shalt  }
0x6a: {  	_ =	shalt  }
0x6b: {  	_ =	shalt  }
0x6c: {  	_ =	shalt  }
0x6d: {  	_ =	shalt  }
0x6e: {  	_ =	shalt  }
0x6f: {  	_ =	shalt  }
0x70: {  	_ =	shalt  }
0x71: {  	_ =	shalt  }
0x72: {  	_ =	shalt  }
0x73: {  	_ =	shalt  }
0x74: {  	_ =	shalt  }
0x75: {  	_ =	shalt  }
0x76: {  	_ =	shalt  }
0x77: {  	_ =	shalt  }
0x78: {  	_ =	shalt  }
0x79: {  	_ =	shalt  }
0x7a: {  	_ =	shalt  }
0x7b: {  	_ =	shalt  }
0x7c: {  	_ =	shalt  }
0x7d: {  	_ =	shalt  }
0x7e: {  	_ =	shalt  }
0x7f: {  	_ =	shalt  }
0x80: {  	_ =	shalt  }
0x81: {  	_ =	shalt  }
0x82: {  	_ =	shalt  }
0x83: {  	_ =	shalt  }
0x84: {  	_ =	shalt  }
0x85: {  	_ =	shalt  }
0x86: {  	_ =	shalt  }
0x87: {  	_ =	shalt  }
.Lfunc_end0:
.L_simem_size_0:
called_computation.2_lowered:
.L_overlay_start_0:
0x88: {  	s2 =	sld [smem:$0x3FD9]  }
0x89: {  	s3 =	sld [smem:$0x3FFE];
	_ =	sdelay $0x1  }
0x8a: {  	s1 =	srdreg.scid  }
0x8b: {  	s0 =	sand.u32 $0x1, s1  }
0x8c: {  	s16 =	sshll.u32 s0, $0xA;
	s2 =	sadd.s32 s3, s2  }
0x8d: {  	s2 =	sadd.s32 s2, s16  }
0x8e: {  	[smem:$0x3FC0] =	sst s2  }
0x8f: {  	_ = 	snop  }
0x90: {  	(tm) =	ssettm $0x1  }
0x91: {  	s17 =	sld [smem:$0x3FFB];
	_ =	sdelay $0x3  }
0x92: {  	_ =	strace s17  }
0x93: {  	s2 =	sld [smem:$0x3FFC];
	_ =	sdelay $0x3  }
0x94: {  	_ =	strace s2  }
0x95: {  	s2 =	sld [smem:$0x3FFD];
	_ =	sdelay $0x3  }
0x96: {  	_ =	strace s2  }
0x97: {  	_ =	strace $0x8FFFFFFF  }
0x98: {  	s18 =	sld [smem:$0x3FDB];
	_ =	sdelay $0x1  }
0x99: {  	s19 =	simm.s32 $_scs_section_size  }
0x9a: {  	s4 =	simm.s32 $_size__tile_overlayer_lowered;
	s5 =	simm.s32 $_tile_overlayer_lowered  }
0x9b: {  	s22 =	simm.s32 $0x1BFF;
	s21 =	sshll.u32 s5, $0x1;
	s2 =	sadd.s32 s19, s18  }
0x9c: {  	s6 =	simm.s32 $0x0;
	s20 =	sshll.u32 s4, $0x1;
	s4 =	sadd.s32 s21, s2  }
0x9d: {  	[timem:s6], [sflag:s22] =	dma.local [hbm:s4], s20  }
0x9e: {  	_ =	swait.ge [sflag:s22], s20  }
0x9f: {  	s3 =	ssub.s32 $0x0, s20;
	[sflag:s22] =	ssyncset.done $0x0  }
0xa0: {  	[sflag:s22] =	ssyncadd.s32 s3;
	_ =	sdelay $0x1  }
0xa1: {  	s23 =	simm.s32 $0x1B8B  }
0xa2: {  	_ =	swait.ge [sflag:s23], $0x1  }
0xa3: {  	[sflag:s23] =	ssyncset.done $0x0  }
0xa4: {  	s25 =	simm.s32 $0x1B8E;
	s24 =	sld [smem:$0x3FFE];
	[sflag:s23] =	ssyncadd.s32 $0xFFFFFFFF  }
0xa5: {  	s26 =	simm.s32 $execute0_lowered;
	[smem:$0x3FD2] =	sst s25  }
0xa6: {  	s4 =	sshll.u32 s26, $0x1;
	_ =	strace $0x8000004C;
	[dreg:$0x1] =	wrdreg $0xFFFFFFFF  }
0xa7: {  	s28 =	simm.s32 $_size_execute0_lowered;
	s2 =	sadd.s32 s2, s4;
	[dreg:$0x0] =	wrdreg $0x0  }
0xa8: {  	s4 =	sshll.u32 s28, $0x1;
	[dreg:$0x2] =	wrdreg s2  }
0xa9: {  	[dreg:$0x3] =	wrdreg s4  }
0xaa: {  	[dreg:$0x4] =	wrdreg $0xC0  }
0xab: {  	_ =	task [dreg:s6], $0x5FFFF  }
0xac: {  	[dreg:$0x1] =	wrdreg $0xFFFFFFFF  }
0xad: {  	[dreg:$0x0] =	wrdreg $0x60  }
0xae: {  	[dreg:$0x2] =	wrdreg s24  }
0xaf: {  	[dreg:$0x3] =	wrdreg $0x150800  }
0xb0: {  	[dreg:$0x4] =	wrdreg $0x9  }
0xb1: {  	_ =	task.clear_ibuf [dreg:s6], $0x5FFFF;
	_ =	strace $0x9000004C  }
0xb2: {  	s29 =	simm.s32 $0x9;
	_ =	strace $0x8000004E  }
0xb3: {  	_ =	swait.ge [sflag:s29], $0x1  }
0xb4: {  	[sflag:s29] =	ssyncadd.s32 $0xFFFFFFFF  }
0xb5: {  	_ =	strace $0x9000004E  }
0xb6: {  	_ =	sfence  }
0xb7: {  	s30 =	sld [smem:$0x0];
	_ =	sdelay $0x2  }
0xb8: {  	s31 =	sshll.u32 s1, $0xD;
	s1 =	sshrl.u32 s1, $0x2  }
0xb9: {  	s3 =	sand.u32 $0x4000, s31;
	s1 =	sadd.s32 s1, s30  }
0xba: {  	s0 =	sor.u32 s3, s0;
	s1 =	sshll.u32 s1, $0x11  }
0xbb: {  	s0 =	sor.u32 s1, s0  }
0xbc: {  	s0 =	sadd.s32 $0x8F2B, s0  }
0xbd: {  	[sflag:s0] =	ssyncadd.remote.s32 $0x1  }
0xbe: {  	_ =	sfence.sel $0xFFFF  }
0xbf: {  	[dreg:$0x0] =	wrdreg $0xFFFFFFFF;
	(pc) =	sbr.abs _section_cstart, $3  }
0xc0: {  	[dreg:$0x1] =	wrdreg $0xFFFFFFFF  }
0xc1: {  	_ =	task.clear_ibuf [dreg:s6], $0x2FFFF;
	_ =	strace $0x9FFFFFFF  }
0xc2: {  	(tm) =	ssettm $0x7FFFFFFF  }
0xc3: {  	_ =	shalt  }
tec
execute0_lowered:
.L_overlay_start_1:
0x0: {  	(tag) =	ssettag $0x1  }
0x1: {  	s0 =	rddreg [dreg:$0x0]  }
0x2: {  	s1 =	rddreg [dreg:$0x1];
	s2 =	simm.s32 $0x0  }
0x3: {  	s3 =	srdreg.scid;
	s5 =	stileid.u32;
	s28 =	simm.s32 $0x0  }
0x4: {  	[smem:$0x7FF] =	sst s2;
	s3 =	sand.u32 $0x1, s3;
	s7 =	smul.u32 $0x1400, s5  }
0x5: {  	s4 =	sadd.s32 $0x53C00, s0;
	s10 =	sadd.s32 $0x2800, s0;
	s8 =	smul.u32 $0x29000, s5  }
0x6: {  	s11 =	sadd.s32 $0x16800, s0;
	s12 =	sadd.s32 $0x53A00, s0;
	s14 =	smul.u32 $0xA000, s5  }
0x7: {  	s9 =	sadd.s32 $0x2A800, s0;
	s21 =	sshllo.u32 s5, $0x1;
	s29 =	smul.u32 $0x28000, s5  }
0x8: {  	s22 =	sshll.u32 s5, $0x6;
	_ =	strace $0x8000004D;
	s6 =	smul.u32 $0x14000, s3  }
0x9: {  	[dreg:$0x3] =	wrdreg s9;
	s17 =	ssub.s32 $0x2, s3;
	s13 =	smul.u32 $0x2800, s3  }
0xa: {  	s24 =	smul.u32 $0x5000, s21;
	s30 =	sshll.u32 s21, $0x4;
	p0 =	seq.s32 s3, $0x0  }
0xb: {  	s21 =	simm.s32 $0x9000;
	s18 =	sshrl.u32 s17, $0x1;
	s19 =	sshrl.u32 s8, $0x2  }
0xc: {  	s31 =	sshrl.u32 s29, $0x2;
	s6 =	sadd.s32 s7, s6;
	s15 =	ssub.s32 s17, s18  }
0xd: {  	s16 =	sadd.s32 s19, s1;
	s20 =	sadd.s32 s13, s14;
	s17 =	sshll.u32 s5, $0x5  }
0xe: {  	s13 =	sadd.s32 s13, s24;
	s19 =	simm.s32 $0x80;
	s24 =	simm.s32 $0xD000  }
0xf: {  	s0 =	sadd.s32 s6, s0;
	s23 =	sshrl.u32 s20, $0x3;
	s6 =	sor.u32 $0x1C03, s22  }
0x10: {  	s18 =	sand.u32 $0x180, s17;
	s9 =	sadd.s32 s12, s17;
	s13 =	sshrl.u32 s13, $0x3  }
0x11: {  	s14 =	smax.u32 s15, $0x1;
	s15 =	sshrl.u32 s16, $0x3;
	s16 =	simm.s32 $0x3  }
0x12: {  	s17 =	simm.s32 $0x2800;
	s20 =	simm.s32 $0x5000;
	s22 =	simm.s32 $0x1  }
0x13: {  	s25 =	sadd.s32 s10, s23;
	s26 =	sadd.s32 s11, s23;
	s10 =	sadd.s32 s10, s13  }
0x14: {  	s11 =	sadd.s32 s11, s13;
	s13 =	sand.u32 $0x70, s30;
	s12 =	sadd.s32 s12, s18  }
0x15: {  	s18 =	simm.s32 $0x15000;
	s23 =	simm.s32 $0x2;
	[dreg:$0x4] =	wrdreg s25  }
0x16: {  	[dreg:$0x5] =	wrdreg s26;
	s12 =	sadd.s32 s13, s12;
	s25 =	sadd.s32 s31, s1  }
0x17: {  	s13 =	sadd.s32 $0x7BC00, s0;
	s26 =	simm.s32 $0x11000;
	s25 =	sshrl.u32 s25, $0x3  }
.LBB2_1:
0x18: {  	s0 =	rddreg [dreg:$0x3]  }
0x19: {  	[spmem:s15], [sflag:s6] =	dma.local [hbm:s0], $0x1480  }
0x1a: {  	_ =	swait.ge [sflag:s16], $0x1480  }
0x1b: {  	[sflag:s16] =	ssyncset.done $0x0  }
0x1c: {  	[sflag:s16] =	ssyncadd.s32 $0xFFFFEB80  }
0x1d: {  	[bflag:$0x0] =	sbarrier.arrive $0xFFFF  }
0x1e: {  	s5 =	rddreg [dreg:$0x4]  }
0x1f: {  	[tilespmem:s2], [sflag:$0x3] =	stream.linear.gather [hbm4b:s5+s2], $0x2800, $0x38;
	[tilespmem:$0x1F480] =	vst v63  }
0x20: {  	_ =	swait.ge [sflag:s16], $0x2800  }
0x21: {  	[sflag:s16] =	ssyncset.done $0x0  }
0x22: {  	s7 =	rddreg [dreg:$0x5];
	[sflag:s16] =	ssyncadd.s32 $0xFFFFD800  }
0x23: {  	[tilespmem:s17], [sflag:$0x3] =	stream.linear.gather [hbm4b:s7+s2], $0x2800, $0x38;
	[tilespmem:$0x1F480] =	vst v63  }
0x24: {  	_ =	swait.ge [sflag:s16], $0x2800  }
0x25: {  	[sflag:s16] =	ssyncset.done $0x0  }
0x26: {  	[sflag:s16] =	ssyncadd.s32 $0xFFFFD800  }
0x27: {  	[tilespmem:s18], [sflag:$0x3] =	stream.linear.gather [hbm4b:s9+s2], $0x80, $0x38;
	[tilespmem:$0x1F480] =	vst v63  }
0x28: {  	_ =	swait.ge [sflag:s16], $0x80  }
0x29: {  	[sflag:s16] =	ssyncset.done $0x0  }
0x2a: {  	[sflag:s16] =	ssyncadd.s32 $0xFFFFFF80  }
0x2b: {  	v0 =	vld [tilespmem:$0x15000];
	_ =	sdelay $0x4  }
0x2c: {  	(v2sf) =	vpush v0, $0x0  }
0x2d: {  	(v2sf) =	vpush v0, $0x1;
	_ =	sdelay $0xa  }
0x2e: {  	[tilespmem:s20], [sflag:$0x1] =	stream.indirect.gather [hbm4b:s4+s19], $0x80, s2, s19, $0xb8;
	[tilespmem:$0x1F480] =	vst v63  }
0x2f: {  	_ = 	snop  }
0x30: {  	[tilespmem:s21], [sflag:$0x2] =	stream.indirect.gather [hbm4b:s4+s19], $0x80, s19, s19, $0xb8;
	[tilespmem:$0x1F480] =	vst v63  }
0x31: {  	s0 =	spop (v2sf)  }
0x32: {  	s3 =	spop (v2sf)  }
0x33: {  	s3 =	smov.u32 @p0 s0  }
0x34: {  	s0 =	sadd.s32 $0x7F, s3  }
0x35: {  	s3 =	sshra.s32 s0, $0x1F  }
0x36: {  	s3 =	sshrl.u32 s3, $0x19  }
0x37: {  	s0 =	sadd.s32 s3, s0  }
0x38: {  	s0 =	sshra.s32 s0, $0x7  }
0x39: {  	s0 =	sadd.s32 $0x3, s0  }
0x3a: {  	s8 =	sshrl.u32 s0, $0x1E  }
0x3b: {  	s0 =	sadd.s32 s8, s0  }
0x3c: {  	s0 =	sshra.s32 s0, $0x2  }
0x3d: {  	p1 =	sgt.s32 s0, $0x1  }
0x3e: {  	_ =	swait.ge [sflag:s22], $0x4000;
	s0 =	simm.s32 @!p1 $0x1  }
0x3f: {  	[sflag:s22] =	ssyncset.done $0x0;
	s29 =	sshll.u32 s0, $0x2  }
0x40: {  	[sflag:s22] =	ssyncadd.s32 $0xFFFFC000;
	p1 =	sle.u32 s29, $0x2  }
0x41: {  	s0 =	simm.s32 @!p1 $0xD000;
	s3 =	simm.s32 @!p1 $0x100;
	s30 =	simm.s32 @!p1 $0x80  }
0x42: {  	[tilespmem:s0], [sflag:$0x1] =	stream.indirect.gather @!p1 [hbm4b:s4+s30], $0x80, s3, s30, $0xb8;
	[tilespmem:$0x1F480] =	vst v63  }
0x43: {  	s3 =	simm.s32 $0x2800  }
0x44: {  	[spmem:s1] =	stream.indirect.scatter.add.f32 [tilespmem:s20], [sflag:$0x3], $0x80, s3, s19, $0xb8;
	[tilespmem:$0x1F480] =	vst v63  }
0x45: {  	_ =	swait.ge [sflag:s16], $0x4000  }
0x46: {  	[sflag:s16] =	ssyncset.done $0x0  }
0x47: {  	[sflag:s16] =	ssyncadd.s32 $0xFFFFC000  }
0x48: {  	p1 =	sle.u32 s29, $0x3;
	_ =	swait.ge [sflag:s23], $0x4000  }
0x49: {  	s0 =	simm.s32 @!p1 $0x11000;
	[sflag:s23] =	ssyncset.done $0x0  }
0x4a: {  	s30 =	simm.s32 @!p1 $0x80;
	s3 =	simm.s32 @!p1 $0x180;
	[sflag:s23] =	ssyncadd.s32 $0xFFFFC000  }
0x4b: {  	[tilespmem:s0], [sflag:$0x2] =	stream.indirect.gather @!p1 [hbm4b:s4+s30], $0x80, s3, s30, $0xb8;
	[tilespmem:$0x1F480] =	vst v63  }
0x4c: {  	s5 =	simm.s32 $0x2880  }
0x4d: {  	[spmem:s1] =	stream.indirect.scatter.add.f32 [tilespmem:s21], [sflag:$0x3], $0x80, s5, s19, $0xb8;
	[tilespmem:$0x1F480] =	vst v63  }
0x4e: {  	_ =	swait.ge [sflag:s16], $0x4000  }
0x4f: {  	[sflag:s16] =	ssyncset.done $0x0  }
0x50: {  	[sflag:s16] =	ssyncadd.s32 $0xFFFFC000  }
0x51: {  	p1 =	sle.u32 s29, $0x4;
	_ =	swait.ge [sflag:s22], $0x4000  }
0x52: {  	s0 =	simm.s32 @!p1 $0x5000;
	[sflag:s22] =	ssyncset.done $0x0  }
0x53: {  	s3 =	simm.s32 @!p1 $0x200;
	s30 =	simm.s32 @!p1 $0x80;
	[sflag:s22] =	ssyncadd.s32 $0xFFFFC000  }
0x54: {  	[tilespmem:s0], [sflag:$0x1] =	stream.indirect.gather @!p1 [hbm4b:s4+s30], $0x80, s3, s30, $0xb8;
	[tilespmem:$0x1F480] =	vst v63  }
0x55: {  	s7 =	simm.s32 $0x2900  }
0x56: {  	[spmem:s1] =	stream.indirect.scatter.add.f32 [tilespmem:s24], [sflag:$0x3], $0x80, s7, s19, $0xb8;
	[tilespmem:$0x1F480] =	vst v63  }
0x57: {  	_ =	swait.ge [sflag:s16], $0x4000  }
0x58: {  	[sflag:s16] =	ssyncset.done $0x0  }
0x59: {  	[sflag:s16] =	ssyncadd.s32 $0xFFFFC000  }
0x5a: {  	p1 =	sle.u32 s29, $0x5;
	_ =	swait.ge [sflag:s23], $0x4000  }
0x5b: {  	s0 =	simm.s32 @!p1 $0x9000;
	[sflag:s23] =	ssyncset.done $0x0  }
0x5c: {  	s3 =	simm.s32 @!p1 $0x280;
	s30 =	simm.s32 @!p1 $0x80;
	[sflag:s23] =	ssyncadd.s32 $0xFFFFC000  }
0x5d: {  	[tilespmem:s0], [sflag:$0x2] =	stream.indirect.gather @!p1 [hbm4b:s4+s30], $0x80, s3, s30, $0xb8;
	[tilespmem:$0x1F480] =	vst v63  }
0x5e: {  	p1 =	sne.s32 s29, $0x4  }
.Ltmp0:
0x5f: {  	_ = 	snop;
	(pc) =	sbr.rel @!p1 .LBB2_3-.Ltmp0, $4  }
0x60: {  	s8 =	simm.s32 $0x2980  }
0x61: {  	[spmem:s1] =	stream.indirect.scatter.add.f32 [tilespmem:s26], [sflag:$0x3], $0x80, s8, s19, $0xb8;
	[tilespmem:$0x1F480] =	vst v63  }
0x62: {  	_ =	swait.ge [sflag:s16], $0x4000  }
0x63: {  	s31 =	simm.s32 $0x0;
	s30 =	simm.s32 $0x4;
	[sflag:s16] =	ssyncset.done $0x0  }
.LBB2_2:
0x64: {  	[sflag:s16] =	ssyncadd.s32 $0xFFFFC000  }
0x65: {  	s31 =	sadd.s32 $0x800, s31;
	s3 =	smov.u32 s30;
	s30 =	sadd.s32 $0x4, s30  }
0x66: {  	s0 =	sadd.s32 $0x2, s3;
	p1 =	sne.s32 s29, s30  }
0x67: {  	_ =	swait.ge [sflag:s22], $0x4000;
	p2 =	sge.u32 s0, s29;
	s0 =	sshra.s32 s31, $0x2  }
0x68: {  	[sflag:s22] =	ssyncset.done $0x0;
	s5 =	sshra.s32 @!p2 s31, $0x2;
	s7 =	simm.s32 @!p2 $0xD000  }
0x69: {  	s8 =	simm.s32 @!p2 $0x80;
	[sflag:s22] =	ssyncadd.s32 $0xFFFFC000;
	s5 =	sadd.s32 @!p2 $0x100, s5  }
0x6a: {  	[tilespmem:s7], [sflag:$0x1] =	stream.indirect.gather @!p2 [hbm4b:s4+s8], $0x80, s5, s8, $0xb8;
	[tilespmem:$0x1F480] =	vst v63  }
0x6b: {  	s5 =	sadd.s32 $0x2800, s0  }
0x6c: {  	[spmem:s1] =	stream.indirect.scatter.add.f32 [tilespmem:s20], [sflag:$0x3], $0x80, s5, s19, $0xb8;
	[tilespmem:$0x1F480] =	vst v63  }
0x6d: {  	_ =	swait.ge [sflag:s16], $0x4000  }
0x6e: {  	[sflag:s16] =	ssyncset.done $0x0  }
0x6f: {  	s5 =	sadd.s32 $0x3, s3;
	[sflag:s16] =	ssyncadd.s32 $0xFFFFC000  }
0x70: {  	p2 =	sge.u32 s5, s29;
	_ =	swait.ge [sflag:s23], $0x4000  }
0x71: {  	s5 =	sshra.s32 @!p2 s31, $0x2;
	s7 =	simm.s32 @!p2 $0x11000;
	[sflag:s23] =	ssyncset.done $0x0  }
0x72: {  	s8 =	simm.s32 @!p2 $0x80;
	s5 =	sadd.s32 @!p2 $0x180, s5;
	[sflag:s23] =	ssyncadd.s32 $0xFFFFC000  }
0x73: {  	[tilespmem:s7], [sflag:$0x2] =	stream.indirect.gather @!p2 [hbm4b:s4+s8], $0x80, s5, s8, $0xb8;
	[tilespmem:$0x1F480] =	vst v63  }
0x74: {  	s5 =	sadd.s32 $0x2880, s0  }
0x75: {  	[spmem:s1] =	stream.indirect.scatter.add.f32 [tilespmem:s21], [sflag:$0x3], $0x80, s5, s19, $0xb8;
	[tilespmem:$0x1F480] =	vst v63  }
0x76: {  	_ =	swait.ge [sflag:s16], $0x4000  }
0x77: {  	[sflag:s16] =	ssyncset.done $0x0  }
0x78: {  	[sflag:s16] =	ssyncadd.s32 $0xFFFFC000  }
0x79: {  	p2 =	sge.u32 s30, s29;
	_ =	swait.ge [sflag:s22], $0x4000  }
0x7a: {  	s7 =	simm.s32 @!p2 $0x5000;
	s5 =	sshra.s32 @!p2 s31, $0x2;
	[sflag:s22] =	ssyncset.done $0x0  }
0x7b: {  	s8 =	simm.s32 @!p2 $0x80;
	s5 =	sadd.s32 @!p2 $0x200, s5;
	[sflag:s22] =	ssyncadd.s32 $0xFFFFC000  }
0x7c: {  	[tilespmem:s7], [sflag:$0x1] =	stream.indirect.gather @!p2 [hbm4b:s4+s8], $0x80, s5, s8, $0xb8;
	[tilespmem:$0x1F480] =	vst v63  }
0x7d: {  	s5 =	sadd.s32 $0x2900, s0  }
0x7e: {  	[spmem:s1] =	stream.indirect.scatter.add.f32 [tilespmem:s24], [sflag:$0x3], $0x80, s5, s19, $0xb8;
	[tilespmem:$0x1F480] =	vst v63  }
0x7f: {  	_ =	swait.ge [sflag:s16], $0x4000  }
0x80: {  	[sflag:s16] =	ssyncset.done $0x0  }
0x81: {  	s3 =	sadd.s32 $0x5, s3;
	[sflag:s16] =	ssyncadd.s32 $0xFFFFC000  }
0x82: {  	p2 =	sge.u32 s3, s29;
	_ =	swait.ge [sflag:s23], $0x4000  }
0x83: {  	s3 =	sshra.s32 @!p2 s31, $0x2;
	s5 =	simm.s32 @!p2 $0x9000;
	[sflag:s23] =	ssyncset.done $0x0  }
0x84: {  	s7 =	simm.s32 @!p2 $0x80;
	s3 =	sadd.s32 @!p2 $0x280, s3;
	[sflag:s23] =	ssyncadd.s32 $0xFFFFC000  }
0x85: {  	[tilespmem:s5], [sflag:$0x2] =	stream.indirect.gather @!p2 [hbm4b:s4+s7], $0x80, s3, s7, $0xb8;
	[tilespmem:$0x1F480] =	vst v63  }
.Ltmp1:
0x86: {  	_ = 	snop;
	(pc) =	sbr.rel @p1 .LBB2_2-.Ltmp1, $4  }
0x87: {  	s0 =	sadd.s32 $0x2980, s0  }
0x88: {  	[spmem:s1] =	stream.indirect.scatter.add.f32 [tilespmem:s26], [sflag:$0x3], $0x80, s0, s19, $0xb8;
	[tilespmem:$0x1F480] =	vst v63  }
0x89: {  	_ =	swait.ge [sflag:s16], $0x4000  }
0x8a: {  	[sflag:s16] =	ssyncset.done $0x0  }
.LBB2_3:
0x8b: {  	[sflag:s16] =	ssyncadd.s32 $0xFFFFC000;
	s29 =	simm.s32 $0x0  }
0x8c: {  	[tilespmem:s29], [sflag:$0x3] =	stream.linear.gather [hbm4b:s10+s29], $0x2800, $0x38;
	[tilespmem:$0x1F480] =	vst v63  }
0x8d: {  	_ =	swait.ge [sflag:s16], $0x2800  }
0x8e: {  	[sflag:s16] =	ssyncset.done $0x0  }
0x8f: {  	[sflag:s16] =	ssyncadd.s32 $0xFFFFD800  }
0x90: {  	[tilespmem:s17], [sflag:$0x3] =	stream.linear.gather [hbm4b:s11+s29], $0x2800, $0x38;
	[tilespmem:$0x1F480] =	vst v63  }
0x91: {  	_ =	swait.ge [sflag:s16], $0x2800  }
0x92: {  	[sflag:s16] =	ssyncset.done $0x0  }
0x93: {  	[sflag:s16] =	ssyncadd.s32 $0xFFFFD800  }
0x94: {  	[tilespmem:s18], [sflag:$0x3] =	stream.linear.gather [hbm4b:s12+s29], $0x80, $0x38;
	[tilespmem:$0x1F480] =	vst v63  }
0x95: {  	_ =	swait.ge [sflag:s16], $0x80  }
0x96: {  	[sflag:s16] =	ssyncset.done $0x0  }
0x97: {  	[sflag:s16] =	ssyncadd.s32 $0xFFFFFF80  }
0x98: {  	v0 =	vld [tilespmem:$0x15000];
	_ =	sdelay $0x4  }
0x99: {  	(v2sf) =	vpush v0, $0x0  }
0x9a: {  	(v2sf) =	vpush v0, $0x1;
	_ =	sdelay $0xa  }
0x9b: {  	[tilespmem:s20], [sflag:$0x1] =	stream.indirect.gather [hbm4b:s4+s19], $0x80, s29, s19, $0xb8;
	[tilespmem:$0x1F480] =	vst v63  }
0x9c: {  	_ = 	snop  }
0x9d: {  	[tilespmem:s21], [sflag:$0x2] =	stream.indirect.gather [hbm4b:s4+s19], $0x80, s19, s19, $0xb8;
	[tilespmem:$0x1F480] =	vst v63  }
0x9e: {  	s0 =	spop (v2sf)  }
0x9f: {  	s3 =	spop (v2sf)  }
0xa0: {  	s3 =	smov.u32 @p0 s0  }
0xa1: {  	s0 =	sadd.s32 $0x7F, s3  }
0xa2: {  	s3 =	sshra.s32 s0, $0x1F  }
0xa3: {  	s3 =	sshrl.u32 s3, $0x19  }
0xa4: {  	s0 =	sadd.s32 s3, s0  }
0xa5: {  	s0 =	sshra.s32 s0, $0x7  }
0xa6: {  	s0 =	sadd.s32 $0x3, s0  }
0xa7: {  	s8 =	sshrl.u32 s0, $0x1E  }
0xa8: {  	s0 =	sadd.s32 s8, s0  }
0xa9: {  	s0 =	sshra.s32 s0, $0x2  }
0xaa: {  	p1 =	sgt.s32 s0, $0x1  }
0xab: {  	_ =	swait.ge [sflag:s22], $0x4000;
	s0 =	simm.s32 @!p1 $0x1  }
0xac: {  	[sflag:s22] =	ssyncset.done $0x0;
	s30 =	sshll.u32 s0, $0x2  }
0xad: {  	[sflag:s22] =	ssyncadd.s32 $0xFFFFC000;
	p1 =	sle.u32 s30, $0x2  }
0xae: {  	s0 =	simm.s32 @!p1 $0xD000;
	s3 =	simm.s32 @!p1 $0x100;
	s5 =	simm.s32 @!p1 $0x80  }
0xaf: {  	[tilespmem:s0], [sflag:$0x1] =	stream.indirect.gather @!p1 [hbm4b:s4+s5], $0x80, s3, s5, $0xb8;
	[tilespmem:$0x1F480] =	vst v63  }
0xb0: {  	s3 =	simm.s32 $0x2800  }
0xb1: {  	[spmem:s1] =	stream.indirect.scatter.add.f32 [tilespmem:s20], [sflag:$0x3], $0x80, s3, s19, $0xb8;
	[tilespmem:$0x1F480] =	vst v63  }
0xb2: {  	_ =	swait.ge [sflag:s16], $0x4000  }
0xb3: {  	[sflag:s16] =	ssyncset.done $0x0  }
0xb4: {  	[sflag:s16] =	ssyncadd.s32 $0xFFFFC000  }
0xb5: {  	p1 =	sle.u32 s30, $0x3;
	_ =	swait.ge [sflag:s23], $0x4000  }
0xb6: {  	s0 =	simm.s32 @!p1 $0x11000;
	[sflag:s23] =	ssyncset.done $0x0  }
0xb7: {  	s5 =	simm.s32 @!p1 $0x80;
	s3 =	simm.s32 @!p1 $0x180;
	[sflag:s23] =	ssyncadd.s32 $0xFFFFC000  }
0xb8: {  	[tilespmem:s0], [sflag:$0x2] =	stream.indirect.gather @!p1 [hbm4b:s4+s5], $0x80, s3, s5, $0xb8;
	[tilespmem:$0x1F480] =	vst v63  }
0xb9: {  	s5 =	simm.s32 $0x2880  }
0xba: {  	[spmem:s1] =	stream.indirect.scatter.add.f32 [tilespmem:s21], [sflag:$0x3], $0x80, s5, s19, $0xb8;
	[tilespmem:$0x1F480] =	vst v63  }
0xbb: {  	_ =	swait.ge [sflag:s16], $0x4000  }
0xbc: {  	[sflag:s16] =	ssyncset.done $0x0  }
0xbd: {  	[sflag:s16] =	ssyncadd.s32 $0xFFFFC000  }
0xbe: {  	p1 =	sle.u32 s30, $0x4;
	_ =	swait.ge [sflag:s22], $0x4000  }
0xbf: {  	s0 =	simm.s32 @!p1 $0x5000;
	[sflag:s22] =	ssyncset.done $0x0  }
0xc0: {  	s3 =	simm.s32 @!p1 $0x200;
	s5 =	simm.s32 @!p1 $0x80;
	[sflag:s22] =	ssyncadd.s32 $0xFFFFC000  }
0xc1: {  	[tilespmem:s0], [sflag:$0x1] =	stream.indirect.gather @!p1 [hbm4b:s4+s5], $0x80, s3, s5, $0xb8;
	[tilespmem:$0x1F480] =	vst v63  }
0xc2: {  	s7 =	simm.s32 $0x2900  }
0xc3: {  	[spmem:s1] =	stream.indirect.scatter.add.f32 [tilespmem:s24], [sflag:$0x3], $0x80, s7, s19, $0xb8;
	[tilespmem:$0x1F480] =	vst v63  }
0xc4: {  	_ =	swait.ge [sflag:s16], $0x4000  }
0xc5: {  	[sflag:s16] =	ssyncset.done $0x0  }
0xc6: {  	[sflag:s16] =	ssyncadd.s32 $0xFFFFC000  }
0xc7: {  	p1 =	sle.u32 s30, $0x5;
	_ =	swait.ge [sflag:s23], $0x4000  }
0xc8: {  	s0 =	simm.s32 @!p1 $0x9000;
	[sflag:s23] =	ssyncset.done $0x0  }
0xc9: {  	s3 =	simm.s32 @!p1 $0x280;
	s5 =	simm.s32 @!p1 $0x80;
	[sflag:s23] =	ssyncadd.s32 $0xFFFFC000  }
0xca: {  	[tilespmem:s0], [sflag:$0x2] =	stream.indirect.gather @!p1 [hbm4b:s4+s5], $0x80, s3, s5, $0xb8;
	[tilespmem:$0x1F480] =	vst v63  }
0xcb: {  	p1 =	sne.s32 s30, $0x4  }
.Ltmp2:
0xcc: {  	_ = 	snop;
	(pc) =	sbr.rel @!p1 .LBB2_5-.Ltmp2, $4  }
0xcd: {  	s8 =	simm.s32 $0x2980  }
0xce: {  	[spmem:s1] =	stream.indirect.scatter.add.f32 [tilespmem:s26], [sflag:$0x3], $0x80, s8, s19, $0xb8;
	[tilespmem:$0x1F480] =	vst v63  }
0xcf: {  	_ =	swait.ge [sflag:s16], $0x4000  }
0xd0: {  	s31 =	simm.s32 $0x4;
	[sflag:s16] =	ssyncset.done $0x0  }
.LBB2_4:
0xd1: {  	[sflag:s16] =	ssyncadd.s32 $0xFFFFC000  }
0xd2: {  	s29 =	sadd.s32 $0x800, s29;
	s3 =	smov.u32 s31;
	s31 =	sadd.s32 $0x4, s31  }
0xd3: {  	s0 =	sadd.s32 $0x2, s3;
	p1 =	sne.s32 s30, s31  }
0xd4: {  	_ =	swait.ge [sflag:s22], $0x4000;
	p2 =	sge.u32 s0, s30;
	s0 =	sshra.s32 s29, $0x2  }
0xd5: {  	[sflag:s22] =	ssyncset.done $0x0;
	s5 =	sshra.s32 @!p2 s29, $0x2;
	s7 =	simm.s32 @!p2 $0xD000  }
0xd6: {  	s8 =	simm.s32 @!p2 $0x80;
	[sflag:s22] =	ssyncadd.s32 $0xFFFFC000;
	s5 =	sadd.s32 @!p2 $0x100, s5  }
0xd7: {  	[tilespmem:s7], [sflag:$0x1] =	stream.indirect.gather @!p2 [hbm4b:s4+s8], $0x80, s5, s8, $0xb8;
	[tilespmem:$0x1F480] =	vst v63  }
0xd8: {  	s5 =	sadd.s32 $0x2800, s0  }
0xd9: {  	[spmem:s1] =	stream.indirect.scatter.add.f32 [tilespmem:s20], [sflag:$0x3], $0x80, s5, s19, $0xb8;
	[tilespmem:$0x1F480] =	vst v63  }
0xda: {  	_ =	swait.ge [sflag:s16], $0x4000  }
0xdb: {  	[sflag:s16] =	ssyncset.done $0x0  }
0xdc: {  	s5 =	sadd.s32 $0x3, s3;
	[sflag:s16] =	ssyncadd.s32 $0xFFFFC000  }
0xdd: {  	p2 =	sge.u32 s5, s30;
	_ =	swait.ge [sflag:s23], $0x4000  }
0xde: {  	s5 =	sshra.s32 @!p2 s29, $0x2;
	s7 =	simm.s32 @!p2 $0x11000;
	[sflag:s23] =	ssyncset.done $0x0  }
0xdf: {  	s8 =	simm.s32 @!p2 $0x80;
	s5 =	sadd.s32 @!p2 $0x180, s5;
	[sflag:s23] =	ssyncadd.s32 $0xFFFFC000  }
0xe0: {  	[tilespmem:s7], [sflag:$0x2] =	stream.indirect.gather @!p2 [hbm4b:s4+s8], $0x80, s5, s8, $0xb8;
	[tilespmem:$0x1F480] =	vst v63  }
0xe1: {  	s5 =	sadd.s32 $0x2880, s0  }
0xe2: {  	[spmem:s1] =	stream.indirect.scatter.add.f32 [tilespmem:s21], [sflag:$0x3], $0x80, s5, s19, $0xb8;
	[tilespmem:$0x1F480] =	vst v63  }
0xe3: {  	_ =	swait.ge [sflag:s16], $0x4000  }
0xe4: {  	[sflag:s16] =	ssyncset.done $0x0  }
0xe5: {  	[sflag:s16] =	ssyncadd.s32 $0xFFFFC000  }
0xe6: {  	p2 =	sge.u32 s31, s30;
	_ =	swait.ge [sflag:s22], $0x4000  }
0xe7: {  	s7 =	simm.s32 @!p2 $0x5000;
	s5 =	sshra.s32 @!p2 s29, $0x2;
	[sflag:s22] =	ssyncset.done $0x0  }
0xe8: {  	s8 =	simm.s32 @!p2 $0x80;
	s5 =	sadd.s32 @!p2 $0x200, s5;
	[sflag:s22] =	ssyncadd.s32 $0xFFFFC000  }
0xe9: {  	[tilespmem:s7], [sflag:$0x1] =	stream.indirect.gather @!p2 [hbm4b:s4+s8], $0x80, s5, s8, $0xb8;
	[tilespmem:$0x1F480] =	vst v63  }
0xea: {  	s5 =	sadd.s32 $0x2900, s0  }
0xeb: {  	[spmem:s1] =	stream.indirect.scatter.add.f32 [tilespmem:s24], [sflag:$0x3], $0x80, s5, s19, $0xb8;
	[tilespmem:$0x1F480] =	vst v63  }
0xec: {  	_ =	swait.ge [sflag:s16], $0x4000  }
0xed: {  	[sflag:s16] =	ssyncset.done $0x0  }
0xee: {  	s3 =	sadd.s32 $0x5, s3;
	[sflag:s16] =	ssyncadd.s32 $0xFFFFC000  }
0xef: {  	p2 =	sge.u32 s3, s30;
	_ =	swait.ge [sflag:s23], $0x4000  }
0xf0: {  	s3 =	sshra.s32 @!p2 s29, $0x2;
	s5 =	simm.s32 @!p2 $0x9000;
	[sflag:s23] =	ssyncset.done $0x0  }
0xf1: {  	s7 =	simm.s32 @!p2 $0x80;
	s3 =	sadd.s32 @!p2 $0x280, s3;
	[sflag:s23] =	ssyncadd.s32 $0xFFFFC000  }
0xf2: {  	[tilespmem:s5], [sflag:$0x2] =	stream.indirect.gather @!p2 [hbm4b:s4+s7], $0x80, s3, s7, $0xb8;
	[tilespmem:$0x1F480] =	vst v63  }
.Ltmp3:
0xf3: {  	_ = 	snop;
	(pc) =	sbr.rel @p1 .LBB2_4-.Ltmp3, $4  }
0xf4: {  	s0 =	sadd.s32 $0x2980, s0  }
0xf5: {  	[spmem:s1] =	stream.indirect.scatter.add.f32 [tilespmem:s26], [sflag:$0x3], $0x80, s0, s19, $0xb8;
	[tilespmem:$0x1F480] =	vst v63  }
0xf6: {  	_ =	swait.ge [sflag:s16], $0x4000  }
0xf7: {  	[sflag:s16] =	ssyncset.done $0x0  }
.LBB2_5:
0xf8: {  	s28 =	sadd.s32 $0x1, s28  }
0xf9: {  	[sflag:s16] =	ssyncadd.s32 $0xFFFFC000;
	p1 =	sne.s32 s28, s14  }
.Ltmp4:
0xfa: {  	[bflag:$0x0] =	sbarrier.arrive $0xFFFF;
	(pc) =	sbr.rel @p1 .LBB2_1-.Ltmp4, $4  }
0xfb: {  	[hbm:s13], [sflag:s6] =	dma.local [spmem:s25], $0x1400  }
0xfc: {  	_ =	swait.ge [sflag:s16], $0x1400  }
0xfd: {  	[sflag:s16] =	ssyncset.done $0x0  }
0xfe: {  	[sflag:s16] =	ssyncadd.s32 $0xFFFFEC00  }
0xff: {  	_ =	sfence.sel $0x180000  }
0x100: {  	[bflag:$0x0] =	sbarrier.arrive $0xFFFF  }
0x101: {  	_ =	strace $0x9000004D  }
0x102: {  	s0 =	stileid.u32;
	[bflag:$0x2] =	sbarrier.arrive $0xFFFF  }
0x103: {  	p0 =	sne.s32 s0, $0x0;
	s0 =	rddreg [dreg:$0x2]  }
0x104: {  	s0 =	sadd.s32 @!p0 $0x100000, s0  }
0x105: {  	[sflag:s0] =	ssyncadd.tile.s32 @!p0 $0x1;
	_ =	shalt  }
.Lfunc_end2:
_tile_overlayer_lowered:
.L_overlay_start_2:
0x106: {  	(tag) =	ssettag $0x2  }
0x107: {  	s0 =	rddreg [dreg:$0x0];
	s2 =	stileid.u32  }
0x108: {  	s1 =	rddreg [dreg:$0x1];
	p0 =	sne.s32 s2, $0x0  }
0x109: {  	s3 =	rddreg [dreg:$0x2];
	[bflag:$0x3] =	sbarrier.arrive $0xFFFF;
	s2 =	simm.s32 @!p0 $0x1C03  }
0x10a: {  	[timem:s3], [sflag:s2] =	dma.local @!p0 [hbm:s0], s1  }
0x10b: {  	s0 =	simm.s32 @!p0 $0x3  }
0x10c: {  	_ =	swait.ge @!p0 [sflag:s0], s1  }
0x10d: {  	s1 =	ssub.s32 @!p0 $0x0, s1;
	[sflag:s0] =	ssyncset.done @!p0 $0x0  }
0x10e: {  	[sflag:s0] =	ssyncadd.s32 @!p0 s1  }
0x10f: {  	[bflag:$0x3] =	sbarrier.arrive $0xFFFF  }
0x110: {  	_ =	shalt  }

// kernel: kernel.8.cloned.1.call-start
scs
__scs_entry_jumppad:
0x0: {  	(pc) =	sbr.rel $0x88, $3  }
0x1: {  	(tag) =	ssettag $0x0;
	lr =	simm.s32 $0x1  }
0x2: {  	[smem:$0x3F99] =	sst lr;
	_ =	strace $0xD0000000  }
0x3: {  	_ = 	snop  }
0x4: {  	_ = 	snop  }
0x5: {  	_ = 	snop  }
0x6: {  	_ = 	snop  }
0x7: {  	_ = 	snop  }
__scs_overlays_trampoline_lowered:
0x8: {  	[smem:$0x3FA8] =	sst s0  }
0x9: {  	[smem:$0x3FA9] =	sst s1  }
0xa: {  	[smem:$0x3FAA] =	sst s2  }
0xb: {  	[smem:$0x3FAB] =	sst s3  }
0xc: {  	[smem:$0x3FAC] =	sst s4  }
0xd: {  	[smem:$0x3FAD] =	sst s5  }
0xe: {  	[smem:$0x3FAE] =	sst s6  }
0xf: {  	[smem:$0x3FAF] =	sst s7  }
0x10: {  	[smem:$0x3FB0] =	sst s8  }
0x11: {  	[smem:$0x3FB1] =	sst s9;
	s0 =	simm.s32 @!p0 $0x0  }
0x12: {  	s1 =	sld [smem:$0x3F97];
	s0 =	simm.s32 @p0 $0x1  }
0x13: {  	[smem:$0x3FB2] =	sst s0;
	s0 =	simm.s32 @!p1 $0x0  }
0x14: {  	s2 =	sld [smem:$0x3F96];
	s0 =	simm.s32 @p1 $0x1  }
0x15: {  	[smem:$0x3FB3] =	sst s0;
	s0 =	simm.s32 @!p2 $0x0  }
0x16: {  	s3 =	sld [smem:$0x3FDB];
	s0 =	simm.s32 @p2 $0x1  }
0x17: {  	s4 =	simm.s32 $0x1BF5;
	[smem:$0x3FB5] =	sst s0  }
0x18: {  	s0 =	sld [smem:$0x3F98];
	_ =	swait.ge [sflag:s4], $0x0  }
0x19: {  	s7 =	sld [smem:$0x3F99]  }
0x1a: {  	s8 =	sadd.s32 $0xFFFFE003, lr  }
0x1b: {  	s9 =	sadd.s32 $0xFFFFFEF7, lr;
	s5 =	simm.s32 $0xFFFFFFFF;
	p2 =	slt.u32 s8, $0xFFFFF086  }
0x1c: {  	p1 =	slt.u32 s9, $0xF7A;
	s5 =	simm.s32 @!p2 $0x0  }
0x1d: {  	s5 =	simm.s32 @p1 $0x1;
	p0 =	seq.s32 s7, s2  }
0x1e: {  	s7 =	smul.u32 @!p0 $0xF7A, s2;
	p2 =	seq.s32 @!p0 s5, $0x0  }
0x1f: {  	s9 =	smul.u32 $0xF7A, s1;
	s8 =	simm.s32 @!p0 $0x1BF5;
	p2 =	por !p2, p0  }
0x20: {  	[sflag:s8] =	ssyncset.s32 @!p0 $0xFFFFF086;
	s6 =	sadd.s32 @!p0 s3, s7;
	s7 =	simm.s32 @!p0 $0x108  }
0x21: {  	s3 =	sadd.s32 s3, s9;
	s6 =	sadd.s32 @!p0 $0x88, s6;
	s7 =	simm.s32 @p2 $0x1082  }
0x22: {  	[simem:s7], [sflag:s8] =	dma.local @!p0 [hbm:s6], $0xF7A  }
0x23: {  	s9 =	sor.u32 $0xD0000000, s2;
	s6 =	simm.s32 $0x108;
	_ =	swait.ge @!p0 [sflag:s8], $0x0  }
0x24: {  	s3 =	sadd.s32 $0x88, s3;
	s6 =	simm.s32 @!p1 $0x1082;
	[sflag:s4] =	ssyncset.s32 $0xFFFFF086  }
0x25: {  	[simem:s6], [sflag:s4] =	dma.local [hbm:s3], $0xF7A  }
0x26: {  	[smem:$0x3F99] =	sst s1;
	(tag) =	ssettag s2;
	_ =	strace s9  }
0x27: {  	s1 =	sld [smem:$0x3FA9]  }
0x28: {  	s2 =	sld [smem:$0x3FAA]  }
0x29: {  	s4 =	sld [smem:$0x3FAC]  }
0x2a: {  	p0 =	seq.s32 s5, $0x0;
	s5 =	sld [smem:$0x3FAD]  }
0x2b: {  	s6 =	sld [smem:$0x3FAE]  }
0x2c: {  	s7 =	sld [smem:$0x3FAF]  }
0x2d: {  	s3 =	simm.s32 $0x108;
	s8 =	sld [smem:$0x3FB0]  }
0x2e: {  	s3 =	simm.s32 @!p0 $0x1082;
	s9 =	sld [smem:$0x3FB1]  }
0x2f: {  	lr =	sadd.s32 s0, s3;
	s0 =	sld [smem:$0x3FA8]  }
0x30: {  	s3 =	sld [smem:$0x3FAB]  }
0x31: {  	[smem:$0x3FB4] =	sst s10  }
0x32: {  	s10 =	sld [smem:$0x3FB2];
	_ =	sdelay $0x3  }
0x33: {  	p0 =	seq.s32 s10, $0x1;
	s10 =	sld [smem:$0x3FB4];
	_ =	sdelay $0x3  }
0x34: {  	[smem:$0x3FB4] =	sst s10  }
0x35: {  	s10 =	sld [smem:$0x3FB3];
	_ =	sdelay $0x3  }
0x36: {  	p1 =	seq.s32 s10, $0x1;
	s10 =	sld [smem:$0x3FB4];
	_ =	sdelay $0x3  }
0x37: {  	[smem:$0x3FB4] =	sst s10  }
0x38: {  	s10 =	sld [smem:$0x3FB5]  }
0x39: {  	_ = 	snop;
	(pc) =	sbr.ind lr, $3  }
0x3a: {  	_ = 	snop  }
0x3b: {  	_ = 	snop  }
0x3c: {  	p2 =	seq.s32 s10, $0x1;
	s10 =	sld [smem:$0x3FB4]  }
0x3d: {  	_ =	shalt  }
0x3e: {  	_ =	shalt  }
0x3f: {  	_ =	shalt  }
0x40: {  	_ =	shalt  }
0x41: {  	_ =	shalt  }
0x42: {  	_ =	shalt  }
0x43: {  	_ =	shalt  }
0x44: {  	_ =	shalt  }
0x45: {  	_ =	shalt  }
0x46: {  	_ =	shalt  }
0x47: {  	_ =	shalt  }
0x48: {  	_ =	shalt  }
0x49: {  	_ =	shalt  }
0x4a: {  	_ =	shalt  }
0x4b: {  	_ =	shalt  }
0x4c: {  	_ =	shalt  }
0x4d: {  	_ =	shalt  }
0x4e: {  	_ =	shalt  }
0x4f: {  	_ =	shalt  }
0x50: {  	_ =	shalt  }
0x51: {  	_ =	shalt  }
0x52: {  	_ =	shalt  }
0x53: {  	_ =	shalt  }
0x54: {  	_ =	shalt  }
0x55: {  	_ =	shalt  }
0x56: {  	_ =	shalt  }
0x57: {  	_ =	shalt  }
0x58: {  	_ =	shalt  }
0x59: {  	_ =	shalt  }
0x5a: {  	_ =	shalt  }
0x5b: {  	_ =	shalt  }
0x5c: {  	_ =	shalt  }
0x5d: {  	_ =	shalt  }
0x5e: {  	_ =	shalt  }
0x5f: {  	_ =	shalt  }
0x60: {  	_ =	shalt  }
0x61: {  	_ =	shalt  }
0x62: {  	_ =	shalt  }
0x63: {  	_ =	shalt  }
0x64: {  	_ =	shalt  }
0x65: {  	_ =	shalt  }
0x66: {  	_ =	shalt  }
0x67: {  	_ =	shalt  }
0x68: {  	_ =	shalt  }
0x69: {  	_ =	shalt  }
0x6a: {  	_ =	shalt  }
0x6b: {  	_ =	shalt  }
0x6c: {  	_ =	shalt  }
0x6d: {  	_ =	shalt  }
0x6e: {  	_ =	shalt  }
0x6f: {  	_ =	shalt  }
0x70: {  	_ =	shalt  }
0x71: {  	_ =	shalt  }
0x72: {  	_ =	shalt  }
0x73: {  	_ =	shalt  }
0x74: {  	_ =	shalt  }
0x75: {  	_ =	shalt  }
0x76: {  	_ =	shalt  }
0x77: {  	_ =	shalt  }
0x78: {  	_ =	shalt  }
0x79: {  	_ =	shalt  }
0x7a: {  	_ =	shalt  }
0x7b: {  	_ =	shalt  }
0x7c: {  	_ =	shalt  }
0x7d: {  	_ =	shalt  }
0x7e: {  	_ =	shalt  }
0x7f: {  	_ =	shalt  }
0x80: {  	_ =	shalt  }
0x81: {  	_ =	shalt  }
0x82: {  	_ =	shalt  }
0x83: {  	_ =	shalt  }
0x84: {  	_ =	shalt  }
0x85: {  	_ =	shalt  }
0x86: {  	_ =	shalt  }
0x87: {  	_ =	shalt  }
.Lfunc_end0:
.L_simem_size_0:
called_computation_lowered:
.L_overlay_start_0:
0x88: {  	s2 =	sld [smem:$0x3FD9]  }
0x89: {  	s3 =	sld [smem:$0x3FFE];
	_ =	sdelay $0x1  }
0x8a: {  	s1 =	srdreg.scid  }
0x8b: {  	s0 =	sand.u32 $0x1, s1  }
0x8c: {  	s16 =	sshll.u32 s0, $0xA;
	s2 =	sadd.s32 s3, s2  }
0x8d: {  	s2 =	sadd.s32 s2, s16  }
0x8e: {  	[smem:$0x3FC0] =	sst s2  }
0x8f: {  	_ = 	snop  }
0x90: {  	(tm) =	ssettm $0x1  }
0x91: {  	s17 =	sld [smem:$0x3FFB];
	_ =	sdelay $0x3  }
0x92: {  	_ =	strace s17  }
0x93: {  	s2 =	sld [smem:$0x3FFC];
	_ =	sdelay $0x3  }
0x94: {  	_ =	strace s2  }
0x95: {  	s2 =	sld [smem:$0x3FFD];
	_ =	sdelay $0x3  }
0x96: {  	_ =	strace s2  }
0x97: {  	_ =	strace $0x8FFFFFFF  }
0x98: {  	s18 =	sld [smem:$0x3FDB];
	_ =	sdelay $0x1  }
0x99: {  	s19 =	simm.s32 $_scs_section_size  }
0x9a: {  	s4 =	simm.s32 $_size__tile_overlayer_lowered;
	s5 =	simm.s32 $_tile_overlayer_lowered  }
0x9b: {  	s22 =	simm.s32 $0x1BFF;
	s21 =	sshll.u32 s5, $0x1;
	s2 =	sadd.s32 s19, s18  }
0x9c: {  	s6 =	simm.s32 $0x0;
	s20 =	sshll.u32 s4, $0x1;
	s4 =	sadd.s32 s21, s2  }
0x9d: {  	[timem:s6], [sflag:s22] =	dma.local [hbm:s4], s20  }
0x9e: {  	_ =	swait.ge [sflag:s22], s20  }
0x9f: {  	s3 =	ssub.s32 $0x0, s20;
	[sflag:s22] =	ssyncset.done $0x0  }
0xa0: {  	[sflag:s22] =	ssyncadd.s32 s3;
	_ =	sdelay $0x1  }
0xa1: {  	s23 =	simm.s32 $0x1B8B  }
0xa2: {  	_ =	swait.ge [sflag:s23], $0x1  }
0xa3: {  	[sflag:s23] =	ssyncset.done $0x0  }
0xa4: {  	s25 =	simm.s32 $0x1B8E;
	s24 =	sld [smem:$0x3FFE];
	[sflag:s23] =	ssyncadd.s32 $0xFFFFFFFF  }
0xa5: {  	s26 =	simm.s32 $execute0_lowered;
	[smem:$0x3FD2] =	sst s25  }
0xa6: {  	s4 =	sshll.u32 s26, $0x1;
	_ =	strace $0x80000046;
	[dreg:$0x1] =	wrdreg $0xFFFFFFFF  }
0xa7: {  	s28 =	simm.s32 $_size_execute0_lowered;
	s2 =	sadd.s32 s2, s4;
	[dreg:$0x0] =	wrdreg $0x0  }
0xa8: {  	s4 =	sshll.u32 s28, $0x1;
	[dreg:$0x2] =	wrdreg s2  }
0xa9: {  	[dreg:$0x3] =	wrdreg s4  }
0xaa: {  	[dreg:$0x4] =	wrdreg $0xC0  }
0xab: {  	_ =	task [dreg:s6], $0x5FFFF  }
0xac: {  	[dreg:$0x1] =	wrdreg $0xFFFFFFFF  }
0xad: {  	[dreg:$0x0] =	wrdreg $0x60  }
0xae: {  	[dreg:$0x2] =	wrdreg s24  }
0xaf: {  	[dreg:$0x3] =	wrdreg $0x9  }
0xb0: {  	_ =	task.clear_ibuf [dreg:s6], $0x4FFFF;
	_ =	strace $0x90000046  }
0xb1: {  	s29 =	simm.s32 $0x9;
	_ =	strace $0x80000048  }
0xb2: {  	_ =	swait.ge [sflag:s29], $0x1  }
0xb3: {  	[sflag:s29] =	ssyncadd.s32 $0xFFFFFFFF  }
0xb4: {  	_ =	strace $0x90000048  }
0xb5: {  	_ =	sfence  }
0xb6: {  	s30 =	sld [smem:$0x0];
	_ =	sdelay $0x2  }
0xb7: {  	s31 =	sshll.u32 s1, $0xD;
	s1 =	sshrl.u32 s1, $0x2  }
0xb8: {  	s3 =	sand.u32 $0x4000, s31;
	s1 =	sadd.s32 s1, s30  }
0xb9: {  	s0 =	sor.u32 s3, s0;
	s1 =	sshll.u32 s1, $0x11  }
0xba: {  	s0 =	sor.u32 s1, s0  }
0xbb: {  	s0 =	sadd.s32 $0x8F2B, s0  }
0xbc: {  	[sflag:s0] =	ssyncadd.remote.s32 $0x1  }
0xbd: {  	_ =	sfence.sel $0xFFFF  }
0xbe: {  	[dreg:$0x0] =	wrdreg $0xFFFFFFFF;
	(pc) =	sbr.abs _section_cstart, $3  }
0xbf: {  	[dreg:$0x1] =	wrdreg $0xFFFFFFFF  }
0xc0: {  	_ =	task.clear_ibuf [dreg:s6], $0x2FFFF;
	_ =	strace $0x9FFFFFFF  }
0xc1: {  	(tm) =	ssettm $0x7FFFFFFF  }
tec
execute0_lowered:
.L_overlay_start_1:
0x0: {  	(tag) =	ssettag $0x1  }
0x1: {  	s0 =	srdreg.scid;
	s7 =	rddreg [dreg:$0x0]  }
0x2: {  	s1 =	stileid.u32;
	s2 =	simm.s32 $0x0;
	s18 =	simm.s32 $0x5000  }
0x3: {  	s19 =	simm.s32 $0x7880;
	s20 =	simm.s32 $0xA100;
	s21 =	simm.s32 $0xC980  }
0x4: {  	s22 =	simm.s32 $0xF280;
	s23 =	simm.s32 $0x11A80;
	s24 =	simm.s32 $0xF200  }
0x5: {  	s25 =	simm.s32 $0x80;
	s6 =	sand.u32 $0x1, s0;
	s0 =	rddreg [dreg:$0x1]  }
0x6: {  	s28 =	simm.s32 $0x400;
	s29 =	simm.s32 $0x0;
	[smem:$0x7FF] =	sst s2  }
0x7: {  	s4 =	sadd.s32 $0x2E00, s7;
	s5 =	sadd.s32 $0x17400, s7;
	s11 =	sshll.u32 s1, $0x7  }
0x8: {  	s13 =	sadd.s32 $0x17A00, s7;
	s14 =	sadd.s32 $0x2BA00, s7;
	s3 =	sshll.u32 s6, $0x4  }
0x9: {  	_ =	strace $0x80000047;
	s6 =	ssub.s32 $0x2, s6;
	s8 =	sor.u32 s1, s3  }
0xa: {  	s11 =	sand.u32 $0x380, s11;
	s26 =	sshrl.u32 s6, $0x1;
	s3 =	smul.u32 $0x500, s8  }
0xb: {  	s10 =	sshrl.u32 s8, $0x3;
	s15 =	smul.u32 $0xA00, s8;
	s17 =	ssub.s32 s6, s26  }
0xc: {  	s26 =	simm.s32 $0x100;
	s12 =	sshll.u32 s10, $0xA;
	s10 =	smul.u32 $0x14000, s10  }
0xd: {  	s9 =	sadd.s32 s3, s7;
	s3 =	sadd.s32 $0x2800, s7;
	s12 =	sor.u32 s11, s12  }
0xe: {  	s31 =	sor.u32 $0x10, s15;
	s12 =	sshrl.u32 s12, $0x3;
	s10 =	sor.u32 s11, s10  }
0xf: {  	s6 =	sadd.s32 $0xD400, s9;
	s11 =	sadd.s32 s14, s15;
	s10 =	sshrl.u32 s10, $0x3  }
0x10: {  	s30 =	sadd.s32 s12, s7;
	s12 =	sadd.s32 s14, s31;
	s16 =	sadd.s32 s10, s7  }
0x11: {  	s7 =	sadd.s32 $0x3400, s9;
	s8 =	sadd.s32 $0x53A00, s30;
	s9 =	sadd.s32 s13, s15  }
0x12: {  	s10 =	sadd.s32 s13, s31;
	s15 =	smax.u32 s17, $0x1;
	s17 =	simm.s32 $0x2800  }
0x13: {  	v0 =	vimm.s32 $0x0;
	vm0 =	vcmask $0x3F08;
	s13 =	sadd.s32 $0x3FA00, s16;
	s14 =	sadd.s32 $0x49A00, s16;
	s16 =	simm.s32 $0x1  }
.LBB2_1:
0x14: {  	[tilespmem:s2], [sflag:$0x1] =	stream.linear.gather [hbm4b:s6+s2], $0x2800, $0x38;
	[tilespmem:$0x14280] =	vst v63  }
0x15: {  	_ =	swait.ge [sflag:s16], $0x2800  }
0x16: {  	[sflag:s16] =	ssyncset.done $0x0  }
0x17: {  	[sflag:s16] =	ssyncadd.s32 $0xFFFFD800  }
0x18: {  	[tilespmem:s17], [sflag:$0x1] =	stream.linear.gather [hbm4b:s7+s2], $0x2800, $0x38;
	[tilespmem:$0x14280] =	vst v63  }
0x19: {  	_ =	swait.ge [sflag:s16], $0x2800  }
0x1a: {  	[sflag:s16] =	ssyncset.done $0x0  }
0x1b: {  	[sflag:s16] =	ssyncadd.s32 $0xFFFFD800  }
0x1c: {  	[tilespmem:s18], [sflag:$0x1] =	stream.linear.gather [hbm4b:s3+s2], $0x2880, $0x38;
	[tilespmem:$0x14280] =	vst v63  }
0x1d: {  	_ =	swait.ge [sflag:s16], $0x2880  }
0x1e: {  	[sflag:s16] =	ssyncset.done $0x0  }
0x1f: {  	[sflag:s16] =	ssyncadd.s32 $0xFFFFD780  }
0x20: {  	[tilespmem:s19], [sflag:$0x1] =	stream.linear.gather [hbm4b:s3+s2], $0x2880, $0x38;
	[tilespmem:$0x14280] =	vst v63  }
0x21: {  	_ =	swait.ge [sflag:s16], $0x2880  }
0x22: {  	[sflag:s16] =	ssyncset.done $0x0  }
0x23: {  	[sflag:s16] =	ssyncadd.s32 $0xFFFFD780  }
0x24: {  	[tilespmem:s20], [sflag:$0x1] =	stream.linear.gather [hbm4b:s4+s2], $0x2880, $0x38;
	[tilespmem:$0x14280] =	vst v63  }
0x25: {  	_ =	swait.ge [sflag:s16], $0x2880  }
0x26: {  	[sflag:s16] =	ssyncset.done $0x0  }
0x27: {  	[sflag:s16] =	ssyncadd.s32 $0xFFFFD780  }
0x28: {  	[tilespmem:s21], [sflag:$0x1] =	stream.linear.gather [hbm4b:s4+s2], $0x2880, $0x38;
	[tilespmem:$0x14280] =	vst v63  }
0x29: {  	_ =	swait.ge [sflag:s16], $0x2880  }
0x2a: {  	[sflag:s16] =	ssyncset.done $0x0  }
0x2b: {  	[sflag:s16] =	ssyncadd.s32 $0xFFFFD780  }
0x2c: {  	[tilespmem:s22], [sflag:$0x1] =	stream.linear.gather [hbm4b:s5+s2], $0x2800, $0x38;
	[tilespmem:$0x14280] =	vst v63  }
0x2d: {  	_ =	swait.ge [sflag:s16], $0x2800  }
0x2e: {  	[sflag:s16] =	ssyncset.done $0x0  }
0x2f: {  	[sflag:s16] =	ssyncadd.s32 $0xFFFFD800  }
0x30: {  	[tilespmem:s23], [sflag:$0x1] =	stream.linear.gather [hbm4b:s5+s2], $0x2800, $0x38;
	[tilespmem:$0x14280] =	vst v63  }
0x31: {  	_ =	swait.ge [sflag:s16], $0x2800  }
0x32: {  	[sflag:s16] =	ssyncset.done $0x0  }
0x33: {  	s30 =	simm.s32 $0x0;
	v1 =	vimm.s32 $0x0;
	v2 =	vimm.s32 $0x0;
	[sflag:s16] =	ssyncadd.s32 $0xFFFFD800  }
.LBB2_2:
0x34: {  	s31 =	sshra.s32 s30, $0x2  }
0x35: {  	v3 =	vld [tilespmem:s31+$0x0]  }
0x36: {  	v4 =	vld [tilespmem:s31+$0x2800];
	_ =	sdelay $0x3  }
0x37: {  	(xrf1) =	vunique.msk.u32 $0xffff, v3  }
0x38: {  	(xrf1) =	vunique.msk.u32 $0xffff, v4;
	_ =	sdelay $0x3  }
0x39: {  	vm4 =	vlt.s32 v4, $0x1400  }
0x3a: {  	v5 =	vsel vm4, $0x1, v0  }
0x3b: {  	(xrf0) =	vadd.scan.msk.s32 $0xffff, v5;
	_ =	sdelay $0x1  }
0x3c: {  	vm2 =	vge.s32 v4, $0x1400  }
0x3d: {  	v51 =	vsel vm2, $0x1, v0  }
0x3e: {  	(xrf0) =	vadd.scan.msk.s32 $0xffff, v51;
	_ =	sdelay $0x1  }
0x3f: {  	v7, _, _ =	vpop (xrf0)  }
0x40: {  	_, v52, vm1 =	vpop (xrf1)  }
0x41: {  	_, v6, vm3 =	vpop (xrf1)  }
0x42: {  	v7 =	vadd.s32 v7, v2  }
0x43: {  	v8, _, _ =	vpop (xrf0);
	v7 =	vadd.s32 $0xFFFFFFFF, v7  }
0x44: {  	v8 =	vadd.s32 v8, v1  }
0x45: {  	v8 =	vadd.s32 $0xFFFFFFFF, v8  }
0x46: {  	[tilespmem:v3+s22+$0x0] =	vst.idx.add.s32.msk vm1, v52  }
0x47: {  	[tilespmem:v4+s23+$0x0] =	vst.idx.add.s32.msk vm3, v6  }
0x48: {  	[tilespmem:v7+s18+$0x0] =	vst.idx.msk vm4, v3  }
0x49: {  	[tilespmem:v7+s20+$0x0] =	vst.idx.msk vm4, v4  }
0x4a: {  	[tilespmem:v8+s19+$0x0] =	vst.idx.msk vm2, v3;
	v3 =	vadd.s32 $0xFFFFEC00, v4  }
0x4b: {  	[tilespmem:v8+s21+$0x0] =	vst.idx.msk vm2, v3  }
0x4c: {  	v3 =	vld [tilespmem:s31+$0x10]  }
0x4d: {  	v53 =	vld [tilespmem:s31+$0x2810];
	_ =	sdelay $0x3  }
0x4e: {  	(xrf1) =	vunique.msk.u32 $0xffff, v3  }
0x4f: {  	(xrf1) =	vunique.msk.u32 $0xffff, v53;
	_ =	sdelay $0x3  }
0x50: {  	vm3 =	vlt.s32 v53, $0x1400  }
0x51: {  	v54 =	vsel vm3, $0x1, v0  }
0x52: {  	(xrf0) =	vadd.scan.msk.s32 $0xffff, v54;
	_ =	sdelay $0x1  }
0x53: {  	vm1 =	vge.s32 v53, $0x1400  }
0x54: {  	v55 =	vsel vm1, $0x1, v0  }
0x55: {  	(xrf0) =	vadd.scan.msk.s32 $0xffff, v55;
	_ =	sdelay $0x1  }
0x56: {  	v56 =	vmpcnt.ones.xlane vm4;
	v60, _, _ =	vpop (xrf0)  }
0x57: {  	_, v57, vm15 =	vpop (xrf1)  }
0x58: {  	v59 =	vmpcnt.ones.xlane vm2;
	v2 =	vadd.s32 v2, v56;
	_, v58, vm5 =	vpop (xrf1)  }
0x59: {  	v8 =	vadd.s32 v60, v2  }
0x5a: {  	v1 =	vadd.s32 v1, v59;
	v62, _, _ =	vpop (xrf0);
	v61 =	vadd.s32 $0xFFFFFFFF, v8  }
0x5b: {  	v8 =	vadd.s32 v62, v1  }
0x5c: {  	v8 =	vadd.s32 $0xFFFFFFFF, v8  }
0x5d: {  	[tilespmem:v3+s22+$0x0] =	vst.idx.add.s32.msk vm15, v57  }
0x5e: {  	[tilespmem:v53+s23+$0x0] =	vst.idx.add.s32.msk vm5, v58  }
0x5f: {  	[tilespmem:v61+s18+$0x0] =	vst.idx.msk vm3, v3  }
0x60: {  	[tilespmem:v61+s20+$0x0] =	vst.idx.msk vm3, v53  }
0x61: {  	[tilespmem:v8+s19+$0x0] =	vst.idx.msk vm1, v3;
	v3 =	vadd.s32 $0xFFFFEC00, v53  }
0x62: {  	[tilespmem:v8+s21+$0x0] =	vst.idx.msk vm1, v3  }
0x63: {  	v3 =	vld [tilespmem:s31+$0x20]  }
0x64: {  	v63 =	vld [tilespmem:s31+$0x2820];
	_ =	sdelay $0x3  }
0x65: {  	(xrf1) =	vunique.msk.u32 $0xffff, v3  }
0x66: {  	(xrf1) =	vunique.msk.u32 $0xffff, v63;
	_ =	sdelay $0x3  }
0x67: {  	vm8 =	vlt.s32 v63, $0x1400  }
0x68: {  	v9 =	vsel vm8, $0x1, v0  }
0x69: {  	(xrf0) =	vadd.scan.msk.s32 $0xffff, v9;
	_ =	sdelay $0x1  }
0x6a: {  	vm2 =	vge.s32 v63, $0x1400  }
0x6b: {  	v10 =	vsel vm2, $0x1, v0  }
0x6c: {  	(xrf0) =	vadd.scan.msk.s32 $0xffff, v10;
	_ =	sdelay $0x1  }
0x6d: {  	v11 =	vmpcnt.ones.xlane vm3;
	v14, _, _ =	vpop (xrf0)  }
0x6e: {  	_, v12, vm3 =	vpop (xrf1)  }
0x6f: {  	v13 =	vmpcnt.ones.xlane vm1;
	v2 =	vadd.s32 v2, v11;
	_, v7, vm5 =	vpop (xrf1)  }
0x70: {  	v8 =	vadd.s32 v14, v2  }
0x71: {  	v1 =	vadd.s32 v1, v13;
	v16, _, _ =	vpop (xrf0);
	v15 =	vadd.s32 $0xFFFFFFFF, v8  }
0x72: {  	v8 =	vadd.s32 v16, v1  }
0x73: {  	v8 =	vadd.s32 $0xFFFFFFFF, v8  }
0x74: {  	[tilespmem:v3+s22+$0x0] =	vst.idx.add.s32.msk vm3, v12  }
0x75: {  	[tilespmem:v63+s23+$0x0] =	vst.idx.add.s32.msk vm5, v7  }
0x76: {  	[tilespmem:v15+s18+$0x0] =	vst.idx.msk vm8, v3  }
0x77: {  	[tilespmem:v15+s20+$0x0] =	vst.idx.msk vm8, v63  }
0x78: {  	[tilespmem:v8+s19+$0x0] =	vst.idx.msk vm2, v3;
	v3 =	vadd.s32 $0xFFFFEC00, v63  }
0x79: {  	[tilespmem:v8+s21+$0x0] =	vst.idx.msk vm2, v3  }
0x7a: {  	v3 =	vld [tilespmem:s31+$0x30]  }
0x7b: {  	v17 =	vld [tilespmem:s31+$0x2830];
	_ =	sdelay $0x3  }
0x7c: {  	(xrf1) =	vunique.msk.u32 $0xffff, v3  }
0x7d: {  	(xrf1) =	vunique.msk.u32 $0xffff, v17;
	_ =	sdelay $0x3  }
0x7e: {  	vm3 =	vlt.s32 v17, $0x1400  }
0x7f: {  	v18 =	vsel vm3, $0x1, v0  }
0x80: {  	(xrf0) =	vadd.scan.msk.s32 $0xffff, v18;
	_ =	sdelay $0x1  }
0x81: {  	vm1 =	vge.s32 v17, $0x1400  }
0x82: {  	v19 =	vsel vm1, $0x1, v0  }
0x83: {  	(xrf0) =	vadd.scan.msk.s32 $0xffff, v19;
	_ =	sdelay $0x1  }
0x84: {  	v20 =	vmpcnt.ones.xlane vm8;
	v23, _, _ =	vpop (xrf0)  }
0x85: {  	_, v21, vm9 =	vpop (xrf1)  }
0x86: {  	v22 =	vmpcnt.ones.xlane vm2;
	v2 =	vadd.s32 v2, v20;
	_, v7, vm5 =	vpop (xrf1)  }
0x87: {  	v8 =	vadd.s32 v23, v2  }
0x88: {  	v1 =	vadd.s32 v1, v22;
	v25, _, _ =	vpop (xrf0);
	v24 =	vadd.s32 $0xFFFFFFFF, v8  }
0x89: {  	v8 =	vadd.s32 v25, v1  }
0x8a: {  	v8 =	vadd.s32 $0xFFFFFFFF, v8  }
0x8b: {  	[tilespmem:v3+s22+$0x0] =	vst.idx.add.s32.msk vm9, v21  }
0x8c: {  	[tilespmem:v17+s23+$0x0] =	vst.idx.add.s32.msk vm5, v7  }
0x8d: {  	[tilespmem:v24+s18+$0x0] =	vst.idx.msk vm3, v3  }
0x8e: {  	[tilespmem:v24+s20+$0x0] =	vst.idx.msk vm3, v17  }
0x8f: {  	[tilespmem:v8+s19+$0x0] =	vst.idx.msk vm1, v3;
	v3 =	vadd.s32 $0xFFFFEC00, v17  }
0x90: {  	[tilespmem:v8+s21+$0x0] =	vst.idx.msk vm1, v3  }
0x91: {  	v3 =	vld [tilespmem:s31+$0x40]  }
0x92: {  	v26 =	vld [tilespmem:s31+$0x2840];
	_ =	sdelay $0x3  }
0x93: {  	(xrf1) =	vunique.msk.u32 $0xffff, v3  }
0x94: {  	(xrf1) =	vunique.msk.u32 $0xffff, v26;
	_ =	sdelay $0x3  }
0x95: {  	vm10 =	vlt.s32 v26, $0x1400  }
0x96: {  	v27 =	vsel vm10, $0x1, v0  }
0x97: {  	(xrf0) =	vadd.scan.msk.s32 $0xffff, v27;
	_ =	sdelay $0x1  }
0x98: {  	vm2 =	vge.s32 v26, $0x1400  }
0x99: {  	v28 =	vsel vm2, $0x1, v0  }
0x9a: {  	(xrf0) =	vadd.scan.msk.s32 $0xffff, v28;
	_ =	sdelay $0x1  }
0x9b: {  	v29 =	vmpcnt.ones.xlane vm3;
	v32, _, _ =	vpop (xrf0)  }
0x9c: {  	_, v30, vm3 =	vpop (xrf1)  }
0x9d: {  	v31 =	vmpcnt.ones.xlane vm1;
	v2 =	vadd.s32 v2, v29;
	_, v7, vm5 =	vpop (xrf1)  }
0x9e: {  	v8 =	vadd.s32 v32, v2  }
0x9f: {  	v1 =	vadd.s32 v1, v31;
	v34, _, _ =	vpop (xrf0);
	v33 =	vadd.s32 $0xFFFFFFFF, v8  }
0xa0: {  	v8 =	vadd.s32 v34, v1  }
0xa1: {  	v8 =	vadd.s32 $0xFFFFFFFF, v8  }
0xa2: {  	[tilespmem:v3+s22+$0x0] =	vst.idx.add.s32.msk vm3, v30  }
0xa3: {  	[tilespmem:v26+s23+$0x0] =	vst.idx.add.s32.msk vm5, v7  }
0xa4: {  	[tilespmem:v33+s18+$0x0] =	vst.idx.msk vm10, v3  }
0xa5: {  	[tilespmem:v33+s20+$0x0] =	vst.idx.msk vm10, v26  }
0xa6: {  	[tilespmem:v8+s19+$0x0] =	vst.idx.msk vm2, v3;
	v3 =	vadd.s32 $0xFFFFEC00, v26  }
0xa7: {  	[tilespmem:v8+s21+$0x0] =	vst.idx.msk vm2, v3  }
0xa8: {  	v3 =	vld [tilespmem:s31+$0x50]  }
0xa9: {  	v35 =	vld [tilespmem:s31+$0x2850];
	_ =	sdelay $0x3  }
0xaa: {  	(xrf1) =	vunique.msk.u32 $0xffff, v3  }
0xab: {  	(xrf1) =	vunique.msk.u32 $0xffff, v35;
	_ =	sdelay $0x3  }
0xac: {  	vm11 =	vlt.s32 v35, $0x1400  }
0xad: {  	v36 =	vsel vm11, $0x1, v0  }
0xae: {  	(xrf0) =	vadd.scan.msk.s32 $0xffff, v36;
	_ =	sdelay $0x1  }
0xaf: {  	vm3 =	vge.s32 v35, $0x1400  }
0xb0: {  	v37 =	vsel vm3, $0x1, v0  }
0xb1: {  	(xrf0) =	vadd.scan.msk.s32 $0xffff, v37;
	_ =	sdelay $0x1  }
0xb2: {  	v38 =	vmpcnt.ones.xlane vm10;
	v42, _, _ =	vpop (xrf0)  }
0xb3: {  	_, v39, vm1 =	vpop (xrf1)  }
0xb4: {  	v41 =	vmpcnt.ones.xlane vm2;
	v2 =	vadd.s32 v2, v38;
	_, v40, vm12 =	vpop (xrf1)  }
0xb5: {  	v8 =	vadd.s32 v42, v2  }
0xb6: {  	v1 =	vadd.s32 v1, v41;
	v44, _, _ =	vpop (xrf0);
	v43 =	vadd.s32 $0xFFFFFFFF, v8  }
0xb7: {  	v8 =	vadd.s32 v44, v1  }
0xb8: {  	v8 =	vadd.s32 $0xFFFFFFFF, v8  }
0xb9: {  	[tilespmem:v3+s22+$0x0] =	vst.idx.add.s32.msk vm1, v39  }
0xba: {  	[tilespmem:v35+s23+$0x0] =	vst.idx.add.s32.msk vm12, v40  }
0xbb: {  	[tilespmem:v43+s18+$0x0] =	vst.idx.msk vm11, v3  }
0xbc: {  	[tilespmem:v43+s20+$0x0] =	vst.idx.msk vm11, v35  }
0xbd: {  	[tilespmem:v8+s19+$0x0] =	vst.idx.msk vm3, v3;
	v3 =	vadd.s32 $0xFFFFEC00, v35  }
0xbe: {  	[tilespmem:v8+s21+$0x0] =	vst.idx.msk vm3, v3  }
0xbf: {  	v3 =	vld [tilespmem:s31+$0x60]  }
0xc0: {  	v45 =	vld [tilespmem:s31+$0x2860];
	_ =	sdelay $0x3  }
0xc1: {  	(xrf1) =	vunique.msk.u32 $0xffff, v3  }
0xc2: {  	(xrf1) =	vunique.msk.u32 $0xffff, v45;
	_ =	sdelay $0x3  }
0xc3: {  	vm2 =	vlt.s32 v45, $0x1400  }
0xc4: {  	v46 =	vsel vm2, $0x1, v0  }
0xc5: {  	(xrf0) =	vadd.scan.msk.s32 $0xffff, v46;
	_ =	sdelay $0x1  }
0xc6: {  	vm1 =	vge.s32 v45, $0x1400  }
0xc7: {  	v47 =	vsel vm1, $0x1, v0  }
0xc8: {  	(xrf0) =	vadd.scan.msk.s32 $0xffff, v47;
	_ =	sdelay $0x1  }
0xc9: {  	v48 =	vmpcnt.ones.xlane vm11;
	v52, _, _ =	vpop (xrf0)  }
0xca: {  	_, v49, vm13 =	vpop (xrf1)  }
0xcb: {  	v51 =	vmpcnt.ones.xlane vm3;
	v2 =	vadd.s32 v2, v48;
	_, v50, vm14 =	vpop (xrf1)  }
0xcc: {  	v5 =	vadd.s32 v52, v2  }
0xcd: {  	v1 =	vadd.s32 v1, v51;
	v53, _, _ =	vpop (xrf0);
	v5 =	vadd.s32 $0xFFFFFFFF, v5  }
0xce: {  	v8 =	vadd.s32 v53, v1  }
0xcf: {  	v8 =	vadd.s32 $0xFFFFFFFF, v8  }
0xd0: {  	[tilespmem:v3+s22+$0x0] =	vst.idx.add.s32.msk vm13, v49  }
0xd1: {  	[tilespmem:v45+s23+$0x0] =	vst.idx.add.s32.msk vm14, v50  }
0xd2: {  	[tilespmem:v5+s18+$0x0] =	vst.idx.msk vm2, v3  }
0xd3: {  	[tilespmem:v5+s20+$0x0] =	vst.idx.msk vm2, v45  }
0xd4: {  	[tilespmem:v8+s19+$0x0] =	vst.idx.msk vm1, v3;
	v3 =	vadd.s32 $0xFFFFEC00, v45  }
0xd5: {  	[tilespmem:v8+s21+$0x0] =	vst.idx.msk vm1, v3  }
0xd6: {  	v3 =	vld [tilespmem:s31+$0x70]  }
0xd7: {  	v54 =	vld [tilespmem:s31+$0x2870];
	_ =	sdelay $0x3  }
0xd8: {  	(xrf1) =	vunique.msk.u32 $0xffff, v3  }
0xd9: {  	(xrf1) =	vunique.msk.u32 $0xffff, v54;
	_ =	sdelay $0x3  }
0xda: {  	vm3 =	vlt.s32 v54, $0x1400  }
0xdb: {  	v55 =	vsel vm3, $0x1, v0  }
0xdc: {  	(xrf0) =	vadd.scan.msk.s32 $0xffff, v55;
	_ =	sdelay $0x1  }
0xdd: {  	vm15 =	vge.s32 v54, $0x1400  }
0xde: {  	v56 =	vsel vm15, $0x1, v0  }
0xdf: {  	(xrf0) =	vadd.scan.msk.s32 $0xffff, v56;
	_ =	sdelay $0x1  }
0xe0: {  	v58 =	vmpcnt.ones.xlane vm2;
	v57, _, _ =	vpop (xrf0)  }
0xe1: {  	_, v59, vm2 =	vpop (xrf1)  }
0xe2: {  	v60 =	vmpcnt.ones.xlane vm1;
	v2 =	vadd.s32 v2, v58;
	_, v8, vm1 =	vpop (xrf1)  }
0xe3: {  	v5 =	vadd.s32 v57, v2  }
0xe4: {  	v1 =	vadd.s32 v1, v60;
	v61, _, _ =	vpop (xrf0);
	v5 =	vadd.s32 $0xFFFFFFFF, v5  }
0xe5: {  	v6 =	vadd.s32 v61, v1  }
0xe6: {  	v6 =	vadd.s32 $0xFFFFFFFF, v6  }
0xe7: {  	p0 =	sne.s32 s30, $0x9E00;
	[tilespmem:v3+s22+$0x0] =	vst.idx.add.s32.msk vm2, v59  }
.Ltmp0:
0xe8: {  	[tilespmem:v54+s23+$0x0] =	vst.idx.add.s32.msk vm1, v8;
	(pc) =	sbr.rel @p0 .LBB2_2-.Ltmp0, $4  }
0xe9: {  	[tilespmem:v5+s18+$0x0] =	vst.idx.msk vm3, v3  }
0xea: {  	v62 =	vmpcnt.ones.xlane vm3;
	v63 =	vmpcnt.ones.xlane vm15;
	[tilespmem:v5+s20+$0x0] =	vst.idx.msk vm3, v54  }
0xeb: {  	[tilespmem:v6+s19+$0x0] =	vst.idx.msk vm15, v3;
	v3 =	vadd.s32 $0xFFFFEC00, v54  }
0xec: {  	s30 =	sadd.s32 $0x200, s30;
	v2 =	vadd.s32 v2, v62;
	v1 =	vadd.s32 v1, v63;
	[tilespmem:v6+s21+$0x0] =	vst.idx.msk vm15, v3  }
0xed: {  	v1 =	vsel vm0, $0x0, v1;
	vm1 =	vmmov $0x1  }
0xee: {  	v1 =	vsel vm1, v2, v1  }
0xef: {  	[tilespmem:$0xF200] =	vst v1  }
0xf0: {  	[hbm4b:s8+s2] =	stream.linear.scatter [tilespmem:s24], [sflag:$0x1], $0x80, $0x38;
	[tilespmem:$0x14280] =	vst v63  }
0xf1: {  	_ =	swait.ge [sflag:s16], $0x80  }
0xf2: {  	[sflag:s16] =	ssyncset.done $0x0  }
0xf3: {  	[sflag:s16] =	ssyncadd.s32 $0xFFFFFF80  }
0xf4: {  	[hbm4b:s9+s25] =	stream.strided.scatter [tilespmem:s18], [sflag:$0x1], $0x2800, s26, s25, $0x38;
	[tilespmem:$0x14280] =	vst v63  }
0xf5: {  	_ =	swait.ge [sflag:s16], $0x2800  }
0xf6: {  	[sflag:s16] =	ssyncset.done $0x0  }
0xf7: {  	[sflag:s16] =	ssyncadd.s32 $0xFFFFD800  }
0xf8: {  	[hbm4b:s10+s25] =	stream.strided.scatter [tilespmem:s19], [sflag:$0x1], $0x2800, s26, s25, $0x38;
	[tilespmem:$0x14280] =	vst v63  }
0xf9: {  	_ =	swait.ge [sflag:s16], $0x2800  }
0xfa: {  	[sflag:s16] =	ssyncset.done $0x0  }
0xfb: {  	[sflag:s16] =	ssyncadd.s32 $0xFFFFD800  }
0xfc: {  	[hbm4b:s11+s25] =	stream.strided.scatter [tilespmem:s20], [sflag:$0x1], $0x2800, s26, s25, $0x38;
	[tilespmem:$0x14280] =	vst v63  }
0xfd: {  	_ =	swait.ge [sflag:s16], $0x2800  }
0xfe: {  	[sflag:s16] =	ssyncset.done $0x0  }
0xff: {  	[sflag:s16] =	ssyncadd.s32 $0xFFFFD800  }
0x100: {  	[hbm4b:s12+s25] =	stream.strided.scatter [tilespmem:s21], [sflag:$0x1], $0x2800, s26, s25, $0x38;
	[tilespmem:$0x14280] =	vst v63  }
0x101: {  	_ =	swait.ge [sflag:s16], $0x2800  }
0x102: {  	[sflag:s16] =	ssyncset.done $0x0  }
0x103: {  	[sflag:s16] =	ssyncadd.s32 $0xFFFFD800  }
0x104: {  	[hbm4b:s13+s25] =	stream.strided.scatter [tilespmem:s22], [sflag:$0x1], $0x2800, s28, s25, $0x38;
	[tilespmem:$0x14280] =	vst v63  }
0x105: {  	s29 =	sadd.s32 $0x1, s29;
	_ =	swait.ge [sflag:s16], $0x2800  }
0x106: {  	p0 =	sne.s32 s29, s15;
	[sflag:s16] =	ssyncset.done $0x0  }
.Ltmp1:
0x107: {  	[sflag:s16] =	ssyncadd.s32 $0xFFFFD800;
	(pc) =	sbr.rel @p0 .LBB2_1-.Ltmp1, $4  }
0x108: {  	[hbm4b:s14+s25] =	stream.strided.scatter [tilespmem:s23], [sflag:$0x1], $0x2800, s28, s25, $0x38;
	[tilespmem:$0x14280] =	vst v63  }
0x109: {  	_ =	swait.ge [sflag:s16], $0x2800  }
0x10a: {  	[sflag:s16] =	ssyncset.done $0x0  }
0x10b: {  	[sflag:s16] =	ssyncadd.s32 $0xFFFFD800  }
0x10c: {  	_ =	sfence.sel $0x180000  }
0x10d: {  	[bflag:$0x0] =	sbarrier.arrive $0xFFFF  }
0x10e: {  	p0 =	sne.s32 s1, $0x0;
	_ =	strace $0x90000047  }
0x10f: {  	s0 =	sadd.s32 @!p0 $0x100000, s0;
	[bflag:$0x2] =	sbarrier.arrive $0xFFFF  }
0x110: {  	[sflag:s0] =	ssyncadd.tile.s32 @!p0 $0x1;
	_ =	shalt  }
.Lfunc_end2:
_tile_overlayer_lowered:
.L_overlay_start_2:
0x111: {  	(tag) =	ssettag $0x2  }
0x112: {  	s0 =	rddreg [dreg:$0x0];
	s2 =	stileid.u32  }
0x113: {  	s1 =	rddreg [dreg:$0x1];
	p0 =	sne.s32 s2, $0x0  }
0x114: {  	s3 =	rddreg [dreg:$0x2];
	[bflag:$0x3] =	sbarrier.arrive $0xFFFF;
	s2 =	simm.s32 @!p0 $0x1C01  }
0x115: {  	[timem:s3], [sflag:s2] =	dma.local @!p0 [hbm:s0], s1  }
0x116: {  	s0 =	simm.s32 @!p0 $0x1  }
0x117: {  	_ =	swait.ge @!p0 [sflag:s0], s1  }
0x118: {  	s1 =	ssub.s32 @!p0 $0x0, s1;
	[sflag:s0] =	ssyncset.done @!p0 $0x0  }
0x119: {  	[sflag:s0] =	ssyncadd.s32 @!p0 s1  }
0x11a: {  	[bflag:$0x3] =	sbarrier.arrive $0xFFFF  }
0x11b: {  	_ =	shalt  }

</sc_bundles>
